<compile_context>
chip_gen: v7x
topology: tpu7x:2x2x1
jax: 0.10.2.dev20260603
libtpu: 0.0.44.dev20260713+nightly
codegen_flags: <defaults>
</compile_context>

<pallas_src>
import functools

import jax
import jax.numpy as jnp
from jax import lax
from jax.experimental import pallas as pl
from jax.experimental.pallas import tpu as pltpu
from jax.experimental.pallas import tpu_sc as plsc

_BN_EPS = 1e-5


def _mm_bias(x, w, b, block_rows):
    m, k = x.shape
    _, n = w.shape
    assert m % block_rows == 0

    def body(x_ref, w_ref, b_ref, o_ref):
        o_ref[...] = (
            jnp.dot(x_ref[...], w_ref[...], preferred_element_type=jnp.float32)
            + b_ref[...]
        )

    return pl.pallas_call(
        body,
        grid=(m // block_rows,),
        in_specs=[
            pl.BlockSpec((block_rows, k), lambda i: (i, 0)),
            pl.BlockSpec((k, n), lambda i: (0, 0)),
            pl.BlockSpec((1, n), lambda i: (0, 0)),
        ],
        out_specs=pl.BlockSpec((block_rows, n), lambda i: (i, 0)),
        out_shape=jax.ShapeDtypeStruct((m, n), jnp.float32),
    )(x, w, b.reshape(1, n))


def _layer_dense(h, agg2, lp):
    n_nodes, hdim = h.shape

    def body(h_ref, a_ref, eps_ref, w1_ref, b1_ref, g1_ref, be1_ref,
             w2_ref, b2_ref, gn_ref, bn_ref, o_ref):
        a = a_ref[0:n_nodes, :] + a_ref[n_nodes:2 * n_nodes, :]
        z = (1.0 + eps_ref[0, 0]) * h_ref[...] + a
        t = jnp.dot(z, w1_ref[...], preferred_element_type=jnp.float32) + b1_ref[...]
        m = jnp.mean(t, axis=0, keepdims=True)
        v = jnp.mean((t - m) * (t - m), axis=0, keepdims=True)
        t = g1_ref[...] * (t - m) / jnp.sqrt(v + _BN_EPS) + be1_ref[...]
        t = jnp.maximum(t, 0.0)
        u = jnp.dot(t, w2_ref[...], preferred_element_type=jnp.float32) + b2_ref[...]
        m2 = jnp.mean(u, axis=0, keepdims=True)
        v2 = jnp.mean((u - m2) * (u - m2), axis=0, keepdims=True)
        u = gn_ref[...] * (u - m2) / jnp.sqrt(v2 + _BN_EPS) + bn_ref[...]
        o_ref[...] = jnp.maximum(u, 0.0)

    h2 = lp["W1"].shape[1]
    return pl.pallas_call(
        body,
        out_shape=jax.ShapeDtypeStruct((n_nodes, hdim), jnp.float32),
    )(
        h,
        agg2,
        lp["eps"].reshape(1, 1),
        lp["W1"],
        lp["b1"].reshape(1, h2),
        lp["g1"].reshape(1, h2),
        lp["be1"].reshape(1, h2),
        lp["W2"],
        lp["b2"].reshape(1, hdim),
        lp["gn"].reshape(1, hdim),
        lp["bn"].reshape(1, hdim),
    )


def _make_aggregate(n_nodes, n_edges, feat):
    info = plsc.get_sparse_core_info()
    nc, ns = info.num_cores, info.num_subcores
    nw = nc * ns
    B = 128
    base_chunks = n_edges // (B * nw)
    extra = n_edges // B - base_chunks * nw
    e_per_w = base_chunks * B
    assert (base_chunks * nw + extra) * B == n_edges
    rows_pt = 2000
    n_out_tiles = n_nodes // rows_pt
    assert n_out_tiles * rows_pt == n_nodes and n_out_tiles <= ns
    zr = 125
    nz = rows_pt // zr

    mesh = plsc.VectorSubcoreMesh(core_axis_name="c", subcore_axis_name="s")

    @functools.partial(
        pl.kernel,
        out_type=jax.ShapeDtypeStruct((nc * n_nodes, feat), jnp.float32),
        mesh=mesh,
        scratch_types=[
            pltpu.VMEM((1, B), jnp.int32),
            pltpu.VMEM((1, B), jnp.int32),
            pltpu.VMEM((B, feat), jnp.float32),
            pltpu.VMEM((B, feat), jnp.float32),
            pltpu.VMEM_SHARED((n_nodes, feat), jnp.float32),
            pltpu.SemaphoreType.DMA,
            pltpu.SemaphoreType.DMA,
            pltpu.SemaphoreType.DMA,
        ],
    )
    def k(h_hbm, ea_hbm, src_hbm, dst_hbm, out_hbm,
          srcv, dstv, hrows, eav, aggr_sh, sem_g, sem_e, sem_i):
        c = lax.axis_index("c")
        s = lax.axis_index("s")
        wid = c * ns + s

        @pl.when(s < n_out_tiles)
        def _zero():
            def zrow(r, _):
                for f in range(feat // 16):
                    hrows[r, pl.ds(16 * f, 16)] = jnp.zeros((16,), jnp.float32)
                return 0
            lax.fori_loop(0, zr, zrow, 0)
            for j in range(nz):
                pltpu.sync_copy(
                    hrows.at[pl.ds(0, zr)],
                    aggr_sh.at[pl.ds(s * rows_pt + j * zr, zr)],
                )
        plsc.subcore_barrier()

        n_chunks = base_chunks + extra * jnp.int32(wid == nw - 1)

        def chunk_body(i, _):
            base = wid * e_per_w + i * B
            cp_s = pltpu.async_copy(src_hbm.at[pl.ds(base, B)], srcv.at[0], sem_i)
            cp_d = pltpu.async_copy(dst_hbm.at[pl.ds(base, B)], dstv.at[0], sem_i)
            cp_e = pltpu.async_copy(ea_hbm.at[pl.ds(base, B)], eav, sem_e)
            cp_s.wait()
            cp_d.wait()
            cp_g = pltpu.async_copy(h_hbm.at[srcv.at[0]], hrows, sem_g)
            cp_e.wait()
            cp_g.wait()

            def row_body(r, _):
                for f in range(feat // 16):
                    sl = pl.ds(16 * f, 16)
                    eav[r, sl] = jnp.maximum(eav[r, sl] + hrows[r, sl], 0.0)
                return 0
            lax.fori_loop(0, B, row_body, 0)

            pltpu.sync_copy(eav, aggr_sh.at[dstv.at[0]], add=True)
            return 0
        lax.fori_loop(0, n_chunks, chunk_body, 0)

        plsc.subcore_barrier()

        @pl.when(s < n_out_tiles)
        def _writeout():
            pltpu.sync_copy(
                aggr_sh.at[pl.ds(s * rows_pt, rows_pt)],
                out_hbm.at[pl.ds(c * n_nodes + s * rows_pt, rows_pt)],
            )

    return k


def kernel(x, edge_attr, params, edge_index):
    n_nodes, _ = x.shape
    n_edges = edge_attr.shape[0]
    h = _mm_bias(x, params["atom_W"], params["atom_b"], 2000)
    ea = _mm_bias(edge_attr, params["bond_W"], params["bond_b"], 2000)
    feat = h.shape[1]
    src = edge_index[0]
    dst = edge_index[1]
    agg_fn = _make_aggregate(n_nodes, n_edges, feat)
    for lp in params["layers"]:
        agg2 = agg_fn(h, ea, src, dst)
        h = _layer_dense(h, agg2, lp)
    return _mm_bias(h, params["lin_W"], params["lin_b"], 2000)

# --- scband reference (transcript-rebuilt; emitter-appended) ---
"""Pipeline reference for scband-gine-42322607735317 (READ-ONLY COPY).

The authoritative reference and input builder live on the scoring server;
editing this copy changes nothing except your own understanding.
"""

import jax, jax.numpy as jnp
import numpy as np

N = 10000
E_EDGES = 320000
C_IN = 128
H = 128
OUT = 128
L = 3


def _bn(x, gamma, beta, eps=1e-5):
    # torch BatchNorm1d (training mode): biased batch variance
    m = jnp.mean(x, axis=0)
    v = jnp.var(x, axis=0)
    return gamma * (x - m) / jnp.sqrt(v + eps) + beta


def setup_inputs(seed: int = 0) -> dict:
    key = jax.random.key(seed)
    ks = jax.random.split(key, 8 + 8 * L)
    x = jax.random.normal(ks[0], (N, C_IN), dtype=jnp.float32)
    edge_index = jax.random.randint(ks[1], (2, E_EDGES), 0, N, dtype=jnp.int32)
    edge_attr = jax.random.normal(ks[2], (E_EDGES, C_IN), dtype=jnp.float32)

    s = 0.05
    params = {
        "atom_W": s * jax.random.normal(ks[3], (C_IN, H), dtype=jnp.float32),
        "atom_b": jnp.zeros((H,), dtype=jnp.float32),
        "bond_W": s * jax.random.normal(ks[4], (C_IN, H), dtype=jnp.float32),
        "bond_b": jnp.zeros((H,), dtype=jnp.float32),
        "lin_W": s * jax.random.normal(ks[5], (H, OUT), dtype=jnp.float32),
        "lin_b": jnp.zeros((OUT,), dtype=jnp.float32),
        "layers": [],
    }
    for i in range(L):
        k0 = ks[8 + 8 * i]
        k1 = ks[8 + 8 * i + 1]
        params["layers"].append({
            "eps": jnp.zeros((), dtype=jnp.float32),  # train_eps=True, init 0
            "W1": s * jax.random.normal(k0, (H, 2 * H), dtype=jnp.float32),
            "b1": jnp.zeros((2 * H,), dtype=jnp.float32),
            "g1": jnp.ones((2 * H,), dtype=jnp.float32),
            "be1": jnp.zeros((2 * H,), dtype=jnp.float32),
            "W2": s * jax.random.normal(k1, (2 * H, H), dtype=jnp.float32),
            "b2": jnp.zeros((H,), dtype=jnp.float32),
            "gn": jnp.ones((H,), dtype=jnp.float32),
            "bn": jnp.zeros((H,), dtype=jnp.float32),
        })
    return {"x": x, "edge_attr": edge_attr, "params": params, "edge_index": edge_index}


def reference(x, edge_attr, params, edge_index):
    h = x @ params["atom_W"] + params["atom_b"]
    ea = edge_attr @ params["bond_W"] + params["bond_b"]
    src = edge_index[0]
    dst = edge_index[1]
    for lp in params["layers"]:
        # GINEConv: sum_j ReLU(x_j + e_ij), then nn((1+eps)*x + aggr)
        msg = jax.nn.relu(h[src] + ea)
        aggr = jnp.zeros_like(h).at[dst].add(msg)
        z = (1.0 + lp["eps"]) * h + aggr
        z = z @ lp["W1"] + lp["b1"]
        z = _bn(z, lp["g1"], lp["be1"])
        z = jax.nn.relu(z)
        z = z @ lp["W2"] + lp["b2"]
        # outer norm + relu
        h = jax.nn.relu(_bn(z, lp["gn"], lp["bn"]))
    # num_layers > 1 -> final linear
    h = h @ params["lin_W"] + params["lin_b"]
    return h

if __name__ == "__main__":
    import jax
    _d = setup_inputs()
    print(jax.jit(kernel)(*tuple(_d.values())))

</pallas_src>

<mosaic_0001>
#map = affine_map<(d0, d1) -> (0, 0)>
#map1 = affine_map<(d0, d1) -> (0)>
module attributes {stable_mosaic.version = 14 : i64} {
  func.func @k(%arg0: i32, %arg1: i32, %arg2: memref<10000x128xf32, #tpu.memory_space<hbm>>, %arg3: memref<320000x128xf32, #tpu.memory_space<hbm>>, %arg4: memref<320000xi32, #tpu.memory_space<hbm>>, %arg5: memref<320000xi32, #tpu.memory_space<hbm>>, %arg6: memref<20000x128xf32, #tpu.memory_space<hbm>>, %arg7: memref<1x128xi32, #tpu.memory_space<vmem>>, %arg8: memref<1x128xi32, #tpu.memory_space<vmem>>, %arg9: memref<128x128xf32, #tpu.memory_space<vmem>>, %arg10: memref<128x128xf32, #tpu.memory_space<vmem>>, %arg11: memref<10000x128xf32, #tpu.memory_space<vmem_shared>>, %arg12: memref<!tpu.dma_semaphore, #tpu.memory_space<semaphore_mem>>, %arg13: memref<!tpu.dma_semaphore, #tpu.memory_space<semaphore_mem>>, %arg14: memref<!tpu.dma_semaphore, #tpu.memory_space<semaphore_mem>>) attributes {dimension_semantics = [#tpu.dimension_semantics<core_parallel>, #tpu.dimension_semantics<subcore_parallel>], iteration_bounds = array<i64: 2, 16>, scalar_prefetch = 0 : i64, scratch_operands = 8 : i64, tpu.core_type = #tpu.core_type<sc_vector_subcore>, window_params = [{transform_indices = #map}, {transform_indices = #map}, {transform_indices = #map1}, {transform_indices = #map1}, {transform_indices = #map}]} {
    %mul3A = arith.constant 16 : i32
    %mul3A_0 = arith.muli %arg0, %mul3A : i32
    %add3A = arith.addi %mul3A_0, %arg1 : i32
    %lt3A = arith.constant 5 : i32
    %lt3A_1 = arith.cmpi slt, %arg1, %lt3A : i32
    %convert_element_type3A = arith.extui %lt3A_1 : i1 to i32
    %cond3A = arith.constant 0 : i32
    %cond3A_2 = arith.cmpi ne, %convert_element_type3A, %cond3A : i32
    scf.if %cond3A_2 {
      %scan3A = arith.constant 0 : i32
      %scan3A_26 = arith.constant 0 : i32
      %scan3A_27 = arith.constant 125 : i32
      %scan3A_28 = arith.addi %scan3A_26, %scan3A_27 : i32
      %scan3A_29 = arith.constant 1 : i32
      %scan3A_30 = scf.for %scan3A_96 = %scan3A_26 to %scan3A_28 step %scan3A_29 iter_args(%scan3A_97 = %scan3A) -> (i32)  : i32 {
        %broadcast_in_dim3A = arith.constant 0.000000e+00 : f32
        %broadcast_in_dim3A_98 = vector.broadcast %broadcast_in_dim3A : f32 to vector<16xf32>
        %swap3A = arith.index_cast %scan3A_96 : i32 to index
        %swap3A_99 = arith.constant 0 : index
        %swap3A_100 = tpu.vector_load %arg9[%swap3A, %swap3A_99] {strides = array<i32>} : memref<128x128xf32, #tpu.memory_space<vmem>>, vector<1x16xf32>,
        %swap3A_101 = vector.shape_cast %swap3A_100 : vector<1x16xf32> to vector<16xf32>
        %swap3A_102 = vector.shape_cast %broadcast_in_dim3A_98 : vector<16xf32> to vector<1x16xf32>
        tpu.vector_store %arg9[%swap3A, %swap3A_99], %swap3A_102 {strides = array<i32>} : memref<128x128xf32, #tpu.memory_space<vmem>>, vector<1x16xf32>,
        %broadcast_in_dim3A_103 = arith.constant 0.000000e+00 : f32
        %broadcast_in_dim3A_104 = vector.broadcast %broadcast_in_dim3A_103 : f32 to vector<16xf32>
        %swap3A_105 = arith.index_cast %scan3A_96 : i32 to index
        %swap3A_106 = arith.constant 16 : index
        %swap3A_107 = tpu.vector_load %arg9[%swap3A_105, %swap3A_106] {strides = array<i32>} : memref<128x128xf32, #tpu.memory_space<vmem>>, vector<1x16xf32>,
        %swap3A_108 = vector.shape_cast %swap3A_107 : vector<1x16xf32> to vector<16xf32>
        %swap3A_109 = vector.shape_cast %broadcast_in_dim3A_104 : vector<16xf32> to vector<1x16xf32>
        tpu.vector_store %arg9[%swap3A_105, %swap3A_106], %swap3A_109 {strides = array<i32>} : memref<128x128xf32, #tpu.memory_space<vmem>>, vector<1x16xf32>,
        %broadcast_in_dim3A_110 = arith.constant 0.000000e+00 : f32
        %broadcast_in_dim3A_111 = vector.broadcast %broadcast_in_dim3A_110 : f32 to vector<16xf32>
        %swap3A_112 = arith.index_cast %scan3A_96 : i32 to index
        %swap3A_113 = arith.constant 32 : index
        %swap3A_114 = tpu.vector_load %arg9[%swap3A_112, %swap3A_113] {strides = array<i32>} : memref<128x128xf32, #tpu.memory_space<vmem>>, vector<1x16xf32>,
        %swap3A_115 = vector.shape_cast %swap3A_114 : vector<1x16xf32> to vector<16xf32>
        %swap3A_116 = vector.shape_cast %broadcast_in_dim3A_111 : vector<16xf32> to vector<1x16xf32>
        tpu.vector_store %arg9[%swap3A_112, %swap3A_113], %swap3A_116 {strides = array<i32>} : memref<128x128xf32, #tpu.memory_space<vmem>>, vector<1x16xf32>,
        %broadcast_in_dim3A_117 = arith.constant 0.000000e+00 : f32
        %broadcast_in_dim3A_118 = vector.broadcast %broadcast_in_dim3A_117 : f32 to vector<16xf32>
        %swap3A_119 = arith.index_cast %scan3A_96 : i32 to index
        %swap3A_120 = arith.constant 48 : index
        %swap3A_121 = tpu.vector_load %arg9[%swap3A_119, %swap3A_120] {strides = array<i32>} : memref<128x128xf32, #tpu.memory_space<vmem>>, vector<1x16xf32>,
        %swap3A_122 = vector.shape_cast %swap3A_121 : vector<1x16xf32> to vector<16xf32>
        %swap3A_123 = vector.shape_cast %broadcast_in_dim3A_118 : vector<16xf32> to vector<1x16xf32>
        tpu.vector_store %arg9[%swap3A_119, %swap3A_120], %swap3A_123 {strides = array<i32>} : memref<128x128xf32, #tpu.memory_space<vmem>>, vector<1x16xf32>,
        %broadcast_in_dim3A_124 = arith.constant 0.000000e+00 : f32
        %broadcast_in_dim3A_125 = vector.broadcast %broadcast_in_dim3A_124 : f32 to vector<16xf32>
        %swap3A_126 = arith.index_cast %scan3A_96 : i32 to index
        %swap3A_127 = arith.constant 64 : index
        %swap3A_128 = tpu.vector_load %arg9[%swap3A_126, %swap3A_127] {strides = array<i32>} : memref<128x128xf32, #tpu.memory_space<vmem>>, vector<1x16xf32>,
        %swap3A_129 = vector.shape_cast %swap3A_128 : vector<1x16xf32> to vector<16xf32>
        %swap3A_130 = vector.shape_cast %broadcast_in_dim3A_125 : vector<16xf32> to vector<1x16xf32>
        tpu.vector_store %arg9[%swap3A_126, %swap3A_127], %swap3A_130 {strides = array<i32>} : memref<128x128xf32, #tpu.memory_space<vmem>>, vector<1x16xf32>,
        %broadcast_in_dim3A_131 = arith.constant 0.000000e+00 : f32
        %broadcast_in_dim3A_132 = vector.broadcast %broadcast_in_dim3A_131 : f32 to vector<16xf32>
        %swap3A_133 = arith.index_cast %scan3A_96 : i32 to index
        %swap3A_134 = arith.constant 80 : index
        %swap3A_135 = tpu.vector_load %arg9[%swap3A_133, %swap3A_134] {strides = array<i32>} : memref<128x128xf32, #tpu.memory_space<vmem>>, vector<1x16xf32>,
        %swap3A_136 = vector.shape_cast %swap3A_135 : vector<1x16xf32> to vector<16xf32>
        %swap3A_137 = vector.shape_cast %broadcast_in_dim3A_132 : vector<16xf32> to vector<1x16xf32>
        tpu.vector_store %arg9[%swap3A_133, %swap3A_134], %swap3A_137 {strides = array<i32>} : memref<128x128xf32, #tpu.memory_space<vmem>>, vector<1x16xf32>,
        %broadcast_in_dim3A_138 = arith.constant 0.000000e+00 : f32
        %broadcast_in_dim3A_139 = vector.broadcast %broadcast_in_dim3A_138 : f32 to vector<16xf32>
        %swap3A_140 = arith.index_cast %scan3A_96 : i32 to index
        %swap3A_141 = arith.constant 96 : index
        %swap3A_142 = tpu.vector_load %arg9[%swap3A_140, %swap3A_141] {strides = array<i32>} : memref<128x128xf32, #tpu.memory_space<vmem>>, vector<1x16xf32>,
        %swap3A_143 = vector.shape_cast %swap3A_142 : vector<1x16xf32> to vector<16xf32>
        %swap3A_144 = vector.shape_cast %broadcast_in_dim3A_139 : vector<16xf32> to vector<1x16xf32>
        tpu.vector_store %arg9[%swap3A_140, %swap3A_141], %swap3A_144 {strides = array<i32>} : memref<128x128xf32, #tpu.memory_space<vmem>>, vector<1x16xf32>,
        %broadcast_in_dim3A_145 = arith.constant 0.000000e+00 : f32
        %broadcast_in_dim3A_146 = vector.broadcast %broadcast_in_dim3A_145 : f32 to vector<16xf32>
        %swap3A_147 = arith.index_cast %scan3A_96 : i32 to index
        %swap3A_148 = arith.constant 112 : index
        %swap3A_149 = tpu.vector_load %arg9[%swap3A_147, %swap3A_148] {strides = array<i32>} : memref<128x128xf32, #tpu.memory_space<vmem>>, vector<1x16xf32>,
        %swap3A_150 = vector.shape_cast %swap3A_149 : vector<1x16xf32> to vector<16xf32>
        %swap3A_151 = vector.shape_cast %broadcast_in_dim3A_146 : vector<16xf32> to vector<1x16xf32>
        tpu.vector_store %arg9[%swap3A_147, %swap3A_148], %swap3A_151 {strides = array<i32>} : memref<128x128xf32, #tpu.memory_space<vmem>>, vector<1x16xf32>,
        %scan3A_152 = arith.constant 0 : i32
        scf.yield %scan3A_152 : i32
      }
      %scan3A_31 = arith.constant 125 : i32
      %mul3A_32 = arith.constant 2000 : i32
      %mul3A_33 = arith.muli %arg1, %mul3A_32 : i32
      %add3A_34 = arith.constant 0 : i32
      %add3A_35 = arith.addi %mul3A_33, %add3A_34 : i32
      "tpu.region"() ({
        %run_scoped3A = tpu.sem_alloc : memref<!tpu.dma_semaphore, #tpu.memory_space<semaphore_mem>>
        %dma_start3A = arith.constant 0 : i32
        %dma_start3A_96 = arith.constant 0 : i32
        %dma_start3A_97 = tpu.memref_slice %arg9[%dma_start3A, %dma_start3A_96] : memref<128x128xf32, #tpu.memory_space<vmem>> -> memref<125x128xf32, #tpu.memory_space<vmem>>
        %dma_start3A_98 = arith.constant 0 : i32
        %dma_start3A_99 = tpu.memref_slice %arg11[%add3A_35, %dma_start3A_98] : memref<10000x128xf32, #tpu.memory_space<vmem_shared>> -> memref<125x128xf32, #tpu.memory_space<vmem_shared>>
        %dma_start3A_100 = arith.constant 0 : i32
        %dma_start3A_101 = tpu.memref_slice %arg11[%add3A_35, %dma_start3A_100] : memref<10000x128xf32, #tpu.memory_space<vmem_shared>> -> memref<125x128xf32, #tpu.memory_space<vmem_shared>>
        %dma_start3A_102 = arith.constant 0 : i32
        %dma_start3A_103 = arith.constant 0 : i32
        %dma_start3A_104 = tpu.memref_slice %arg9[%dma_start3A_102, %dma_start3A_103] : memref<128x128xf32, #tpu.memory_space<vmem>> -> memref<125x128xf32, #tpu.memory_space<vmem>>
        tpu.enqueue_dma source(%dma_start3A_104 : memref<125x128xf32, #tpu.memory_space<vmem>>) target(%dma_start3A_101 : memref<125x128xf32, #tpu.memory_space<vmem_shared>>) target_semaphore(%run_scoped3A : memref<!tpu.dma_semaphore, #tpu.memory_space<semaphore_mem>>)
        %dma_wait3A = arith.constant 0 : i32
        %dma_wait3A_105 = arith.constant 0 : i32
        %dma_wait3A_106 = tpu.memref_slice %arg9[%dma_wait3A, %dma_wait3A_105] : memref<128x128xf32, #tpu.memory_space<vmem>> -> memref<125x128xf32, #tpu.memory_space<vmem>>
        %dma_wait3A_107 = arith.constant 0 : i32
        %dma_wait3A_108 = tpu.memref_slice %arg11[%add3A_35, %dma_wait3A_107] : memref<10000x128xf32, #tpu.memory_space<vmem_shared>> -> memref<125x128xf32, #tpu.memory_space<vmem_shared>>
        %dma_wait3A_109 = arith.constant 0 : i32
        %dma_wait3A_110 = tpu.memref_slice %arg11[%add3A_35, %dma_wait3A_109] : memref<10000x128xf32, #tpu.memory_space<vmem_shared>> -> memref<125x128xf32, #tpu.memory_space<vmem_shared>>
        %dma_wait3A_111 = arith.constant 0 : i32
        %dma_wait3A_112 = arith.constant 0 : i32
        %dma_wait3A_113 = tpu.memref_slice %arg9[%dma_wait3A_111, %dma_wait3A_112] : memref<128x128xf32, #tpu.memory_space<vmem>> -> memref<125x128xf32, #tpu.memory_space<vmem>>
        tpu.wait_dma2 semaphore(%run_scoped3A : memref<!tpu.dma_semaphore, #tpu.memory_space<semaphore_mem>>) src(%dma_wait3A_113 : memref<125x128xf32, #tpu.memory_space<vmem>>) dst(%dma_wait3A_110 : memref<125x128xf32, #tpu.memory_space<vmem_shared>>)
        tpu.yield
      }) : () -> ()
      %mul3A_36 = arith.constant 2000 : i32
      %mul3A_37 = arith.muli %arg1, %mul3A_36 : i32
      %add3A_38 = arith.constant 125 : i32
      %add3A_39 = arith.addi %mul3A_37, %add3A_38 : i32
      "tpu.region"() ({
        %run_scoped3A = tpu.sem_alloc : memref<!tpu.dma_semaphore, #tpu.memory_space<semaphore_mem>>
        %dma_start3A = arith.constant 0 : i32
        %dma_start3A_96 = arith.constant 0 : i32
        %dma_start3A_97 = tpu.memref_slice %arg9[%dma_start3A, %dma_start3A_96] : memref<128x128xf32, #tpu.memory_space<vmem>> -> memref<125x128xf32, #tpu.memory_space<vmem>>
        %dma_start3A_98 = arith.constant 0 : i32
        %dma_start3A_99 = tpu.memref_slice %arg11[%add3A_39, %dma_start3A_98] : memref<10000x128xf32, #tpu.memory_space<vmem_shared>> -> memref<125x128xf32, #tpu.memory_space<vmem_shared>>
        %dma_start3A_100 = arith.constant 0 : i32
        %dma_start3A_101 = tpu.memref_slice %arg11[%add3A_39, %dma_start3A_100] : memref<10000x128xf32, #tpu.memory_space<vmem_shared>> -> memref<125x128xf32, #tpu.memory_space<vmem_shared>>
        %dma_start3A_102 = arith.constant 0 : i32
        %dma_start3A_103 = arith.constant 0 : i32
        %dma_start3A_104 = tpu.memref_slice %arg9[%dma_start3A_102, %dma_start3A_103] : memref<128x128xf32, #tpu.memory_space<vmem>> -> memref<125x128xf32, #tpu.memory_space<vmem>>
        tpu.enqueue_dma source(%dma_start3A_104 : memref<125x128xf32, #tpu.memory_space<vmem>>) target(%dma_start3A_101 : memref<125x128xf32, #tpu.memory_space<vmem_shared>>) target_semaphore(%run_scoped3A : memref<!tpu.dma_semaphore, #tpu.memory_space<semaphore_mem>>)
        %dma_wait3A = arith.constant 0 : i32
        %dma_wait3A_105 = arith.constant 0 : i32
        %dma_wait3A_106 = tpu.memref_slice %arg9[%dma_wait3A, %dma_wait3A_105] : memref<128x128xf32, #tpu.memory_space<vmem>> -> memref<125x128xf32, #tpu.memory_space<vmem>>
        %dma_wait3A_107 = arith.constant 0 : i32
        %dma_wait3A_108 = tpu.memref_slice %arg11[%add3A_39, %dma_wait3A_107] : memref<10000x128xf32, #tpu.memory_space<vmem_shared>> -> memref<125x128xf32, #tpu.memory_space<vmem_shared>>
        %dma_wait3A_109 = arith.constant 0 : i32
        %dma_wait3A_110 = tpu.memref_slice %arg11[%add3A_39, %dma_wait3A_109] : memref<10000x128xf32, #tpu.memory_space<vmem_shared>> -> memref<125x128xf32, #tpu.memory_space<vmem_shared>>
        %dma_wait3A_111 = arith.constant 0 : i32
        %dma_wait3A_112 = arith.constant 0 : i32
        %dma_wait3A_113 = tpu.memref_slice %arg9[%dma_wait3A_111, %dma_wait3A_112] : memref<128x128xf32, #tpu.memory_space<vmem>> -> memref<125x128xf32, #tpu.memory_space<vmem>>
        tpu.wait_dma2 semaphore(%run_scoped3A : memref<!tpu.dma_semaphore, #tpu.memory_space<semaphore_mem>>) src(%dma_wait3A_113 : memref<125x128xf32, #tpu.memory_space<vmem>>) dst(%dma_wait3A_110 : memref<125x128xf32, #tpu.memory_space<vmem_shared>>)
        tpu.yield
      }) : () -> ()
      %mul3A_40 = arith.constant 2000 : i32
      %mul3A_41 = arith.muli %arg1, %mul3A_40 : i32
      %add3A_42 = arith.constant 250 : i32
      %add3A_43 = arith.addi %mul3A_41, %add3A_42 : i32
      "tpu.region"() ({
        %run_scoped3A = tpu.sem_alloc : memref<!tpu.dma_semaphore, #tpu.memory_space<semaphore_mem>>
        %dma_start3A = arith.constant 0 : i32
        %dma_start3A_96 = arith.constant 0 : i32
        %dma_start3A_97 = tpu.memref_slice %arg9[%dma_start3A, %dma_start3A_96] : memref<128x128xf32, #tpu.memory_space<vmem>> -> memref<125x128xf32, #tpu.memory_space<vmem>>
        %dma_start3A_98 = arith.constant 0 : i32
        %dma_start3A_99 = tpu.memref_slice %arg11[%add3A_43, %dma_start3A_98] : memref<10000x128xf32, #tpu.memory_space<vmem_shared>> -> memref<125x128xf32, #tpu.memory_space<vmem_shared>>
        %dma_start3A_100 = arith.constant 0 : i32
        %dma_start3A_101 = tpu.memref_slice %arg11[%add3A_43, %dma_start3A_100] : memref<10000x128xf32, #tpu.memory_space<vmem_shared>> -> memref<125x128xf32, #tpu.memory_space<vmem_shared>>
        %dma_start3A_102 = arith.constant 0 : i32
        %dma_start3A_103 = arith.constant 0 : i32
        %dma_start3A_104 = tpu.memref_slice %arg9[%dma_start3A_102, %dma_start3A_103] : memref<128x128xf32, #tpu.memory_space<vmem>> -> memref<125x128xf32, #tpu.memory_space<vmem>>
        tpu.enqueue_dma source(%dma_start3A_104 : memref<125x128xf32, #tpu.memory_space<vmem>>) target(%dma_start3A_101 : memref<125x128xf32, #tpu.memory_space<vmem_shared>>) target_semaphore(%run_scoped3A : memref<!tpu.dma_semaphore, #tpu.memory_space<semaphore_mem>>)
        %dma_wait3A = arith.constant 0 : i32
        %dma_wait3A_105 = arith.constant 0 : i32
        %dma_wait3A_106 = tpu.memref_slice %arg9[%dma_wait3A, %dma_wait3A_105] : memref<128x128xf32, #tpu.memory_space<vmem>> -> memref<125x128xf32, #tpu.memory_space<vmem>>
        %dma_wait3A_107 = arith.constant 0 : i32
        %dma_wait3A_108 = tpu.memref_slice %arg11[%add3A_43, %dma_wait3A_107] : memref<10000x128xf32, #tpu.memory_space<vmem_shared>> -> memref<125x128xf32, #tpu.memory_space<vmem_shared>>
        %dma_wait3A_109 = arith.constant 0 : i32
        %dma_wait3A_110 = tpu.memref_slice %arg11[%add3A_43, %dma_wait3A_109] : memref<10000x128xf32, #tpu.memory_space<vmem_shared>> -> memref<125x128xf32, #tpu.memory_space<vmem_shared>>
        %dma_wait3A_111 = arith.constant 0 : i32
        %dma_wait3A_112 = arith.constant 0 : i32
        %dma_wait3A_113 = tpu.memref_slice %arg9[%dma_wait3A_111, %dma_wait3A_112] : memref<128x128xf32, #tpu.memory_space<vmem>> -> memref<125x128xf32, #tpu.memory_space<vmem>>
        tpu.wait_dma2 semaphore(%run_scoped3A : memref<!tpu.dma_semaphore, #tpu.memory_space<semaphore_mem>>) src(%dma_wait3A_113 : memref<125x128xf32, #tpu.memory_space<vmem>>) dst(%dma_wait3A_110 : memref<125x128xf32, #tpu.memory_space<vmem_shared>>)
        tpu.yield
      }) : () -> ()
      %mul3A_44 = arith.constant 2000 : i32
      %mul3A_45 = arith.muli %arg1, %mul3A_44 : i32
      %add3A_46 = arith.constant 375 : i32
      %add3A_47 = arith.addi %mul3A_45, %add3A_46 : i32
      "tpu.region"() ({
        %run_scoped3A = tpu.sem_alloc : memref<!tpu.dma_semaphore, #tpu.memory_space<semaphore_mem>>
        %dma_start3A = arith.constant 0 : i32
        %dma_start3A_96 = arith.constant 0 : i32
        %dma_start3A_97 = tpu.memref_slice %arg9[%dma_start3A, %dma_start3A_96] : memref<128x128xf32, #tpu.memory_space<vmem>> -> memref<125x128xf32, #tpu.memory_space<vmem>>
        %dma_start3A_98 = arith.constant 0 : i32
        %dma_start3A_99 = tpu.memref_slice %arg11[%add3A_47, %dma_start3A_98] : memref<10000x128xf32, #tpu.memory_space<vmem_shared>> -> memref<125x128xf32, #tpu.memory_space<vmem_shared>>
        %dma_start3A_100 = arith.constant 0 : i32
        %dma_start3A_101 = tpu.memref_slice %arg11[%add3A_47, %dma_start3A_100] : memref<10000x128xf32, #tpu.memory_space<vmem_shared>> -> memref<125x128xf32, #tpu.memory_space<vmem_shared>>
        %dma_start3A_102 = arith.constant 0 : i32
        %dma_start3A_103 = arith.constant 0 : i32
        %dma_start3A_104 = tpu.memref_slice %arg9[%dma_start3A_102, %dma_start3A_103] : memref<128x128xf32, #tpu.memory_space<vmem>> -> memref<125x128xf32, #tpu.memory_space<vmem>>
        tpu.enqueue_dma source(%dma_start3A_104 : memref<125x128xf32, #tpu.memory_space<vmem>>) target(%dma_start3A_101 : memref<125x128xf32, #tpu.memory_space<vmem_shared>>) target_semaphore(%run_scoped3A : memref<!tpu.dma_semaphore, #tpu.memory_space<semaphore_mem>>)
        %dma_wait3A = arith.constant 0 : i32
        %dma_wait3A_105 = arith.constant 0 : i32
        %dma_wait3A_106 = tpu.memref_slice %arg9[%dma_wait3A, %dma_wait3A_105] : memref<128x128xf32, #tpu.memory_space<vmem>> -> memref<125x128xf32, #tpu.memory_space<vmem>>
        %dma_wait3A_107 = arith.constant 0 : i32
        %dma_wait3A_108 = tpu.memref_slice %arg11[%add3A_47, %dma_wait3A_107] : memref<10000x128xf32, #tpu.memory_space<vmem_shared>> -> memref<125x128xf32, #tpu.memory_space<vmem_shared>>
        %dma_wait3A_109 = arith.constant 0 : i32
        %dma_wait3A_110 = tpu.memref_slice %arg11[%add3A_47, %dma_wait3A_109] : memref<10000x128xf32, #tpu.memory_space<vmem_shared>> -> memref<125x128xf32, #tpu.memory_space<vmem_shared>>
        %dma_wait3A_111 = arith.constant 0 : i32
        %dma_wait3A_112 = arith.constant 0 : i32
        %dma_wait3A_113 = tpu.memref_slice %arg9[%dma_wait3A_111, %dma_wait3A_112] : memref<128x128xf32, #tpu.memory_space<vmem>> -> memref<125x128xf32, #tpu.memory_space<vmem>>
        tpu.wait_dma2 semaphore(%run_scoped3A : memref<!tpu.dma_semaphore, #tpu.memory_space<semaphore_mem>>) src(%dma_wait3A_113 : memref<125x128xf32, #tpu.memory_space<vmem>>) dst(%dma_wait3A_110 : memref<125x128xf32, #tpu.memory_space<vmem_shared>>)
        tpu.yield
      }) : () -> ()
      %mul3A_48 = arith.constant 2000 : i32
      %mul3A_49 = arith.muli %arg1, %mul3A_48 : i32
      %add3A_50 = arith.constant 500 : i32
      %add3A_51 = arith.addi %mul3A_49, %add3A_50 : i32
      "tpu.region"() ({
        %run_scoped3A = tpu.sem_alloc : memref<!tpu.dma_semaphore, #tpu.memory_space<semaphore_mem>>
        %dma_start3A = arith.constant 0 : i32
        %dma_start3A_96 = arith.constant 0 : i32
        %dma_start3A_97 = tpu.memref_slice %arg9[%dma_start3A, %dma_start3A_96] : memref<128x128xf32, #tpu.memory_space<vmem>> -> memref<125x128xf32, #tpu.memory_space<vmem>>
        %dma_start3A_98 = arith.constant 0 : i32
        %dma_start3A_99 = tpu.memref_slice %arg11[%add3A_51, %dma_start3A_98] : memref<10000x128xf32, #tpu.memory_space<vmem_shared>> -> memref<125x128xf32, #tpu.memory_space<vmem_shared>>
        %dma_start3A_100 = arith.constant 0 : i32
        %dma_start3A_101 = tpu.memref_slice %arg11[%add3A_51, %dma_start3A_100] : memref<10000x128xf32, #tpu.memory_space<vmem_shared>> -> memref<125x128xf32, #tpu.memory_space<vmem_shared>>
        %dma_start3A_102 = arith.constant 0 : i32
        %dma_start3A_103 = arith.constant 0 : i32
        %dma_start3A_104 = tpu.memref_slice %arg9[%dma_start3A_102, %dma_start3A_103] : memref<128x128xf32, #tpu.memory_space<vmem>> -> memref<125x128xf32, #tpu.memory_space<vmem>>
        tpu.enqueue_dma source(%dma_start3A_104 : memref<125x128xf32, #tpu.memory_space<vmem>>) target(%dma_start3A_101 : memref<125x128xf32, #tpu.memory_space<vmem_shared>>) target_semaphore(%run_scoped3A : memref<!tpu.dma_semaphore, #tpu.memory_space<semaphore_mem>>)
        %dma_wait3A = arith.constant 0 : i32
        %dma_wait3A_105 = arith.constant 0 : i32
        %dma_wait3A_106 = tpu.memref_slice %arg9[%dma_wait3A, %dma_wait3A_105] : memref<128x128xf32, #tpu.memory_space<vmem>> -> memref<125x128xf32, #tpu.memory_space<vmem>>
        %dma_wait3A_107 = arith.constant 0 : i32
        %dma_wait3A_108 = tpu.memref_slice %arg11[%add3A_51, %dma_wait3A_107] : memref<10000x128xf32, #tpu.memory_space<vmem_shared>> -> memref<125x128xf32, #tpu.memory_space<vmem_shared>>
        %dma_wait3A_109 = arith.constant 0 : i32
        %dma_wait3A_110 = tpu.memref_slice %arg11[%add3A_51, %dma_wait3A_109] : memref<10000x128xf32, #tpu.memory_space<vmem_shared>> -> memref<125x128xf32, #tpu.memory_space<vmem_shared>>
        %dma_wait3A_111 = arith.constant 0 : i32
        %dma_wait3A_112 = arith.constant 0 : i32
        %dma_wait3A_113 = tpu.memref_slice %arg9[%dma_wait3A_111, %dma_wait3A_112] : memref<128x128xf32, #tpu.memory_space<vmem>> -> memref<125x128xf32, #tpu.memory_space<vmem>>
        tpu.wait_dma2 semaphore(%run_scoped3A : memref<!tpu.dma_semaphore, #tpu.memory_space<semaphore_mem>>) src(%dma_wait3A_113 : memref<125x128xf32, #tpu.memory_space<vmem>>) dst(%dma_wait3A_110 : memref<125x128xf32, #tpu.memory_space<vmem_shared>>)
        tpu.yield
      }) : () -> ()
      %mul3A_52 = arith.constant 2000 : i32
      %mul3A_53 = arith.muli %arg1, %mul3A_52 : i32
      %add3A_54 = arith.constant 625 : i32
      %add3A_55 = arith.addi %mul3A_53, %add3A_54 : i32
      "tpu.region"() ({
        %run_scoped3A = tpu.sem_alloc : memref<!tpu.dma_semaphore, #tpu.memory_space<semaphore_mem>>
        %dma_start3A = arith.constant 0 : i32
        %dma_start3A_96 = arith.constant 0 : i32
        %dma_start3A_97 = tpu.memref_slice %arg9[%dma_start3A, %dma_start3A_96] : memref<128x128xf32, #tpu.memory_space<vmem>> -> memref<125x128xf32, #tpu.memory_space<vmem>>
        %dma_start3A_98 = arith.constant 0 : i32
        %dma_start3A_99 = tpu.memref_slice %arg11[%add3A_55, %dma_start3A_98] : memref<10000x128xf32, #tpu.memory_space<vmem_shared>> -> memref<125x128xf32, #tpu.memory_space<vmem_shared>>
        %dma_start3A_100 = arith.constant 0 : i32
        %dma_start3A_101 = tpu.memref_slice %arg11[%add3A_55, %dma_start3A_100] : memref<10000x128xf32, #tpu.memory_space<vmem_shared>> -> memref<125x128xf32, #tpu.memory_space<vmem_shared>>
        %dma_start3A_102 = arith.constant 0 : i32
        %dma_start3A_103 = arith.constant 0 : i32
        %dma_start3A_104 = tpu.memref_slice %arg9[%dma_start3A_102, %dma_start3A_103] : memref<128x128xf32, #tpu.memory_space<vmem>> -> memref<125x128xf32, #tpu.memory_space<vmem>>
        tpu.enqueue_dma source(%dma_start3A_104 : memref<125x128xf32, #tpu.memory_space<vmem>>) target(%dma_start3A_101 : memref<125x128xf32, #tpu.memory_space<vmem_shared>>) target_semaphore(%run_scoped3A : memref<!tpu.dma_semaphore, #tpu.memory_space<semaphore_mem>>)
        %dma_wait3A = arith.constant 0 : i32
        %dma_wait3A_105 = arith.constant 0 : i32
        %dma_wait3A_106 = tpu.memref_slice %arg9[%dma_wait3A, %dma_wait3A_105] : memref<128x128xf32, #tpu.memory_space<vmem>> -> memref<125x128xf32, #tpu.memory_space<vmem>>
        %dma_wait3A_107 = arith.constant 0 : i32
        %dma_wait3A_108 = tpu.memref_slice %arg11[%add3A_55, %dma_wait3A_107] : memref<10000x128xf32, #tpu.memory_space<vmem_shared>> -> memref<125x128xf32, #tpu.memory_space<vmem_shared>>
        %dma_wait3A_109 = arith.constant 0 : i32
        %dma_wait3A_110 = tpu.memref_slice %arg11[%add3A_55, %dma_wait3A_109] : memref<10000x128xf32, #tpu.memory_space<vmem_shared>> -> memref<125x128xf32, #tpu.memory_space<vmem_shared>>
        %dma_wait3A_111 = arith.constant 0 : i32
        %dma_wait3A_112 = arith.constant 0 : i32
        %dma_wait3A_113 = tpu.memref_slice %arg9[%dma_wait3A_111, %dma_wait3A_112] : memref<128x128xf32, #tpu.memory_space<vmem>> -> memref<125x128xf32, #tpu.memory_space<vmem>>
        tpu.wait_dma2 semaphore(%run_scoped3A : memref<!tpu.dma_semaphore, #tpu.memory_space<semaphore_mem>>) src(%dma_wait3A_113 : memref<125x128xf32, #tpu.memory_space<vmem>>) dst(%dma_wait3A_110 : memref<125x128xf32, #tpu.memory_space<vmem_shared>>)
        tpu.yield
      }) : () -> ()
      %mul3A_56 = arith.constant 2000 : i32
      %mul3A_57 = arith.muli %arg1, %mul3A_56 : i32
      %add3A_58 = arith.constant 750 : i32
      %add3A_59 = arith.addi %mul3A_57, %add3A_58 : i32
      "tpu.region"() ({
        %run_scoped3A = tpu.sem_alloc : memref<!tpu.dma_semaphore, #tpu.memory_space<semaphore_mem>>
        %dma_start3A = arith.constant 0 : i32
        %dma_start3A_96 = arith.constant 0 : i32
        %dma_start3A_97 = tpu.memref_slice %arg9[%dma_start3A, %dma_start3A_96] : memref<128x128xf32, #tpu.memory_space<vmem>> -> memref<125x128xf32, #tpu.memory_space<vmem>>
        %dma_start3A_98 = arith.constant 0 : i32
        %dma_start3A_99 = tpu.memref_slice %arg11[%add3A_59, %dma_start3A_98] : memref<10000x128xf32, #tpu.memory_space<vmem_shared>> -> memref<125x128xf32, #tpu.memory_space<vmem_shared>>
        %dma_start3A_100 = arith.constant 0 : i32
        %dma_start3A_101 = tpu.memref_slice %arg11[%add3A_59, %dma_start3A_100] : memref<10000x128xf32, #tpu.memory_space<vmem_shared>> -> memref<125x128xf32, #tpu.memory_space<vmem_shared>>
        %dma_start3A_102 = arith.constant 0 : i32
        %dma_start3A_103 = arith.constant 0 : i32
        %dma_start3A_104 = tpu.memref_slice %arg9[%dma_start3A_102, %dma_start3A_103] : memref<128x128xf32, #tpu.memory_space<vmem>> -> memref<125x128xf32, #tpu.memory_space<vmem>>
        tpu.enqueue_dma source(%dma_start3A_104 : memref<125x128xf32, #tpu.memory_space<vmem>>) target(%dma_start3A_101 : memref<125x128xf32, #tpu.memory_space<vmem_shared>>) target_semaphore(%run_scoped3A : memref<!tpu.dma_semaphore, #tpu.memory_space<semaphore_mem>>)
        %dma_wait3A = arith.constant 0 : i32
        %dma_wait3A_105 = arith.constant 0 : i32
        %dma_wait3A_106 = tpu.memref_slice %arg9[%dma_wait3A, %dma_wait3A_105] : memref<128x128xf32, #tpu.memory_space<vmem>> -> memref<125x128xf32, #tpu.memory_space<vmem>>
        %dma_wait3A_107 = arith.constant 0 : i32
        %dma_wait3A_108 = tpu.memref_slice %arg11[%add3A_59, %dma_wait3A_107] : memref<10000x128xf32, #tpu.memory_space<vmem_shared>> -> memref<125x128xf32, #tpu.memory_space<vmem_shared>>
        %dma_wait3A_109 = arith.constant 0 : i32
        %dma_wait3A_110 = tpu.memref_slice %arg11[%add3A_59, %dma_wait3A_109] : memref<10000x128xf32, #tpu.memory_space<vmem_shared>> -> memref<125x128xf32, #tpu.memory_space<vmem_shared>>
        %dma_wait3A_111 = arith.constant 0 : i32
        %dma_wait3A_112 = arith.constant 0 : i32
        %dma_wait3A_113 = tpu.memref_slice %arg9[%dma_wait3A_111, %dma_wait3A_112] : memref<128x128xf32, #tpu.memory_space<vmem>> -> memref<125x128xf32, #tpu.memory_space<vmem>>
        tpu.wait_dma2 semaphore(%run_scoped3A : memref<!tpu.dma_semaphore, #tpu.memory_space<semaphore_mem>>) src(%dma_wait3A_113 : memref<125x128xf32, #tpu.memory_space<vmem>>) dst(%dma_wait3A_110 : memref<125x128xf32, #tpu.memory_space<vmem_shared>>)
        tpu.yield
      }) : () -> ()
      %mul3A_60 = arith.constant 2000 : i32
      %mul3A_61 = arith.muli %arg1, %mul3A_60 : i32
      %add3A_62 = arith.constant 875 : i32
      %add3A_63 = arith.addi %mul3A_61, %add3A_62 : i32
      "tpu.region"() ({
        %run_scoped3A = tpu.sem_alloc : memref<!tpu.dma_semaphore, #tpu.memory_space<semaphore_mem>>
        %dma_start3A = arith.constant 0 : i32
        %dma_start3A_96 = arith.constant 0 : i32
        %dma_start3A_97 = tpu.memref_slice %arg9[%dma_start3A, %dma_start3A_96] : memref<128x128xf32, #tpu.memory_space<vmem>> -> memref<125x128xf32, #tpu.memory_space<vmem>>
        %dma_start3A_98 = arith.constant 0 : i32
        %dma_start3A_99 = tpu.memref_slice %arg11[%add3A_63, %dma_start3A_98] : memref<10000x128xf32, #tpu.memory_space<vmem_shared>> -> memref<125x128xf32, #tpu.memory_space<vmem_shared>>
        %dma_start3A_100 = arith.constant 0 : i32
        %dma_start3A_101 = tpu.memref_slice %arg11[%add3A_63, %dma_start3A_100] : memref<10000x128xf32, #tpu.memory_space<vmem_shared>> -> memref<125x128xf32, #tpu.memory_space<vmem_shared>>
        %dma_start3A_102 = arith.constant 0 : i32
        %dma_start3A_103 = arith.constant 0 : i32
        %dma_start3A_104 = tpu.memref_slice %arg9[%dma_start3A_102, %dma_start3A_103] : memref<128x128xf32, #tpu.memory_space<vmem>> -> memref<125x128xf32, #tpu.memory_space<vmem>>
        tpu.enqueue_dma source(%dma_start3A_104 : memref<125x128xf32, #tpu.memory_space<vmem>>) target(%dma_start3A_101 : memref<125x128xf32, #tpu.memory_space<vmem_shared>>) target_semaphore(%run_scoped3A : memref<!tpu.dma_semaphore, #tpu.memory_space<semaphore_mem>>)
        %dma_wait3A = arith.constant 0 : i32
        %dma_wait3A_105 = arith.constant 0 : i32
        %dma_wait3A_106 = tpu.memref_slice %arg9[%dma_wait3A, %dma_wait3A_105] : memref<128x128xf32, #tpu.memory_space<vmem>> -> memref<125x128xf32, #tpu.memory_space<vmem>>
        %dma_wait3A_107 = arith.constant 0 : i32
        %dma_wait3A_108 = tpu.memref_slice %arg11[%add3A_63, %dma_wait3A_107] : memref<10000x128xf32, #tpu.memory_space<vmem_shared>> -> memref<125x128xf32, #tpu.memory_space<vmem_shared>>
        %dma_wait3A_109 = arith.constant 0 : i32
        %dma_wait3A_110 = tpu.memref_slice %arg11[%add3A_63, %dma_wait3A_109] : memref<10000x128xf32, #tpu.memory_space<vmem_shared>> -> memref<125x128xf32, #tpu.memory_space<vmem_shared>>
        %dma_wait3A_111 = arith.constant 0 : i32
        %dma_wait3A_112 = arith.constant 0 : i32
        %dma_wait3A_113 = tpu.memref_slice %arg9[%dma_wait3A_111, %dma_wait3A_112] : memref<128x128xf32, #tpu.memory_space<vmem>> -> memref<125x128xf32, #tpu.memory_space<vmem>>
        tpu.wait_dma2 semaphore(%run_scoped3A : memref<!tpu.dma_semaphore, #tpu.memory_space<semaphore_mem>>) src(%dma_wait3A_113 : memref<125x128xf32, #tpu.memory_space<vmem>>) dst(%dma_wait3A_110 : memref<125x128xf32, #tpu.memory_space<vmem_shared>>)
        tpu.yield
      }) : () -> ()
      %mul3A_64 = arith.constant 2000 : i32
      %mul3A_65 = arith.muli %arg1, %mul3A_64 : i32
      %add3A_66 = arith.constant 1000 : i32
      %add3A_67 = arith.addi %mul3A_65, %add3A_66 : i32
      "tpu.region"() ({
        %run_scoped3A = tpu.sem_alloc : memref<!tpu.dma_semaphore, #tpu.memory_space<semaphore_mem>>
        %dma_start3A = arith.constant 0 : i32
        %dma_start3A_96 = arith.constant 0 : i32
        %dma_start3A_97 = tpu.memref_slice %arg9[%dma_start3A, %dma_start3A_96] : memref<128x128xf32, #tpu.memory_space<vmem>> -> memref<125x128xf32, #tpu.memory_space<vmem>>
        %dma_start3A_98 = arith.constant 0 : i32
        %dma_start3A_99 = tpu.memref_slice %arg11[%add3A_67, %dma_start3A_98] : memref<10000x128xf32, #tpu.memory_space<vmem_shared>> -> memref<125x128xf32, #tpu.memory_space<vmem_shared>>
        %dma_start3A_100 = arith.constant 0 : i32
        %dma_start3A_101 = tpu.memref_slice %arg11[%add3A_67, %dma_start3A_100] : memref<10000x128xf32, #tpu.memory_space<vmem_shared>> -> memref<125x128xf32, #tpu.memory_space<vmem_shared>>
        %dma_start3A_102 = arith.constant 0 : i32
        %dma_start3A_103 = arith.constant 0 : i32
        %dma_start3A_104 = tpu.memref_slice %arg9[%dma_start3A_102, %dma_start3A_103] : memref<128x128xf32, #tpu.memory_space<vmem>> -> memref<125x128xf32, #tpu.memory_space<vmem>>
        tpu.enqueue_dma source(%dma_start3A_104 : memref<125x128xf32, #tpu.memory_space<vmem>>) target(%dma_start3A_101 : memref<125x128xf32, #tpu.memory_space<vmem_shared>>) target_semaphore(%run_scoped3A : memref<!tpu.dma_semaphore, #tpu.memory_space<semaphore_mem>>)
        %dma_wait3A = arith.constant 0 : i32
        %dma_wait3A_105 = arith.constant 0 : i32
        %dma_wait3A_106 = tpu.memref_slice %arg9[%dma_wait3A, %dma_wait3A_105] : memref<128x128xf32, #tpu.memory_space<vmem>> -> memref<125x128xf32, #tpu.memory_space<vmem>>
        %dma_wait3A_107 = arith.constant 0 : i32
        %dma_wait3A_108 = tpu.memref_slice %arg11[%add3A_67, %dma_wait3A_107] : memref<10000x128xf32, #tpu.memory_space<vmem_shared>> -> memref<125x128xf32, #tpu.memory_space<vmem_shared>>
        %dma_wait3A_109 = arith.constant 0 : i32
        %dma_wait3A_110 = tpu.memref_slice %arg11[%add3A_67, %dma_wait3A_109] : memref<10000x128xf32, #tpu.memory_space<vmem_shared>> -> memref<125x128xf32, #tpu.memory_space<vmem_shared>>
        %dma_wait3A_111 = arith.constant 0 : i32
        %dma_wait3A_112 = arith.constant 0 : i32
        %dma_wait3A_113 = tpu.memref_slice %arg9[%dma_wait3A_111, %dma_wait3A_112] : memref<128x128xf32, #tpu.memory_space<vmem>> -> memref<125x128xf32, #tpu.memory_space<vmem>>
        tpu.wait_dma2 semaphore(%run_scoped3A : memref<!tpu.dma_semaphore, #tpu.memory_space<semaphore_mem>>) src(%dma_wait3A_113 : memref<125x128xf32, #tpu.memory_space<vmem>>) dst(%dma_wait3A_110 : memref<125x128xf32, #tpu.memory_space<vmem_shared>>)
        tpu.yield
      }) : () -> ()
      %mul3A_68 = arith.constant 2000 : i32
      %mul3A_69 = arith.muli %arg1, %mul3A_68 : i32
      %add3A_70 = arith.constant 1125 : i32
      %add3A_71 = arith.addi %mul3A_69, %add3A_70 : i32
      "tpu.region"() ({
        %run_scoped3A = tpu.sem_alloc : memref<!tpu.dma_semaphore, #tpu.memory_space<semaphore_mem>>
        %dma_start3A = arith.constant 0 : i32
        %dma_start3A_96 = arith.constant 0 : i32
        %dma_start3A_97 = tpu.memref_slice %arg9[%dma_start3A, %dma_start3A_96] : memref<128x128xf32, #tpu.memory_space<vmem>> -> memref<125x128xf32, #tpu.memory_space<vmem>>
        %dma_start3A_98 = arith.constant 0 : i32
        %dma_start3A_99 = tpu.memref_slice %arg11[%add3A_71, %dma_start3A_98] : memref<10000x128xf32, #tpu.memory_space<vmem_shared>> -> memref<125x128xf32, #tpu.memory_space<vmem_shared>>
        %dma_start3A_100 = arith.constant 0 : i32
        %dma_start3A_101 = tpu.memref_slice %arg11[%add3A_71, %dma_start3A_100] : memref<10000x128xf32, #tpu.memory_space<vmem_shared>> -> memref<125x128xf32, #tpu.memory_space<vmem_shared>>
        %dma_start3A_102 = arith.constant 0 : i32
        %dma_start3A_103 = arith.constant 0 : i32
        %dma_start3A_104 = tpu.memref_slice %arg9[%dma_start3A_102, %dma_start3A_103] : memref<128x128xf32, #tpu.memory_space<vmem>> -> memref<125x128xf32, #tpu.memory_space<vmem>>
        tpu.enqueue_dma source(%dma_start3A_104 : memref<125x128xf32, #tpu.memory_space<vmem>>) target(%dma_start3A_101 : memref<125x128xf32, #tpu.memory_space<vmem_shared>>) target_semaphore(%run_scoped3A : memref<!tpu.dma_semaphore, #tpu.memory_space<semaphore_mem>>)
        %dma_wait3A = arith.constant 0 : i32
        %dma_wait3A_105 = arith.constant 0 : i32
        %dma_wait3A_106 = tpu.memref_slice %arg9[%dma_wait3A, %dma_wait3A_105] : memref<128x128xf32, #tpu.memory_space<vmem>> -> memref<125x128xf32, #tpu.memory_space<vmem>>
        %dma_wait3A_107 = arith.constant 0 : i32
        %dma_wait3A_108 = tpu.memref_slice %arg11[%add3A_71, %dma_wait3A_107] : memref<10000x128xf32, #tpu.memory_space<vmem_shared>> -> memref<125x128xf32, #tpu.memory_space<vmem_shared>>
        %dma_wait3A_109 = arith.constant 0 : i32
        %dma_wait3A_110 = tpu.memref_slice %arg11[%add3A_71, %dma_wait3A_109] : memref<10000x128xf32, #tpu.memory_space<vmem_shared>> -> memref<125x128xf32, #tpu.memory_space<vmem_shared>>
        %dma_wait3A_111 = arith.constant 0 : i32
        %dma_wait3A_112 = arith.constant 0 : i32
        %dma_wait3A_113 = tpu.memref_slice %arg9[%dma_wait3A_111, %dma_wait3A_112] : memref<128x128xf32, #tpu.memory_space<vmem>> -> memref<125x128xf32, #tpu.memory_space<vmem>>
        tpu.wait_dma2 semaphore(%run_scoped3A : memref<!tpu.dma_semaphore, #tpu.memory_space<semaphore_mem>>) src(%dma_wait3A_113 : memref<125x128xf32, #tpu.memory_space<vmem>>) dst(%dma_wait3A_110 : memref<125x128xf32, #tpu.memory_space<vmem_shared>>)
        tpu.yield
      }) : () -> ()
      %mul3A_72 = arith.constant 2000 : i32
      %mul3A_73 = arith.muli %arg1, %mul3A_72 : i32
      %add3A_74 = arith.constant 1250 : i32
      %add3A_75 = arith.addi %mul3A_73, %add3A_74 : i32
      "tpu.region"() ({
        %run_scoped3A = tpu.sem_alloc : memref<!tpu.dma_semaphore, #tpu.memory_space<semaphore_mem>>
        %dma_start3A = arith.constant 0 : i32
        %dma_start3A_96 = arith.constant 0 : i32
        %dma_start3A_97 = tpu.memref_slice %arg9[%dma_start3A, %dma_start3A_96] : memref<128x128xf32, #tpu.memory_space<vmem>> -> memref<125x128xf32, #tpu.memory_space<vmem>>
        %dma_start3A_98 = arith.constant 0 : i32
        %dma_start3A_99 = tpu.memref_slice %arg11[%add3A_75, %dma_start3A_98] : memref<10000x128xf32, #tpu.memory_space<vmem_shared>> -> memref<125x128xf32, #tpu.memory_space<vmem_shared>>
        %dma_start3A_100 = arith.constant 0 : i32
        %dma_start3A_101 = tpu.memref_slice %arg11[%add3A_75, %dma_start3A_100] : memref<10000x128xf32, #tpu.memory_space<vmem_shared>> -> memref<125x128xf32, #tpu.memory_space<vmem_shared>>
        %dma_start3A_102 = arith.constant 0 : i32
        %dma_start3A_103 = arith.constant 0 : i32
        %dma_start3A_104 = tpu.memref_slice %arg9[%dma_start3A_102, %dma_start3A_103] : memref<128x128xf32, #tpu.memory_space<vmem>> -> memref<125x128xf32, #tpu.memory_space<vmem>>
        tpu.enqueue_dma source(%dma_start3A_104 : memref<125x128xf32, #tpu.memory_space<vmem>>) target(%dma_start3A_101 : memref<125x128xf32, #tpu.memory_space<vmem_shared>>) target_semaphore(%run_scoped3A : memref<!tpu.dma_semaphore, #tpu.memory_space<semaphore_mem>>)
        %dma_wait3A = arith.constant 0 : i32
        %dma_wait3A_105 = arith.constant 0 : i32
        %dma_wait3A_106 = tpu.memref_slice %arg9[%dma_wait3A, %dma_wait3A_105] : memref<128x128xf32, #tpu.memory_space<vmem>> -> memref<125x128xf32, #tpu.memory_space<vmem>>
        %dma_wait3A_107 = arith.constant 0 : i32
        %dma_wait3A_108 = tpu.memref_slice %arg11[%add3A_75, %dma_wait3A_107] : memref<10000x128xf32, #tpu.memory_space<vmem_shared>> -> memref<125x128xf32, #tpu.memory_space<vmem_shared>>
        %dma_wait3A_109 = arith.constant 0 : i32
        %dma_wait3A_110 = tpu.memref_slice %arg11[%add3A_75, %dma_wait3A_109] : memref<10000x128xf32, #tpu.memory_space<vmem_shared>> -> memref<125x128xf32, #tpu.memory_space<vmem_shared>>
        %dma_wait3A_111 = arith.constant 0 : i32
        %dma_wait3A_112 = arith.constant 0 : i32
        %dma_wait3A_113 = tpu.memref_slice %arg9[%dma_wait3A_111, %dma_wait3A_112] : memref<128x128xf32, #tpu.memory_space<vmem>> -> memref<125x128xf32, #tpu.memory_space<vmem>>
        tpu.wait_dma2 semaphore(%run_scoped3A : memref<!tpu.dma_semaphore, #tpu.memory_space<semaphore_mem>>) src(%dma_wait3A_113 : memref<125x128xf32, #tpu.memory_space<vmem>>) dst(%dma_wait3A_110 : memref<125x128xf32, #tpu.memory_space<vmem_shared>>)
        tpu.yield
      }) : () -> ()
      %mul3A_76 = arith.constant 2000 : i32
      %mul3A_77 = arith.muli %arg1, %mul3A_76 : i32
      %add3A_78 = arith.constant 1375 : i32
      %add3A_79 = arith.addi %mul3A_77, %add3A_78 : i32
      "tpu.region"() ({
        %run_scoped3A = tpu.sem_alloc : memref<!tpu.dma_semaphore, #tpu.memory_space<semaphore_mem>>
        %dma_start3A = arith.constant 0 : i32
        %dma_start3A_96 = arith.constant 0 : i32
        %dma_start3A_97 = tpu.memref_slice %arg9[%dma_start3A, %dma_start3A_96] : memref<128x128xf32, #tpu.memory_space<vmem>> -> memref<125x128xf32, #tpu.memory_space<vmem>>
        %dma_start3A_98 = arith.constant 0 : i32
        %dma_start3A_99 = tpu.memref_slice %arg11[%add3A_79, %dma_start3A_98] : memref<10000x128xf32, #tpu.memory_space<vmem_shared>> -> memref<125x128xf32, #tpu.memory_space<vmem_shared>>
        %dma_start3A_100 = arith.constant 0 : i32
        %dma_start3A_101 = tpu.memref_slice %arg11[%add3A_79, %dma_start3A_100] : memref<10000x128xf32, #tpu.memory_space<vmem_shared>> -> memref<125x128xf32, #tpu.memory_space<vmem_shared>>
        %dma_start3A_102 = arith.constant 0 : i32
        %dma_start3A_103 = arith.constant 0 : i32
        %dma_start3A_104 = tpu.memref_slice %arg9[%dma_start3A_102, %dma_start3A_103] : memref<128x128xf32, #tpu.memory_space<vmem>> -> memref<125x128xf32, #tpu.memory_space<vmem>>
        tpu.enqueue_dma source(%dma_start3A_104 : memref<125x128xf32, #tpu.memory_space<vmem>>) target(%dma_start3A_101 : memref<125x128xf32, #tpu.memory_space<vmem_shared>>) target_semaphore(%run_scoped3A : memref<!tpu.dma_semaphore, #tpu.memory_space<semaphore_mem>>)
        %dma_wait3A = arith.constant 0 : i32
        %dma_wait3A_105 = arith.constant 0 : i32
        %dma_wait3A_106 = tpu.memref_slice %arg9[%dma_wait3A, %dma_wait3A_105] : memref<128x128xf32, #tpu.memory_space<vmem>> -> memref<125x128xf32, #tpu.memory_space<vmem>>
        %dma_wait3A_107 = arith.constant 0 : i32
        %dma_wait3A_108 = tpu.memref_slice %arg11[%add3A_79, %dma_wait3A_107] : memref<10000x128xf32, #tpu.memory_space<vmem_shared>> -> memref<125x128xf32, #tpu.memory_space<vmem_shared>>
        %dma_wait3A_109 = arith.constant 0 : i32
        %dma_wait3A_110 = tpu.memref_slice %arg11[%add3A_79, %dma_wait3A_109] : memref<10000x128xf32, #tpu.memory_space<vmem_shared>> -> memref<125x128xf32, #tpu.memory_space<vmem_shared>>
        %dma_wait3A_111 = arith.constant 0 : i32
        %dma_wait3A_112 = arith.constant 0 : i32
        %dma_wait3A_113 = tpu.memref_slice %arg9[%dma_wait3A_111, %dma_wait3A_112] : memref<128x128xf32, #tpu.memory_space<vmem>> -> memref<125x128xf32, #tpu.memory_space<vmem>>
        tpu.wait_dma2 semaphore(%run_scoped3A : memref<!tpu.dma_semaphore, #tpu.memory_space<semaphore_mem>>) src(%dma_wait3A_113 : memref<125x128xf32, #tpu.memory_space<vmem>>) dst(%dma_wait3A_110 : memref<125x128xf32, #tpu.memory_space<vmem_shared>>)
        tpu.yield
      }) : () -> ()
      %mul3A_80 = arith.constant 2000 : i32
      %mul3A_81 = arith.muli %arg1, %mul3A_80 : i32
      %add3A_82 = arith.constant 1500 : i32
      %add3A_83 = arith.addi %mul3A_81, %add3A_82 : i32
      "tpu.region"() ({
        %run_scoped3A = tpu.sem_alloc : memref<!tpu.dma_semaphore, #tpu.memory_space<semaphore_mem>>
        %dma_start3A = arith.constant 0 : i32
        %dma_start3A_96 = arith.constant 0 : i32
        %dma_start3A_97 = tpu.memref_slice %arg9[%dma_start3A, %dma_start3A_96] : memref<128x128xf32, #tpu.memory_space<vmem>> -> memref<125x128xf32, #tpu.memory_space<vmem>>
        %dma_start3A_98 = arith.constant 0 : i32
        %dma_start3A_99 = tpu.memref_slice %arg11[%add3A_83, %dma_start3A_98] : memref<10000x128xf32, #tpu.memory_space<vmem_shared>> -> memref<125x128xf32, #tpu.memory_space<vmem_shared>>
        %dma_start3A_100 = arith.constant 0 : i32
        %dma_start3A_101 = tpu.memref_slice %arg11[%add3A_83, %dma_start3A_100] : memref<10000x128xf32, #tpu.memory_space<vmem_shared>> -> memref<125x128xf32, #tpu.memory_space<vmem_shared>>
        %dma_start3A_102 = arith.constant 0 : i32
        %dma_start3A_103 = arith.constant 0 : i32
        %dma_start3A_104 = tpu.memref_slice %arg9[%dma_start3A_102, %dma_start3A_103] : memref<128x128xf32, #tpu.memory_space<vmem>> -> memref<125x128xf32, #tpu.memory_space<vmem>>
        tpu.enqueue_dma source(%dma_start3A_104 : memref<125x128xf32, #tpu.memory_space<vmem>>) target(%dma_start3A_101 : memref<125x128xf32, #tpu.memory_space<vmem_shared>>) target_semaphore(%run_scoped3A : memref<!tpu.dma_semaphore, #tpu.memory_space<semaphore_mem>>)
        %dma_wait3A = arith.constant 0 : i32
        %dma_wait3A_105 = arith.constant 0 : i32
        %dma_wait3A_106 = tpu.memref_slice %arg9[%dma_wait3A, %dma_wait3A_105] : memref<128x128xf32, #tpu.memory_space<vmem>> -> memref<125x128xf32, #tpu.memory_space<vmem>>
        %dma_wait3A_107 = arith.constant 0 : i32
        %dma_wait3A_108 = tpu.memref_slice %arg11[%add3A_83, %dma_wait3A_107] : memref<10000x128xf32, #tpu.memory_space<vmem_shared>> -> memref<125x128xf32, #tpu.memory_space<vmem_shared>>
        %dma_wait3A_109 = arith.constant 0 : i32
        %dma_wait3A_110 = tpu.memref_slice %arg11[%add3A_83, %dma_wait3A_109] : memref<10000x128xf32, #tpu.memory_space<vmem_shared>> -> memref<125x128xf32, #tpu.memory_space<vmem_shared>>
        %dma_wait3A_111 = arith.constant 0 : i32
        %dma_wait3A_112 = arith.constant 0 : i32
        %dma_wait3A_113 = tpu.memref_slice %arg9[%dma_wait3A_111, %dma_wait3A_112] : memref<128x128xf32, #tpu.memory_space<vmem>> -> memref<125x128xf32, #tpu.memory_space<vmem>>
        tpu.wait_dma2 semaphore(%run_scoped3A : memref<!tpu.dma_semaphore, #tpu.memory_space<semaphore_mem>>) src(%dma_wait3A_113 : memref<125x128xf32, #tpu.memory_space<vmem>>) dst(%dma_wait3A_110 : memref<125x128xf32, #tpu.memory_space<vmem_shared>>)
        tpu.yield
      }) : () -> ()
      %mul3A_84 = arith.constant 2000 : i32
      %mul3A_85 = arith.muli %arg1, %mul3A_84 : i32
      %add3A_86 = arith.constant 1625 : i32
      %add3A_87 = arith.addi %mul3A_85, %add3A_86 : i32
      "tpu.region"() ({
        %run_scoped3A = tpu.sem_alloc : memref<!tpu.dma_semaphore, #tpu.memory_space<semaphore_mem>>
        %dma_start3A = arith.constant 0 : i32
        %dma_start3A_96 = arith.constant 0 : i32
        %dma_start3A_97 = tpu.memref_slice %arg9[%dma_start3A, %dma_start3A_96] : memref<128x128xf32, #tpu.memory_space<vmem>> -> memref<125x128xf32, #tpu.memory_space<vmem>>
        %dma_start3A_98 = arith.constant 0 : i32
        %dma_start3A_99 = tpu.memref_slice %arg11[%add3A_87, %dma_start3A_98] : memref<10000x128xf32, #tpu.memory_space<vmem_shared>> -> memref<125x128xf32, #tpu.memory_space<vmem_shared>>
        %dma_start3A_100 = arith.constant 0 : i32
        %dma_start3A_101 = tpu.memref_slice %arg11[%add3A_87, %dma_start3A_100] : memref<10000x128xf32, #tpu.memory_space<vmem_shared>> -> memref<125x128xf32, #tpu.memory_space<vmem_shared>>
        %dma_start3A_102 = arith.constant 0 : i32
        %dma_start3A_103 = arith.constant 0 : i32
        %dma_start3A_104 = tpu.memref_slice %arg9[%dma_start3A_102, %dma_start3A_103] : memref<128x128xf32, #tpu.memory_space<vmem>> -> memref<125x128xf32, #tpu.memory_space<vmem>>
        tpu.enqueue_dma source(%dma_start3A_104 : memref<125x128xf32, #tpu.memory_space<vmem>>) target(%dma_start3A_101 : memref<125x128xf32, #tpu.memory_space<vmem_shared>>) target_semaphore(%run_scoped3A : memref<!tpu.dma_semaphore, #tpu.memory_space<semaphore_mem>>)
        %dma_wait3A = arith.constant 0 : i32
        %dma_wait3A_105 = arith.constant 0 : i32
        %dma_wait3A_106 = tpu.memref_slice %arg9[%dma_wait3A, %dma_wait3A_105] : memref<128x128xf32, #tpu.memory_space<vmem>> -> memref<125x128xf32, #tpu.memory_space<vmem>>
        %dma_wait3A_107 = arith.constant 0 : i32
        %dma_wait3A_108 = tpu.memref_slice %arg11[%add3A_87, %dma_wait3A_107] : memref<10000x128xf32, #tpu.memory_space<vmem_shared>> -> memref<125x128xf32, #tpu.memory_space<vmem_shared>>
        %dma_wait3A_109 = arith.constant 0 : i32
        %dma_wait3A_110 = tpu.memref_slice %arg11[%add3A_87, %dma_wait3A_109] : memref<10000x128xf32, #tpu.memory_space<vmem_shared>> -> memref<125x128xf32, #tpu.memory_space<vmem_shared>>
        %dma_wait3A_111 = arith.constant 0 : i32
        %dma_wait3A_112 = arith.constant 0 : i32
        %dma_wait3A_113 = tpu.memref_slice %arg9[%dma_wait3A_111, %dma_wait3A_112] : memref<128x128xf32, #tpu.memory_space<vmem>> -> memref<125x128xf32, #tpu.memory_space<vmem>>
        tpu.wait_dma2 semaphore(%run_scoped3A : memref<!tpu.dma_semaphore, #tpu.memory_space<semaphore_mem>>) src(%dma_wait3A_113 : memref<125x128xf32, #tpu.memory_space<vmem>>) dst(%dma_wait3A_110 : memref<125x128xf32, #tpu.memory_space<vmem_shared>>)
        tpu.yield
      }) : () -> ()
      %mul3A_88 = arith.constant 2000 : i32
      %mul3A_89 = arith.muli %arg1, %mul3A_88 : i32
      %add3A_90 = arith.constant 1750 : i32
      %add3A_91 = arith.addi %mul3A_89, %add3A_90 : i32
      "tpu.region"() ({
        %run_scoped3A = tpu.sem_alloc : memref<!tpu.dma_semaphore, #tpu.memory_space<semaphore_mem>>
        %dma_start3A = arith.constant 0 : i32
        %dma_start3A_96 = arith.constant 0 : i32
        %dma_start3A_97 = tpu.memref_slice %arg9[%dma_start3A, %dma_start3A_96] : memref<128x128xf32, #tpu.memory_space<vmem>> -> memref<125x128xf32, #tpu.memory_space<vmem>>
        %dma_start3A_98 = arith.constant 0 : i32
        %dma_start3A_99 = tpu.memref_slice %arg11[%add3A_91, %dma_start3A_98] : memref<10000x128xf32, #tpu.memory_space<vmem_shared>> -> memref<125x128xf32, #tpu.memory_space<vmem_shared>>
        %dma_start3A_100 = arith.constant 0 : i32
        %dma_start3A_101 = tpu.memref_slice %arg11[%add3A_91, %dma_start3A_100] : memref<10000x128xf32, #tpu.memory_space<vmem_shared>> -> memref<125x128xf32, #tpu.memory_space<vmem_shared>>
        %dma_start3A_102 = arith.constant 0 : i32
        %dma_start3A_103 = arith.constant 0 : i32
        %dma_start3A_104 = tpu.memref_slice %arg9[%dma_start3A_102, %dma_start3A_103] : memref<128x128xf32, #tpu.memory_space<vmem>> -> memref<125x128xf32, #tpu.memory_space<vmem>>
        tpu.enqueue_dma source(%dma_start3A_104 : memref<125x128xf32, #tpu.memory_space<vmem>>) target(%dma_start3A_101 : memref<125x128xf32, #tpu.memory_space<vmem_shared>>) target_semaphore(%run_scoped3A : memref<!tpu.dma_semaphore, #tpu.memory_space<semaphore_mem>>)
        %dma_wait3A = arith.constant 0 : i32
        %dma_wait3A_105 = arith.constant 0 : i32
        %dma_wait3A_106 = tpu.memref_slice %arg9[%dma_wait3A, %dma_wait3A_105] : memref<128x128xf32, #tpu.memory_space<vmem>> -> memref<125x128xf32, #tpu.memory_space<vmem>>
        %dma_wait3A_107 = arith.constant 0 : i32
        %dma_wait3A_108 = tpu.memref_slice %arg11[%add3A_91, %dma_wait3A_107] : memref<10000x128xf32, #tpu.memory_space<vmem_shared>> -> memref<125x128xf32, #tpu.memory_space<vmem_shared>>
        %dma_wait3A_109 = arith.constant 0 : i32
        %dma_wait3A_110 = tpu.memref_slice %arg11[%add3A_91, %dma_wait3A_109] : memref<10000x128xf32, #tpu.memory_space<vmem_shared>> -> memref<125x128xf32, #tpu.memory_space<vmem_shared>>
        %dma_wait3A_111 = arith.constant 0 : i32
        %dma_wait3A_112 = arith.constant 0 : i32
        %dma_wait3A_113 = tpu.memref_slice %arg9[%dma_wait3A_111, %dma_wait3A_112] : memref<128x128xf32, #tpu.memory_space<vmem>> -> memref<125x128xf32, #tpu.memory_space<vmem>>
        tpu.wait_dma2 semaphore(%run_scoped3A : memref<!tpu.dma_semaphore, #tpu.memory_space<semaphore_mem>>) src(%dma_wait3A_113 : memref<125x128xf32, #tpu.memory_space<vmem>>) dst(%dma_wait3A_110 : memref<125x128xf32, #tpu.memory_space<vmem_shared>>)
        tpu.yield
      }) : () -> ()
      %mul3A_92 = arith.constant 2000 : i32
      %mul3A_93 = arith.muli %arg1, %mul3A_92 : i32
      %add3A_94 = arith.constant 1875 : i32
      %add3A_95 = arith.addi %mul3A_93, %add3A_94 : i32
      "tpu.region"() ({
        %run_scoped3A = tpu.sem_alloc : memref<!tpu.dma_semaphore, #tpu.memory_space<semaphore_mem>>
        %dma_start3A = arith.constant 0 : i32
        %dma_start3A_96 = arith.constant 0 : i32
        %dma_start3A_97 = tpu.memref_slice %arg9[%dma_start3A, %dma_start3A_96] : memref<128x128xf32, #tpu.memory_space<vmem>> -> memref<125x128xf32, #tpu.memory_space<vmem>>
        %dma_start3A_98 = arith.constant 0 : i32
        %dma_start3A_99 = tpu.memref_slice %arg11[%add3A_95, %dma_start3A_98] : memref<10000x128xf32, #tpu.memory_space<vmem_shared>> -> memref<125x128xf32, #tpu.memory_space<vmem_shared>>
        %dma_start3A_100 = arith.constant 0 : i32
        %dma_start3A_101 = tpu.memref_slice %arg11[%add3A_95, %dma_start3A_100] : memref<10000x128xf32, #tpu.memory_space<vmem_shared>> -> memref<125x128xf32, #tpu.memory_space<vmem_shared>>
        %dma_start3A_102 = arith.constant 0 : i32
        %dma_start3A_103 = arith.constant 0 : i32
        %dma_start3A_104 = tpu.memref_slice %arg9[%dma_start3A_102, %dma_start3A_103] : memref<128x128xf32, #tpu.memory_space<vmem>> -> memref<125x128xf32, #tpu.memory_space<vmem>>
        tpu.enqueue_dma source(%dma_start3A_104 : memref<125x128xf32, #tpu.memory_space<vmem>>) target(%dma_start3A_101 : memref<125x128xf32, #tpu.memory_space<vmem_shared>>) target_semaphore(%run_scoped3A : memref<!tpu.dma_semaphore, #tpu.memory_space<semaphore_mem>>)
        %dma_wait3A = arith.constant 0 : i32
        %dma_wait3A_105 = arith.constant 0 : i32
        %dma_wait3A_106 = tpu.memref_slice %arg9[%dma_wait3A, %dma_wait3A_105] : memref<128x128xf32, #tpu.memory_space<vmem>> -> memref<125x128xf32, #tpu.memory_space<vmem>>
        %dma_wait3A_107 = arith.constant 0 : i32
        %dma_wait3A_108 = tpu.memref_slice %arg11[%add3A_95, %dma_wait3A_107] : memref<10000x128xf32, #tpu.memory_space<vmem_shared>> -> memref<125x128xf32, #tpu.memory_space<vmem_shared>>
        %dma_wait3A_109 = arith.constant 0 : i32
        %dma_wait3A_110 = tpu.memref_slice %arg11[%add3A_95, %dma_wait3A_109] : memref<10000x128xf32, #tpu.memory_space<vmem_shared>> -> memref<125x128xf32, #tpu.memory_space<vmem_shared>>
        %dma_wait3A_111 = arith.constant 0 : i32
        %dma_wait3A_112 = arith.constant 0 : i32
        %dma_wait3A_113 = tpu.memref_slice %arg9[%dma_wait3A_111, %dma_wait3A_112] : memref<128x128xf32, #tpu.memory_space<vmem>> -> memref<125x128xf32, #tpu.memory_space<vmem>>
        tpu.wait_dma2 semaphore(%run_scoped3A : memref<!tpu.dma_semaphore, #tpu.memory_space<semaphore_mem>>) src(%dma_wait3A_113 : memref<125x128xf32, #tpu.memory_space<vmem>>) dst(%dma_wait3A_110 : memref<125x128xf32, #tpu.memory_space<vmem_shared>>)
        tpu.yield
      }) : () -> ()
    } else {
    }
    %barrier3A = arith.constant 0 : index
    tpu.barrier barrier_id(%barrier3A)
    %eq3A = arith.constant 31 : i32
    %eq3A_3 = arith.cmpi eq, %add3A, %eq3A : i32
    %convert_element_type3A_4 = arith.extui %eq3A_3 : i1 to i32
    %mul3A_5 = arith.constant 4 : i32
    %mul3A_6 = arith.muli %mul3A_5, %convert_element_type3A_4 : i32
    %add3A_7 = arith.constant 78 : i32
    %add3A_8 = arith.addi %add3A_7, %mul3A_6 : i32
    %while3A = arith.constant 0 : i32
    %while3A_9 = arith.constant 0 : i32
    %while3A_10 = arith.subi %add3A_8, %while3A : i32
    %while3A_11 = arith.addi %while3A, %while3A_10 : i32
    %while3A_12 = arith.constant 1 : i32
    %while3A_13 = arith.divsi %while3A_10, %while3A_12 : i32
    %while3A_14 = arith.muli %while3A_13, %while3A_12 : i32
    %while3A_15 = arith.addi %while3A, %while3A_14 : i32
    %while3A_16 = arith.constant 1 : i32
    %while3A_17 = scf.for %while3A_26 = %while3A to %while3A_15 step %while3A_16 iter_args(%while3A_27 = %while3A_9) -> (i32)  : i32 {
      %mul3A_28 = arith.constant 9984 : i32
      %mul3A_29 = arith.muli %add3A, %mul3A_28 : i32
      %mul3A_30 = arith.constant 128 : i32
      %mul3A_31 = arith.muli %while3A_26, %mul3A_30 : i32
      %add3A_32 = arith.addi %mul3A_29, %mul3A_31 : i32
      %dma_start3A = arith.constant 0 : i32
      %dma_start3A_33 = arith.constant 0 : i32
      %dma_start3A_34 = tpu.memref_slice %arg7[%dma_start3A, %dma_start3A_33] : memref<1x128xi32, #tpu.memory_space<vmem>> -> memref<1x128xi32, #tpu.memory_space<vmem>>
      %dma_start3A_35 = tpu.memref_squeeze %dma_start3A_34 : memref<1x128xi32, #tpu.memory_space<vmem>> -> memref<128xi32, #tpu.memory_space<vmem>>
      %dma_start3A_36 = tpu.memref_slice %arg4[%add3A_32] : memref<320000xi32, #tpu.memory_space<hbm>> -> memref<128xi32, #tpu.memory_space<hbm>>
      %dma_start3A_37 = arith.constant 0 : i32
      %dma_start3A_38 = tpu.memref_slice %arg7[%dma_start3A, %dma_start3A_37] : memref<1x128xi32, #tpu.memory_space<vmem>> -> memref<1x128xi32, #tpu.memory_space<vmem>>
      %dma_start3A_39 = tpu.memref_squeeze %dma_start3A_38 : memref<1x128xi32, #tpu.memory_space<vmem>> -> memref<128xi32, #tpu.memory_space<vmem>>
      %dma_start3A_40 = tpu.memref_slice %arg4[%add3A_32] : memref<320000xi32, #tpu.memory_space<hbm>> -> memref<128xi32, #tpu.memory_space<hbm>>
      tpu.enqueue_dma source(%dma_start3A_40 : memref<128xi32, #tpu.memory_space<hbm>>) target(%dma_start3A_39 : memref<128xi32, #tpu.memory_space<vmem>>) target_semaphore(%arg14 : memref<!tpu.dma_semaphore, #tpu.memory_space<semaphore_mem>>)
      %dma_start3A_41 = arith.constant 0 : i32
      %dma_start3A_42 = arith.constant 0 : i32
      %dma_start3A_43 = tpu.memref_slice %arg8[%dma_start3A_41, %dma_start3A_42] : memref<1x128xi32, #tpu.memory_space<vmem>> -> memref<1x128xi32, #tpu.memory_space<vmem>>
      %dma_start3A_44 = tpu.memref_squeeze %dma_start3A_43 : memref<1x128xi32, #tpu.memory_space<vmem>> -> memref<128xi32, #tpu.memory_space<vmem>>
      %dma_start3A_45 = tpu.memref_slice %arg5[%add3A_32] : memref<320000xi32, #tpu.memory_space<hbm>> -> memref<128xi32, #tpu.memory_space<hbm>>
      %dma_start3A_46 = arith.constant 0 : i32
      %dma_start3A_47 = tpu.memref_slice %arg8[%dma_start3A_41, %dma_start3A_46] : memref<1x128xi32, #tpu.memory_space<vmem>> -> memref<1x128xi32, #tpu.memory_space<vmem>>
      %dma_start3A_48 = tpu.memref_squeeze %dma_start3A_47 : memref<1x128xi32, #tpu.memory_space<vmem>> -> memref<128xi32, #tpu.memory_space<vmem>>
      %dma_start3A_49 = tpu.memref_slice %arg5[%add3A_32] : memref<320000xi32, #tpu.memory_space<hbm>> -> memref<128xi32, #tpu.memory_space<hbm>>
      tpu.enqueue_dma source(%dma_start3A_49 : memref<128xi32, #tpu.memory_space<hbm>>) target(%dma_start3A_48 : memref<128xi32, #tpu.memory_space<vmem>>) target_semaphore(%arg14 : memref<!tpu.dma_semaphore, #tpu.memory_space<semaphore_mem>>)
      %dma_start3A_50 = arith.constant 0 : i32
      %dma_start3A_51 = tpu.memref_slice %arg3[%add3A_32, %dma_start3A_50] : memref<320000x128xf32, #tpu.memory_space<hbm>> -> memref<128x128xf32, #tpu.memory_space<hbm>>
      %dma_start3A_52 = arith.constant 0 : i32
      %dma_start3A_53 = tpu.memref_slice %arg3[%add3A_32, %dma_start3A_52] : memref<320000x128xf32, #tpu.memory_space<hbm>> -> memref<128x128xf32, #tpu.memory_space<hbm>>
      tpu.enqueue_dma source(%dma_start3A_53 : memref<128x128xf32, #tpu.memory_space<hbm>>) target(%arg10 : memref<128x128xf32, #tpu.memory_space<vmem>>) target_semaphore(%arg13 : memref<!tpu.dma_semaphore, #tpu.memory_space<semaphore_mem>>)
      %dma_wait3A = arith.constant 0 : i32
      %dma_wait3A_54 = arith.constant 0 : i32
      %dma_wait3A_55 = tpu.memref_slice %arg7[%dma_wait3A, %dma_wait3A_54] : memref<1x128xi32, #tpu.memory_space<vmem>> -> memref<1x128xi32, #tpu.memory_space<vmem>>
      %dma_wait3A_56 = tpu.memref_squeeze %dma_wait3A_55 : memref<1x128xi32, #tpu.memory_space<vmem>> -> memref<128xi32, #tpu.memory_space<vmem>>
      %dma_wait3A_57 = tpu.memref_slice %arg4[%add3A_32] : memref<320000xi32, #tpu.memory_space<hbm>> -> memref<128xi32, #tpu.memory_space<hbm>>
      %dma_wait3A_58 = arith.constant 0 : i32
      %dma_wait3A_59 = tpu.memref_slice %arg7[%dma_wait3A, %dma_wait3A_58] : memref<1x128xi32, #tpu.memory_space<vmem>> -> memref<1x128xi32, #tpu.memory_space<vmem>>
      %dma_wait3A_60 = tpu.memref_squeeze %dma_wait3A_59 : memref<1x128xi32, #tpu.memory_space<vmem>> -> memref<128xi32, #tpu.memory_space<vmem>>
      %dma_wait3A_61 = tpu.memref_slice %arg4[%add3A_32] : memref<320000xi32, #tpu.memory_space<hbm>> -> memref<128xi32, #tpu.memory_space<hbm>>
      tpu.wait_dma2 semaphore(%arg14 : memref<!tpu.dma_semaphore, #tpu.memory_space<semaphore_mem>>) src(%dma_wait3A_61 : memref<128xi32, #tpu.memory_space<hbm>>) dst(%dma_wait3A_60 : memref<128xi32, #tpu.memory_space<vmem>>)
      %dma_wait3A_62 = arith.constant 0 : i32
      %dma_wait3A_63 = arith.constant 0 : i32
      %dma_wait3A_64 = tpu.memref_slice %arg8[%dma_wait3A_62, %dma_wait3A_63] : memref<1x128xi32, #tpu.memory_space<vmem>> -> memref<1x128xi32, #tpu.memory_space<vmem>>
      %dma_wait3A_65 = tpu.memref_squeeze %dma_wait3A_64 : memref<1x128xi32, #tpu.memory_space<vmem>> -> memref<128xi32, #tpu.memory_space<vmem>>
      %dma_wait3A_66 = tpu.memref_slice %arg5[%add3A_32] : memref<320000xi32, #tpu.memory_space<hbm>> -> memref<128xi32, #tpu.memory_space<hbm>>
      %dma_wait3A_67 = arith.constant 0 : i32
      %dma_wait3A_68 = tpu.memref_slice %arg8[%dma_wait3A_62, %dma_wait3A_67] : memref<1x128xi32, #tpu.memory_space<vmem>> -> memref<1x128xi32, #tpu.memory_space<vmem>>
      %dma_wait3A_69 = tpu.memref_squeeze %dma_wait3A_68 : memref<1x128xi32, #tpu.memory_space<vmem>> -> memref<128xi32, #tpu.memory_space<vmem>>
      %dma_wait3A_70 = tpu.memref_slice %arg5[%add3A_32] : memref<320000xi32, #tpu.memory_space<hbm>> -> memref<128xi32, #tpu.memory_space<hbm>>
      tpu.wait_dma2 semaphore(%arg14 : memref<!tpu.dma_semaphore, #tpu.memory_space<semaphore_mem>>) src(%dma_wait3A_70 : memref<128xi32, #tpu.memory_space<hbm>>) dst(%dma_wait3A_69 : memref<128xi32, #tpu.memory_space<vmem>>)
      %dma_start3A_71 = arith.constant 0 : i32
      %dma_start3A_72 = arith.constant 0 : i32
      %dma_start3A_73 = tpu.memref_slice %arg7[%dma_start3A_71, %dma_start3A_72] : memref<1x128xi32, #tpu.memory_space<vmem>> -> memref<1x128xi32, #tpu.memory_space<vmem>>
      %dma_start3A_74 = tpu.memref_squeeze %dma_start3A_73 : memref<1x128xi32, #tpu.memory_space<vmem>> -> memref<128xi32, #tpu.memory_space<vmem>>
      %dma_start3A_75 = arith.constant 0 : i32
      %dma_start3A_76 = arith.constant 0 : i32
      %dma_start3A_77 = tpu.memref_slice %arg2[%dma_start3A_75, %dma_start3A_76] : memref<10000x128xf32, #tpu.memory_space<hbm>> -> memref<10000x128xf32, #tpu.memory_space<hbm>>
      tpu.enqueue_indirect_dma source(%dma_start3A_77 : memref<10000x128xf32, #tpu.memory_space<hbm>>) target(%arg9 : memref<128x128xf32, #tpu.memory_space<vmem>>) offsets(%dma_start3A_74 : memref<128xi32, #tpu.memory_space<vmem>>) semaphore(%arg12 : memref<!tpu.dma_semaphore, #tpu.memory_space<semaphore_mem>>)
      %dma_wait3A_78 = arith.constant 0 : i32
      %dma_wait3A_79 = tpu.memref_slice %arg3[%add3A_32, %dma_wait3A_78] : memref<320000x128xf32, #tpu.memory_space<hbm>> -> memref<128x128xf32, #tpu.memory_space<hbm>>
      %dma_wait3A_80 = arith.constant 0 : i32
      %dma_wait3A_81 = tpu.memref_slice %arg3[%add3A_32, %dma_wait3A_80] : memref<320000x128xf32, #tpu.memory_space<hbm>> -> memref<128x128xf32, #tpu.memory_space<hbm>>
      tpu.wait_dma2 semaphore(%arg13 : memref<!tpu.dma_semaphore, #tpu.memory_space<semaphore_mem>>) src(%dma_wait3A_81 : memref<128x128xf32, #tpu.memory_space<hbm>>) dst(%arg10 : memref<128x128xf32, #tpu.memory_space<vmem>>)
      %dma_wait3A_82 = arith.constant 0 : i32
      %dma_wait3A_83 = arith.constant 0 : i32
      %dma_wait3A_84 = tpu.memref_slice %arg7[%dma_wait3A_82, %dma_wait3A_83] : memref<1x128xi32, #tpu.memory_space<vmem>> -> memref<1x128xi32, #tpu.memory_space<vmem>>
      %dma_wait3A_85 = tpu.memref_squeeze %dma_wait3A_84 : memref<1x128xi32, #tpu.memory_space<vmem>> -> memref<128xi32, #tpu.memory_space<vmem>>
      %dma_wait3A_86 = arith.constant 0 : i32
      %dma_wait3A_87 = arith.constant 0 : i32
      %dma_wait3A_88 = tpu.memref_slice %arg2[%dma_wait3A_86, %dma_wait3A_87] : memref<10000x128xf32, #tpu.memory_space<hbm>> -> memref<10000x128xf32, #tpu.memory_space<hbm>>
      tpu.wait_indirect_dma semaphore(%arg12 : memref<!tpu.dma_semaphore, #tpu.memory_space<semaphore_mem>>) src(%dma_wait3A_88 : memref<10000x128xf32, #tpu.memory_space<hbm>>) dst(%arg9 : memref<128x128xf32, #tpu.memory_space<vmem>>)
      %scan3A = arith.constant 0 : i32
      %scan3A_89 = arith.constant 0 : i32
      %scan3A_90 = arith.constant 128 : i32
      %scan3A_91 = arith.addi %scan3A_89, %scan3A_90 : i32
      %scan3A_92 = arith.constant 1 : i32
      %scan3A_93 = scf.for %scan3A_96 = %scan3A_89 to %scan3A_91 step %scan3A_92 iter_args(%scan3A_97 = %scan3A) -> (i32)  : i32 {
        %get3A = arith.index_cast %scan3A_96 : i32 to index
        %get3A_98 = arith.constant 0 : index
        %get3A_99 = tpu.vector_load %arg10[%get3A, %get3A_98] {strides = array<i32>} : memref<128x128xf32, #tpu.memory_space<vmem>>, vector<1x16xf32>,
        %get3A_100 = vector.shape_cast %get3A_99 : vector<1x16xf32> to vector<16xf32>
        %get3A_101 = arith.index_cast %scan3A_96 : i32 to index
        %get3A_102 = arith.constant 0 : index
        %get3A_103 = tpu.vector_load %arg9[%get3A_101, %get3A_102] {strides = array<i32>} : memref<128x128xf32, #tpu.memory_space<vmem>>, vector<1x16xf32>,
        %get3A_104 = vector.shape_cast %get3A_103 : vector<1x16xf32> to vector<16xf32>
        %add3A_105 = arith.addf %get3A_100, %get3A_104 : vector<16xf32>
        %max3A = arith.constant 0.000000e+00 : f32
        %max3A_106 = vector.broadcast %max3A : f32 to vector<16xf32>
        %max3A_107 = arith.maximumf %add3A_105, %max3A_106 : vector<16xf32>
        %swap3A = arith.index_cast %scan3A_96 : i32 to index
        %swap3A_108 = arith.constant 0 : index
        %swap3A_109 = tpu.vector_load %arg10[%swap3A, %swap3A_108] {strides = array<i32>} : memref<128x128xf32, #tpu.memory_space<vmem>>, vector<1x16xf32>,
        %swap3A_110 = vector.shape_cast %swap3A_109 : vector<1x16xf32> to vector<16xf32>
        %swap3A_111 = vector.shape_cast %max3A_107 : vector<16xf32> to vector<1x16xf32>
        tpu.vector_store %arg10[%swap3A, %swap3A_108], %swap3A_111 {strides = array<i32>} : memref<128x128xf32, #tpu.memory_space<vmem>>, vector<1x16xf32>,
        %get3A_112 = arith.index_cast %scan3A_96 : i32 to index
        %get3A_113 = arith.constant 16 : index
        %get3A_114 = tpu.vector_load %arg10[%get3A_112, %get3A_113] {strides = array<i32>} : memref<128x128xf32, #tpu.memory_space<vmem>>, vector<1x16xf32>,
        %get3A_115 = vector.shape_cast %get3A_114 : vector<1x16xf32> to vector<16xf32>
        %get3A_116 = arith.index_cast %scan3A_96 : i32 to index
        %get3A_117 = arith.constant 16 : index
        %get3A_118 = tpu.vector_load %arg9[%get3A_116, %get3A_117] {strides = array<i32>} : memref<128x128xf32, #tpu.memory_space<vmem>>, vector<1x16xf32>,
        %get3A_119 = vector.shape_cast %get3A_118 : vector<1x16xf32> to vector<16xf32>
        %add3A_120 = arith.addf %get3A_115, %get3A_119 : vector<16xf32>
        %max3A_121 = arith.constant 0.000000e+00 : f32
        %max3A_122 = vector.broadcast %max3A_121 : f32 to vector<16xf32>
        %max3A_123 = arith.maximumf %add3A_120, %max3A_122 : vector<16xf32>
        %swap3A_124 = arith.index_cast %scan3A_96 : i32 to index
        %swap3A_125 = arith.constant 16 : index
        %swap3A_126 = tpu.vector_load %arg10[%swap3A_124, %swap3A_125] {strides = array<i32>} : memref<128x128xf32, #tpu.memory_space<vmem>>, vector<1x16xf32>,
        %swap3A_127 = vector.shape_cast %swap3A_126 : vector<1x16xf32> to vector<16xf32>
        %swap3A_128 = vector.shape_cast %max3A_123 : vector<16xf32> to vector<1x16xf32>
        tpu.vector_store %arg10[%swap3A_124, %swap3A_125], %swap3A_128 {strides = array<i32>} : memref<128x128xf32, #tpu.memory_space<vmem>>, vector<1x16xf32>,
        %get3A_129 = arith.index_cast %scan3A_96 : i32 to index
        %get3A_130 = arith.constant 32 : index
        %get3A_131 = tpu.vector_load %arg10[%get3A_129, %get3A_130] {strides = array<i32>} : memref<128x128xf32, #tpu.memory_space<vmem>>, vector<1x16xf32>,
        %get3A_132 = vector.shape_cast %get3A_131 : vector<1x16xf32> to vector<16xf32>
        %get3A_133 = arith.index_cast %scan3A_96 : i32 to index
        %get3A_134 = arith.constant 32 : index
        %get3A_135 = tpu.vector_load %arg9[%get3A_133, %get3A_134] {strides = array<i32>} : memref<128x128xf32, #tpu.memory_space<vmem>>, vector<1x16xf32>,
        %get3A_136 = vector.shape_cast %get3A_135 : vector<1x16xf32> to vector<16xf32>
        %add3A_137 = arith.addf %get3A_132, %get3A_136 : vector<16xf32>
        %max3A_138 = arith.constant 0.000000e+00 : f32
        %max3A_139 = vector.broadcast %max3A_138 : f32 to vector<16xf32>
        %max3A_140 = arith.maximumf %add3A_137, %max3A_139 : vector<16xf32>
        %swap3A_141 = arith.index_cast %scan3A_96 : i32 to index
        %swap3A_142 = arith.constant 32 : index
        %swap3A_143 = tpu.vector_load %arg10[%swap3A_141, %swap3A_142] {strides = array<i32>} : memref<128x128xf32, #tpu.memory_space<vmem>>, vector<1x16xf32>,
        %swap3A_144 = vector.shape_cast %swap3A_143 : vector<1x16xf32> to vector<16xf32>
        %swap3A_145 = vector.shape_cast %max3A_140 : vector<16xf32> to vector<1x16xf32>
        tpu.vector_store %arg10[%swap3A_141, %swap3A_142], %swap3A_145 {strides = array<i32>} : memref<128x128xf32, #tpu.memory_space<vmem>>, vector<1x16xf32>,
        %get3A_146 = arith.index_cast %scan3A_96 : i32 to index
        %get3A_147 = arith.constant 48 : index
        %get3A_148 = tpu.vector_load %arg10[%get3A_146, %get3A_147] {strides = array<i32>} : memref<128x128xf32, #tpu.memory_space<vmem>>, vector<1x16xf32>,
        %get3A_149 = vector.shape_cast %get3A_148 : vector<1x16xf32> to vector<16xf32>
        %get3A_150 = arith.index_cast %scan3A_96 : i32 to index
        %get3A_151 = arith.constant 48 : index
        %get3A_152 = tpu.vector_load %arg9[%get3A_150, %get3A_151] {strides = array<i32>} : memref<128x128xf32, #tpu.memory_space<vmem>>, vector<1x16xf32>,
        %get3A_153 = vector.shape_cast %get3A_152 : vector<1x16xf32> to vector<16xf32>
        %add3A_154 = arith.addf %get3A_149, %get3A_153 : vector<16xf32>
        %max3A_155 = arith.constant 0.000000e+00 : f32
        %max3A_156 = vector.broadcast %max3A_155 : f32 to vector<16xf32>
        %max3A_157 = arith.maximumf %add3A_154, %max3A_156 : vector<16xf32>
        %swap3A_158 = arith.index_cast %scan3A_96 : i32 to index
        %swap3A_159 = arith.constant 48 : index
        %swap3A_160 = tpu.vector_load %arg10[%swap3A_158, %swap3A_159] {strides = array<i32>} : memref<128x128xf32, #tpu.memory_space<vmem>>, vector<1x16xf32>,
        %swap3A_161 = vector.shape_cast %swap3A_160 : vector<1x16xf32> to vector<16xf32>
        %swap3A_162 = vector.shape_cast %max3A_157 : vector<16xf32> to vector<1x16xf32>
        tpu.vector_store %arg10[%swap3A_158, %swap3A_159], %swap3A_162 {strides = array<i32>} : memref<128x128xf32, #tpu.memory_space<vmem>>, vector<1x16xf32>,
        %get3A_163 = arith.index_cast %scan3A_96 : i32 to index
        %get3A_164 = arith.constant 64 : index
        %get3A_165 = tpu.vector_load %arg10[%get3A_163, %get3A_164] {strides = array<i32>} : memref<128x128xf32, #tpu.memory_space<vmem>>, vector<1x16xf32>,
        %get3A_166 = vector.shape_cast %get3A_165 : vector<1x16xf32> to vector<16xf32>
        %get3A_167 = arith.index_cast %scan3A_96 : i32 to index
        %get3A_168 = arith.constant 64 : index
        %get3A_169 = tpu.vector_load %arg9[%get3A_167, %get3A_168] {strides = array<i32>} : memref<128x128xf32, #tpu.memory_space<vmem>>, vector<1x16xf32>,
        %get3A_170 = vector.shape_cast %get3A_169 : vector<1x16xf32> to vector<16xf32>
        %add3A_171 = arith.addf %get3A_166, %get3A_170 : vector<16xf32>
        %max3A_172 = arith.constant 0.000000e+00 : f32
        %max3A_173 = vector.broadcast %max3A_172 : f32 to vector<16xf32>
        %max3A_174 = arith.maximumf %add3A_171, %max3A_173 : vector<16xf32>
        %swap3A_175 = arith.index_cast %scan3A_96 : i32 to index
        %swap3A_176 = arith.constant 64 : index
        %swap3A_177 = tpu.vector_load %arg10[%swap3A_175, %swap3A_176] {strides = array<i32>} : memref<128x128xf32, #tpu.memory_space<vmem>>, vector<1x16xf32>,
        %swap3A_178 = vector.shape_cast %swap3A_177 : vector<1x16xf32> to vector<16xf32>
        %swap3A_179 = vector.shape_cast %max3A_174 : vector<16xf32> to vector<1x16xf32>
        tpu.vector_store %arg10[%swap3A_175, %swap3A_176], %swap3A_179 {strides = array<i32>} : memref<128x128xf32, #tpu.memory_space<vmem>>, vector<1x16xf32>,
        %get3A_180 = arith.index_cast %scan3A_96 : i32 to index
        %get3A_181 = arith.constant 80 : index
        %get3A_182 = tpu.vector_load %arg10[%get3A_180, %get3A_181] {strides = array<i32>} : memref<128x128xf32, #tpu.memory_space<vmem>>, vector<1x16xf32>,
        %get3A_183 = vector.shape_cast %get3A_182 : vector<1x16xf32> to vector<16xf32>
        %get3A_184 = arith.index_cast %scan3A_96 : i32 to index
        %get3A_185 = arith.constant 80 : index
        %get3A_186 = tpu.vector_load %arg9[%get3A_184, %get3A_185] {strides = array<i32>} : memref<128x128xf32, #tpu.memory_space<vmem>>, vector<1x16xf32>,
        %get3A_187 = vector.shape_cast %get3A_186 : vector<1x16xf32> to vector<16xf32>
        %add3A_188 = arith.addf %get3A_183, %get3A_187 : vector<16xf32>
        %max3A_189 = arith.constant 0.000000e+00 : f32
        %max3A_190 = vector.broadcast %max3A_189 : f32 to vector<16xf32>
        %max3A_191 = arith.maximumf %add3A_188, %max3A_190 : vector<16xf32>
        %swap3A_192 = arith.index_cast %scan3A_96 : i32 to index
        %swap3A_193 = arith.constant 80 : index
        %swap3A_194 = tpu.vector_load %arg10[%swap3A_192, %swap3A_193] {strides = array<i32>} : memref<128x128xf32, #tpu.memory_space<vmem>>, vector<1x16xf32>,
        %swap3A_195 = vector.shape_cast %swap3A_194 : vector<1x16xf32> to vector<16xf32>
        %swap3A_196 = vector.shape_cast %max3A_191 : vector<16xf32> to vector<1x16xf32>
        tpu.vector_store %arg10[%swap3A_192, %swap3A_193], %swap3A_196 {strides = array<i32>} : memref<128x128xf32, #tpu.memory_space<vmem>>, vector<1x16xf32>,
        %get3A_197 = arith.index_cast %scan3A_96 : i32 to index
        %get3A_198 = arith.constant 96 : index
        %get3A_199 = tpu.vector_load %arg10[%get3A_197, %get3A_198] {strides = array<i32>} : memref<128x128xf32, #tpu.memory_space<vmem>>, vector<1x16xf32>,
        %get3A_200 = vector.shape_cast %get3A_199 : vector<1x16xf32> to vector<16xf32>
        %get3A_201 = arith.index_cast %scan3A_96 : i32 to index
        %get3A_202 = arith.constant 96 : index
        %get3A_203 = tpu.vector_load %arg9[%get3A_201, %get3A_202] {strides = array<i32>} : memref<128x128xf32, #tpu.memory_space<vmem>>, vector<1x16xf32>,
        %get3A_204 = vector.shape_cast %get3A_203 : vector<1x16xf32> to vector<16xf32>
        %add3A_205 = arith.addf %get3A_200, %get3A_204 : vector<16xf32>
        %max3A_206 = arith.constant 0.000000e+00 : f32
        %max3A_207 = vector.broadcast %max3A_206 : f32 to vector<16xf32>
        %max3A_208 = arith.maximumf %add3A_205, %max3A_207 : vector<16xf32>
        %swap3A_209 = arith.index_cast %scan3A_96 : i32 to index
        %swap3A_210 = arith.constant 96 : index
        %swap3A_211 = tpu.vector_load %arg10[%swap3A_209, %swap3A_210] {strides = array<i32>} : memref<128x128xf32, #tpu.memory_space<vmem>>, vector<1x16xf32>,
        %swap3A_212 = vector.shape_cast %swap3A_211 : vector<1x16xf32> to vector<16xf32>
        %swap3A_213 = vector.shape_cast %max3A_208 : vector<16xf32> to vector<1x16xf32>
        tpu.vector_store %arg10[%swap3A_209, %swap3A_210], %swap3A_213 {strides = array<i32>} : memref<128x128xf32, #tpu.memory_space<vmem>>, vector<1x16xf32>,
        %get3A_214 = arith.index_cast %scan3A_96 : i32 to index
        %get3A_215 = arith.constant 112 : index
        %get3A_216 = tpu.vector_load %arg10[%get3A_214, %get3A_215] {strides = array<i32>} : memref<128x128xf32, #tpu.memory_space<vmem>>, vector<1x16xf32>,
        %get3A_217 = vector.shape_cast %get3A_216 : vector<1x16xf32> to vector<16xf32>
        %get3A_218 = arith.index_cast %scan3A_96 : i32 to index
        %get3A_219 = arith.constant 112 : index
        %get3A_220 = tpu.vector_load %arg9[%get3A_218, %get3A_219] {strides = array<i32>} : memref<128x128xf32, #tpu.memory_space<vmem>>, vector<1x16xf32>,
        %get3A_221 = vector.shape_cast %get3A_220 : vector<1x16xf32> to vector<16xf32>
        %add3A_222 = arith.addf %get3A_217, %get3A_221 : vector<16xf32>
        %max3A_223 = arith.constant 0.000000e+00 : f32
        %max3A_224 = vector.broadcast %max3A_223 : f32 to vector<16xf32>
        %max3A_225 = arith.maximumf %add3A_222, %max3A_224 : vector<16xf32>
        %swap3A_226 = arith.index_cast %scan3A_96 : i32 to index
        %swap3A_227 = arith.constant 112 : index
        %swap3A_228 = tpu.vector_load %arg10[%swap3A_226, %swap3A_227] {strides = array<i32>} : memref<128x128xf32, #tpu.memory_space<vmem>>, vector<1x16xf32>,
        %swap3A_229 = vector.shape_cast %swap3A_228 : vector<1x16xf32> to vector<16xf32>
        %swap3A_230 = vector.shape_cast %max3A_225 : vector<16xf32> to vector<1x16xf32>
        tpu.vector_store %arg10[%swap3A_226, %swap3A_227], %swap3A_230 {strides = array<i32>} : memref<128x128xf32, #tpu.memory_space<vmem>>, vector<1x16xf32>,
        %scan3A_231 = arith.constant 0 : i32
        scf.yield %scan3A_231 : i32
      }
      %scan3A_94 = arith.constant 128 : i32
      %run_scoped3A = arith.constant 0 : i32
      "tpu.region"() ({
        %run_scoped3A_96 = tpu.sem_alloc : memref<!tpu.dma_semaphore, #tpu.memory_space<semaphore_mem>>
        %dma_start3A_97 = arith.constant 0 : i32
        %dma_start3A_98 = tpu.memref_slice %arg8[%run_scoped3A, %dma_start3A_97] : memref<1x128xi32, #tpu.memory_space<vmem>> -> memref<1x128xi32, #tpu.memory_space<vmem>>
        %dma_start3A_99 = tpu.memref_squeeze %dma_start3A_98 : memref<1x128xi32, #tpu.memory_space<vmem>> -> memref<128xi32, #tpu.memory_space<vmem>>
        %dma_start3A_100 = arith.constant 0 : i32
        %dma_start3A_101 = arith.constant 0 : i32
        %dma_start3A_102 = tpu.memref_slice %arg11[%dma_start3A_100, %dma_start3A_101] : memref<10000x128xf32, #tpu.memory_space<vmem_shared>> -> memref<10000x128xf32, #tpu.memory_space<vmem_shared>>
        tpu.enqueue_indirect_dma source(%arg10 : memref<128x128xf32, #tpu.memory_space<vmem>>) target(%dma_start3A_102 : memref<10000x128xf32, #tpu.memory_space<vmem_shared>>) offsets(%dma_start3A_99 : memref<128xi32, #tpu.memory_space<vmem>>) semaphore(%run_scoped3A_96 : memref<!tpu.dma_semaphore, #tpu.memory_space<semaphore_mem>>) {add = true}
        %dma_wait3A_103 = arith.constant 0 : i32
        %dma_wait3A_104 = tpu.memref_slice %arg8[%run_scoped3A, %dma_wait3A_103] : memref<1x128xi32, #tpu.memory_space<vmem>> -> memref<1x128xi32, #tpu.memory_space<vmem>>
        %dma_wait3A_105 = tpu.memref_squeeze %dma_wait3A_104 : memref<1x128xi32, #tpu.memory_space<vmem>> -> memref<128xi32, #tpu.memory_space<vmem>>
        %dma_wait3A_106 = arith.constant 0 : i32
        %dma_wait3A_107 = arith.constant 0 : i32
        %dma_wait3A_108 = tpu.memref_slice %arg11[%dma_wait3A_106, %dma_wait3A_107] : memref<10000x128xf32, #tpu.memory_space<vmem_shared>> -> memref<10000x128xf32, #tpu.memory_space<vmem_shared>>
        tpu.wait_indirect_dma semaphore(%run_scoped3A_96 : memref<!tpu.dma_semaphore, #tpu.memory_space<semaphore_mem>>) src(%arg10 : memref<128x128xf32, #tpu.memory_space<vmem>>) dst(%dma_wait3A_108 : memref<10000x128xf32, #tpu.memory_space<vmem_shared>>)
        tpu.yield
      }) : () -> ()
      %while3A_95 = arith.constant 0 : i32
      scf.yield %while3A_95 : i32
    }
    %while3A_18 = arith.constant 1 : i32
    %while3A_19 = scf.for %while3A_26 = %while3A_15 to %while3A_11 step %while3A_18 iter_args(%while3A_27 = %while3A_17) -> (i32)  : i32 {
      %mul3A_28 = arith.constant 9984 : i32
      %mul3A_29 = arith.muli %add3A, %mul3A_28 : i32
      %mul3A_30 = arith.constant 128 : i32
      %mul3A_31 = arith.muli %while3A_26, %mul3A_30 : i32
      %add3A_32 = arith.addi %mul3A_29, %mul3A_31 : i32
      %dma_start3A = arith.constant 0 : i32
      %dma_start3A_33 = arith.constant 0 : i32
      %dma_start3A_34 = tpu.memref_slice %arg7[%dma_start3A, %dma_start3A_33] : memref<1x128xi32, #tpu.memory_space<vmem>> -> memref<1x128xi32, #tpu.memory_space<vmem>>
      %dma_start3A_35 = tpu.memref_squeeze %dma_start3A_34 : memref<1x128xi32, #tpu.memory_space<vmem>> -> memref<128xi32, #tpu.memory_space<vmem>>
      %dma_start3A_36 = tpu.memref_slice %arg4[%add3A_32] : memref<320000xi32, #tpu.memory_space<hbm>> -> memref<128xi32, #tpu.memory_space<hbm>>
      %dma_start3A_37 = arith.constant 0 : i32
      %dma_start3A_38 = tpu.memref_slice %arg7[%dma_start3A, %dma_start3A_37] : memref<1x128xi32, #tpu.memory_space<vmem>> -> memref<1x128xi32, #tpu.memory_space<vmem>>
      %dma_start3A_39 = tpu.memref_squeeze %dma_start3A_38 : memref<1x128xi32, #tpu.memory_space<vmem>> -> memref<128xi32, #tpu.memory_space<vmem>>
      %dma_start3A_40 = tpu.memref_slice %arg4[%add3A_32] : memref<320000xi32, #tpu.memory_space<hbm>> -> memref<128xi32, #tpu.memory_space<hbm>>
      tpu.enqueue_dma source(%dma_start3A_40 : memref<128xi32, #tpu.memory_space<hbm>>) target(%dma_start3A_39 : memref<128xi32, #tpu.memory_space<vmem>>) target_semaphore(%arg14 : memref<!tpu.dma_semaphore, #tpu.memory_space<semaphore_mem>>)
      %dma_start3A_41 = arith.constant 0 : i32
      %dma_start3A_42 = arith.constant 0 : i32
      %dma_start3A_43 = tpu.memref_slice %arg8[%dma_start3A_41, %dma_start3A_42] : memref<1x128xi32, #tpu.memory_space<vmem>> -> memref<1x128xi32, #tpu.memory_space<vmem>>
      %dma_start3A_44 = tpu.memref_squeeze %dma_start3A_43 : memref<1x128xi32, #tpu.memory_space<vmem>> -> memref<128xi32, #tpu.memory_space<vmem>>
      %dma_start3A_45 = tpu.memref_slice %arg5[%add3A_32] : memref<320000xi32, #tpu.memory_space<hbm>> -> memref<128xi32, #tpu.memory_space<hbm>>
      %dma_start3A_46 = arith.constant 0 : i32
      %dma_start3A_47 = tpu.memref_slice %arg8[%dma_start3A_41, %dma_start3A_46] : memref<1x128xi32, #tpu.memory_space<vmem>> -> memref<1x128xi32, #tpu.memory_space<vmem>>
      %dma_start3A_48 = tpu.memref_squeeze %dma_start3A_47 : memref<1x128xi32, #tpu.memory_space<vmem>> -> memref<128xi32, #tpu.memory_space<vmem>>
      %dma_start3A_49 = tpu.memref_slice %arg5[%add3A_32] : memref<320000xi32, #tpu.memory_space<hbm>> -> memref<128xi32, #tpu.memory_space<hbm>>
      tpu.enqueue_dma source(%dma_start3A_49 : memref<128xi32, #tpu.memory_space<hbm>>) target(%dma_start3A_48 : memref<128xi32, #tpu.memory_space<vmem>>) target_semaphore(%arg14 : memref<!tpu.dma_semaphore, #tpu.memory_space<semaphore_mem>>)
      %dma_start3A_50 = arith.constant 0 : i32
      %dma_start3A_51 = tpu.memref_slice %arg3[%add3A_32, %dma_start3A_50] : memref<320000x128xf32, #tpu.memory_space<hbm>> -> memref<128x128xf32, #tpu.memory_space<hbm>>
      %dma_start3A_52 = arith.constant 0 : i32
      %dma_start3A_53 = tpu.memref_slice %arg3[%add3A_32, %dma_start3A_52] : memref<320000x128xf32, #tpu.memory_space<hbm>> -> memref<128x128xf32, #tpu.memory_space<hbm>>
      tpu.enqueue_dma source(%dma_start3A_53 : memref<128x128xf32, #tpu.memory_space<hbm>>) target(%arg10 : memref<128x128xf32, #tpu.memory_space<vmem>>) target_semaphore(%arg13 : memref<!tpu.dma_semaphore, #tpu.memory_space<semaphore_mem>>)
      %dma_wait3A = arith.constant 0 : i32
      %dma_wait3A_54 = arith.constant 0 : i32
      %dma_wait3A_55 = tpu.memref_slice %arg7[%dma_wait3A, %dma_wait3A_54] : memref<1x128xi32, #tpu.memory_space<vmem>> -> memref<1x128xi32, #tpu.memory_space<vmem>>
      %dma_wait3A_56 = tpu.memref_squeeze %dma_wait3A_55 : memref<1x128xi32, #tpu.memory_space<vmem>> -> memref<128xi32, #tpu.memory_space<vmem>>
      %dma_wait3A_57 = tpu.memref_slice %arg4[%add3A_32] : memref<320000xi32, #tpu.memory_space<hbm>> -> memref<128xi32, #tpu.memory_space<hbm>>
      %dma_wait3A_58 = arith.constant 0 : i32
      %dma_wait3A_59 = tpu.memref_slice %arg7[%dma_wait3A, %dma_wait3A_58] : memref<1x128xi32, #tpu.memory_space<vmem>> -> memref<1x128xi32, #tpu.memory_space<vmem>>
      %dma_wait3A_60 = tpu.memref_squeeze %dma_wait3A_59 : memref<1x128xi32, #tpu.memory_space<vmem>> -> memref<128xi32, #tpu.memory_space<vmem>>
      %dma_wait3A_61 = tpu.memref_slice %arg4[%add3A_32] : memref<320000xi32, #tpu.memory_space<hbm>> -> memref<128xi32, #tpu.memory_space<hbm>>
      tpu.wait_dma2 semaphore(%arg14 : memref<!tpu.dma_semaphore, #tpu.memory_space<semaphore_mem>>) src(%dma_wait3A_61 : memref<128xi32, #tpu.memory_space<hbm>>) dst(%dma_wait3A_60 : memref<128xi32, #tpu.memory_space<vmem>>)
      %dma_wait3A_62 = arith.constant 0 : i32
      %dma_wait3A_63 = arith.constant 0 : i32
      %dma_wait3A_64 = tpu.memref_slice %arg8[%dma_wait3A_62, %dma_wait3A_63] : memref<1x128xi32, #tpu.memory_space<vmem>> -> memref<1x128xi32, #tpu.memory_space<vmem>>
      %dma_wait3A_65 = tpu.memref_squeeze %dma_wait3A_64 : memref<1x128xi32, #tpu.memory_space<vmem>> -> memref<128xi32, #tpu.memory_space<vmem>>
      %dma_wait3A_66 = tpu.memref_slice %arg5[%add3A_32] : memref<320000xi32, #tpu.memory_space<hbm>> -> memref<128xi32, #tpu.memory_space<hbm>>
      %dma_wait3A_67 = arith.constant 0 : i32
      %dma_wait3A_68 = tpu.memref_slice %arg8[%dma_wait3A_62, %dma_wait3A_67] : memref<1x128xi32, #tpu.memory_space<vmem>> -> memref<1x128xi32, #tpu.memory_space<vmem>>
      %dma_wait3A_69 = tpu.memref_squeeze %dma_wait3A_68 : memref<1x128xi32, #tpu.memory_space<vmem>> -> memref<128xi32, #tpu.memory_space<vmem>>
      %dma_wait3A_70 = tpu.memref_slice %arg5[%add3A_32] : memref<320000xi32, #tpu.memory_space<hbm>> -> memref<128xi32, #tpu.memory_space<hbm>>
      tpu.wait_dma2 semaphore(%arg14 : memref<!tpu.dma_semaphore, #tpu.memory_space<semaphore_mem>>) src(%dma_wait3A_70 : memref<128xi32, #tpu.memory_space<hbm>>) dst(%dma_wait3A_69 : memref<128xi32, #tpu.memory_space<vmem>>)
      %dma_start3A_71 = arith.constant 0 : i32
      %dma_start3A_72 = arith.constant 0 : i32
      %dma_start3A_73 = tpu.memref_slice %arg7[%dma_start3A_71, %dma_start3A_72] : memref<1x128xi32, #tpu.memory_space<vmem>> -> memref<1x128xi32, #tpu.memory_space<vmem>>
      %dma_start3A_74 = tpu.memref_squeeze %dma_start3A_73 : memref<1x128xi32, #tpu.memory_space<vmem>> -> memref<128xi32, #tpu.memory_space<vmem>>
      %dma_start3A_75 = arith.constant 0 : i32
      %dma_start3A_76 = arith.constant 0 : i32
      %dma_start3A_77 = tpu.memref_slice %arg2[%dma_start3A_75, %dma_start3A_76] : memref<10000x128xf32, #tpu.memory_space<hbm>> -> memref<10000x128xf32, #tpu.memory_space<hbm>>
      tpu.enqueue_indirect_dma source(%dma_start3A_77 : memref<10000x128xf32, #tpu.memory_space<hbm>>) target(%arg9 : memref<128x128xf32, #tpu.memory_space<vmem>>) offsets(%dma_start3A_74 : memref<128xi32, #tpu.memory_space<vmem>>) semaphore(%arg12 : memref<!tpu.dma_semaphore, #tpu.memory_space<semaphore_mem>>)
      %dma_wait3A_78 = arith.constant 0 : i32
      %dma_wait3A_79 = tpu.memref_slice %arg3[%add3A_32, %dma_wait3A_78] : memref<320000x128xf32, #tpu.memory_space<hbm>> -> memref<128x128xf32, #tpu.memory_space<hbm>>
      %dma_wait3A_80 = arith.constant 0 : i32
      %dma_wait3A_81 = tpu.memref_slice %arg3[%add3A_32, %dma_wait3A_80] : memref<320000x128xf32, #tpu.memory_space<hbm>> -> memref<128x128xf32, #tpu.memory_space<hbm>>
      tpu.wait_dma2 semaphore(%arg13 : memref<!tpu.dma_semaphore, #tpu.memory_space<semaphore_mem>>) src(%dma_wait3A_81 : memref<128x128xf32, #tpu.memory_space<hbm>>) dst(%arg10 : memref<128x128xf32, #tpu.memory_space<vmem>>)
      %dma_wait3A_82 = arith.constant 0 : i32
      %dma_wait3A_83 = arith.constant 0 : i32
      %dma_wait3A_84 = tpu.memref_slice %arg7[%dma_wait3A_82, %dma_wait3A_83] : memref<1x128xi32, #tpu.memory_space<vmem>> -> memref<1x128xi32, #tpu.memory_space<vmem>>
      %dma_wait3A_85 = tpu.memref_squeeze %dma_wait3A_84 : memref<1x128xi32, #tpu.memory_space<vmem>> -> memref<128xi32, #tpu.memory_space<vmem>>
      %dma_wait3A_86 = arith.constant 0 : i32
      %dma_wait3A_87 = arith.constant 0 : i32
      %dma_wait3A_88 = tpu.memref_slice %arg2[%dma_wait3A_86, %dma_wait3A_87] : memref<10000x128xf32, #tpu.memory_space<hbm>> -> memref<10000x128xf32, #tpu.memory_space<hbm>>
      tpu.wait_indirect_dma semaphore(%arg12 : memref<!tpu.dma_semaphore, #tpu.memory_space<semaphore_mem>>) src(%dma_wait3A_88 : memref<10000x128xf32, #tpu.memory_space<hbm>>) dst(%arg9 : memref<128x128xf32, #tpu.memory_space<vmem>>)
      %scan3A = arith.constant 0 : i32
      %scan3A_89 = arith.constant 0 : i32
      %scan3A_90 = arith.constant 128 : i32
      %scan3A_91 = arith.addi %scan3A_89, %scan3A_90 : i32
      %scan3A_92 = arith.constant 1 : i32
      %scan3A_93 = scf.for %scan3A_96 = %scan3A_89 to %scan3A_91 step %scan3A_92 iter_args(%scan3A_97 = %scan3A) -> (i32)  : i32 {
        %get3A = arith.index_cast %scan3A_96 : i32 to index
        %get3A_98 = arith.constant 0 : index
        %get3A_99 = tpu.vector_load %arg10[%get3A, %get3A_98] {strides = array<i32>} : memref<128x128xf32, #tpu.memory_space<vmem>>, vector<1x16xf32>,
        %get3A_100 = vector.shape_cast %get3A_99 : vector<1x16xf32> to vector<16xf32>
        %get3A_101 = arith.index_cast %scan3A_96 : i32 to index
        %get3A_102 = arith.constant 0 : index
        %get3A_103 = tpu.vector_load %arg9[%get3A_101, %get3A_102] {strides = array<i32>} : memref<128x128xf32, #tpu.memory_space<vmem>>, vector<1x16xf32>,
        %get3A_104 = vector.shape_cast %get3A_103 : vector<1x16xf32> to vector<16xf32>
        %add3A_105 = arith.addf %get3A_100, %get3A_104 : vector<16xf32>
        %max3A = arith.constant 0.000000e+00 : f32
        %max3A_106 = vector.broadcast %max3A : f32 to vector<16xf32>
        %max3A_107 = arith.maximumf %add3A_105, %max3A_106 : vector<16xf32>
        %swap3A = arith.index_cast %scan3A_96 : i32 to index
        %swap3A_108 = arith.constant 0 : index
        %swap3A_109 = tpu.vector_load %arg10[%swap3A, %swap3A_108] {strides = array<i32>} : memref<128x128xf32, #tpu.memory_space<vmem>>, vector<1x16xf32>,
        %swap3A_110 = vector.shape_cast %swap3A_109 : vector<1x16xf32> to vector<16xf32>
        %swap3A_111 = vector.shape_cast %max3A_107 : vector<16xf32> to vector<1x16xf32>
        tpu.vector_store %arg10[%swap3A, %swap3A_108], %swap3A_111 {strides = array<i32>} : memref<128x128xf32, #tpu.memory_space<vmem>>, vector<1x16xf32>,
        %get3A_112 = arith.index_cast %scan3A_96 : i32 to index
        %get3A_113 = arith.constant 16 : index
        %get3A_114 = tpu.vector_load %arg10[%get3A_112, %get3A_113] {strides = array<i32>} : memref<128x128xf32, #tpu.memory_space<vmem>>, vector<1x16xf32>,
        %get3A_115 = vector.shape_cast %get3A_114 : vector<1x16xf32> to vector<16xf32>
        %get3A_116 = arith.index_cast %scan3A_96 : i32 to index
        %get3A_117 = arith.constant 16 : index
        %get3A_118 = tpu.vector_load %arg9[%get3A_116, %get3A_117] {strides = array<i32>} : memref<128x128xf32, #tpu.memory_space<vmem>>, vector<1x16xf32>,
        %get3A_119 = vector.shape_cast %get3A_118 : vector<1x16xf32> to vector<16xf32>
        %add3A_120 = arith.addf %get3A_115, %get3A_119 : vector<16xf32>
        %max3A_121 = arith.constant 0.000000e+00 : f32
        %max3A_122 = vector.broadcast %max3A_121 : f32 to vector<16xf32>
        %max3A_123 = arith.maximumf %add3A_120, %max3A_122 : vector<16xf32>
        %swap3A_124 = arith.index_cast %scan3A_96 : i32 to index
        %swap3A_125 = arith.constant 16 : index
        %swap3A_126 = tpu.vector_load %arg10[%swap3A_124, %swap3A_125] {strides = array<i32>} : memref<128x128xf32, #tpu.memory_space<vmem>>, vector<1x16xf32>,
        %swap3A_127 = vector.shape_cast %swap3A_126 : vector<1x16xf32> to vector<16xf32>
        %swap3A_128 = vector.shape_cast %max3A_123 : vector<16xf32> to vector<1x16xf32>
        tpu.vector_store %arg10[%swap3A_124, %swap3A_125], %swap3A_128 {strides = array<i32>} : memref<128x128xf32, #tpu.memory_space<vmem>>, vector<1x16xf32>,
        %get3A_129 = arith.index_cast %scan3A_96 : i32 to index
        %get3A_130 = arith.constant 32 : index
        %get3A_131 = tpu.vector_load %arg10[%get3A_129, %get3A_130] {strides = array<i32>} : memref<128x128xf32, #tpu.memory_space<vmem>>, vector<1x16xf32>,
        %get3A_132 = vector.shape_cast %get3A_131 : vector<1x16xf32> to vector<16xf32>
        %get3A_133 = arith.index_cast %scan3A_96 : i32 to index
        %get3A_134 = arith.constant 32 : index
        %get3A_135 = tpu.vector_load %arg9[%get3A_133, %get3A_134] {strides = array<i32>} : memref<128x128xf32, #tpu.memory_space<vmem>>, vector<1x16xf32>,
        %get3A_136 = vector.shape_cast %get3A_135 : vector<1x16xf32> to vector<16xf32>
        %add3A_137 = arith.addf %get3A_132, %get3A_136 : vector<16xf32>
        %max3A_138 = arith.constant 0.000000e+00 : f32
        %max3A_139 = vector.broadcast %max3A_138 : f32 to vector<16xf32>
        %max3A_140 = arith.maximumf %add3A_137, %max3A_139 : vector<16xf32>
        %swap3A_141 = arith.index_cast %scan3A_96 : i32 to index
        %swap3A_142 = arith.constant 32 : index
        %swap3A_143 = tpu.vector_load %arg10[%swap3A_141, %swap3A_142] {strides = array<i32>} : memref<128x128xf32, #tpu.memory_space<vmem>>, vector<1x16xf32>,
        %swap3A_144 = vector.shape_cast %swap3A_143 : vector<1x16xf32> to vector<16xf32>
        %swap3A_145 = vector.shape_cast %max3A_140 : vector<16xf32> to vector<1x16xf32>
        tpu.vector_store %arg10[%swap3A_141, %swap3A_142], %swap3A_145 {strides = array<i32>} : memref<128x128xf32, #tpu.memory_space<vmem>>, vector<1x16xf32>,
        %get3A_146 = arith.index_cast %scan3A_96 : i32 to index
        %get3A_147 = arith.constant 48 : index
        %get3A_148 = tpu.vector_load %arg10[%get3A_146, %get3A_147] {strides = array<i32>} : memref<128x128xf32, #tpu.memory_space<vmem>>, vector<1x16xf32>,
        %get3A_149 = vector.shape_cast %get3A_148 : vector<1x16xf32> to vector<16xf32>
        %get3A_150 = arith.index_cast %scan3A_96 : i32 to index
        %get3A_151 = arith.constant 48 : index
        %get3A_152 = tpu.vector_load %arg9[%get3A_150, %get3A_151] {strides = array<i32>} : memref<128x128xf32, #tpu.memory_space<vmem>>, vector<1x16xf32>,
        %get3A_153 = vector.shape_cast %get3A_152 : vector<1x16xf32> to vector<16xf32>
        %add3A_154 = arith.addf %get3A_149, %get3A_153 : vector<16xf32>
        %max3A_155 = arith.constant 0.000000e+00 : f32
        %max3A_156 = vector.broadcast %max3A_155 : f32 to vector<16xf32>
        %max3A_157 = arith.maximumf %add3A_154, %max3A_156 : vector<16xf32>
        %swap3A_158 = arith.index_cast %scan3A_96 : i32 to index
        %swap3A_159 = arith.constant 48 : index
        %swap3A_160 = tpu.vector_load %arg10[%swap3A_158, %swap3A_159] {strides = array<i32>} : memref<128x128xf32, #tpu.memory_space<vmem>>, vector<1x16xf32>,
        %swap3A_161 = vector.shape_cast %swap3A_160 : vector<1x16xf32> to vector<16xf32>
        %swap3A_162 = vector.shape_cast %max3A_157 : vector<16xf32> to vector<1x16xf32>
        tpu.vector_store %arg10[%swap3A_158, %swap3A_159], %swap3A_162 {strides = array<i32>} : memref<128x128xf32, #tpu.memory_space<vmem>>, vector<1x16xf32>,
        %get3A_163 = arith.index_cast %scan3A_96 : i32 to index
        %get3A_164 = arith.constant 64 : index
        %get3A_165 = tpu.vector_load %arg10[%get3A_163, %get3A_164] {strides = array<i32>} : memref<128x128xf32, #tpu.memory_space<vmem>>, vector<1x16xf32>,
        %get3A_166 = vector.shape_cast %get3A_165 : vector<1x16xf32> to vector<16xf32>
        %get3A_167 = arith.index_cast %scan3A_96 : i32 to index
        %get3A_168 = arith.constant 64 : index
        %get3A_169 = tpu.vector_load %arg9[%get3A_167, %get3A_168] {strides = array<i32>} : memref<128x128xf32, #tpu.memory_space<vmem>>, vector<1x16xf32>,
        %get3A_170 = vector.shape_cast %get3A_169 : vector<1x16xf32> to vector<16xf32>
        %add3A_171 = arith.addf %get3A_166, %get3A_170 : vector<16xf32>
        %max3A_172 = arith.constant 0.000000e+00 : f32
        %max3A_173 = vector.broadcast %max3A_172 : f32 to vector<16xf32>
        %max3A_174 = arith.maximumf %add3A_171, %max3A_173 : vector<16xf32>
        %swap3A_175 = arith.index_cast %scan3A_96 : i32 to index
        %swap3A_176 = arith.constant 64 : index
        %swap3A_177 = tpu.vector_load %arg10[%swap3A_175, %swap3A_176] {strides = array<i32>} : memref<128x128xf32, #tpu.memory_space<vmem>>, vector<1x16xf32>,
        %swap3A_178 = vector.shape_cast %swap3A_177 : vector<1x16xf32> to vector<16xf32>
        %swap3A_179 = vector.shape_cast %max3A_174 : vector<16xf32> to vector<1x16xf32>
        tpu.vector_store %arg10[%swap3A_175, %swap3A_176], %swap3A_179 {strides = array<i32>} : memref<128x128xf32, #tpu.memory_space<vmem>>, vector<1x16xf32>,
        %get3A_180 = arith.index_cast %scan3A_96 : i32 to index
        %get3A_181 = arith.constant 80 : index
        %get3A_182 = tpu.vector_load %arg10[%get3A_180, %get3A_181] {strides = array<i32>} : memref<128x128xf32, #tpu.memory_space<vmem>>, vector<1x16xf32>,
        %get3A_183 = vector.shape_cast %get3A_182 : vector<1x16xf32> to vector<16xf32>
        %get3A_184 = arith.index_cast %scan3A_96 : i32 to index
        %get3A_185 = arith.constant 80 : index
        %get3A_186 = tpu.vector_load %arg9[%get3A_184, %get3A_185] {strides = array<i32>} : memref<128x128xf32, #tpu.memory_space<vmem>>, vector<1x16xf32>,
        %get3A_187 = vector.shape_cast %get3A_186 : vector<1x16xf32> to vector<16xf32>
        %add3A_188 = arith.addf %get3A_183, %get3A_187 : vector<16xf32>
        %max3A_189 = arith.constant 0.000000e+00 : f32
        %max3A_190 = vector.broadcast %max3A_189 : f32 to vector<16xf32>
        %max3A_191 = arith.maximumf %add3A_188, %max3A_190 : vector<16xf32>
        %swap3A_192 = arith.index_cast %scan3A_96 : i32 to index
        %swap3A_193 = arith.constant 80 : index
        %swap3A_194 = tpu.vector_load %arg10[%swap3A_192, %swap3A_193] {strides = array<i32>} : memref<128x128xf32, #tpu.memory_space<vmem>>, vector<1x16xf32>,
        %swap3A_195 = vector.shape_cast %swap3A_194 : vector<1x16xf32> to vector<16xf32>
        %swap3A_196 = vector.shape_cast %max3A_191 : vector<16xf32> to vector<1x16xf32>
        tpu.vector_store %arg10[%swap3A_192, %swap3A_193], %swap3A_196 {strides = array<i32>} : memref<128x128xf32, #tpu.memory_space<vmem>>, vector<1x16xf32>,
        %get3A_197 = arith.index_cast %scan3A_96 : i32 to index
        %get3A_198 = arith.constant 96 : index
        %get3A_199 = tpu.vector_load %arg10[%get3A_197, %get3A_198] {strides = array<i32>} : memref<128x128xf32, #tpu.memory_space<vmem>>, vector<1x16xf32>,
        %get3A_200 = vector.shape_cast %get3A_199 : vector<1x16xf32> to vector<16xf32>
        %get3A_201 = arith.index_cast %scan3A_96 : i32 to index
        %get3A_202 = arith.constant 96 : index
        %get3A_203 = tpu.vector_load %arg9[%get3A_201, %get3A_202] {strides = array<i32>} : memref<128x128xf32, #tpu.memory_space<vmem>>, vector<1x16xf32>,
        %get3A_204 = vector.shape_cast %get3A_203 : vector<1x16xf32> to vector<16xf32>
        %add3A_205 = arith.addf %get3A_200, %get3A_204 : vector<16xf32>
        %max3A_206 = arith.constant 0.000000e+00 : f32
        %max3A_207 = vector.broadcast %max3A_206 : f32 to vector<16xf32>
        %max3A_208 = arith.maximumf %add3A_205, %max3A_207 : vector<16xf32>
        %swap3A_209 = arith.index_cast %scan3A_96 : i32 to index
        %swap3A_210 = arith.constant 96 : index
        %swap3A_211 = tpu.vector_load %arg10[%swap3A_209, %swap3A_210] {strides = array<i32>} : memref<128x128xf32, #tpu.memory_space<vmem>>, vector<1x16xf32>,
        %swap3A_212 = vector.shape_cast %swap3A_211 : vector<1x16xf32> to vector<16xf32>
        %swap3A_213 = vector.shape_cast %max3A_208 : vector<16xf32> to vector<1x16xf32>
        tpu.vector_store %arg10[%swap3A_209, %swap3A_210], %swap3A_213 {strides = array<i32>} : memref<128x128xf32, #tpu.memory_space<vmem>>, vector<1x16xf32>,
        %get3A_214 = arith.index_cast %scan3A_96 : i32 to index
        %get3A_215 = arith.constant 112 : index
        %get3A_216 = tpu.vector_load %arg10[%get3A_214, %get3A_215] {strides = array<i32>} : memref<128x128xf32, #tpu.memory_space<vmem>>, vector<1x16xf32>,
        %get3A_217 = vector.shape_cast %get3A_216 : vector<1x16xf32> to vector<16xf32>
        %get3A_218 = arith.index_cast %scan3A_96 : i32 to index
        %get3A_219 = arith.constant 112 : index
        %get3A_220 = tpu.vector_load %arg9[%get3A_218, %get3A_219] {strides = array<i32>} : memref<128x128xf32, #tpu.memory_space<vmem>>, vector<1x16xf32>,
        %get3A_221 = vector.shape_cast %get3A_220 : vector<1x16xf32> to vector<16xf32>
        %add3A_222 = arith.addf %get3A_217, %get3A_221 : vector<16xf32>
        %max3A_223 = arith.constant 0.000000e+00 : f32
        %max3A_224 = vector.broadcast %max3A_223 : f32 to vector<16xf32>
        %max3A_225 = arith.maximumf %add3A_222, %max3A_224 : vector<16xf32>
        %swap3A_226 = arith.index_cast %scan3A_96 : i32 to index
        %swap3A_227 = arith.constant 112 : index
        %swap3A_228 = tpu.vector_load %arg10[%swap3A_226, %swap3A_227] {strides = array<i32>} : memref<128x128xf32, #tpu.memory_space<vmem>>, vector<1x16xf32>,
        %swap3A_229 = vector.shape_cast %swap3A_228 : vector<1x16xf32> to vector<16xf32>
        %swap3A_230 = vector.shape_cast %max3A_225 : vector<16xf32> to vector<1x16xf32>
        tpu.vector_store %arg10[%swap3A_226, %swap3A_227], %swap3A_230 {strides = array<i32>} : memref<128x128xf32, #tpu.memory_space<vmem>>, vector<1x16xf32>,
        %scan3A_231 = arith.constant 0 : i32
        scf.yield %scan3A_231 : i32
      }
      %scan3A_94 = arith.constant 128 : i32
      %run_scoped3A = arith.constant 0 : i32
      "tpu.region"() ({
        %run_scoped3A_96 = tpu.sem_alloc : memref<!tpu.dma_semaphore, #tpu.memory_space<semaphore_mem>>
        %dma_start3A_97 = arith.constant 0 : i32
        %dma_start3A_98 = tpu.memref_slice %arg8[%run_scoped3A, %dma_start3A_97] : memref<1x128xi32, #tpu.memory_space<vmem>> -> memref<1x128xi32, #tpu.memory_space<vmem>>
        %dma_start3A_99 = tpu.memref_squeeze %dma_start3A_98 : memref<1x128xi32, #tpu.memory_space<vmem>> -> memref<128xi32, #tpu.memory_space<vmem>>
        %dma_start3A_100 = arith.constant 0 : i32
        %dma_start3A_101 = arith.constant 0 : i32
        %dma_start3A_102 = tpu.memref_slice %arg11[%dma_start3A_100, %dma_start3A_101] : memref<10000x128xf32, #tpu.memory_space<vmem_shared>> -> memref<10000x128xf32, #tpu.memory_space<vmem_shared>>
        tpu.enqueue_indirect_dma source(%arg10 : memref<128x128xf32, #tpu.memory_space<vmem>>) target(%dma_start3A_102 : memref<10000x128xf32, #tpu.memory_space<vmem_shared>>) offsets(%dma_start3A_99 : memref<128xi32, #tpu.memory_space<vmem>>) semaphore(%run_scoped3A_96 : memref<!tpu.dma_semaphore, #tpu.memory_space<semaphore_mem>>) {add = true}
        %dma_wait3A_103 = arith.constant 0 : i32
        %dma_wait3A_104 = tpu.memref_slice %arg8[%run_scoped3A, %dma_wait3A_103] : memref<1x128xi32, #tpu.memory_space<vmem>> -> memref<1x128xi32, #tpu.memory_space<vmem>>
        %dma_wait3A_105 = tpu.memref_squeeze %dma_wait3A_104 : memref<1x128xi32, #tpu.memory_space<vmem>> -> memref<128xi32, #tpu.memory_space<vmem>>
        %dma_wait3A_106 = arith.constant 0 : i32
        %dma_wait3A_107 = arith.constant 0 : i32
        %dma_wait3A_108 = tpu.memref_slice %arg11[%dma_wait3A_106, %dma_wait3A_107] : memref<10000x128xf32, #tpu.memory_space<vmem_shared>> -> memref<10000x128xf32, #tpu.memory_space<vmem_shared>>
        tpu.wait_indirect_dma semaphore(%run_scoped3A_96 : memref<!tpu.dma_semaphore, #tpu.memory_space<semaphore_mem>>) src(%arg10 : memref<128x128xf32, #tpu.memory_space<vmem>>) dst(%dma_wait3A_108 : memref<10000x128xf32, #tpu.memory_space<vmem_shared>>)
        tpu.yield
      }) : () -> ()
      %while3A_95 = arith.constant 0 : i32
      scf.yield %while3A_95 : i32
    }
    %barrier3A_20 = arith.constant 0 : index
    tpu.barrier barrier_id(%barrier3A_20)
    %lt3A_21 = arith.constant 5 : i32
    %lt3A_22 = arith.cmpi slt, %arg1, %lt3A_21 : i32
    %convert_element_type3A_23 = arith.extui %lt3A_22 : i1 to i32
    %cond3A_24 = arith.constant 0 : i32
    %cond3A_25 = arith.cmpi ne, %convert_element_type3A_23, %cond3A_24 : i32
    scf.if %cond3A_25 {
      %mul3A_26 = arith.constant 2000 : i32
      %mul3A_27 = arith.muli %arg1, %mul3A_26 : i32
      %mul3A_28 = arith.constant 10000 : i32
      %mul3A_29 = arith.muli %arg0, %mul3A_28 : i32
      %mul3A_30 = arith.constant 2000 : i32
      %mul3A_31 = arith.muli %arg1, %mul3A_30 : i32
      %add3A_32 = arith.addi %mul3A_29, %mul3A_31 : i32
      "tpu.region"() ({
        %run_scoped3A = tpu.sem_alloc : memref<!tpu.dma_semaphore, #tpu.memory_space<semaphore_mem>>
        %dma_start3A = arith.constant 0 : i32
        %dma_start3A_33 = tpu.memref_slice %arg6[%add3A_32, %dma_start3A] : memref<20000x128xf32, #tpu.memory_space<hbm>> -> memref<2000x128xf32, #tpu.memory_space<hbm>>
        %dma_start3A_34 = arith.constant 0 : i32
        %dma_start3A_35 = tpu.memref_slice %arg11[%mul3A_27, %dma_start3A_34] : memref<10000x128xf32, #tpu.memory_space<vmem_shared>> -> memref<2000x128xf32, #tpu.memory_space<vmem_shared>>
        tpu.enqueue_dma source(%dma_start3A_35 : memref<2000x128xf32, #tpu.memory_space<vmem_shared>>) target(%dma_start3A_33 : memref<2000x128xf32, #tpu.memory_space<hbm>>) target_semaphore(%run_scoped3A : memref<!tpu.dma_semaphore, #tpu.memory_space<semaphore_mem>>)
        %dma_wait3A = arith.constant 0 : i32
        %dma_wait3A_36 = tpu.memref_slice %arg6[%add3A_32, %dma_wait3A] : memref<20000x128xf32, #tpu.memory_space<hbm>> -> memref<2000x128xf32, #tpu.memory_space<hbm>>
        %dma_wait3A_37 = arith.constant 0 : i32
        %dma_wait3A_38 = tpu.memref_slice %arg11[%mul3A_27, %dma_wait3A_37] : memref<10000x128xf32, #tpu.memory_space<vmem_shared>> -> memref<2000x128xf32, #tpu.memory_space<vmem_shared>>
        tpu.wait_dma2 semaphore(%run_scoped3A : memref<!tpu.dma_semaphore, #tpu.memory_space<semaphore_mem>>) src(%dma_wait3A_38 : memref<2000x128xf32, #tpu.memory_space<vmem_shared>>) dst(%dma_wait3A_36 : memref<2000x128xf32, #tpu.memory_space<hbm>>)
        tpu.yield
      }) : () -> ()
    } else {
    }
    return
  }
}

#map = affine_map<(d0, d1) -> (0, 0)>
#map1 = affine_map<(d0, d1) -> (0)>
module attributes {stable_mosaic.version = 14 : i64} {
  func.func @k(%arg0: i32, %arg1: i32, %arg2: memref<10000x128xf32, #tpu.memory_space<hbm>>, %arg3: memref<320000x128xf32, #tpu.memory_space<hbm>>, %arg4: memref<320000xi32, #tpu.memory_space<hbm>>, %arg5: memref<320000xi32, #tpu.memory_space<hbm>>, %arg6: memref<20000x128xf32, #tpu.memory_space<hbm>>, %arg7: memref<1x128xi32, #tpu.memory_space<vmem>>, %arg8: memref<1x128xi32, #tpu.memory_space<vmem>>, %arg9: memref<128x128xf32, #tpu.memory_space<vmem>>, %arg10: memref<128x128xf32, #tpu.memory_space<vmem>>, %arg11: memref<10000x128xf32, #tpu.memory_space<vmem_shared>>, %arg12: memref<!tpu.dma_semaphore, #tpu.memory_space<semaphore_mem>>, %arg13: memref<!tpu.dma_semaphore, #tpu.memory_space<semaphore_mem>>, %arg14: memref<!tpu.dma_semaphore, #tpu.memory_space<semaphore_mem>>) attributes {dimension_semantics = [#tpu.dimension_semantics<core_parallel>, #tpu.dimension_semantics<subcore_parallel>], iteration_bounds = array<i64: 2, 16>, scalar_prefetch = 0 : i64, scratch_operands = 8 : i64, tpu.core_type = #tpu.core_type<sc_vector_subcore>, window_params = [{transform_indices = #map}, {transform_indices = #map}, {transform_indices = #map1}, {transform_indices = #map1}, {transform_indices = #map}]} {
    %mul3A = arith.constant 16 : i32
    %mul3A_0 = arith.muli %arg0, %mul3A : i32
    %add3A = arith.addi %mul3A_0, %arg1 : i32
    %lt3A = arith.constant 5 : i32
    %lt3A_1 = arith.cmpi slt, %arg1, %lt3A : i32
    %convert_element_type3A = arith.extui %lt3A_1 : i1 to i32
    %cond3A = arith.constant 0 : i32
    %cond3A_2 = arith.cmpi ne, %convert_element_type3A, %cond3A : i32
    scf.if %cond3A_2 {
      %scan3A = arith.constant 0 : i32
      %scan3A_26 = arith.constant 0 : i32
      %scan3A_27 = arith.constant 125 : i32
      %scan3A_28 = arith.addi %scan3A_26, %scan3A_27 : i32
      %scan3A_29 = arith.constant 1 : i32
      %scan3A_30 = scf.for %scan3A_96 = %scan3A_26 to %scan3A_28 step %scan3A_29 iter_args(%scan3A_97 = %scan3A) -> (i32)  : i32 {
        %broadcast_in_dim3A = arith.constant 0.000000e+00 : f32
        %broadcast_in_dim3A_98 = vector.broadcast %broadcast_in_dim3A : f32 to vector<16xf32>
        %swap3A = arith.index_cast %scan3A_96 : i32 to index
        %swap3A_99 = arith.constant 0 : index
        %swap3A_100 = tpu.vector_load %arg9[%swap3A, %swap3A_99] {strides = array<i32>} : memref<128x128xf32, #tpu.memory_space<vmem>>, vector<1x16xf32>,
        %swap3A_101 = vector.shape_cast %swap3A_100 : vector<1x16xf32> to vector<16xf32>
        %swap3A_102 = vector.shape_cast %broadcast_in_dim3A_98 : vector<16xf32> to vector<1x16xf32>
        tpu.vector_store %arg9[%swap3A, %swap3A_99], %swap3A_102 {strides = array<i32>} : memref<128x128xf32, #tpu.memory_space<vmem>>, vector<1x16xf32>,
        %broadcast_in_dim3A_103 = arith.constant 0.000000e+00 : f32
        %broadcast_in_dim3A_104 = vector.broadcast %broadcast_in_dim3A_103 : f32 to vector<16xf32>
        %swap3A_105 = arith.index_cast %scan3A_96 : i32 to index
        %swap3A_106 = arith.constant 16 : index
        %swap3A_107 = tpu.vector_load %arg9[%swap3A_105, %swap3A_106] {strides = array<i32>} : memref<128x128xf32, #tpu.memory_space<vmem>>, vector<1x16xf32>,
        %swap3A_108 = vector.shape_cast %swap3A_107 : vector<1x16xf32> to vector<16xf32>
        %swap3A_109 = vector.shape_cast %broadcast_in_dim3A_104 : vector<16xf32> to vector<1x16xf32>
        tpu.vector_store %arg9[%swap3A_105, %swap3A_106], %swap3A_109 {strides = array<i32>} : memref<128x128xf32, #tpu.memory_space<vmem>>, vector<1x16xf32>,
        %broadcast_in_dim3A_110 = arith.constant 0.000000e+00 : f32
        %broadcast_in_dim3A_111 = vector.broadcast %broadcast_in_dim3A_110 : f32 to vector<16xf32>
        %swap3A_112 = arith.index_cast %scan3A_96 : i32 to index
        %swap3A_113 = arith.constant 32 : index
        %swap3A_114 = tpu.vector_load %arg9[%swap3A_112, %swap3A_113] {strides = array<i32>} : memref<128x128xf32, #tpu.memory_space<vmem>>, vector<1x16xf32>,
        %swap3A_115 = vector.shape_cast %swap3A_114 : vector<1x16xf32> to vector<16xf32>
        %swap3A_116 = vector.shape_cast %broadcast_in_dim3A_111 : vector<16xf32> to vector<1x16xf32>
        tpu.vector_store %arg9[%swap3A_112, %swap3A_113], %swap3A_116 {strides = array<i32>} : memref<128x128xf32, #tpu.memory_space<vmem>>, vector<1x16xf32>,
        %broadcast_in_dim3A_117 = arith.constant 0.000000e+00 : f32
        %broadcast_in_dim3A_118 = vector.broadcast %broadcast_in_dim3A_117 : f32 to vector<16xf32>
        %swap3A_119 = arith.index_cast %scan3A_96 : i32 to index
        %swap3A_120 = arith.constant 48 : index
        %swap3A_121 = tpu.vector_load %arg9[%swap3A_119, %swap3A_120] {strides = array<i32>} : memref<128x128xf32, #tpu.memory_space<vmem>>, vector<1x16xf32>,
        %swap3A_122 = vector.shape_cast %swap3A_121 : vector<1x16xf32> to vector<16xf32>
        %swap3A_123 = vector.shape_cast %broadcast_in_dim3A_118 : vector<16xf32> to vector<1x16xf32>
        tpu.vector_store %arg9[%swap3A_119, %swap3A_120], %swap3A_123 {strides = array<i32>} : memref<128x128xf32, #tpu.memory_space<vmem>>, vector<1x16xf32>,
        %broadcast_in_dim3A_124 = arith.constant 0.000000e+00 : f32
        %broadcast_in_dim3A_125 = vector.broadcast %broadcast_in_dim3A_124 : f32 to vector<16xf32>
        %swap3A_126 = arith.index_cast %scan3A_96 : i32 to index
        %swap3A_127 = arith.constant 64 : index
        %swap3A_128 = tpu.vector_load %arg9[%swap3A_126, %swap3A_127] {strides = array<i32>} : memref<128x128xf32, #tpu.memory_space<vmem>>, vector<1x16xf32>,
        %swap3A_129 = vector.shape_cast %swap3A_128 : vector<1x16xf32> to vector<16xf32>
        %swap3A_130 = vector.shape_cast %broadcast_in_dim3A_125 : vector<16xf32> to vector<1x16xf32>
        tpu.vector_store %arg9[%swap3A_126, %swap3A_127], %swap3A_130 {strides = array<i32>} : memref<128x128xf32, #tpu.memory_space<vmem>>, vector<1x16xf32>,
        %broadcast_in_dim3A_131 = arith.constant 0.000000e+00 : f32
        %broadcast_in_dim3A_132 = vector.broadcast %broadcast_in_dim3A_131 : f32 to vector<16xf32>
        %swap3A_133 = arith.index_cast %scan3A_96 : i32 to index
        %swap3A_134 = arith.constant 80 : index
        %swap3A_135 = tpu.vector_load %arg9[%swap3A_133, %swap3A_134] {strides = array<i32>} : memref<128x128xf32, #tpu.memory_space<vmem>>, vector<1x16xf32>,
        %swap3A_136 = vector.shape_cast %swap3A_135 : vector<1x16xf32> to vector<16xf32>
        %swap3A_137 = vector.shape_cast %broadcast_in_dim3A_132 : vector<16xf32> to vector<1x16xf32>
        tpu.vector_store %arg9[%swap3A_133, %swap3A_134], %swap3A_137 {strides = array<i32>} : memref<128x128xf32, #tpu.memory_space<vmem>>, vector<1x16xf32>,
        %broadcast_in_dim3A_138 = arith.constant 0.000000e+00 : f32
        %broadcast_in_dim3A_139 = vector.broadcast %broadcast_in_dim3A_138 : f32 to vector<16xf32>
        %swap3A_140 = arith.index_cast %scan3A_96 : i32 to index
        %swap3A_141 = arith.constant 96 : index
        %swap3A_142 = tpu.vector_load %arg9[%swap3A_140, %swap3A_141] {strides = array<i32>} : memref<128x128xf32, #tpu.memory_space<vmem>>, vector<1x16xf32>,
        %swap3A_143 = vector.shape_cast %swap3A_142 : vector<1x16xf32> to vector<16xf32>
        %swap3A_144 = vector.shape_cast %broadcast_in_dim3A_139 : vector<16xf32> to vector<1x16xf32>
        tpu.vector_store %arg9[%swap3A_140, %swap3A_141], %swap3A_144 {strides = array<i32>} : memref<128x128xf32, #tpu.memory_space<vmem>>, vector<1x16xf32>,
        %broadcast_in_dim3A_145 = arith.constant 0.000000e+00 : f32
        %broadcast_in_dim3A_146 = vector.broadcast %broadcast_in_dim3A_145 : f32 to vector<16xf32>
        %swap3A_147 = arith.index_cast %scan3A_96 : i32 to index
        %swap3A_148 = arith.constant 112 : index
        %swap3A_149 = tpu.vector_load %arg9[%swap3A_147, %swap3A_148] {strides = array<i32>} : memref<128x128xf32, #tpu.memory_space<vmem>>, vector<1x16xf32>,
        %swap3A_150 = vector.shape_cast %swap3A_149 : vector<1x16xf32> to vector<16xf32>
        %swap3A_151 = vector.shape_cast %broadcast_in_dim3A_146 : vector<16xf32> to vector<1x16xf32>
        tpu.vector_store %arg9[%swap3A_147, %swap3A_148], %swap3A_151 {strides = array<i32>} : memref<128x128xf32, #tpu.memory_space<vmem>>, vector<1x16xf32>,
        %scan3A_152 = arith.constant 0 : i32
        scf.yield %scan3A_152 : i32
      }
      %scan3A_31 = arith.constant 125 : i32
      %mul3A_32 = arith.constant 2000 : i32
      %mul3A_33 = arith.muli %arg1, %mul3A_32 : i32
      %add3A_34 = arith.constant 0 : i32
      %add3A_35 = arith.addi %mul3A_33, %add3A_34 : i32
      "tpu.region"() ({
        %run_scoped3A = tpu.sem_alloc : memref<!tpu.dma_semaphore, #tpu.memory_space<semaphore_mem>>
        %dma_start3A = arith.constant 0 : i32
        %dma_start3A_96 = arith.constant 0 : i32
        %dma_start3A_97 = tpu.memref_slice %arg9[%dma_start3A, %dma_start3A_96] : memref<128x128xf32, #tpu.memory_space<vmem>> -> memref<125x128xf32, #tpu.memory_space<vmem>>
        %dma_start3A_98 = arith.constant 0 : i32
        %dma_start3A_99 = tpu.memref_slice %arg11[%add3A_35, %dma_start3A_98] : memref<10000x128xf32, #tpu.memory_space<vmem_shared>> -> memref<125x128xf32, #tpu.memory_space<vmem_shared>>
        %dma_start3A_100 = arith.constant 0 : i32
        %dma_start3A_101 = tpu.memref_slice %arg11[%add3A_35, %dma_start3A_100] : memref<10000x128xf32, #tpu.memory_space<vmem_shared>> -> memref<125x128xf32, #tpu.memory_space<vmem_shared>>
        %dma_start3A_102 = arith.constant 0 : i32
        %dma_start3A_103 = arith.constant 0 : i32
        %dma_start3A_104 = tpu.memref_slice %arg9[%dma_start3A_102, %dma_start3A_103] : memref<128x128xf32, #tpu.memory_space<vmem>> -> memref<125x128xf32, #tpu.memory_space<vmem>>
        tpu.enqueue_dma source(%dma_start3A_104 : memref<125x128xf32, #tpu.memory_space<vmem>>) target(%dma_start3A_101 : memref<125x128xf32, #tpu.memory_space<vmem_shared>>) target_semaphore(%run_scoped3A : memref<!tpu.dma_semaphore, #tpu.memory_space<semaphore_mem>>)
        %dma_wait3A = arith.constant 0 : i32
        %dma_wait3A_105 = arith.constant 0 : i32
        %dma_wait3A_106 = tpu.memref_slice %arg9[%dma_wait3A, %dma_wait3A_105] : memref<128x128xf32, #tpu.memory_space<vmem>> -> memref<125x128xf32, #tpu.memory_space<vmem>>
        %dma_wait3A_107 = arith.constant 0 : i32
        %dma_wait3A_108 = tpu.memref_slice %arg11[%add3A_35, %dma_wait3A_107] : memref<10000x128xf32, #tpu.memory_space<vmem_shared>> -> memref<125x128xf32, #tpu.memory_space<vmem_shared>>
        %dma_wait3A_109 = arith.constant 0 : i32
        %dma_wait3A_110 = tpu.memref_slice %arg11[%add3A_35, %dma_wait3A_109] : memref<10000x128xf32, #tpu.memory_space<vmem_shared>> -> memref<125x128xf32, #tpu.memory_space<vmem_shared>>
        %dma_wait3A_111 = arith.constant 0 : i32
        %dma_wait3A_112 = arith.constant 0 : i32
        %dma_wait3A_113 = tpu.memref_slice %arg9[%dma_wait3A_111, %dma_wait3A_112] : memref<128x128xf32, #tpu.memory_space<vmem>> -> memref<125x128xf32, #tpu.memory_space<vmem>>
        tpu.wait_dma2 semaphore(%run_scoped3A : memref<!tpu.dma_semaphore, #tpu.memory_space<semaphore_mem>>) src(%dma_wait3A_113 : memref<125x128xf32, #tpu.memory_space<vmem>>) dst(%dma_wait3A_110 : memref<125x128xf32, #tpu.memory_space<vmem_shared>>)
        tpu.yield
      }) : () -> ()
      %mul3A_36 = arith.constant 2000 : i32
      %mul3A_37 = arith.muli %arg1, %mul3A_36 : i32
      %add3A_38 = arith.constant 125 : i32
      %add3A_39 = arith.addi %mul3A_37, %add3A_38 : i32
      "tpu.region"() ({
        %run_scoped3A = tpu.sem_alloc : memref<!tpu.dma_semaphore, #tpu.memory_space<semaphore_mem>>
        %dma_start3A = arith.constant 0 : i32
        %dma_start3A_96 = arith.constant 0 : i32
        %dma_start3A_97 = tpu.memref_slice %arg9[%dma_start3A, %dma_start3A_96] : memref<128x128xf32, #tpu.memory_space<vmem>> -> memref<125x128xf32, #tpu.memory_space<vmem>>
        %dma_start3A_98 = arith.constant 0 : i32
        %dma_start3A_99 = tpu.memref_slice %arg11[%add3A_39, %dma_start3A_98] : memref<10000x128xf32, #tpu.memory_space<vmem_shared>> -> memref<125x128xf32, #tpu.memory_space<vmem_shared>>
        %dma_start3A_100 = arith.constant 0 : i32
        %dma_start3A_101 = tpu.memref_slice %arg11[%add3A_39, %dma_start3A_100] : memref<10000x128xf32, #tpu.memory_space<vmem_shared>> -> memref<125x128xf32, #tpu.memory_space<vmem_shared>>
        %dma_start3A_102 = arith.constant 0 : i32
        %dma_start3A_103 = arith.constant 0 : i32
        %dma_start3A_104 = tpu.memref_slice %arg9[%dma_start3A_102, %dma_start3A_103] : memref<128x128xf32, #tpu.memory_space<vmem>> -> memref<125x128xf32, #tpu.memory_space<vmem>>
        tpu.enqueue_dma source(%dma_start3A_104 : memref<125x128xf32, #tpu.memory_space<vmem>>) target(%dma_start3A_101 : memref<125x128xf32, #tpu.memory_space<vmem_shared>>) target_semaphore(%run_scoped3A : memref<!tpu.dma_semaphore, #tpu.memory_space<semaphore_mem>>)
        %dma_wait3A = arith.constant 0 : i32
        %dma_wait3A_105 = arith.constant 0 : i32
        %dma_wait3A_106 = tpu.memref_slice %arg9[%dma_wait3A, %dma_wait3A_105] : memref<128x128xf32, #tpu.memory_space<vmem>> -> memref<125x128xf32, #tpu.memory_space<vmem>>
        %dma_wait3A_107 = arith.constant 0 : i32
        %dma_wait3A_108 = tpu.memref_slice %arg11[%add3A_39, %dma_wait3A_107] : memref<10000x128xf32, #tpu.memory_space<vmem_shared>> -> memref<125x128xf32, #tpu.memory_space<vmem_shared>>
        %dma_wait3A_109 = arith.constant 0 : i32
        %dma_wait3A_110 = tpu.memref_slice %arg11[%add3A_39, %dma_wait3A_109] : memref<10000x128xf32, #tpu.memory_space<vmem_shared>> -> memref<125x128xf32, #tpu.memory_space<vmem_shared>>
        %dma_wait3A_111 = arith.constant 0 : i32
        %dma_wait3A_112 = arith.constant 0 : i32
        %dma_wait3A_113 = tpu.memref_slice %arg9[%dma_wait3A_111, %dma_wait3A_112] : memref<128x128xf32, #tpu.memory_space<vmem>> -> memref<125x128xf32, #tpu.memory_space<vmem>>
        tpu.wait_dma2 semaphore(%run_scoped3A : memref<!tpu.dma_semaphore, #tpu.memory_space<semaphore_mem>>) src(%dma_wait3A_113 : memref<125x128xf32, #tpu.memory_space<vmem>>) dst(%dma_wait3A_110 : memref<125x128xf32, #tpu.memory_space<vmem_shared>>)
        tpu.yield
      }) : () -> ()
      %mul3A_40 = arith.constant 2000 : i32
      %mul3A_41 = arith.muli %arg1, %mul3A_40 : i32
      %add3A_42 = arith.constant 250 : i32
      %add3A_43 = arith.addi %mul3A_41, %add3A_42 : i32
      "tpu.region"() ({
        %run_scoped3A = tpu.sem_alloc : memref<!tpu.dma_semaphore, #tpu.memory_space<semaphore_mem>>
        %dma_start3A = arith.constant 0 : i32
        %dma_start3A_96 = arith.constant 0 : i32
        %dma_start3A_97 = tpu.memref_slice %arg9[%dma_start3A, %dma_start3A_96] : memref<128x128xf32, #tpu.memory_space<vmem>> -> memref<125x128xf32, #tpu.memory_space<vmem>>
        %dma_start3A_98 = arith.constant 0 : i32
        %dma_start3A_99 = tpu.memref_slice %arg11[%add3A_43, %dma_start3A_98] : memref<10000x128xf32, #tpu.memory_space<vmem_shared>> -> memref<125x128xf32, #tpu.memory_space<vmem_shared>>
        %dma_start3A_100 = arith.constant 0 : i32
        %dma_start3A_101 = tpu.memref_slice %arg11[%add3A_43, %dma_start3A_100] : memref<10000x128xf32, #tpu.memory_space<vmem_shared>> -> memref<125x128xf32, #tpu.memory_space<vmem_shared>>
        %dma_start3A_102 = arith.constant 0 : i32
        %dma_start3A_103 = arith.constant 0 : i32
        %dma_start3A_104 = tpu.memref_slice %arg9[%dma_start3A_102, %dma_start3A_103] : memref<128x128xf32, #tpu.memory_space<vmem>> -> memref<125x128xf32, #tpu.memory_space<vmem>>
        tpu.enqueue_dma source(%dma_start3A_104 : memref<125x128xf32, #tpu.memory_space<vmem>>) target(%dma_start3A_101 : memref<125x128xf32, #tpu.memory_space<vmem_shared>>) target_semaphore(%run_scoped3A : memref<!tpu.dma_semaphore, #tpu.memory_space<semaphore_mem>>)
        %dma_wait3A = arith.constant 0 : i32
        %dma_wait3A_105 = arith.constant 0 : i32
        %dma_wait3A_106 = tpu.memref_slice %arg9[%dma_wait3A, %dma_wait3A_105] : memref<128x128xf32, #tpu.memory_space<vmem>> -> memref<125x128xf32, #tpu.memory_space<vmem>>
        %dma_wait3A_107 = arith.constant 0 : i32
        %dma_wait3A_108 = tpu.memref_slice %arg11[%add3A_43, %dma_wait3A_107] : memref<10000x128xf32, #tpu.memory_space<vmem_shared>> -> memref<125x128xf32, #tpu.memory_space<vmem_shared>>
        %dma_wait3A_109 = arith.constant 0 : i32
        %dma_wait3A_110 = tpu.memref_slice %arg11[%add3A_43, %dma_wait3A_109] : memref<10000x128xf32, #tpu.memory_space<vmem_shared>> -> memref<125x128xf32, #tpu.memory_space<vmem_shared>>
        %dma_wait3A_111 = arith.constant 0 : i32
        %dma_wait3A_112 = arith.constant 0 : i32
        %dma_wait3A_113 = tpu.memref_slice %arg9[%dma_wait3A_111, %dma_wait3A_112] : memref<128x128xf32, #tpu.memory_space<vmem>> -> memref<125x128xf32, #tpu.memory_space<vmem>>
        tpu.wait_dma2 semaphore(%run_scoped3A : memref<!tpu.dma_semaphore, #tpu.memory_space<semaphore_mem>>) src(%dma_wait3A_113 : memref<125x128xf32, #tpu.memory_space<vmem>>) dst(%dma_wait3A_110 : memref<125x128xf32, #tpu.memory_space<vmem_shared>>)
        tpu.yield
      }) : () -> ()
      %mul3A_44 = arith.constant 2000 : i32
      %mul3A_45 = arith.muli %arg1, %mul3A_44 : i32
      %add3A_46 = arith.constant 375 : i32
      %add3A_47 = arith.addi %mul3A_45, %add3A_46 : i32
      "tpu.region"() ({
        %run_scoped3A = tpu.sem_alloc : memref<!tpu.dma_semaphore, #tpu.memory_space<semaphore_mem>>
        %dma_start3A = arith.constant 0 : i32
        %dma_start3A_96 = arith.constant 0 : i32
        %dma_start3A_97 = tpu.memref_slice %arg9[%dma_start3A, %dma_start3A_96] : memref<128x128xf32, #tpu.memory_space<vmem>> -> memref<125x128xf32, #tpu.memory_space<vmem>>
        %dma_start3A_98 = arith.constant 0 : i32
        %dma_start3A_99 = tpu.memref_slice %arg11[%add3A_47, %dma_start3A_98] : memref<10000x128xf32, #tpu.memory_space<vmem_shared>> -> memref<125x128xf32, #tpu.memory_space<vmem_shared>>
        %dma_start3A_100 = arith.constant 0 : i32
        %dma_start3A_101 = tpu.memref_slice %arg11[%add3A_47, %dma_start3A_100] : memref<10000x128xf32, #tpu.memory_space<vmem_shared>> -> memref<125x128xf32, #tpu.memory_space<vmem_shared>>
        %dma_start3A_102 = arith.constant 0 : i32
        %dma_start3A_103 = arith.constant 0 : i32
        %dma_start3A_104 = tpu.memref_slice %arg9[%dma_start3A_102, %dma_start3A_103] : memref<128x128xf32, #tpu.memory_space<vmem>> -> memref<125x128xf32, #tpu.memory_space<vmem>>
        tpu.enqueue_dma source(%dma_start3A_104 : memref<125x128xf32, #tpu.memory_space<vmem>>) target(%dma_start3A_101 : memref<125x128xf32, #tpu.memory_space<vmem_shared>>) target_semaphore(%run_scoped3A : memref<!tpu.dma_semaphore, #tpu.memory_space<semaphore_mem>>)
        %dma_wait3A = arith.constant 0 : i32
        %dma_wait3A_105 = arith.constant 0 : i32
        %dma_wait3A_106 = tpu.memref_slice %arg9[%dma_wait3A, %dma_wait3A_105] : memref<128x128xf32, #tpu.memory_space<vmem>> -> memref<125x128xf32, #tpu.memory_space<vmem>>
        %dma_wait3A_107 = arith.constant 0 : i32
        %dma_wait3A_108 = tpu.memref_slice %arg11[%add3A_47, %dma_wait3A_107] : memref<10000x128xf32, #tpu.memory_space<vmem_shared>> -> memref<125x128xf32, #tpu.memory_space<vmem_shared>>
        %dma_wait3A_109 = arith.constant 0 : i32
        %dma_wait3A_110 = tpu.memref_slice %arg11[%add3A_47, %dma_wait3A_109] : memref<10000x128xf32, #tpu.memory_space<vmem_shared>> -> memref<125x128xf32, #tpu.memory_space<vmem_shared>>
        %dma_wait3A_111 = arith.constant 0 : i32
        %dma_wait3A_112 = arith.constant 0 : i32
        %dma_wait3A_113 = tpu.memref_slice %arg9[%dma_wait3A_111, %dma_wait3A_112] : memref<128x128xf32, #tpu.memory_space<vmem>> -> memref<125x128xf32, #tpu.memory_space<vmem>>
        tpu.wait_dma2 semaphore(%run_scoped3A : memref<!tpu.dma_semaphore, #tpu.memory_space<semaphore_mem>>) src(%dma_wait3A_113 : memref<125x128xf32, #tpu.memory_space<vmem>>) dst(%dma_wait3A_110 : memref<125x128xf32, #tpu.memory_space<vmem_shared>>)
        tpu.yield
      }) : () -> ()
      %mul3A_48 = arith.constant 2000 : i32
      %mul3A_49 = arith.muli %arg1, %mul3A_48 : i32
      %add3A_50 = arith.constant 500 : i32
      %add3A_51 = arith.addi %mul3A_49, %add3A_50 : i32
      "tpu.region"() ({
        %run_scoped3A = tpu.sem_alloc : memref<!tpu.dma_semaphore, #tpu.memory_space<semaphore_mem>>
        %dma_start3A = arith.constant 0 : i32
        %dma_start3A_96 = arith.constant 0 : i32
        %dma_start3A_97 = tpu.memref_slice %arg9[%dma_start3A, %dma_start3A_96] : memref<128x128xf32, #tpu.memory_space<vmem>> -> memref<125x128xf32, #tpu.memory_space<vmem>>
        %dma_start3A_98 = arith.constant 0 : i32
        %dma_start3A_99 = tpu.memref_slice %arg11[%add3A_51, %dma_start3A_98] : memref<10000x128xf32, #tpu.memory_space<vmem_shared>> -> memref<125x128xf32, #tpu.memory_space<vmem_shared>>
        %dma_start3A_100 = arith.constant 0 : i32
        %dma_start3A_101 = tpu.memref_slice %arg11[%add3A_51, %dma_start3A_100] : memref<10000x128xf32, #tpu.memory_space<vmem_shared>> -> memref<125x128xf32, #tpu.memory_space<vmem_shared>>
        %dma_start3A_102 = arith.constant 0 : i32
        %dma_start3A_103 = arith.constant 0 : i32
        %dma_start3A_104 = tpu.memref_slice %arg9[%dma_start3A_102, %dma_start3A_103] : memref<128x128xf32, #tpu.memory_space<vmem>> -> memref<125x128xf32, #tpu.memory_space<vmem>>
        tpu.enqueue_dma source(%dma_start3A_104 : memref<125x128xf32, #tpu.memory_space<vmem>>) target(%dma_start3A_101 : memref<125x128xf32, #tpu.memory_space<vmem_shared>>) target_semaphore(%run_scoped3A : memref<!tpu.dma_semaphore, #tpu.memory_space<semaphore_mem>>)
        %dma_wait3A = arith.constant 0 : i32
        %dma_wait3A_105 = arith.constant 0 : i32
        %dma_wait3A_106 = tpu.memref_slice %arg9[%dma_wait3A, %dma_wait3A_105] : memref<128x128xf32, #tpu.memory_space<vmem>> -> memref<125x128xf32, #tpu.memory_space<vmem>>
        %dma_wait3A_107 = arith.constant 0 : i32
        %dma_wait3A_108 = tpu.memref_slice %arg11[%add3A_51, %dma_wait3A_107] : memref<10000x128xf32, #tpu.memory_space<vmem_shared>> -> memref<125x128xf32, #tpu.memory_space<vmem_shared>>
        %dma_wait3A_109 = arith.constant 0 : i32
        %dma_wait3A_110 = tpu.memref_slice %arg11[%add3A_51, %dma_wait3A_109] : memref<10000x128xf32, #tpu.memory_space<vmem_shared>> -> memref<125x128xf32, #tpu.memory_space<vmem_shared>>
        %dma_wait3A_111 = arith.constant 0 : i32
        %dma_wait3A_112 = arith.constant 0 : i32
        %dma_wait3A_113 = tpu.memref_slice %arg9[%dma_wait3A_111, %dma_wait3A_112] : memref<128x128xf32, #tpu.memory_space<vmem>> -> memref<125x128xf32, #tpu.memory_space<vmem>>
        tpu.wait_dma2 semaphore(%run_scoped3A : memref<!tpu.dma_semaphore, #tpu.memory_space<semaphore_mem>>) src(%dma_wait3A_113 : memref<125x128xf32, #tpu.memory_space<vmem>>) dst(%dma_wait3A_110 : memref<125x128xf32, #tpu.memory_space<vmem_shared>>)
        tpu.yield
      }) : () -> ()
      %mul3A_52 = arith.constant 2000 : i32
      %mul3A_53 = arith.muli %arg1, %mul3A_52 : i32
      %add3A_54 = arith.constant 625 : i32
      %add3A_55 = arith.addi %mul3A_53, %add3A_54 : i32
      "tpu.region"() ({
        %run_scoped3A = tpu.sem_alloc : memref<!tpu.dma_semaphore, #tpu.memory_space<semaphore_mem>>
        %dma_start3A = arith.constant 0 : i32
        %dma_start3A_96 = arith.constant 0 : i32
        %dma_start3A_97 = tpu.memref_slice %arg9[%dma_start3A, %dma_start3A_96] : memref<128x128xf32, #tpu.memory_space<vmem>> -> memref<125x128xf32, #tpu.memory_space<vmem>>
        %dma_start3A_98 = arith.constant 0 : i32
        %dma_start3A_99 = tpu.memref_slice %arg11[%add3A_55, %dma_start3A_98] : memref<10000x128xf32, #tpu.memory_space<vmem_shared>> -> memref<125x128xf32, #tpu.memory_space<vmem_shared>>
        %dma_start3A_100 = arith.constant 0 : i32
        %dma_start3A_101 = tpu.memref_slice %arg11[%add3A_55, %dma_start3A_100] : memref<10000x128xf32, #tpu.memory_space<vmem_shared>> -> memref<125x128xf32, #tpu.memory_space<vmem_shared>>
        %dma_start3A_102 = arith.constant 0 : i32
        %dma_start3A_103 = arith.constant 0 : i32
        %dma_start3A_104 = tpu.memref_slice %arg9[%dma_start3A_102, %dma_start3A_103] : memref<128x128xf32, #tpu.memory_space<vmem>> -> memref<125x128xf32, #tpu.memory_space<vmem>>
        tpu.enqueue_dma source(%dma_start3A_104 : memref<125x128xf32, #tpu.memory_space<vmem>>) target(%dma_start3A_101 : memref<125x128xf32, #tpu.memory_space<vmem_shared>>) target_semaphore(%run_scoped3A : memref<!tpu.dma_semaphore, #tpu.memory_space<semaphore_mem>>)
        %dma_wait3A = arith.constant 0 : i32
        %dma_wait3A_105 = arith.constant 0 : i32
        %dma_wait3A_106 = tpu.memref_slice %arg9[%dma_wait3A, %dma_wait3A_105] : memref<128x128xf32, #tpu.memory_space<vmem>> -> memref<125x128xf32, #tpu.memory_space<vmem>>
        %dma_wait3A_107 = arith.constant 0 : i32
        %dma_wait3A_108 = tpu.memref_slice %arg11[%add3A_55, %dma_wait3A_107] : memref<10000x128xf32, #tpu.memory_space<vmem_shared>> -> memref<125x128xf32, #tpu.memory_space<vmem_shared>>
        %dma_wait3A_109 = arith.constant 0 : i32
        %dma_wait3A_110 = tpu.memref_slice %arg11[%add3A_55, %dma_wait3A_109] : memref<10000x128xf32, #tpu.memory_space<vmem_shared>> -> memref<125x128xf32, #tpu.memory_space<vmem_shared>>
        %dma_wait3A_111 = arith.constant 0 : i32
        %dma_wait3A_112 = arith.constant 0 : i32
        %dma_wait3A_113 = tpu.memref_slice %arg9[%dma_wait3A_111, %dma_wait3A_112] : memref<128x128xf32, #tpu.memory_space<vmem>> -> memref<125x128xf32, #tpu.memory_space<vmem>>
        tpu.wait_dma2 semaphore(%run_scoped3A : memref<!tpu.dma_semaphore, #tpu.memory_space<semaphore_mem>>) src(%dma_wait3A_113 : memref<125x128xf32, #tpu.memory_space<vmem>>) dst(%dma_wait3A_110 : memref<125x128xf32, #tpu.memory_space<vmem_shared>>)
        tpu.yield
      }) : () -> ()
      %mul3A_56 = arith.constant 2000 : i32
      %mul3A_57 = arith.muli %arg1, %mul3A_56 : i32
      %add3A_58 = arith.constant 750 : i32
      %add3A_59 = arith.addi %mul3A_57, %add3A_58 : i32
      "tpu.region"() ({
        %run_scoped3A = tpu.sem_alloc : memref<!tpu.dma_semaphore, #tpu.memory_space<semaphore_mem>>
        %dma_start3A = arith.constant 0 : i32
        %dma_start3A_96 = arith.constant 0 : i32
        %dma_start3A_97 = tpu.memref_slice %arg9[%dma_start3A, %dma_start3A_96] : memref<128x128xf32, #tpu.memory_space<vmem>> -> memref<125x128xf32, #tpu.memory_space<vmem>>
        %dma_start3A_98 = arith.constant 0 : i32
        %dma_start3A_99 = tpu.memref_slice %arg11[%add3A_59, %dma_start3A_98] : memref<10000x128xf32, #tpu.memory_space<vmem_shared>> -> memref<125x128xf32, #tpu.memory_space<vmem_shared>>
        %dma_start3A_100 = arith.constant 0 : i32
        %dma_start3A_101 = tpu.memref_slice %arg11[%add3A_59, %dma_start3A_100] : memref<10000x128xf32, #tpu.memory_space<vmem_shared>> -> memref<125x128xf32, #tpu.memory_space<vmem_shared>>
        %dma_start3A_102 = arith.constant 0 : i32
        %dma_start3A_103 = arith.constant 0 : i32
        %dma_start3A_104 = tpu.memref_slice %arg9[%dma_start3A_102, %dma_start3A_103] : memref<128x128xf32, #tpu.memory_space<vmem>> -> memref<125x128xf32, #tpu.memory_space<vmem>>
        tpu.enqueue_dma source(%dma_start3A_104 : memref<125x128xf32, #tpu.memory_space<vmem>>) target(%dma_start3A_101 : memref<125x128xf32, #tpu.memory_space<vmem_shared>>) target_semaphore(%run_scoped3A : memref<!tpu.dma_semaphore, #tpu.memory_space<semaphore_mem>>)
        %dma_wait3A = arith.constant 0 : i32
        %dma_wait3A_105 = arith.constant 0 : i32
        %dma_wait3A_106 = tpu.memref_slice %arg9[%dma_wait3A, %dma_wait3A_105] : memref<128x128xf32, #tpu.memory_space<vmem>> -> memref<125x128xf32, #tpu.memory_space<vmem>>
        %dma_wait3A_107 = arith.constant 0 : i32
        %dma_wait3A_108 = tpu.memref_slice %arg11[%add3A_59, %dma_wait3A_107] : memref<10000x128xf32, #tpu.memory_space<vmem_shared>> -> memref<125x128xf32, #tpu.memory_space<vmem_shared>>
        %dma_wait3A_109 = arith.constant 0 : i32
        %dma_wait3A_110 = tpu.memref_slice %arg11[%add3A_59, %dma_wait3A_109] : memref<10000x128xf32, #tpu.memory_space<vmem_shared>> -> memref<125x128xf32, #tpu.memory_space<vmem_shared>>
        %dma_wait3A_111 = arith.constant 0 : i32
        %dma_wait3A_112 = arith.constant 0 : i32
        %dma_wait3A_113 = tpu.memref_slice %arg9[%dma_wait3A_111, %dma_wait3A_112] : memref<128x128xf32, #tpu.memory_space<vmem>> -> memref<125x128xf32, #tpu.memory_space<vmem>>
        tpu.wait_dma2 semaphore(%run_scoped3A : memref<!tpu.dma_semaphore, #tpu.memory_space<semaphore_mem>>) src(%dma_wait3A_113 : memref<125x128xf32, #tpu.memory_space<vmem>>) dst(%dma_wait3A_110 : memref<125x128xf32, #tpu.memory_space<vmem_shared>>)
        tpu.yield
      }) : () -> ()
      %mul3A_60 = arith.constant 2000 : i32
      %mul3A_61 = arith.muli %arg1, %mul3A_60 : i32
      %add3A_62 = arith.constant 875 : i32
      %add3A_63 = arith.addi %mul3A_61, %add3A_62 : i32
      "tpu.region"() ({
        %run_scoped3A = tpu.sem_alloc : memref<!tpu.dma_semaphore, #tpu.memory_space<semaphore_mem>>
        %dma_start3A = arith.constant 0 : i32
        %dma_start3A_96 = arith.constant 0 : i32
        %dma_start3A_97 = tpu.memref_slice %arg9[%dma_start3A, %dma_start3A_96] : memref<128x128xf32, #tpu.memory_space<vmem>> -> memref<125x128xf32, #tpu.memory_space<vmem>>
        %dma_start3A_98 = arith.constant 0 : i32
        %dma_start3A_99 = tpu.memref_slice %arg11[%add3A_63, %dma_start3A_98] : memref<10000x128xf32, #tpu.memory_space<vmem_shared>> -> memref<125x128xf32, #tpu.memory_space<vmem_shared>>
        %dma_start3A_100 = arith.constant 0 : i32
        %dma_start3A_101 = tpu.memref_slice %arg11[%add3A_63, %dma_start3A_100] : memref<10000x128xf32, #tpu.memory_space<vmem_shared>> -> memref<125x128xf32, #tpu.memory_space<vmem_shared>>
        %dma_start3A_102 = arith.constant 0 : i32
        %dma_start3A_103 = arith.constant 0 : i32
        %dma_start3A_104 = tpu.memref_slice %arg9[%dma_start3A_102, %dma_start3A_103] : memref<128x128xf32, #tpu.memory_space<vmem>> -> memref<125x128xf32, #tpu.memory_space<vmem>>
        tpu.enqueue_dma source(%dma_start3A_104 : memref<125x128xf32, #tpu.memory_space<vmem>>) target(%dma_start3A_101 : memref<125x128xf32, #tpu.memory_space<vmem_shared>>) target_semaphore(%run_scoped3A : memref<!tpu.dma_semaphore, #tpu.memory_space<semaphore_mem>>)
        %dma_wait3A = arith.constant 0 : i32
        %dma_wait3A_105 = arith.constant 0 : i32
        %dma_wait3A_106 = tpu.memref_slice %arg9[%dma_wait3A, %dma_wait3A_105] : memref<128x128xf32, #tpu.memory_space<vmem>> -> memref<125x128xf32, #tpu.memory_space<vmem>>
        %dma_wait3A_107 = arith.constant 0 : i32
        %dma_wait3A_108 = tpu.memref_slice %arg11[%add3A_63, %dma_wait3A_107] : memref<10000x128xf32, #tpu.memory_space<vmem_shared>> -> memref<125x128xf32, #tpu.memory_space<vmem_shared>>
        %dma_wait3A_109 = arith.constant 0 : i32
        %dma_wait3A_110 = tpu.memref_slice %arg11[%add3A_63, %dma_wait3A_109] : memref<10000x128xf32, #tpu.memory_space<vmem_shared>> -> memref<125x128xf32, #tpu.memory_space<vmem_shared>>
        %dma_wait3A_111 = arith.constant 0 : i32
        %dma_wait3A_112 = arith.constant 0 : i32
        %dma_wait3A_113 = tpu.memref_slice %arg9[%dma_wait3A_111, %dma_wait3A_112] : memref<128x128xf32, #tpu.memory_space<vmem>> -> memref<125x128xf32, #tpu.memory_space<vmem>>
        tpu.wait_dma2 semaphore(%run_scoped3A : memref<!tpu.dma_semaphore, #tpu.memory_space<semaphore_mem>>) src(%dma_wait3A_113 : memref<125x128xf32, #tpu.memory_space<vmem>>) dst(%dma_wait3A_110 : memref<125x128xf32, #tpu.memory_space<vmem_shared>>)
        tpu.yield
      }) : () -> ()
      %mul3A_64 = arith.constant 2000 : i32
      %mul3A_65 = arith.muli %arg1, %mul3A_64 : i32
      %add3A_66 = arith.constant 1000 : i32
      %add3A_67 = arith.addi %mul3A_65, %add3A_66 : i32
      "tpu.region"() ({
        %run_scoped3A = tpu.sem_alloc : memref<!tpu.dma_semaphore, #tpu.memory_space<semaphore_mem>>
        %dma_start3A = arith.constant 0 : i32
        %dma_start3A_96 = arith.constant 0 : i32
        %dma_start3A_97 = tpu.memref_slice %arg9[%dma_start3A, %dma_start3A_96] : memref<128x128xf32, #tpu.memory_space<vmem>> -> memref<125x128xf32, #tpu.memory_space<vmem>>
        %dma_start3A_98 = arith.constant 0 : i32
        %dma_start3A_99 = tpu.memref_slice %arg11[%add3A_67, %dma_start3A_98] : memref<10000x128xf32, #tpu.memory_space<vmem_shared>> -> memref<125x128xf32, #tpu.memory_space<vmem_shared>>
        %dma_start3A_100 = arith.constant 0 : i32
        %dma_start3A_101 = tpu.memref_slice %arg11[%add3A_67, %dma_start3A_100] : memref<10000x128xf32, #tpu.memory_space<vmem_shared>> -> memref<125x128xf32, #tpu.memory_space<vmem_shared>>
        %dma_start3A_102 = arith.constant 0 : i32
        %dma_start3A_103 = arith.constant 0 : i32
        %dma_start3A_104 = tpu.memref_slice %arg9[%dma_start3A_102, %dma_start3A_103] : memref<128x128xf32, #tpu.memory_space<vmem>> -> memref<125x128xf32, #tpu.memory_space<vmem>>
        tpu.enqueue_dma source(%dma_start3A_104 : memref<125x128xf32, #tpu.memory_space<vmem>>) target(%dma_start3A_101 : memref<125x128xf32, #tpu.memory_space<vmem_shared>>) target_semaphore(%run_scoped3A : memref<!tpu.dma_semaphore, #tpu.memory_space<semaphore_mem>>)
        %dma_wait3A = arith.constant 0 : i32
        %dma_wait3A_105 = arith.constant 0 : i32
        %dma_wait3A_106 = tpu.memref_slice %arg9[%dma_wait3A, %dma_wait3A_105] : memref<128x128xf32, #tpu.memory_space<vmem>> -> memref<125x128xf32, #tpu.memory_space<vmem>>
        %dma_wait3A_107 = arith.constant 0 : i32
        %dma_wait3A_108 = tpu.memref_slice %arg11[%add3A_67, %dma_wait3A_107] : memref<10000x128xf32, #tpu.memory_space<vmem_shared>> -> memref<125x128xf32, #tpu.memory_space<vmem_shared>>
        %dma_wait3A_109 = arith.constant 0 : i32
        %dma_wait3A_110 = tpu.memref_slice %arg11[%add3A_67, %dma_wait3A_109] : memref<10000x128xf32, #tpu.memory_space<vmem_shared>> -> memref<125x128xf32, #tpu.memory_space<vmem_shared>>
        %dma_wait3A_111 = arith.constant 0 : i32
        %dma_wait3A_112 = arith.constant 0 : i32
        %dma_wait3A_113 = tpu.memref_slice %arg9[%dma_wait3A_111, %dma_wait3A_112] : memref<128x128xf32, #tpu.memory_space<vmem>> -> memref<125x128xf32, #tpu.memory_space<vmem>>
        tpu.wait_dma2 semaphore(%run_scoped3A : memref<!tpu.dma_semaphore, #tpu.memory_space<semaphore_mem>>) src(%dma_wait3A_113 : memref<125x128xf32, #tpu.memory_space<vmem>>) dst(%dma_wait3A_110 : memref<125x128xf32, #tpu.memory_space<vmem_shared>>)
        tpu.yield
      }) : () -> ()
      %mul3A_68 = arith.constant 2000 : i32
      %mul3A_69 = arith.muli %arg1, %mul3A_68 : i32
      %add3A_70 = arith.constant 1125 : i32
      %add3A_71 = arith.addi %mul3A_69, %add3A_70 : i32
      "tpu.region"() ({
        %run_scoped3A = tpu.sem_alloc : memref<!tpu.dma_semaphore, #tpu.memory_space<semaphore_mem>>
        %dma_start3A = arith.constant 0 : i32
        %dma_start3A_96 = arith.constant 0 : i32
        %dma_start3A_97 = tpu.memref_slice %arg9[%dma_start3A, %dma_start3A_96] : memref<128x128xf32, #tpu.memory_space<vmem>> -> memref<125x128xf32, #tpu.memory_space<vmem>>
        %dma_start3A_98 = arith.constant 0 : i32
        %dma_start3A_99 = tpu.memref_slice %arg11[%add3A_71, %dma_start3A_98] : memref<10000x128xf32, #tpu.memory_space<vmem_shared>> -> memref<125x128xf32, #tpu.memory_space<vmem_shared>>
        %dma_start3A_100 = arith.constant 0 : i32
        %dma_start3A_101 = tpu.memref_slice %arg11[%add3A_71, %dma_start3A_100] : memref<10000x128xf32, #tpu.memory_space<vmem_shared>> -> memref<125x128xf32, #tpu.memory_space<vmem_shared>>
        %dma_start3A_102 = arith.constant 0 : i32
        %dma_start3A_103 = arith.constant 0 : i32
        %dma_start3A_104 = tpu.memref_slice %arg9[%dma_start3A_102, %dma_start3A_103] : memref<128x128xf32, #tpu.memory_space<vmem>> -> memref<125x128xf32, #tpu.memory_space<vmem>>
        tpu.enqueue_dma source(%dma_start3A_104 : memref<125x128xf32, #tpu.memory_space<vmem>>) target(%dma_start3A_101 : memref<125x128xf32, #tpu.memory_space<vmem_shared>>) target_semaphore(%run_scoped3A : memref<!tpu.dma_semaphore, #tpu.memory_space<semaphore_mem>>)
        %dma_wait3A = arith.constant 0 : i32
        %dma_wait3A_105 = arith.constant 0 : i32
        %dma_wait3A_106 = tpu.memref_slice %arg9[%dma_wait3A, %dma_wait3A_105] : memref<128x128xf32, #tpu.memory_space<vmem>> -> memref<125x128xf32, #tpu.memory_space<vmem>>
        %dma_wait3A_107 = arith.constant 0 : i32
        %dma_wait3A_108 = tpu.memref_slice %arg11[%add3A_71, %dma_wait3A_107] : memref<10000x128xf32, #tpu.memory_space<vmem_shared>> -> memref<125x128xf32, #tpu.memory_space<vmem_shared>>
        %dma_wait3A_109 = arith.constant 0 : i32
        %dma_wait3A_110 = tpu.memref_slice %arg11[%add3A_71, %dma_wait3A_109] : memref<10000x128xf32, #tpu.memory_space<vmem_shared>> -> memref<125x128xf32, #tpu.memory_space<vmem_shared>>
        %dma_wait3A_111 = arith.constant 0 : i32
        %dma_wait3A_112 = arith.constant 0 : i32
        %dma_wait3A_113 = tpu.memref_slice %arg9[%dma_wait3A_111, %dma_wait3A_112] : memref<128x128xf32, #tpu.memory_space<vmem>> -> memref<125x128xf32, #tpu.memory_space<vmem>>
        tpu.wait_dma2 semaphore(%run_scoped3A : memref<!tpu.dma_semaphore, #tpu.memory_space<semaphore_mem>>) src(%dma_wait3A_113 : memref<125x128xf32, #tpu.memory_space<vmem>>) dst(%dma_wait3A_110 : memref<125x128xf32, #tpu.memory_space<vmem_shared>>)
        tpu.yield
      }) : () -> ()
      %mul3A_72 = arith.constant 2000 : i32
      %mul3A_73 = arith.muli %arg1, %mul3A_72 : i32
      %add3A_74 = arith.constant 1250 : i32
      %add3A_75 = arith.addi %mul3A_73, %add3A_74 : i32
      "tpu.region"() ({
        %run_scoped3A = tpu.sem_alloc : memref<!tpu.dma_semaphore, #tpu.memory_space<semaphore_mem>>
        %dma_start3A = arith.constant 0 : i32
        %dma_start3A_96 = arith.constant 0 : i32
        %dma_start3A_97 = tpu.memref_slice %arg9[%dma_start3A, %dma_start3A_96] : memref<128x128xf32, #tpu.memory_space<vmem>> -> memref<125x128xf32, #tpu.memory_space<vmem>>
        %dma_start3A_98 = arith.constant 0 : i32
        %dma_start3A_99 = tpu.memref_slice %arg11[%add3A_75, %dma_start3A_98] : memref<10000x128xf32, #tpu.memory_space<vmem_shared>> -> memref<125x128xf32, #tpu.memory_space<vmem_shared>>
        %dma_start3A_100 = arith.constant 0 : i32
        %dma_start3A_101 = tpu.memref_slice %arg11[%add3A_75, %dma_start3A_100] : memref<10000x128xf32, #tpu.memory_space<vmem_shared>> -> memref<125x128xf32, #tpu.memory_space<vmem_shared>>
        %dma_start3A_102 = arith.constant 0 : i32
        %dma_start3A_103 = arith.constant 0 : i32
        %dma_start3A_104 = tpu.memref_slice %arg9[%dma_start3A_102, %dma_start3A_103] : memref<128x128xf32, #tpu.memory_space<vmem>> -> memref<125x128xf32, #tpu.memory_space<vmem>>
        tpu.enqueue_dma source(%dma_start3A_104 : memref<125x128xf32, #tpu.memory_space<vmem>>) target(%dma_start3A_101 : memref<125x128xf32, #tpu.memory_space<vmem_shared>>) target_semaphore(%run_scoped3A : memref<!tpu.dma_semaphore, #tpu.memory_space<semaphore_mem>>)
        %dma_wait3A = arith.constant 0 : i32
        %dma_wait3A_105 = arith.constant 0 : i32
        %dma_wait3A_106 = tpu.memref_slice %arg9[%dma_wait3A, %dma_wait3A_105] : memref<128x128xf32, #tpu.memory_space<vmem>> -> memref<125x128xf32, #tpu.memory_space<vmem>>
        %dma_wait3A_107 = arith.constant 0 : i32
        %dma_wait3A_108 = tpu.memref_slice %arg11[%add3A_75, %dma_wait3A_107] : memref<10000x128xf32, #tpu.memory_space<vmem_shared>> -> memref<125x128xf32, #tpu.memory_space<vmem_shared>>
        %dma_wait3A_109 = arith.constant 0 : i32
        %dma_wait3A_110 = tpu.memref_slice %arg11[%add3A_75, %dma_wait3A_109] : memref<10000x128xf32, #tpu.memory_space<vmem_shared>> -> memref<125x128xf32, #tpu.memory_space<vmem_shared>>
        %dma_wait3A_111 = arith.constant 0 : i32
        %dma_wait3A_112 = arith.constant 0 : i32
        %dma_wait3A_113 = tpu.memref_slice %arg9[%dma_wait3A_111, %dma_wait3A_112] : memref<128x128xf32, #tpu.memory_space<vmem>> -> memref<125x128xf32, #tpu.memory_space<vmem>>
        tpu.wait_dma2 semaphore(%run_scoped3A : memref<!tpu.dma_semaphore, #tpu.memory_space<semaphore_mem>>) src(%dma_wait3A_113 : memref<125x128xf32, #tpu.memory_space<vmem>>) dst(%dma_wait3A_110 : memref<125x128xf32, #tpu.memory_space<vmem_shared>>)
        tpu.yield
      }) : () -> ()
      %mul3A_76 = arith.constant 2000 : i32
      %mul3A_77 = arith.muli %arg1, %mul3A_76 : i32
      %add3A_78 = arith.constant 1375 : i32
      %add3A_79 = arith.addi %mul3A_77, %add3A_78 : i32
      "tpu.region"() ({
        %run_scoped3A = tpu.sem_alloc : memref<!tpu.dma_semaphore, #tpu.memory_space<semaphore_mem>>
        %dma_start3A = arith.constant 0 : i32
        %dma_start3A_96 = arith.constant 0 : i32
        %dma_start3A_97 = tpu.memref_slice %arg9[%dma_start3A, %dma_start3A_96] : memref<128x128xf32, #tpu.memory_space<vmem>> -> memref<125x128xf32, #tpu.memory_space<vmem>>
        %dma_start3A_98 = arith.constant 0 : i32
        %dma_start3A_99 = tpu.memref_slice %arg11[%add3A_79, %dma_start3A_98] : memref<10000x128xf32, #tpu.memory_space<vmem_shared>> -> memref<125x128xf32, #tpu.memory_space<vmem_shared>>
        %dma_start3A_100 = arith.constant 0 : i32
        %dma_start3A_101 = tpu.memref_slice %arg11[%add3A_79, %dma_start3A_100] : memref<10000x128xf32, #tpu.memory_space<vmem_shared>> -> memref<125x128xf32, #tpu.memory_space<vmem_shared>>
        %dma_start3A_102 = arith.constant 0 : i32
        %dma_start3A_103 = arith.constant 0 : i32
        %dma_start3A_104 = tpu.memref_slice %arg9[%dma_start3A_102, %dma_start3A_103] : memref<128x128xf32, #tpu.memory_space<vmem>> -> memref<125x128xf32, #tpu.memory_space<vmem>>
        tpu.enqueue_dma source(%dma_start3A_104 : memref<125x128xf32, #tpu.memory_space<vmem>>) target(%dma_start3A_101 : memref<125x128xf32, #tpu.memory_space<vmem_shared>>) target_semaphore(%run_scoped3A : memref<!tpu.dma_semaphore, #tpu.memory_space<semaphore_mem>>)
        %dma_wait3A = arith.constant 0 : i32
        %dma_wait3A_105 = arith.constant 0 : i32
        %dma_wait3A_106 = tpu.memref_slice %arg9[%dma_wait3A, %dma_wait3A_105] : memref<128x128xf32, #tpu.memory_space<vmem>> -> memref<125x128xf32, #tpu.memory_space<vmem>>
        %dma_wait3A_107 = arith.constant 0 : i32
        %dma_wait3A_108 = tpu.memref_slice %arg11[%add3A_79, %dma_wait3A_107] : memref<10000x128xf32, #tpu.memory_space<vmem_shared>> -> memref<125x128xf32, #tpu.memory_space<vmem_shared>>
        %dma_wait3A_109 = arith.constant 0 : i32
        %dma_wait3A_110 = tpu.memref_slice %arg11[%add3A_79, %dma_wait3A_109] : memref<10000x128xf32, #tpu.memory_space<vmem_shared>> -> memref<125x128xf32, #tpu.memory_space<vmem_shared>>
        %dma_wait3A_111 = arith.constant 0 : i32
        %dma_wait3A_112 = arith.constant 0 : i32
        %dma_wait3A_113 = tpu.memref_slice %arg9[%dma_wait3A_111, %dma_wait3A_112] : memref<128x128xf32, #tpu.memory_space<vmem>> -> memref<125x128xf32, #tpu.memory_space<vmem>>
        tpu.wait_dma2 semaphore(%run_scoped3A : memref<!tpu.dma_semaphore, #tpu.memory_space<semaphore_mem>>) src(%dma_wait3A_113 : memref<125x128xf32, #tpu.memory_space<vmem>>) dst(%dma_wait3A_110 : memref<125x128xf32, #tpu.memory_space<vmem_shared>>)
        tpu.yield
      }) : () -> ()
      %mul3A_80 = arith.constant 2000 : i32
      %mul3A_81 = arith.muli %arg1, %mul3A_80 : i32
      %add3A_82 = arith.constant 1500 : i32
      %add3A_83 = arith.addi %mul3A_81, %add3A_82 : i32
      "tpu.region"() ({
        %run_scoped3A = tpu.sem_alloc : memref<!tpu.dma_semaphore, #tpu.memory_space<semaphore_mem>>
        %dma_start3A = arith.constant 0 : i32
        %dma_start3A_96 = arith.constant 0 : i32
        %dma_start3A_97 = tpu.memref_slice %arg9[%dma_start3A, %dma_start3A_96] : memref<128x128xf32, #tpu.memory_space<vmem>> -> memref<125x128xf32, #tpu.memory_space<vmem>>
        %dma_start3A_98 = arith.constant 0 : i32
        %dma_start3A_99 = tpu.memref_slice %arg11[%add3A_83, %dma_start3A_98] : memref<10000x128xf32, #tpu.memory_space<vmem_shared>> -> memref<125x128xf32, #tpu.memory_space<vmem_shared>>
        %dma_start3A_100 = arith.constant 0 : i32
        %dma_start3A_101 = tpu.memref_slice %arg11[%add3A_83, %dma_start3A_100] : memref<10000x128xf32, #tpu.memory_space<vmem_shared>> -> memref<125x128xf32, #tpu.memory_space<vmem_shared>>
        %dma_start3A_102 = arith.constant 0 : i32
        %dma_start3A_103 = arith.constant 0 : i32
        %dma_start3A_104 = tpu.memref_slice %arg9[%dma_start3A_102, %dma_start3A_103] : memref<128x128xf32, #tpu.memory_space<vmem>> -> memref<125x128xf32, #tpu.memory_space<vmem>>
        tpu.enqueue_dma source(%dma_start3A_104 : memref<125x128xf32, #tpu.memory_space<vmem>>) target(%dma_start3A_101 : memref<125x128xf32, #tpu.memory_space<vmem_shared>>) target_semaphore(%run_scoped3A : memref<!tpu.dma_semaphore, #tpu.memory_space<semaphore_mem>>)
        %dma_wait3A = arith.constant 0 : i32
        %dma_wait3A_105 = arith.constant 0 : i32
        %dma_wait3A_106 = tpu.memref_slice %arg9[%dma_wait3A, %dma_wait3A_105] : memref<128x128xf32, #tpu.memory_space<vmem>> -> memref<125x128xf32, #tpu.memory_space<vmem>>
        %dma_wait3A_107 = arith.constant 0 : i32
        %dma_wait3A_108 = tpu.memref_slice %arg11[%add3A_83, %dma_wait3A_107] : memref<10000x128xf32, #tpu.memory_space<vmem_shared>> -> memref<125x128xf32, #tpu.memory_space<vmem_shared>>
        %dma_wait3A_109 = arith.constant 0 : i32
        %dma_wait3A_110 = tpu.memref_slice %arg11[%add3A_83, %dma_wait3A_109] : memref<10000x128xf32, #tpu.memory_space<vmem_shared>> -> memref<125x128xf32, #tpu.memory_space<vmem_shared>>
        %dma_wait3A_111 = arith.constant 0 : i32
        %dma_wait3A_112 = arith.constant 0 : i32
        %dma_wait3A_113 = tpu.memref_slice %arg9[%dma_wait3A_111, %dma_wait3A_112] : memref<128x128xf32, #tpu.memory_space<vmem>> -> memref<125x128xf32, #tpu.memory_space<vmem>>
        tpu.wait_dma2 semaphore(%run_scoped3A : memref<!tpu.dma_semaphore, #tpu.memory_space<semaphore_mem>>) src(%dma_wait3A_113 : memref<125x128xf32, #tpu.memory_space<vmem>>) dst(%dma_wait3A_110 : memref<125x128xf32, #tpu.memory_space<vmem_shared>>)
        tpu.yield
      }) : () -> ()
      %mul3A_84 = arith.constant 2000 : i32
      %mul3A_85 = arith.muli %arg1, %mul3A_84 : i32
      %add3A_86 = arith.constant 1625 : i32
      %add3A_87 = arith.addi %mul3A_85, %add3A_86 : i32
      "tpu.region"() ({
        %run_scoped3A = tpu.sem_alloc : memref<!tpu.dma_semaphore, #tpu.memory_space<semaphore_mem>>
        %dma_start3A = arith.constant 0 : i32
        %dma_start3A_96 = arith.constant 0 : i32
        %dma_start3A_97 = tpu.memref_slice %arg9[%dma_start3A, %dma_start3A_96] : memref<128x128xf32, #tpu.memory_space<vmem>> -> memref<125x128xf32, #tpu.memory_space<vmem>>
        %dma_start3A_98 = arith.constant 0 : i32
        %dma_start3A_99 = tpu.memref_slice %arg11[%add3A_87, %dma_start3A_98] : memref<10000x128xf32, #tpu.memory_space<vmem_shared>> -> memref<125x128xf32, #tpu.memory_space<vmem_shared>>
        %dma_start3A_100 = arith.constant 0 : i32
        %dma_start3A_101 = tpu.memref_slice %arg11[%add3A_87, %dma_start3A_100] : memref<10000x128xf32, #tpu.memory_space<vmem_shared>> -> memref<125x128xf32, #tpu.memory_space<vmem_shared>>
        %dma_start3A_102 = arith.constant 0 : i32
        %dma_start3A_103 = arith.constant 0 : i32
        %dma_start3A_104 = tpu.memref_slice %arg9[%dma_start3A_102, %dma_start3A_103] : memref<128x128xf32, #tpu.memory_space<vmem>> -> memref<125x128xf32, #tpu.memory_space<vmem>>
        tpu.enqueue_dma source(%dma_start3A_104 : memref<125x128xf32, #tpu.memory_space<vmem>>) target(%dma_start3A_101 : memref<125x128xf32, #tpu.memory_space<vmem_shared>>) target_semaphore(%run_scoped3A : memref<!tpu.dma_semaphore, #tpu.memory_space<semaphore_mem>>)
        %dma_wait3A = arith.constant 0 : i32
        %dma_wait3A_105 = arith.constant 0 : i32
        %dma_wait3A_106 = tpu.memref_slice %arg9[%dma_wait3A, %dma_wait3A_105] : memref<128x128xf32, #tpu.memory_space<vmem>> -> memref<125x128xf32, #tpu.memory_space<vmem>>
        %dma_wait3A_107 = arith.constant 0 : i32
        %dma_wait3A_108 = tpu.memref_slice %arg11[%add3A_87, %dma_wait3A_107] : memref<10000x128xf32, #tpu.memory_space<vmem_shared>> -> memref<125x128xf32, #tpu.memory_space<vmem_shared>>
        %dma_wait3A_109 = arith.constant 0 : i32
        %dma_wait3A_110 = tpu.memref_slice %arg11[%add3A_87, %dma_wait3A_109] : memref<10000x128xf32, #tpu.memory_space<vmem_shared>> -> memref<125x128xf32, #tpu.memory_space<vmem_shared>>
        %dma_wait3A_111 = arith.constant 0 : i32
        %dma_wait3A_112 = arith.constant 0 : i32
        %dma_wait3A_113 = tpu.memref_slice %arg9[%dma_wait3A_111, %dma_wait3A_112] : memref<128x128xf32, #tpu.memory_space<vmem>> -> memref<125x128xf32, #tpu.memory_space<vmem>>
        tpu.wait_dma2 semaphore(%run_scoped3A : memref<!tpu.dma_semaphore, #tpu.memory_space<semaphore_mem>>) src(%dma_wait3A_113 : memref<125x128xf32, #tpu.memory_space<vmem>>) dst(%dma_wait3A_110 : memref<125x128xf32, #tpu.memory_space<vmem_shared>>)
        tpu.yield
      }) : () -> ()
      %mul3A_88 = arith.constant 2000 : i32
      %mul3A_89 = arith.muli %arg1, %mul3A_88 : i32
      %add3A_90 = arith.constant 1750 : i32
      %add3A_91 = arith.addi %mul3A_89, %add3A_90 : i32
      "tpu.region"() ({
        %run_scoped3A = tpu.sem_alloc : memref<!tpu.dma_semaphore, #tpu.memory_space<semaphore_mem>>
        %dma_start3A = arith.constant 0 : i32
        %dma_start3A_96 = arith.constant 0 : i32
        %dma_start3A_97 = tpu.memref_slice %arg9[%dma_start3A, %dma_start3A_96] : memref<128x128xf32, #tpu.memory_space<vmem>> -> memref<125x128xf32, #tpu.memory_space<vmem>>
        %dma_start3A_98 = arith.constant 0 : i32
        %dma_start3A_99 = tpu.memref_slice %arg11[%add3A_91, %dma_start3A_98] : memref<10000x128xf32, #tpu.memory_space<vmem_shared>> -> memref<125x128xf32, #tpu.memory_space<vmem_shared>>
        %dma_start3A_100 = arith.constant 0 : i32
        %dma_start3A_101 = tpu.memref_slice %arg11[%add3A_91, %dma_start3A_100] : memref<10000x128xf32, #tpu.memory_space<vmem_shared>> -> memref<125x128xf32, #tpu.memory_space<vmem_shared>>
        %dma_start3A_102 = arith.constant 0 : i32
        %dma_start3A_103 = arith.constant 0 : i32
        %dma_start3A_104 = tpu.memref_slice %arg9[%dma_start3A_102, %dma_start3A_103] : memref<128x128xf32, #tpu.memory_space<vmem>> -> memref<125x128xf32, #tpu.memory_space<vmem>>
        tpu.enqueue_dma source(%dma_start3A_104 : memref<125x128xf32, #tpu.memory_space<vmem>>) target(%dma_start3A_101 : memref<125x128xf32, #tpu.memory_space<vmem_shared>>) target_semaphore(%run_scoped3A : memref<!tpu.dma_semaphore, #tpu.memory_space<semaphore_mem>>)
        %dma_wait3A = arith.constant 0 : i32
        %dma_wait3A_105 = arith.constant 0 : i32
        %dma_wait3A_106 = tpu.memref_slice %arg9[%dma_wait3A, %dma_wait3A_105] : memref<128x128xf32, #tpu.memory_space<vmem>> -> memref<125x128xf32, #tpu.memory_space<vmem>>
        %dma_wait3A_107 = arith.constant 0 : i32
        %dma_wait3A_108 = tpu.memref_slice %arg11[%add3A_91, %dma_wait3A_107] : memref<10000x128xf32, #tpu.memory_space<vmem_shared>> -> memref<125x128xf32, #tpu.memory_space<vmem_shared>>
        %dma_wait3A_109 = arith.constant 0 : i32
        %dma_wait3A_110 = tpu.memref_slice %arg11[%add3A_91, %dma_wait3A_109] : memref<10000x128xf32, #tpu.memory_space<vmem_shared>> -> memref<125x128xf32, #tpu.memory_space<vmem_shared>>
        %dma_wait3A_111 = arith.constant 0 : i32
        %dma_wait3A_112 = arith.constant 0 : i32
        %dma_wait3A_113 = tpu.memref_slice %arg9[%dma_wait3A_111, %dma_wait3A_112] : memref<128x128xf32, #tpu.memory_space<vmem>> -> memref<125x128xf32, #tpu.memory_space<vmem>>
        tpu.wait_dma2 semaphore(%run_scoped3A : memref<!tpu.dma_semaphore, #tpu.memory_space<semaphore_mem>>) src(%dma_wait3A_113 : memref<125x128xf32, #tpu.memory_space<vmem>>) dst(%dma_wait3A_110 : memref<125x128xf32, #tpu.memory_space<vmem_shared>>)
        tpu.yield
      }) : () -> ()
      %mul3A_92 = arith.constant 2000 : i32
      %mul3A_93 = arith.muli %arg1, %mul3A_92 : i32
      %add3A_94 = arith.constant 1875 : i32
      %add3A_95 = arith.addi %mul3A_93, %add3A_94 : i32
      "tpu.region"() ({
        %run_scoped3A = tpu.sem_alloc : memref<!tpu.dma_semaphore, #tpu.memory_space<semaphore_mem>>
        %dma_start3A = arith.constant 0 : i32
        %dma_start3A_96 = arith.constant 0 : i32
        %dma_start3A_97 = tpu.memref_slice %arg9[%dma_start3A, %dma_start3A_96] : memref<128x128xf32, #tpu.memory_space<vmem>> -> memref<125x128xf32, #tpu.memory_space<vmem>>
        %dma_start3A_98 = arith.constant 0 : i32
        %dma_start3A_99 = tpu.memref_slice %arg11[%add3A_95, %dma_start3A_98] : memref<10000x128xf32, #tpu.memory_space<vmem_shared>> -> memref<125x128xf32, #tpu.memory_space<vmem_shared>>
        %dma_start3A_100 = arith.constant 0 : i32
        %dma_start3A_101 = tpu.memref_slice %arg11[%add3A_95, %dma_start3A_100] : memref<10000x128xf32, #tpu.memory_space<vmem_shared>> -> memref<125x128xf32, #tpu.memory_space<vmem_shared>>
        %dma_start3A_102 = arith.constant 0 : i32
        %dma_start3A_103 = arith.constant 0 : i32
        %dma_start3A_104 = tpu.memref_slice %arg9[%dma_start3A_102, %dma_start3A_103] : memref<128x128xf32, #tpu.memory_space<vmem>> -> memref<125x128xf32, #tpu.memory_space<vmem>>
        tpu.enqueue_dma source(%dma_start3A_104 : memref<125x128xf32, #tpu.memory_space<vmem>>) target(%dma_start3A_101 : memref<125x128xf32, #tpu.memory_space<vmem_shared>>) target_semaphore(%run_scoped3A : memref<!tpu.dma_semaphore, #tpu.memory_space<semaphore_mem>>)
        %dma_wait3A = arith.constant 0 : i32
        %dma_wait3A_105 = arith.constant 0 : i32
        %dma_wait3A_106 = tpu.memref_slice %arg9[%dma_wait3A, %dma_wait3A_105] : memref<128x128xf32, #tpu.memory_space<vmem>> -> memref<125x128xf32, #tpu.memory_space<vmem>>
        %dma_wait3A_107 = arith.constant 0 : i32
        %dma_wait3A_108 = tpu.memref_slice %arg11[%add3A_95, %dma_wait3A_107] : memref<10000x128xf32, #tpu.memory_space<vmem_shared>> -> memref<125x128xf32, #tpu.memory_space<vmem_shared>>
        %dma_wait3A_109 = arith.constant 0 : i32
        %dma_wait3A_110 = tpu.memref_slice %arg11[%add3A_95, %dma_wait3A_109] : memref<10000x128xf32, #tpu.memory_space<vmem_shared>> -> memref<125x128xf32, #tpu.memory_space<vmem_shared>>
        %dma_wait3A_111 = arith.constant 0 : i32
        %dma_wait3A_112 = arith.constant 0 : i32
        %dma_wait3A_113 = tpu.memref_slice %arg9[%dma_wait3A_111, %dma_wait3A_112] : memref<128x128xf32, #tpu.memory_space<vmem>> -> memref<125x128xf32, #tpu.memory_space<vmem>>
        tpu.wait_dma2 semaphore(%run_scoped3A : memref<!tpu.dma_semaphore, #tpu.memory_space<semaphore_mem>>) src(%dma_wait3A_113 : memref<125x128xf32, #tpu.memory_space<vmem>>) dst(%dma_wait3A_110 : memref<125x128xf32, #tpu.memory_space<vmem_shared>>)
        tpu.yield
      }) : () -> ()
    } else {
    }
    %barrier3A = arith.constant 0 : index
    tpu.barrier barrier_id(%barrier3A)
    %eq3A = arith.constant 31 : i32
    %eq3A_3 = arith.cmpi eq, %add3A, %eq3A : i32
    %convert_element_type3A_4 = arith.extui %eq3A_3 : i1 to i32
    %mul3A_5 = arith.constant 4 : i32
    %mul3A_6 = arith.muli %mul3A_5, %convert_element_type3A_4 : i32
    %add3A_7 = arith.constant 78 : i32
    %add3A_8 = arith.addi %add3A_7, %mul3A_6 : i32
    %while3A = arith.constant 0 : i32
    %while3A_9 = arith.constant 0 : i32
    %while3A_10 = arith.subi %add3A_8, %while3A : i32
    %while3A_11 = arith.addi %while3A, %while3A_10 : i32
    %while3A_12 = arith.constant 1 : i32
    %while3A_13 = arith.divsi %while3A_10, %while3A_12 : i32
    %while3A_14 = arith.muli %while3A_13, %while3A_12 : i32
    %while3A_15 = arith.addi %while3A, %while3A_14 : i32
    %while3A_16 = arith.constant 1 : i32
    %while3A_17 = scf.for %while3A_26 = %while3A to %while3A_15 step %while3A_16 iter_args(%while3A_27 = %while3A_9) -> (i32)  : i32 {
      %mul3A_28 = arith.constant 9984 : i32
      %mul3A_29 = arith.muli %add3A, %mul3A_28 : i32
      %mul3A_30 = arith.constant 128 : i32
      %mul3A_31 = arith.muli %while3A_26, %mul3A_30 : i32
      %add3A_32 = arith.addi %mul3A_29, %mul3A_31 : i32
      %dma_start3A = arith.constant 0 : i32
      %dma_start3A_33 = arith.constant 0 : i32
      %dma_start3A_34 = tpu.memref_slice %arg7[%dma_start3A, %dma_start3A_33] : memref<1x128xi32, #tpu.memory_space<vmem>> -> memref<1x128xi32, #tpu.memory_space<vmem>>
      %dma_start3A_35 = tpu.memref_squeeze %dma_start3A_34 : memref<1x128xi32, #tpu.memory_space<vmem>> -> memref<128xi32, #tpu.memory_space<vmem>>
      %dma_start3A_36 = tpu.memref_slice %arg4[%add3A_32] : memref<320000xi32, #tpu.memory_space<hbm>> -> memref<128xi32, #tpu.memory_space<hbm>>
      %dma_start3A_37 = arith.constant 0 : i32
      %dma_start3A_38 = tpu.memref_slice %arg7[%dma_start3A, %dma_start3A_37] : memref<1x128xi32, #tpu.memory_space<vmem>> -> memref<1x128xi32, #tpu.memory_space<vmem>>
      %dma_start3A_39 = tpu.memref_squeeze %dma_start3A_38 : memref<1x128xi32, #tpu.memory_space<vmem>> -> memref<128xi32, #tpu.memory_space<vmem>>
      %dma_start3A_40 = tpu.memref_slice %arg4[%add3A_32] : memref<320000xi32, #tpu.memory_space<hbm>> -> memref<128xi32, #tpu.memory_space<hbm>>
      tpu.enqueue_dma source(%dma_start3A_40 : memref<128xi32, #tpu.memory_space<hbm>>) target(%dma_start3A_39 : memref<128xi32, #tpu.memory_space<vmem>>) target_semaphore(%arg14 : memref<!tpu.dma_semaphore, #tpu.memory_space<semaphore_mem>>)
      %dma_start3A_41 = arith.constant 0 : i32
      %dma_start3A_42 = arith.constant 0 : i32
      %dma_start3A_43 = tpu.memref_slice %arg8[%dma_start3A_41, %dma_start3A_42] : memref<1x128xi32, #tpu.memory_space<vmem>> -> memref<1x128xi32, #tpu.memory_space<vmem>>
      %dma_start3A_44 = tpu.memref_squeeze %dma_start3A_43 : memref<1x128xi32, #tpu.memory_space<vmem>> -> memref<128xi32, #tpu.memory_space<vmem>>
      %dma_start3A_45 = tpu.memref_slice %arg5[%add3A_32] : memref<320000xi32, #tpu.memory_space<hbm>> -> memref<128xi32, #tpu.memory_space<hbm>>
      %dma_start3A_46 = arith.constant 0 : i32
      %dma_start3A_47 = tpu.memref_slice %arg8[%dma_start3A_41, %dma_start3A_46] : memref<1x128xi32, #tpu.memory_space<vmem>> -> memref<1x128xi32, #tpu.memory_space<vmem>>
      %dma_start3A_48 = tpu.memref_squeeze %dma_start3A_47 : memref<1x128xi32, #tpu.memory_space<vmem>> -> memref<128xi32, #tpu.memory_space<vmem>>
      %dma_start3A_49 = tpu.memref_slice %arg5[%add3A_32] : memref<320000xi32, #tpu.memory_space<hbm>> -> memref<128xi32, #tpu.memory_space<hbm>>
      tpu.enqueue_dma source(%dma_start3A_49 : memref<128xi32, #tpu.memory_space<hbm>>) target(%dma_start3A_48 : memref<128xi32, #tpu.memory_space<vmem>>) target_semaphore(%arg14 : memref<!tpu.dma_semaphore, #tpu.memory_space<semaphore_mem>>)
      %dma_start3A_50 = arith.constant 0 : i32
      %dma_start3A_51 = tpu.memref_slice %arg3[%add3A_32, %dma_start3A_50] : memref<320000x128xf32, #tpu.memory_space<hbm>> -> memref<128x128xf32, #tpu.memory_space<hbm>>
      %dma_start3A_52 = arith.constant 0 : i32
      %dma_start3A_53 = tpu.memref_slice %arg3[%add3A_32, %dma_start3A_52] : memref<320000x128xf32, #tpu.memory_space<hbm>> -> memref<128x128xf32, #tpu.memory_space<hbm>>
      tpu.enqueue_dma source(%dma_start3A_53 : memref<128x128xf32, #tpu.memory_space<hbm>>) target(%arg10 : memref<128x128xf32, #tpu.memory_space<vmem>>) target_semaphore(%arg13 : memref<!tpu.dma_semaphore, #tpu.memory_space<semaphore_mem>>)
      %dma_wait3A = arith.constant 0 : i32
      %dma_wait3A_54 = arith.constant 0 : i32
      %dma_wait3A_55 = tpu.memref_slice %arg7[%dma_wait3A, %dma_wait3A_54] : memref<1x128xi32, #tpu.memory_space<vmem>> -> memref<1x128xi32, #tpu.memory_space<vmem>>
      %dma_wait3A_56 = tpu.memref_squeeze %dma_wait3A_55 : memref<1x128xi32, #tpu.memory_space<vmem>> -> memref<128xi32, #tpu.memory_space<vmem>>
      %dma_wait3A_57 = tpu.memref_slice %arg4[%add3A_32] : memref<320000xi32, #tpu.memory_space<hbm>> -> memref<128xi32, #tpu.memory_space<hbm>>
      %dma_wait3A_58 = arith.constant 0 : i32
      %dma_wait3A_59 = tpu.memref_slice %arg7[%dma_wait3A, %dma_wait3A_58] : memref<1x128xi32, #tpu.memory_space<vmem>> -> memref<1x128xi32, #tpu.memory_space<vmem>>
      %dma_wait3A_60 = tpu.memref_squeeze %dma_wait3A_59 : memref<1x128xi32, #tpu.memory_space<vmem>> -> memref<128xi32, #tpu.memory_space<vmem>>
      %dma_wait3A_61 = tpu.memref_slice %arg4[%add3A_32] : memref<320000xi32, #tpu.memory_space<hbm>> -> memref<128xi32, #tpu.memory_space<hbm>>
      tpu.wait_dma2 semaphore(%arg14 : memref<!tpu.dma_semaphore, #tpu.memory_space<semaphore_mem>>) src(%dma_wait3A_61 : memref<128xi32, #tpu.memory_space<hbm>>) dst(%dma_wait3A_60 : memref<128xi32, #tpu.memory_space<vmem>>)
      %dma_wait3A_62 = arith.constant 0 : i32
      %dma_wait3A_63 = arith.constant 0 : i32
      %dma_wait3A_64 = tpu.memref_slice %arg8[%dma_wait3A_62, %dma_wait3A_63] : memref<1x128xi32, #tpu.memory_space<vmem>> -> memref<1x128xi32, #tpu.memory_space<vmem>>
      %dma_wait3A_65 = tpu.memref_squeeze %dma_wait3A_64 : memref<1x128xi32, #tpu.memory_space<vmem>> -> memref<128xi32, #tpu.memory_space<vmem>>
      %dma_wait3A_66 = tpu.memref_slice %arg5[%add3A_32] : memref<320000xi32, #tpu.memory_space<hbm>> -> memref<128xi32, #tpu.memory_space<hbm>>
      %dma_wait3A_67 = arith.constant 0 : i32
      %dma_wait3A_68 = tpu.memref_slice %arg8[%dma_wait3A_62, %dma_wait3A_67] : memref<1x128xi32, #tpu.memory_space<vmem>> -> memref<1x128xi32, #tpu.memory_space<vmem>>
      %dma_wait3A_69 = tpu.memref_squeeze %dma_wait3A_68 : memref<1x128xi32, #tpu.memory_space<vmem>> -> memref<128xi32, #tpu.memory_space<vmem>>
      %dma_wait3A_70 = tpu.memref_slice %arg5[%add3A_32] : memref<320000xi32, #tpu.memory_space<hbm>> -> memref<128xi32, #tpu.memory_space<hbm>>
      tpu.wait_dma2 semaphore(%arg14 : memref<!tpu.dma_semaphore, #tpu.memory_space<semaphore_mem>>) src(%dma_wait3A_70 : memref<128xi32, #tpu.memory_space<hbm>>) dst(%dma_wait3A_69 : memref<128xi32, #tpu.memory_space<vmem>>)
      %dma_start3A_71 = arith.constant 0 : i32
      %dma_start3A_72 = arith.constant 0 : i32
      %dma_start3A_73 = tpu.memref_slice %arg7[%dma_start3A_71, %dma_start3A_72] : memref<1x128xi32, #tpu.memory_space<vmem>> -> memref<1x128xi32, #tpu.memory_space<vmem>>
      %dma_start3A_74 = tpu.memref_squeeze %dma_start3A_73 : memref<1x128xi32, #tpu.memory_space<vmem>> -> memref<128xi32, #tpu.memory_space<vmem>>
      %dma_start3A_75 = arith.constant 0 : i32
      %dma_start3A_76 = arith.constant 0 : i32
      %dma_start3A_77 = tpu.memref_slice %arg2[%dma_start3A_75, %dma_start3A_76] : memref<10000x128xf32, #tpu.memory_space<hbm>> -> memref<10000x128xf32, #tpu.memory_space<hbm>>
      tpu.enqueue_indirect_dma source(%dma_start3A_77 : memref<10000x128xf32, #tpu.memory_space<hbm>>) target(%arg9 : memref<128x128xf32, #tpu.memory_space<vmem>>) offsets(%dma_start3A_74 : memref<128xi32, #tpu.memory_space<vmem>>) semaphore(%arg12 : memref<!tpu.dma_semaphore, #tpu.memory_space<semaphore_mem>>)
      %dma_wait3A_78 = arith.constant 0 : i32
      %dma_wait3A_79 = tpu.memref_slice %arg3[%add3A_32, %dma_wait3A_78] : memref<320000x128xf32, #tpu.memory_space<hbm>> -> memref<128x128xf32, #tpu.memory_space<hbm>>
      %dma_wait3A_80 = arith.constant 0 : i32
      %dma_wait3A_81 = tpu.memref_slice %arg3[%add3A_32, %dma_wait3A_80] : memref<320000x128xf32, #tpu.memory_space<hbm>> -> memref<128x128xf32, #tpu.memory_space<hbm>>
      tpu.wait_dma2 semaphore(%arg13 : memref<!tpu.dma_semaphore, #tpu.memory_space<semaphore_mem>>) src(%dma_wait3A_81 : memref<128x128xf32, #tpu.memory_space<hbm>>) dst(%arg10 : memref<128x128xf32, #tpu.memory_space<vmem>>)
      %dma_wait3A_82 = arith.constant 0 : i32
      %dma_wait3A_83 = arith.constant 0 : i32
      %dma_wait3A_84 = tpu.memref_slice %arg7[%dma_wait3A_82, %dma_wait3A_83] : memref<1x128xi32, #tpu.memory_space<vmem>> -> memref<1x128xi32, #tpu.memory_space<vmem>>
      %dma_wait3A_85 = tpu.memref_squeeze %dma_wait3A_84 : memref<1x128xi32, #tpu.memory_space<vmem>> -> memref<128xi32, #tpu.memory_space<vmem>>
      %dma_wait3A_86 = arith.constant 0 : i32
      %dma_wait3A_87 = arith.constant 0 : i32
      %dma_wait3A_88 = tpu.memref_slice %arg2[%dma_wait3A_86, %dma_wait3A_87] : memref<10000x128xf32, #tpu.memory_space<hbm>> -> memref<10000x128xf32, #tpu.memory_space<hbm>>
      tpu.wait_indirect_dma semaphore(%arg12 : memref<!tpu.dma_semaphore, #tpu.memory_space<semaphore_mem>>) src(%dma_wait3A_88 : memref<10000x128xf32, #tpu.memory_space<hbm>>) dst(%arg9 : memref<128x128xf32, #tpu.memory_space<vmem>>)
      %scan3A = arith.constant 0 : i32
      %scan3A_89 = arith.constant 0 : i32
      %scan3A_90 = arith.constant 128 : i32
      %scan3A_91 = arith.addi %scan3A_89, %scan3A_90 : i32
      %scan3A_92 = arith.constant 1 : i32
      %scan3A_93 = scf.for %scan3A_96 = %scan3A_89 to %scan3A_91 step %scan3A_92 iter_args(%scan3A_97 = %scan3A) -> (i32)  : i32 {
        %get3A = arith.index_cast %scan3A_96 : i32 to index
        %get3A_98 = arith.constant 0 : index
        %get3A_99 = tpu.vector_load %arg10[%get3A, %get3A_98] {strides = array<i32>} : memref<128x128xf32, #tpu.memory_space<vmem>>, vector<1x16xf32>,
        %get3A_100 = vector.shape_cast %get3A_99 : vector<1x16xf32> to vector<16xf32>
        %get3A_101 = arith.index_cast %scan3A_96 : i32 to index
        %get3A_102 = arith.constant 0 : index
        %get3A_103 = tpu.vector_load %arg9[%get3A_101, %get3A_102] {strides = array<i32>} : memref<128x128xf32, #tpu.memory_space<vmem>>, vector<1x16xf32>,
        %get3A_104 = vector.shape_cast %get3A_103 : vector<1x16xf32> to vector<16xf32>
        %add3A_105 = arith.addf %get3A_100, %get3A_104 : vector<16xf32>
        %max3A = arith.constant 0.000000e+00 : f32
        %max3A_106 = vector.broadcast %max3A : f32 to vector<16xf32>
        %max3A_107 = arith.maximumf %add3A_105, %max3A_106 : vector<16xf32>
        %swap3A = arith.index_cast %scan3A_96 : i32 to index
        %swap3A_108 = arith.constant 0 : index
        %swap3A_109 = tpu.vector_load %arg10[%swap3A, %swap3A_108] {strides = array<i32>} : memref<128x128xf32, #tpu.memory_space<vmem>>, vector<1x16xf32>,
        %swap3A_110 = vector.shape_cast %swap3A_109 : vector<1x16xf32> to vector<16xf32>
        %swap3A_111 = vector.shape_cast %max3A_107 : vector<16xf32> to vector<1x16xf32>
        tpu.vector_store %arg10[%swap3A, %swap3A_108], %swap3A_111 {strides = array<i32>} : memref<128x128xf32, #tpu.memory_space<vmem>>, vector<1x16xf32>,
        %get3A_112 = arith.index_cast %scan3A_96 : i32 to index
        %get3A_113 = arith.constant 16 : index
        %get3A_114 = tpu.vector_load %arg10[%get3A_112, %get3A_113] {strides = array<i32>} : memref<128x128xf32, #tpu.memory_space<vmem>>, vector<1x16xf32>,
        %get3A_115 = vector.shape_cast %get3A_114 : vector<1x16xf32> to vector<16xf32>
        %get3A_116 = arith.index_cast %scan3A_96 : i32 to index
        %get3A_117 = arith.constant 16 : index
        %get3A_118 = tpu.vector_load %arg9[%get3A_116, %get3A_117] {strides = array<i32>} : memref<128x128xf32, #tpu.memory_space<vmem>>, vector<1x16xf32>,
        %get3A_119 = vector.shape_cast %get3A_118 : vector<1x16xf32> to vector<16xf32>
        %add3A_120 = arith.addf %get3A_115, %get3A_119 : vector<16xf32>
        %max3A_121 = arith.constant 0.000000e+00 : f32
        %max3A_122 = vector.broadcast %max3A_121 : f32 to vector<16xf32>
        %max3A_123 = arith.maximumf %add3A_120, %max3A_122 : vector<16xf32>
        %swap3A_124 = arith.index_cast %scan3A_96 : i32 to index
        %swap3A_125 = arith.constant 16 : index
        %swap3A_126 = tpu.vector_load %arg10[%swap3A_124, %swap3A_125] {strides = array<i32>} : memref<128x128xf32, #tpu.memory_space<vmem>>, vector<1x16xf32>,
        %swap3A_127 = vector.shape_cast %swap3A_126 : vector<1x16xf32> to vector<16xf32>
        %swap3A_128 = vector.shape_cast %max3A_123 : vector<16xf32> to vector<1x16xf32>
        tpu.vector_store %arg10[%swap3A_124, %swap3A_125], %swap3A_128 {strides = array<i32>} : memref<128x128xf32, #tpu.memory_space<vmem>>, vector<1x16xf32>,
        %get3A_129 = arith.index_cast %scan3A_96 : i32 to index
        %get3A_130 = arith.constant 32 : index
        %get3A_131 = tpu.vector_load %arg10[%get3A_129, %get3A_130] {strides = array<i32>} : memref<128x128xf32, #tpu.memory_space<vmem>>, vector<1x16xf32>,
        %get3A_132 = vector.shape_cast %get3A_131 : vector<1x16xf32> to vector<16xf32>
        %get3A_133 = arith.index_cast %scan3A_96 : i32 to index
        %get3A_134 = arith.constant 32 : index
        %get3A_135 = tpu.vector_load %arg9[%get3A_133, %get3A_134] {strides = array<i32>} : memref<128x128xf32, #tpu.memory_space<vmem>>, vector<1x16xf32>,
        %get3A_136 = vector.shape_cast %get3A_135 : vector<1x16xf32> to vector<16xf32>
        %add3A_137 = arith.addf %get3A_132, %get3A_136 : vector<16xf32>
        %max3A_138 = arith.constant 0.000000e+00 : f32
        %max3A_139 = vector.broadcast %max3A_138 : f32 to vector<16xf32>
        %max3A_140 = arith.maximumf %add3A_137, %max3A_139 : vector<16xf32>
        %swap3A_141 = arith.index_cast %scan3A_96 : i32 to index
        %swap3A_142 = arith.constant 32 : index
        %swap3A_143 = tpu.vector_load %arg10[%swap3A_141, %swap3A_142] {strides = array<i32>} : memref<128x128xf32, #tpu.memory_space<vmem>>, vector<1x16xf32>,
        %swap3A_144 = vector.shape_cast %swap3A_143 : vector<1x16xf32> to vector<16xf32>
        %swap3A_145 = vector.shape_cast %max3A_140 : vector<16xf32> to vector<1x16xf32>
        tpu.vector_store %arg10[%swap3A_141, %swap3A_142], %swap3A_145 {strides = array<i32>} : memref<128x128xf32, #tpu.memory_space<vmem>>, vector<1x16xf32>,
        %get3A_146 = arith.index_cast %scan3A_96 : i32 to index
        %get3A_147 = arith.constant 48 : index
        %get3A_148 = tpu.vector_load %arg10[%get3A_146, %get3A_147] {strides = array<i32>} : memref<128x128xf32, #tpu.memory_space<vmem>>, vector<1x16xf32>,
        %get3A_149 = vector.shape_cast %get3A_148 : vector<1x16xf32> to vector<16xf32>
        %get3A_150 = arith.index_cast %scan3A_96 : i32 to index
        %get3A_151 = arith.constant 48 : index
        %get3A_152 = tpu.vector_load %arg9[%get3A_150, %get3A_151] {strides = array<i32>} : memref<128x128xf32, #tpu.memory_space<vmem>>, vector<1x16xf32>,
        %get3A_153 = vector.shape_cast %get3A_152 : vector<1x16xf32> to vector<16xf32>
        %add3A_154 = arith.addf %get3A_149, %get3A_153 : vector<16xf32>
        %max3A_155 = arith.constant 0.000000e+00 : f32
        %max3A_156 = vector.broadcast %max3A_155 : f32 to vector<16xf32>
        %max3A_157 = arith.maximumf %add3A_154, %max3A_156 : vector<16xf32>
        %swap3A_158 = arith.index_cast %scan3A_96 : i32 to index
        %swap3A_159 = arith.constant 48 : index
        %swap3A_160 = tpu.vector_load %arg10[%swap3A_158, %swap3A_159] {strides = array<i32>} : memref<128x128xf32, #tpu.memory_space<vmem>>, vector<1x16xf32>,
        %swap3A_161 = vector.shape_cast %swap3A_160 : vector<1x16xf32> to vector<16xf32>
        %swap3A_162 = vector.shape_cast %max3A_157 : vector<16xf32> to vector<1x16xf32>
        tpu.vector_store %arg10[%swap3A_158, %swap3A_159], %swap3A_162 {strides = array<i32>} : memref<128x128xf32, #tpu.memory_space<vmem>>, vector<1x16xf32>,
        %get3A_163 = arith.index_cast %scan3A_96 : i32 to index
        %get3A_164 = arith.constant 64 : index
        %get3A_165 = tpu.vector_load %arg10[%get3A_163, %get3A_164] {strides = array<i32>} : memref<128x128xf32, #tpu.memory_space<vmem>>, vector<1x16xf32>,
        %get3A_166 = vector.shape_cast %get3A_165 : vector<1x16xf32> to vector<16xf32>
        %get3A_167 = arith.index_cast %scan3A_96 : i32 to index
        %get3A_168 = arith.constant 64 : index
        %get3A_169 = tpu.vector_load %arg9[%get3A_167, %get3A_168] {strides = array<i32>} : memref<128x128xf32, #tpu.memory_space<vmem>>, vector<1x16xf32>,
        %get3A_170 = vector.shape_cast %get3A_169 : vector<1x16xf32> to vector<16xf32>
        %add3A_171 = arith.addf %get3A_166, %get3A_170 : vector<16xf32>
        %max3A_172 = arith.constant 0.000000e+00 : f32
        %max3A_173 = vector.broadcast %max3A_172 : f32 to vector<16xf32>
        %max3A_174 = arith.maximumf %add3A_171, %max3A_173 : vector<16xf32>
        %swap3A_175 = arith.index_cast %scan3A_96 : i32 to index
        %swap3A_176 = arith.constant 64 : index
        %swap3A_177 = tpu.vector_load %arg10[%swap3A_175, %swap3A_176] {strides = array<i32>} : memref<128x128xf32, #tpu.memory_space<vmem>>, vector<1x16xf32>,
        %swap3A_178 = vector.shape_cast %swap3A_177 : vector<1x16xf32> to vector<16xf32>
        %swap3A_179 = vector.shape_cast %max3A_174 : vector<16xf32> to vector<1x16xf32>
        tpu.vector_store %arg10[%swap3A_175, %swap3A_176], %swap3A_179 {strides = array<i32>} : memref<128x128xf32, #tpu.memory_space<vmem>>, vector<1x16xf32>,
        %get3A_180 = arith.index_cast %scan3A_96 : i32 to index
        %get3A_181 = arith.constant 80 : index
        %get3A_182 = tpu.vector_load %arg10[%get3A_180, %get3A_181] {strides = array<i32>} : memref<128x128xf32, #tpu.memory_space<vmem>>, vector<1x16xf32>,
        %get3A_183 = vector.shape_cast %get3A_182 : vector<1x16xf32> to vector<16xf32>
        %get3A_184 = arith.index_cast %scan3A_96 : i32 to index
        %get3A_185 = arith.constant 80 : index
        %get3A_186 = tpu.vector_load %arg9[%get3A_184, %get3A_185] {strides = array<i32>} : memref<128x128xf32, #tpu.memory_space<vmem>>, vector<1x16xf32>,
        %get3A_187 = vector.shape_cast %get3A_186 : vector<1x16xf32> to vector<16xf32>
        %add3A_188 = arith.addf %get3A_183, %get3A_187 : vector<16xf32>
        %max3A_189 = arith.constant 0.000000e+00 : f32
        %max3A_190 = vector.broadcast %max3A_189 : f32 to vector<16xf32>
        %max3A_191 = arith.maximumf %add3A_188, %max3A_190 : vector<16xf32>
        %swap3A_192 = arith.index_cast %scan3A_96 : i32 to index
        %swap3A_193 = arith.constant 80 : index
        %swap3A_194 = tpu.vector_load %arg10[%swap3A_192, %swap3A_193] {strides = array<i32>} : memref<128x128xf32, #tpu.memory_space<vmem>>, vector<1x16xf32>,
        %swap3A_195 = vector.shape_cast %swap3A_194 : vector<1x16xf32> to vector<16xf32>
        %swap3A_196 = vector.shape_cast %max3A_191 : vector<16xf32> to vector<1x16xf32>
        tpu.vector_store %arg10[%swap3A_192, %swap3A_193], %swap3A_196 {strides = array<i32>} : memref<128x128xf32, #tpu.memory_space<vmem>>, vector<1x16xf32>,
        %get3A_197 = arith.index_cast %scan3A_96 : i32 to index
        %get3A_198 = arith.constant 96 : index
        %get3A_199 = tpu.vector_load %arg10[%get3A_197, %get3A_198] {strides = array<i32>} : memref<128x128xf32, #tpu.memory_space<vmem>>, vector<1x16xf32>,
        %get3A_200 = vector.shape_cast %get3A_199 : vector<1x16xf32> to vector<16xf32>
        %get3A_201 = arith.index_cast %scan3A_96 : i32 to index
        %get3A_202 = arith.constant 96 : index
        %get3A_203 = tpu.vector_load %arg9[%get3A_201, %get3A_202] {strides = array<i32>} : memref<128x128xf32, #tpu.memory_space<vmem>>, vector<1x16xf32>,
        %get3A_204 = vector.shape_cast %get3A_203 : vector<1x16xf32> to vector<16xf32>
        %add3A_205 = arith.addf %get3A_200, %get3A_204 : vector<16xf32>
        %max3A_206 = arith.constant 0.000000e+00 : f32
        %max3A_207 = vector.broadcast %max3A_206 : f32 to vector<16xf32>
        %max3A_208 = arith.maximumf %add3A_205, %max3A_207 : vector<16xf32>
        %swap3A_209 = arith.index_cast %scan3A_96 : i32 to index
        %swap3A_210 = arith.constant 96 : index
        %swap3A_211 = tpu.vector_load %arg10[%swap3A_209, %swap3A_210] {strides = array<i32>} : memref<128x128xf32, #tpu.memory_space<vmem>>, vector<1x16xf32>,
        %swap3A_212 = vector.shape_cast %swap3A_211 : vector<1x16xf32> to vector<16xf32>
        %swap3A_213 = vector.shape_cast %max3A_208 : vector<16xf32> to vector<1x16xf32>
        tpu.vector_store %arg10[%swap3A_209, %swap3A_210], %swap3A_213 {strides = array<i32>} : memref<128x128xf32, #tpu.memory_space<vmem>>, vector<1x16xf32>,
        %get3A_214 = arith.index_cast %scan3A_96 : i32 to index
        %get3A_215 = arith.constant 112 : index
        %get3A_216 = tpu.vector_load %arg10[%get3A_214, %get3A_215] {strides = array<i32>} : memref<128x128xf32, #tpu.memory_space<vmem>>, vector<1x16xf32>,
        %get3A_217 = vector.shape_cast %get3A_216 : vector<1x16xf32> to vector<16xf32>
        %get3A_218 = arith.index_cast %scan3A_96 : i32 to index
        %get3A_219 = arith.constant 112 : index
        %get3A_220 = tpu.vector_load %arg9[%get3A_218, %get3A_219] {strides = array<i32>} : memref<128x128xf32, #tpu.memory_space<vmem>>, vector<1x16xf32>,
        %get3A_221 = vector.shape_cast %get3A_220 : vector<1x16xf32> to vector<16xf32>
        %add3A_222 = arith.addf %get3A_217, %get3A_221 : vector<16xf32>
        %max3A_223 = arith.constant 0.000000e+00 : f32
        %max3A_224 = vector.broadcast %max3A_223 : f32 to vector<16xf32>
        %max3A_225 = arith.maximumf %add3A_222, %max3A_224 : vector<16xf32>
        %swap3A_226 = arith.index_cast %scan3A_96 : i32 to index
        %swap3A_227 = arith.constant 112 : index
        %swap3A_228 = tpu.vector_load %arg10[%swap3A_226, %swap3A_227] {strides = array<i32>} : memref<128x128xf32, #tpu.memory_space<vmem>>, vector<1x16xf32>,
        %swap3A_229 = vector.shape_cast %swap3A_228 : vector<1x16xf32> to vector<16xf32>
        %swap3A_230 = vector.shape_cast %max3A_225 : vector<16xf32> to vector<1x16xf32>
        tpu.vector_store %arg10[%swap3A_226, %swap3A_227], %swap3A_230 {strides = array<i32>} : memref<128x128xf32, #tpu.memory_space<vmem>>, vector<1x16xf32>,
        %scan3A_231 = arith.constant 0 : i32
        scf.yield %scan3A_231 : i32
      }
      %scan3A_94 = arith.constant 128 : i32
      %run_scoped3A = arith.constant 0 : i32
      "tpu.region"() ({
        %run_scoped3A_96 = tpu.sem_alloc : memref<!tpu.dma_semaphore, #tpu.memory_space<semaphore_mem>>
        %dma_start3A_97 = arith.constant 0 : i32
        %dma_start3A_98 = tpu.memref_slice %arg8[%run_scoped3A, %dma_start3A_97] : memref<1x128xi32, #tpu.memory_space<vmem>> -> memref<1x128xi32, #tpu.memory_space<vmem>>
        %dma_start3A_99 = tpu.memref_squeeze %dma_start3A_98 : memref<1x128xi32, #tpu.memory_space<vmem>> -> memref<128xi32, #tpu.memory_space<vmem>>
        %dma_start3A_100 = arith.constant 0 : i32
        %dma_start3A_101 = arith.constant 0 : i32
        %dma_start3A_102 = tpu.memref_slice %arg11[%dma_start3A_100, %dma_start3A_101] : memref<10000x128xf32, #tpu.memory_space<vmem_shared>> -> memref<10000x128xf32, #tpu.memory_space<vmem_shared>>
        tpu.enqueue_indirect_dma source(%arg10 : memref<128x128xf32, #tpu.memory_space<vmem>>) target(%dma_start3A_102 : memref<10000x128xf32, #tpu.memory_space<vmem_shared>>) offsets(%dma_start3A_99 : memref<128xi32, #tpu.memory_space<vmem>>) semaphore(%run_scoped3A_96 : memref<!tpu.dma_semaphore, #tpu.memory_space<semaphore_mem>>) {add = true}
        %dma_wait3A_103 = arith.constant 0 : i32
        %dma_wait3A_104 = tpu.memref_slice %arg8[%run_scoped3A, %dma_wait3A_103] : memref<1x128xi32, #tpu.memory_space<vmem>> -> memref<1x128xi32, #tpu.memory_space<vmem>>
        %dma_wait3A_105 = tpu.memref_squeeze %dma_wait3A_104 : memref<1x128xi32, #tpu.memory_space<vmem>> -> memref<128xi32, #tpu.memory_space<vmem>>
        %dma_wait3A_106 = arith.constant 0 : i32
        %dma_wait3A_107 = arith.constant 0 : i32
        %dma_wait3A_108 = tpu.memref_slice %arg11[%dma_wait3A_106, %dma_wait3A_107] : memref<10000x128xf32, #tpu.memory_space<vmem_shared>> -> memref<10000x128xf32, #tpu.memory_space<vmem_shared>>
        tpu.wait_indirect_dma semaphore(%run_scoped3A_96 : memref<!tpu.dma_semaphore, #tpu.memory_space<semaphore_mem>>) src(%arg10 : memref<128x128xf32, #tpu.memory_space<vmem>>) dst(%dma_wait3A_108 : memref<10000x128xf32, #tpu.memory_space<vmem_shared>>)
        tpu.yield
      }) : () -> ()
      %while3A_95 = arith.constant 0 : i32
      scf.yield %while3A_95 : i32
    }
    %while3A_18 = arith.constant 1 : i32
    %while3A_19 = scf.for %while3A_26 = %while3A_15 to %while3A_11 step %while3A_18 iter_args(%while3A_27 = %while3A_17) -> (i32)  : i32 {
      %mul3A_28 = arith.constant 9984 : i32
      %mul3A_29 = arith.muli %add3A, %mul3A_28 : i32
      %mul3A_30 = arith.constant 128 : i32
      %mul3A_31 = arith.muli %while3A_26, %mul3A_30 : i32
      %add3A_32 = arith.addi %mul3A_29, %mul3A_31 : i32
      %dma_start3A = arith.constant 0 : i32
      %dma_start3A_33 = arith.constant 0 : i32
      %dma_start3A_34 = tpu.memref_slice %arg7[%dma_start3A, %dma_start3A_33] : memref<1x128xi32, #tpu.memory_space<vmem>> -> memref<1x128xi32, #tpu.memory_space<vmem>>
      %dma_start3A_35 = tpu.memref_squeeze %dma_start3A_34 : memref<1x128xi32, #tpu.memory_space<vmem>> -> memref<128xi32, #tpu.memory_space<vmem>>
      %dma_start3A_36 = tpu.memref_slice %arg4[%add3A_32] : memref<320000xi32, #tpu.memory_space<hbm>> -> memref<128xi32, #tpu.memory_space<hbm>>
      %dma_start3A_37 = arith.constant 0 : i32
      %dma_start3A_38 = tpu.memref_slice %arg7[%dma_start3A, %dma_start3A_37] : memref<1x128xi32, #tpu.memory_space<vmem>> -> memref<1x128xi32, #tpu.memory_space<vmem>>
      %dma_start3A_39 = tpu.memref_squeeze %dma_start3A_38 : memref<1x128xi32, #tpu.memory_space<vmem>> -> memref<128xi32, #tpu.memory_space<vmem>>
      %dma_start3A_40 = tpu.memref_slice %arg4[%add3A_32] : memref<320000xi32, #tpu.memory_space<hbm>> -> memref<128xi32, #tpu.memory_space<hbm>>
      tpu.enqueue_dma source(%dma_start3A_40 : memref<128xi32, #tpu.memory_space<hbm>>) target(%dma_start3A_39 : memref<128xi32, #tpu.memory_space<vmem>>) target_semaphore(%arg14 : memref<!tpu.dma_semaphore, #tpu.memory_space<semaphore_mem>>)
      %dma_start3A_41 = arith.constant 0 : i32
      %dma_start3A_42 = arith.constant 0 : i32
      %dma_start3A_43 = tpu.memref_slice %arg8[%dma_start3A_41, %dma_start3A_42] : memref<1x128xi32, #tpu.memory_space<vmem>> -> memref<1x128xi32, #tpu.memory_space<vmem>>
      %dma_start3A_44 = tpu.memref_squeeze %dma_start3A_43 : memref<1x128xi32, #tpu.memory_space<vmem>> -> memref<128xi32, #tpu.memory_space<vmem>>
      %dma_start3A_45 = tpu.memref_slice %arg5[%add3A_32] : memref<320000xi32, #tpu.memory_space<hbm>> -> memref<128xi32, #tpu.memory_space<hbm>>
      %dma_start3A_46 = arith.constant 0 : i32
      %dma_start3A_47 = tpu.memref_slice %arg8[%dma_start3A_41, %dma_start3A_46] : memref<1x128xi32, #tpu.memory_space<vmem>> -> memref<1x128xi32, #tpu.memory_space<vmem>>
      %dma_start3A_48 = tpu.memref_squeeze %dma_start3A_47 : memref<1x128xi32, #tpu.memory_space<vmem>> -> memref<128xi32, #tpu.memory_space<vmem>>
      %dma_start3A_49 = tpu.memref_slice %arg5[%add3A_32] : memref<320000xi32, #tpu.memory_space<hbm>> -> memref<128xi32, #tpu.memory_space<hbm>>
      tpu.enqueue_dma source(%dma_start3A_49 : memref<128xi32, #tpu.memory_space<hbm>>) target(%dma_start3A_48 : memref<128xi32, #tpu.memory_space<vmem>>) target_semaphore(%arg14 : memref<!tpu.dma_semaphore, #tpu.memory_space<semaphore_mem>>)
      %dma_start3A_50 = arith.constant 0 : i32
      %dma_start3A_51 = tpu.memref_slice %arg3[%add3A_32, %dma_start3A_50] : memref<320000x128xf32, #tpu.memory_space<hbm>> -> memref<128x128xf32, #tpu.memory_space<hbm>>
      %dma_start3A_52 = arith.constant 0 : i32
      %dma_start3A_53 = tpu.memref_slice %arg3[%add3A_32, %dma_start3A_52] : memref<320000x128xf32, #tpu.memory_space<hbm>> -> memref<128x128xf32, #tpu.memory_space<hbm>>
      tpu.enqueue_dma source(%dma_start3A_53 : memref<128x128xf32, #tpu.memory_space<hbm>>) target(%arg10 : memref<128x128xf32, #tpu.memory_space<vmem>>) target_semaphore(%arg13 : memref<!tpu.dma_semaphore, #tpu.memory_space<semaphore_mem>>)
      %dma_wait3A = arith.constant 0 : i32
      %dma_wait3A_54 = arith.constant 0 : i32
      %dma_wait3A_55 = tpu.memref_slice %arg7[%dma_wait3A, %dma_wait3A_54] : memref<1x128xi32, #tpu.memory_space<vmem>> -> memref<1x128xi32, #tpu.memory_space<vmem>>
      %dma_wait3A_56 = tpu.memref_squeeze %dma_wait3A_55 : memref<1x128xi32, #tpu.memory_space<vmem>> -> memref<128xi32, #tpu.memory_space<vmem>>
      %dma_wait3A_57 = tpu.memref_slice %arg4[%add3A_32] : memref<320000xi32, #tpu.memory_space<hbm>> -> memref<128xi32, #tpu.memory_space<hbm>>
      %dma_wait3A_58 = arith.constant 0 : i32
      %dma_wait3A_59 = tpu.memref_slice %arg7[%dma_wait3A, %dma_wait3A_58] : memref<1x128xi32, #tpu.memory_space<vmem>> -> memref<1x128xi32, #tpu.memory_space<vmem>>
      %dma_wait3A_60 = tpu.memref_squeeze %dma_wait3A_59 : memref<1x128xi32, #tpu.memory_space<vmem>> -> memref<128xi32, #tpu.memory_space<vmem>>
      %dma_wait3A_61 = tpu.memref_slice %arg4[%add3A_32] : memref<320000xi32, #tpu.memory_space<hbm>> -> memref<128xi32, #tpu.memory_space<hbm>>
      tpu.wait_dma2 semaphore(%arg14 : memref<!tpu.dma_semaphore, #tpu.memory_space<semaphore_mem>>) src(%dma_wait3A_61 : memref<128xi32, #tpu.memory_space<hbm>>) dst(%dma_wait3A_60 : memref<128xi32, #tpu.memory_space<vmem>>)
      %dma_wait3A_62 = arith.constant 0 : i32
      %dma_wait3A_63 = arith.constant 0 : i32
      %dma_wait3A_64 = tpu.memref_slice %arg8[%dma_wait3A_62, %dma_wait3A_63] : memref<1x128xi32, #tpu.memory_space<vmem>> -> memref<1x128xi32, #tpu.memory_space<vmem>>
      %dma_wait3A_65 = tpu.memref_squeeze %dma_wait3A_64 : memref<1x128xi32, #tpu.memory_space<vmem>> -> memref<128xi32, #tpu.memory_space<vmem>>
      %dma_wait3A_66 = tpu.memref_slice %arg5[%add3A_32] : memref<320000xi32, #tpu.memory_space<hbm>> -> memref<128xi32, #tpu.memory_space<hbm>>
      %dma_wait3A_67 = arith.constant 0 : i32
      %dma_wait3A_68 = tpu.memref_slice %arg8[%dma_wait3A_62, %dma_wait3A_67] : memref<1x128xi32, #tpu.memory_space<vmem>> -> memref<1x128xi32, #tpu.memory_space<vmem>>
      %dma_wait3A_69 = tpu.memref_squeeze %dma_wait3A_68 : memref<1x128xi32, #tpu.memory_space<vmem>> -> memref<128xi32, #tpu.memory_space<vmem>>
      %dma_wait3A_70 = tpu.memref_slice %arg5[%add3A_32] : memref<320000xi32, #tpu.memory_space<hbm>> -> memref<128xi32, #tpu.memory_space<hbm>>
      tpu.wait_dma2 semaphore(%arg14 : memref<!tpu.dma_semaphore, #tpu.memory_space<semaphore_mem>>) src(%dma_wait3A_70 : memref<128xi32, #tpu.memory_space<hbm>>) dst(%dma_wait3A_69 : memref<128xi32, #tpu.memory_space<vmem>>)
      %dma_start3A_71 = arith.constant 0 : i32
      %dma_start3A_72 = arith.constant 0 : i32
      %dma_start3A_73 = tpu.memref_slice %arg7[%dma_start3A_71, %dma_start3A_72] : memref<1x128xi32, #tpu.memory_space<vmem>> -> memref<1x128xi32, #tpu.memory_space<vmem>>
      %dma_start3A_74 = tpu.memref_squeeze %dma_start3A_73 : memref<1x128xi32, #tpu.memory_space<vmem>> -> memref<128xi32, #tpu.memory_space<vmem>>
      %dma_start3A_75 = arith.constant 0 : i32
      %dma_start3A_76 = arith.constant 0 : i32
      %dma_start3A_77 = tpu.memref_slice %arg2[%dma_start3A_75, %dma_start3A_76] : memref<10000x128xf32, #tpu.memory_space<hbm>> -> memref<10000x128xf32, #tpu.memory_space<hbm>>
      tpu.enqueue_indirect_dma source(%dma_start3A_77 : memref<10000x128xf32, #tpu.memory_space<hbm>>) target(%arg9 : memref<128x128xf32, #tpu.memory_space<vmem>>) offsets(%dma_start3A_74 : memref<128xi32, #tpu.memory_space<vmem>>) semaphore(%arg12 : memref<!tpu.dma_semaphore, #tpu.memory_space<semaphore_mem>>)
      %dma_wait3A_78 = arith.constant 0 : i32
      %dma_wait3A_79 = tpu.memref_slice %arg3[%add3A_32, %dma_wait3A_78] : memref<320000x128xf32, #tpu.memory_space<hbm>> -> memref<128x128xf32, #tpu.memory_space<hbm>>
      %dma_wait3A_80 = arith.constant 0 : i32
      %dma_wait3A_81 = tpu.memref_slice %arg3[%add3A_32, %dma_wait3A_80] : memref<320000x128xf32, #tpu.memory_space<hbm>> -> memref<128x128xf32, #tpu.memory_space<hbm>>
      tpu.wait_dma2 semaphore(%arg13 : memref<!tpu.dma_semaphore, #tpu.memory_space<semaphore_mem>>) src(%dma_wait3A_81 : memref<128x128xf32, #tpu.memory_space<hbm>>) dst(%arg10 : memref<128x128xf32, #tpu.memory_space<vmem>>)
      %dma_wait3A_82 = arith.constant 0 : i32
      %dma_wait3A_83 = arith.constant 0 : i32
      %dma_wait3A_84 = tpu.memref_slice %arg7[%dma_wait3A_82, %dma_wait3A_83] : memref<1x128xi32, #tpu.memory_space<vmem>> -> memref<1x128xi32, #tpu.memory_space<vmem>>
      %dma_wait3A_85 = tpu.memref_squeeze %dma_wait3A_84 : memref<1x128xi32, #tpu.memory_space<vmem>> -> memref<128xi32, #tpu.memory_space<vmem>>
      %dma_wait3A_86 = arith.constant 0 : i32
      %dma_wait3A_87 = arith.constant 0 : i32
      %dma_wait3A_88 = tpu.memref_slice %arg2[%dma_wait3A_86, %dma_wait3A_87] : memref<10000x128xf32, #tpu.memory_space<hbm>> -> memref<10000x128xf32, #tpu.memory_space<hbm>>
      tpu.wait_indirect_dma semaphore(%arg12 : memref<!tpu.dma_semaphore, #tpu.memory_space<semaphore_mem>>) src(%dma_wait3A_88 : memref<10000x128xf32, #tpu.memory_space<hbm>>) dst(%arg9 : memref<128x128xf32, #tpu.memory_space<vmem>>)
      %scan3A = arith.constant 0 : i32
      %scan3A_89 = arith.constant 0 : i32
      %scan3A_90 = arith.constant 128 : i32
      %scan3A_91 = arith.addi %scan3A_89, %scan3A_90 : i32
      %scan3A_92 = arith.constant 1 : i32
      %scan3A_93 = scf.for %scan3A_96 = %scan3A_89 to %scan3A_91 step %scan3A_92 iter_args(%scan3A_97 = %scan3A) -> (i32)  : i32 {
        %get3A = arith.index_cast %scan3A_96 : i32 to index
        %get3A_98 = arith.constant 0 : index
        %get3A_99 = tpu.vector_load %arg10[%get3A, %get3A_98] {strides = array<i32>} : memref<128x128xf32, #tpu.memory_space<vmem>>, vector<1x16xf32>,
        %get3A_100 = vector.shape_cast %get3A_99 : vector<1x16xf32> to vector<16xf32>
        %get3A_101 = arith.index_cast %scan3A_96 : i32 to index
        %get3A_102 = arith.constant 0 : index
        %get3A_103 = tpu.vector_load %arg9[%get3A_101, %get3A_102] {strides = array<i32>} : memref<128x128xf32, #tpu.memory_space<vmem>>, vector<1x16xf32>,
        %get3A_104 = vector.shape_cast %get3A_103 : vector<1x16xf32> to vector<16xf32>
        %add3A_105 = arith.addf %get3A_100, %get3A_104 : vector<16xf32>
        %max3A = arith.constant 0.000000e+00 : f32
        %max3A_106 = vector.broadcast %max3A : f32 to vector<16xf32>
        %max3A_107 = arith.maximumf %add3A_105, %max3A_106 : vector<16xf32>
        %swap3A = arith.index_cast %scan3A_96 : i32 to index
        %swap3A_108 = arith.constant 0 : index
        %swap3A_109 = tpu.vector_load %arg10[%swap3A, %swap3A_108] {strides = array<i32>} : memref<128x128xf32, #tpu.memory_space<vmem>>, vector<1x16xf32>,
        %swap3A_110 = vector.shape_cast %swap3A_109 : vector<1x16xf32> to vector<16xf32>
        %swap3A_111 = vector.shape_cast %max3A_107 : vector<16xf32> to vector<1x16xf32>
        tpu.vector_store %arg10[%swap3A, %swap3A_108], %swap3A_111 {strides = array<i32>} : memref<128x128xf32, #tpu.memory_space<vmem>>, vector<1x16xf32>,
        %get3A_112 = arith.index_cast %scan3A_96 : i32 to index
        %get3A_113 = arith.constant 16 : index
        %get3A_114 = tpu.vector_load %arg10[%get3A_112, %get3A_113] {strides = array<i32>} : memref<128x128xf32, #tpu.memory_space<vmem>>, vector<1x16xf32>,
        %get3A_115 = vector.shape_cast %get3A_114 : vector<1x16xf32> to vector<16xf32>
        %get3A_116 = arith.index_cast %scan3A_96 : i32 to index
        %get3A_117 = arith.constant 16 : index
        %get3A_118 = tpu.vector_load %arg9[%get3A_116, %get3A_117] {strides = array<i32>} : memref<128x128xf32, #tpu.memory_space<vmem>>, vector<1x16xf32>,
        %get3A_119 = vector.shape_cast %get3A_118 : vector<1x16xf32> to vector<16xf32>
        %add3A_120 = arith.addf %get3A_115, %get3A_119 : vector<16xf32>
        %max3A_121 = arith.constant 0.000000e+00 : f32
        %max3A_122 = vector.broadcast %max3A_121 : f32 to vector<16xf32>
        %max3A_123 = arith.maximumf %add3A_120, %max3A_122 : vector<16xf32>
        %swap3A_124 = arith.index_cast %scan3A_96 : i32 to index
        %swap3A_125 = arith.constant 16 : index
        %swap3A_126 = tpu.vector_load %arg10[%swap3A_124, %swap3A_125] {strides = array<i32>} : memref<128x128xf32, #tpu.memory_space<vmem>>, vector<1x16xf32>,
        %swap3A_127 = vector.shape_cast %swap3A_126 : vector<1x16xf32> to vector<16xf32>
        %swap3A_128 = vector.shape_cast %max3A_123 : vector<16xf32> to vector<1x16xf32>
        tpu.vector_store %arg10[%swap3A_124, %swap3A_125], %swap3A_128 {strides = array<i32>} : memref<128x128xf32, #tpu.memory_space<vmem>>, vector<1x16xf32>,
        %get3A_129 = arith.index_cast %scan3A_96 : i32 to index
        %get3A_130 = arith.constant 32 : index
        %get3A_131 = tpu.vector_load %arg10[%get3A_129, %get3A_130] {strides = array<i32>} : memref<128x128xf32, #tpu.memory_space<vmem>>, vector<1x16xf32>,
        %get3A_132 = vector.shape_cast %get3A_131 : vector<1x16xf32> to vector<16xf32>
        %get3A_133 = arith.index_cast %scan3A_96 : i32 to index
        %get3A_134 = arith.constant 32 : index
        %get3A_135 = tpu.vector_load %arg9[%get3A_133, %get3A_134] {strides = array<i32>} : memref<128x128xf32, #tpu.memory_space<vmem>>, vector<1x16xf32>,
        %get3A_136 = vector.shape_cast %get3A_135 : vector<1x16xf32> to vector<16xf32>
        %add3A_137 = arith.addf %get3A_132, %get3A_136 : vector<16xf32>
        %max3A_138 = arith.constant 0.000000e+00 : f32
        %max3A_139 = vector.broadcast %max3A_138 : f32 to vector<16xf32>
        %max3A_140 = arith.maximumf %add3A_137, %max3A_139 : vector<16xf32>
        %swap3A_141 = arith.index_cast %scan3A_96 : i32 to index
        %swap3A_142 = arith.constant 32 : index
        %swap3A_143 = tpu.vector_load %arg10[%swap3A_141, %swap3A_142] {strides = array<i32>} : memref<128x128xf32, #tpu.memory_space<vmem>>, vector<1x16xf32>,
        %swap3A_144 = vector.shape_cast %swap3A_143 : vector<1x16xf32> to vector<16xf32>
        %swap3A_145 = vector.shape_cast %max3A_140 : vector<16xf32> to vector<1x16xf32>
        tpu.vector_store %arg10[%swap3A_141, %swap3A_142], %swap3A_145 {strides = array<i32>} : memref<128x128xf32, #tpu.memory_space<vmem>>, vector<1x16xf32>,
        %get3A_146 = arith.index_cast %scan3A_96 : i32 to index
        %get3A_147 = arith.constant 48 : index
        %get3A_148 = tpu.vector_load %arg10[%get3A_146, %get3A_147] {strides = array<i32>} : memref<128x128xf32, #tpu.memory_space<vmem>>, vector<1x16xf32>,
        %get3A_149 = vector.shape_cast %get3A_148 : vector<1x16xf32> to vector<16xf32>
        %get3A_150 = arith.index_cast %scan3A_96 : i32 to index
        %get3A_151 = arith.constant 48 : index
        %get3A_152 = tpu.vector_load %arg9[%get3A_150, %get3A_151] {strides = array<i32>} : memref<128x128xf32, #tpu.memory_space<vmem>>, vector<1x16xf32>,
        %get3A_153 = vector.shape_cast %get3A_152 : vector<1x16xf32> to vector<16xf32>
        %add3A_154 = arith.addf %get3A_149, %get3A_153 : vector<16xf32>
        %max3A_155 = arith.constant 0.000000e+00 : f32
        %max3A_156 = vector.broadcast %max3A_155 : f32 to vector<16xf32>
        %max3A_157 = arith.maximumf %add3A_154, %max3A_156 : vector<16xf32>
        %swap3A_158 = arith.index_cast %scan3A_96 : i32 to index
        %swap3A_159 = arith.constant 48 : index
        %swap3A_160 = tpu.vector_load %arg10[%swap3A_158, %swap3A_159] {strides = array<i32>} : memref<128x128xf32, #tpu.memory_space<vmem>>, vector<1x16xf32>,
        %swap3A_161 = vector.shape_cast %swap3A_160 : vector<1x16xf32> to vector<16xf32>
        %swap3A_162 = vector.shape_cast %max3A_157 : vector<16xf32> to vector<1x16xf32>
        tpu.vector_store %arg10[%swap3A_158, %swap3A_159], %swap3A_162 {strides = array<i32>} : memref<128x128xf32, #tpu.memory_space<vmem>>, vector<1x16xf32>,
        %get3A_163 = arith.index_cast %scan3A_96 : i32 to index
        %get3A_164 = arith.constant 64 : index
        %get3A_165 = tpu.vector_load %arg10[%get3A_163, %get3A_164] {strides = array<i32>} : memref<128x128xf32, #tpu.memory_space<vmem>>, vector<1x16xf32>,
        %get3A_166 = vector.shape_cast %get3A_165 : vector<1x16xf32> to vector<16xf32>
        %get3A_167 = arith.index_cast %scan3A_96 : i32 to index
        %get3A_168 = arith.constant 64 : index
        %get3A_169 = tpu.vector_load %arg9[%get3A_167, %get3A_168] {strides = array<i32>} : memref<128x128xf32, #tpu.memory_space<vmem>>, vector<1x16xf32>,
        %get3A_170 = vector.shape_cast %get3A_169 : vector<1x16xf32> to vector<16xf32>
        %add3A_171 = arith.addf %get3A_166, %get3A_170 : vector<16xf32>
        %max3A_172 = arith.constant 0.000000e+00 : f32
        %max3A_173 = vector.broadcast %max3A_172 : f32 to vector<16xf32>
        %max3A_174 = arith.maximumf %add3A_171, %max3A_173 : vector<16xf32>
        %swap3A_175 = arith.index_cast %scan3A_96 : i32 to index
        %swap3A_176 = arith.constant 64 : index
        %swap3A_177 = tpu.vector_load %arg10[%swap3A_175, %swap3A_176] {strides = array<i32>} : memref<128x128xf32, #tpu.memory_space<vmem>>, vector<1x16xf32>,
        %swap3A_178 = vector.shape_cast %swap3A_177 : vector<1x16xf32> to vector<16xf32>
        %swap3A_179 = vector.shape_cast %max3A_174 : vector<16xf32> to vector<1x16xf32>
        tpu.vector_store %arg10[%swap3A_175, %swap3A_176], %swap3A_179 {strides = array<i32>} : memref<128x128xf32, #tpu.memory_space<vmem>>, vector<1x16xf32>,
        %get3A_180 = arith.index_cast %scan3A_96 : i32 to index
        %get3A_181 = arith.constant 80 : index
        %get3A_182 = tpu.vector_load %arg10[%get3A_180, %get3A_181] {strides = array<i32>} : memref<128x128xf32, #tpu.memory_space<vmem>>, vector<1x16xf32>,
        %get3A_183 = vector.shape_cast %get3A_182 : vector<1x16xf32> to vector<16xf32>
        %get3A_184 = arith.index_cast %scan3A_96 : i32 to index
        %get3A_185 = arith.constant 80 : index
        %get3A_186 = tpu.vector_load %arg9[%get3A_184, %get3A_185] {strides = array<i32>} : memref<128x128xf32, #tpu.memory_space<vmem>>, vector<1x16xf32>,
        %get3A_187 = vector.shape_cast %get3A_186 : vector<1x16xf32> to vector<16xf32>
        %add3A_188 = arith.addf %get3A_183, %get3A_187 : vector<16xf32>
        %max3A_189 = arith.constant 0.000000e+00 : f32
        %max3A_190 = vector.broadcast %max3A_189 : f32 to vector<16xf32>
        %max3A_191 = arith.maximumf %add3A_188, %max3A_190 : vector<16xf32>
        %swap3A_192 = arith.index_cast %scan3A_96 : i32 to index
        %swap3A_193 = arith.constant 80 : index
        %swap3A_194 = tpu.vector_load %arg10[%swap3A_192, %swap3A_193] {strides = array<i32>} : memref<128x128xf32, #tpu.memory_space<vmem>>, vector<1x16xf32>,
        %swap3A_195 = vector.shape_cast %swap3A_194 : vector<1x16xf32> to vector<16xf32>
        %swap3A_196 = vector.shape_cast %max3A_191 : vector<16xf32> to vector<1x16xf32>
        tpu.vector_store %arg10[%swap3A_192, %swap3A_193], %swap3A_196 {strides = array<i32>} : memref<128x128xf32, #tpu.memory_space<vmem>>, vector<1x16xf32>,
        %get3A_197 = arith.index_cast %scan3A_96 : i32 to index
        %get3A_198 = arith.constant 96 : index
        %get3A_199 = tpu.vector_load %arg10[%get3A_197, %get3A_198] {strides = array<i32>} : memref<128x128xf32, #tpu.memory_space<vmem>>, vector<1x16xf32>,
        %get3A_200 = vector.shape_cast %get3A_199 : vector<1x16xf32> to vector<16xf32>
        %get3A_201 = arith.index_cast %scan3A_96 : i32 to index
        %get3A_202 = arith.constant 96 : index
        %get3A_203 = tpu.vector_load %arg9[%get3A_201, %get3A_202] {strides = array<i32>} : memref<128x128xf32, #tpu.memory_space<vmem>>, vector<1x16xf32>,
        %get3A_204 = vector.shape_cast %get3A_203 : vector<1x16xf32> to vector<16xf32>
        %add3A_205 = arith.addf %get3A_200, %get3A_204 : vector<16xf32>
        %max3A_206 = arith.constant 0.000000e+00 : f32
        %max3A_207 = vector.broadcast %max3A_206 : f32 to vector<16xf32>
        %max3A_208 = arith.maximumf %add3A_205, %max3A_207 : vector<16xf32>
        %swap3A_209 = arith.index_cast %scan3A_96 : i32 to index
        %swap3A_210 = arith.constant 96 : index
        %swap3A_211 = tpu.vector_load %arg10[%swap3A_209, %swap3A_210] {strides = array<i32>} : memref<128x128xf32, #tpu.memory_space<vmem>>, vector<1x16xf32>,
        %swap3A_212 = vector.shape_cast %swap3A_211 : vector<1x16xf32> to vector<16xf32>
        %swap3A_213 = vector.shape_cast %max3A_208 : vector<16xf32> to vector<1x16xf32>
        tpu.vector_store %arg10[%swap3A_209, %swap3A_210], %swap3A_213 {strides = array<i32>} : memref<128x128xf32, #tpu.memory_space<vmem>>, vector<1x16xf32>,
        %get3A_214 = arith.index_cast %scan3A_96 : i32 to index
        %get3A_215 = arith.constant 112 : index
        %get3A_216 = tpu.vector_load %arg10[%get3A_214, %get3A_215] {strides = array<i32>} : memref<128x128xf32, #tpu.memory_space<vmem>>, vector<1x16xf32>,
        %get3A_217 = vector.shape_cast %get3A_216 : vector<1x16xf32> to vector<16xf32>
        %get3A_218 = arith.index_cast %scan3A_96 : i32 to index
        %get3A_219 = arith.constant 112 : index
        %get3A_220 = tpu.vector_load %arg9[%get3A_218, %get3A_219] {strides = array<i32>} : memref<128x128xf32, #tpu.memory_space<vmem>>, vector<1x16xf32>,
        %get3A_221 = vector.shape_cast %get3A_220 : vector<1x16xf32> to vector<16xf32>
        %add3A_222 = arith.addf %get3A_217, %get3A_221 : vector<16xf32>
        %max3A_223 = arith.constant 0.000000e+00 : f32
        %max3A_224 = vector.broadcast %max3A_223 : f32 to vector<16xf32>
        %max3A_225 = arith.maximumf %add3A_222, %max3A_224 : vector<16xf32>
        %swap3A_226 = arith.index_cast %scan3A_96 : i32 to index
        %swap3A_227 = arith.constant 112 : index
        %swap3A_228 = tpu.vector_load %arg10[%swap3A_226, %swap3A_227] {strides = array<i32>} : memref<128x128xf32, #tpu.memory_space<vmem>>, vector<1x16xf32>,
        %swap3A_229 = vector.shape_cast %swap3A_228 : vector<1x16xf32> to vector<16xf32>
        %swap3A_230 = vector.shape_cast %max3A_225 : vector<16xf32> to vector<1x16xf32>
        tpu.vector_store %arg10[%swap3A_226, %swap3A_227], %swap3A_230 {strides = array<i32>} : memref<128x128xf32, #tpu.memory_space<vmem>>, vector<1x16xf32>,
        %scan3A_231 = arith.constant 0 : i32
        scf.yield %scan3A_231 : i32
      }
      %scan3A_94 = arith.constant 128 : i32
      %run_scoped3A = arith.constant 0 : i32
      "tpu.region"() ({
        %run_scoped3A_96 = tpu.sem_alloc : memref<!tpu.dma_semaphore, #tpu.memory_space<semaphore_mem>>
        %dma_start3A_97 = arith.constant 0 : i32
        %dma_start3A_98 = tpu.memref_slice %arg8[%run_scoped3A, %dma_start3A_97] : memref<1x128xi32, #tpu.memory_space<vmem>> -> memref<1x128xi32, #tpu.memory_space<vmem>>
        %dma_start3A_99 = tpu.memref_squeeze %dma_start3A_98 : memref<1x128xi32, #tpu.memory_space<vmem>> -> memref<128xi32, #tpu.memory_space<vmem>>
        %dma_start3A_100 = arith.constant 0 : i32
        %dma_start3A_101 = arith.constant 0 : i32
        %dma_start3A_102 = tpu.memref_slice %arg11[%dma_start3A_100, %dma_start3A_101] : memref<10000x128xf32, #tpu.memory_space<vmem_shared>> -> memref<10000x128xf32, #tpu.memory_space<vmem_shared>>
        tpu.enqueue_indirect_dma source(%arg10 : memref<128x128xf32, #tpu.memory_space<vmem>>) target(%dma_start3A_102 : memref<10000x128xf32, #tpu.memory_space<vmem_shared>>) offsets(%dma_start3A_99 : memref<128xi32, #tpu.memory_space<vmem>>) semaphore(%run_scoped3A_96 : memref<!tpu.dma_semaphore, #tpu.memory_space<semaphore_mem>>) {add = true}
        %dma_wait3A_103 = arith.constant 0 : i32
        %dma_wait3A_104 = tpu.memref_slice %arg8[%run_scoped3A, %dma_wait3A_103] : memref<1x128xi32, #tpu.memory_space<vmem>> -> memref<1x128xi32, #tpu.memory_space<vmem>>
        %dma_wait3A_105 = tpu.memref_squeeze %dma_wait3A_104 : memref<1x128xi32, #tpu.memory_space<vmem>> -> memref<128xi32, #tpu.memory_space<vmem>>
        %dma_wait3A_106 = arith.constant 0 : i32
        %dma_wait3A_107 = arith.constant 0 : i32
        %dma_wait3A_108 = tpu.memref_slice %arg11[%dma_wait3A_106, %dma_wait3A_107] : memref<10000x128xf32, #tpu.memory_space<vmem_shared>> -> memref<10000x128xf32, #tpu.memory_space<vmem_shared>>
        tpu.wait_indirect_dma semaphore(%run_scoped3A_96 : memref<!tpu.dma_semaphore, #tpu.memory_space<semaphore_mem>>) src(%arg10 : memref<128x128xf32, #tpu.memory_space<vmem>>) dst(%dma_wait3A_108 : memref<10000x128xf32, #tpu.memory_space<vmem_shared>>)
        tpu.yield
      }) : () -> ()
      %while3A_95 = arith.constant 0 : i32
      scf.yield %while3A_95 : i32
    }
    %barrier3A_20 = arith.constant 0 : index
    tpu.barrier barrier_id(%barrier3A_20)
    %lt3A_21 = arith.constant 5 : i32
    %lt3A_22 = arith.cmpi slt, %arg1, %lt3A_21 : i32
    %convert_element_type3A_23 = arith.extui %lt3A_22 : i1 to i32
    %cond3A_24 = arith.constant 0 : i32
    %cond3A_25 = arith.cmpi ne, %convert_element_type3A_23, %cond3A_24 : i32
    scf.if %cond3A_25 {
      %mul3A_26 = arith.constant 2000 : i32
      %mul3A_27 = arith.muli %arg1, %mul3A_26 : i32
      %mul3A_28 = arith.constant 10000 : i32
      %mul3A_29 = arith.muli %arg0, %mul3A_28 : i32
      %mul3A_30 = arith.constant 2000 : i32
      %mul3A_31 = arith.muli %arg1, %mul3A_30 : i32
      %add3A_32 = arith.addi %mul3A_29, %mul3A_31 : i32
      "tpu.region"() ({
        %run_scoped3A = tpu.sem_alloc : memref<!tpu.dma_semaphore, #tpu.memory_space<semaphore_mem>>
        %dma_start3A = arith.constant 0 : i32
        %dma_start3A_33 = tpu.memref_slice %arg6[%add3A_32, %dma_start3A] : memref<20000x128xf32, #tpu.memory_space<hbm>> -> memref<2000x128xf32, #tpu.memory_space<hbm>>
        %dma_start3A_34 = arith.constant 0 : i32
        %dma_start3A_35 = tpu.memref_slice %arg11[%mul3A_27, %dma_start3A_34] : memref<10000x128xf32, #tpu.memory_space<vmem_shared>> -> memref<2000x128xf32, #tpu.memory_space<vmem_shared>>
        tpu.enqueue_dma source(%dma_start3A_35 : memref<2000x128xf32, #tpu.memory_space<vmem_shared>>) target(%dma_start3A_33 : memref<2000x128xf32, #tpu.memory_space<hbm>>) target_semaphore(%run_scoped3A : memref<!tpu.dma_semaphore, #tpu.memory_space<semaphore_mem>>)
        %dma_wait3A = arith.constant 0 : i32
        %dma_wait3A_36 = tpu.memref_slice %arg6[%add3A_32, %dma_wait3A] : memref<20000x128xf32, #tpu.memory_space<hbm>> -> memref<2000x128xf32, #tpu.memory_space<hbm>>
        %dma_wait3A_37 = arith.constant 0 : i32
        %dma_wait3A_38 = tpu.memref_slice %arg11[%mul3A_27, %dma_wait3A_37] : memref<10000x128xf32, #tpu.memory_space<vmem_shared>> -> memref<2000x128xf32, #tpu.memory_space<vmem_shared>>
        tpu.wait_dma2 semaphore(%run_scoped3A : memref<!tpu.dma_semaphore, #tpu.memory_space<semaphore_mem>>) src(%dma_wait3A_38 : memref<2000x128xf32, #tpu.memory_space<vmem_shared>>) dst(%dma_wait3A_36 : memref<2000x128xf32, #tpu.memory_space<hbm>>)
        tpu.yield
      }) : () -> ()
    } else {
    }
    return
  }
}

#map = affine_map<(d0, d1) -> (0, 0)>
#map1 = affine_map<(d0, d1) -> (0)>
module attributes {stable_mosaic.version = 14 : i64} {
  func.func @k(%arg0: i32, %arg1: i32, %arg2: memref<10000x128xf32, #tpu.memory_space<hbm>>, %arg3: memref<320000x128xf32, #tpu.memory_space<hbm>>, %arg4: memref<320000xi32, #tpu.memory_space<hbm>>, %arg5: memref<320000xi32, #tpu.memory_space<hbm>>, %arg6: memref<20000x128xf32, #tpu.memory_space<hbm>>, %arg7: memref<1x128xi32, #tpu.memory_space<vmem>>, %arg8: memref<1x128xi32, #tpu.memory_space<vmem>>, %arg9: memref<128x128xf32, #tpu.memory_space<vmem>>, %arg10: memref<128x128xf32, #tpu.memory_space<vmem>>, %arg11: memref<10000x128xf32, #tpu.memory_space<vmem_shared>>, %arg12: memref<!tpu.dma_semaphore, #tpu.memory_space<semaphore_mem>>, %arg13: memref<!tpu.dma_semaphore, #tpu.memory_space<semaphore_mem>>, %arg14: memref<!tpu.dma_semaphore, #tpu.memory_space<semaphore_mem>>) attributes {dimension_semantics = [#tpu.dimension_semantics<core_parallel>, #tpu.dimension_semantics<subcore_parallel>], iteration_bounds = array<i64: 2, 16>, scalar_prefetch = 0 : i64, scratch_operands = 8 : i64, tpu.core_type = #tpu.core_type<sc_vector_subcore>, window_params = [{transform_indices = #map}, {transform_indices = #map}, {transform_indices = #map1}, {transform_indices = #map1}, {transform_indices = #map}]} {
    %mul3A = arith.constant 16 : i32
    %mul3A_0 = arith.muli %arg0, %mul3A : i32
    %add3A = arith.addi %mul3A_0, %arg1 : i32
    %lt3A = arith.constant 5 : i32
    %lt3A_1 = arith.cmpi slt, %arg1, %lt3A : i32
    %convert_element_type3A = arith.extui %lt3A_1 : i1 to i32
    %cond3A = arith.constant 0 : i32
    %cond3A_2 = arith.cmpi ne, %convert_element_type3A, %cond3A : i32
    scf.if %cond3A_2 {
      %scan3A = arith.constant 0 : i32
      %scan3A_26 = arith.constant 0 : i32
      %scan3A_27 = arith.constant 125 : i32
      %scan3A_28 = arith.addi %scan3A_26, %scan3A_27 : i32
      %scan3A_29 = arith.constant 1 : i32
      %scan3A_30 = scf.for %scan3A_96 = %scan3A_26 to %scan3A_28 step %scan3A_29 iter_args(%scan3A_97 = %scan3A) -> (i32)  : i32 {
        %broadcast_in_dim3A = arith.constant 0.000000e+00 : f32
        %broadcast_in_dim3A_98 = vector.broadcast %broadcast_in_dim3A : f32 to vector<16xf32>
        %swap3A = arith.index_cast %scan3A_96 : i32 to index
        %swap3A_99 = arith.constant 0 : index
        %swap3A_100 = tpu.vector_load %arg9[%swap3A, %swap3A_99] {strides = array<i32>} : memref<128x128xf32, #tpu.memory_space<vmem>>, vector<1x16xf32>,
        %swap3A_101 = vector.shape_cast %swap3A_100 : vector<1x16xf32> to vector<16xf32>
        %swap3A_102 = vector.shape_cast %broadcast_in_dim3A_98 : vector<16xf32> to vector<1x16xf32>
        tpu.vector_store %arg9[%swap3A, %swap3A_99], %swap3A_102 {strides = array<i32>} : memref<128x128xf32, #tpu.memory_space<vmem>>, vector<1x16xf32>,
        %broadcast_in_dim3A_103 = arith.constant 0.000000e+00 : f32
        %broadcast_in_dim3A_104 = vector.broadcast %broadcast_in_dim3A_103 : f32 to vector<16xf32>
        %swap3A_105 = arith.index_cast %scan3A_96 : i32 to index
        %swap3A_106 = arith.constant 16 : index
        %swap3A_107 = tpu.vector_load %arg9[%swap3A_105, %swap3A_106] {strides = array<i32>} : memref<128x128xf32, #tpu.memory_space<vmem>>, vector<1x16xf32>,
        %swap3A_108 = vector.shape_cast %swap3A_107 : vector<1x16xf32> to vector<16xf32>
        %swap3A_109 = vector.shape_cast %broadcast_in_dim3A_104 : vector<16xf32> to vector<1x16xf32>
        tpu.vector_store %arg9[%swap3A_105, %swap3A_106], %swap3A_109 {strides = array<i32>} : memref<128x128xf32, #tpu.memory_space<vmem>>, vector<1x16xf32>,
        %broadcast_in_dim3A_110 = arith.constant 0.000000e+00 : f32
        %broadcast_in_dim3A_111 = vector.broadcast %broadcast_in_dim3A_110 : f32 to vector<16xf32>
        %swap3A_112 = arith.index_cast %scan3A_96 : i32 to index
        %swap3A_113 = arith.constant 32 : index
        %swap3A_114 = tpu.vector_load %arg9[%swap3A_112, %swap3A_113] {strides = array<i32>} : memref<128x128xf32, #tpu.memory_space<vmem>>, vector<1x16xf32>,
        %swap3A_115 = vector.shape_cast %swap3A_114 : vector<1x16xf32> to vector<16xf32>
        %swap3A_116 = vector.shape_cast %broadcast_in_dim3A_111 : vector<16xf32> to vector<1x16xf32>
        tpu.vector_store %arg9[%swap3A_112, %swap3A_113], %swap3A_116 {strides = array<i32>} : memref<128x128xf32, #tpu.memory_space<vmem>>, vector<1x16xf32>,
        %broadcast_in_dim3A_117 = arith.constant 0.000000e+00 : f32
        %broadcast_in_dim3A_118 = vector.broadcast %broadcast_in_dim3A_117 : f32 to vector<16xf32>
        %swap3A_119 = arith.index_cast %scan3A_96 : i32 to index
        %swap3A_120 = arith.constant 48 : index
        %swap3A_121 = tpu.vector_load %arg9[%swap3A_119, %swap3A_120] {strides = array<i32>} : memref<128x128xf32, #tpu.memory_space<vmem>>, vector<1x16xf32>,
        %swap3A_122 = vector.shape_cast %swap3A_121 : vector<1x16xf32> to vector<16xf32>
        %swap3A_123 = vector.shape_cast %broadcast_in_dim3A_118 : vector<16xf32> to vector<1x16xf32>
        tpu.vector_store %arg9[%swap3A_119, %swap3A_120], %swap3A_123 {strides = array<i32>} : memref<128x128xf32, #tpu.memory_space<vmem>>, vector<1x16xf32>,
        %broadcast_in_dim3A_124 = arith.constant 0.000000e+00 : f32
        %broadcast_in_dim3A_125 = vector.broadcast %broadcast_in_dim3A_124 : f32 to vector<16xf32>
        %swap3A_126 = arith.index_cast %scan3A_96 : i32 to index
        %swap3A_127 = arith.constant 64 : index
        %swap3A_128 = tpu.vector_load %arg9[%swap3A_126, %swap3A_127] {strides = array<i32>} : memref<128x128xf32, #tpu.memory_space<vmem>>, vector<1x16xf32>,
        %swap3A_129 = vector.shape_cast %swap3A_128 : vector<1x16xf32> to vector<16xf32>
        %swap3A_130 = vector.shape_cast %broadcast_in_dim3A_125 : vector<16xf32> to vector<1x16xf32>
        tpu.vector_store %arg9[%swap3A_126, %swap3A_127], %swap3A_130 {strides = array<i32>} : memref<128x128xf32, #tpu.memory_space<vmem>>, vector<1x16xf32>,
        %broadcast_in_dim3A_131 = arith.constant 0.000000e+00 : f32
        %broadcast_in_dim3A_132 = vector.broadcast %broadcast_in_dim3A_131 : f32 to vector<16xf32>
        %swap3A_133 = arith.index_cast %scan3A_96 : i32 to index
        %swap3A_134 = arith.constant 80 : index
        %swap3A_135 = tpu.vector_load %arg9[%swap3A_133, %swap3A_134] {strides = array<i32>} : memref<128x128xf32, #tpu.memory_space<vmem>>, vector<1x16xf32>,
        %swap3A_136 = vector.shape_cast %swap3A_135 : vector<1x16xf32> to vector<16xf32>
        %swap3A_137 = vector.shape_cast %broadcast_in_dim3A_132 : vector<16xf32> to vector<1x16xf32>
        tpu.vector_store %arg9[%swap3A_133, %swap3A_134], %swap3A_137 {strides = array<i32>} : memref<128x128xf32, #tpu.memory_space<vmem>>, vector<1x16xf32>,
        %broadcast_in_dim3A_138 = arith.constant 0.000000e+00 : f32
        %broadcast_in_dim3A_139 = vector.broadcast %broadcast_in_dim3A_138 : f32 to vector<16xf32>
        %swap3A_140 = arith.index_cast %scan3A_96 : i32 to index
        %swap3A_141 = arith.constant 96 : index
        %swap3A_142 = tpu.vector_load %arg9[%swap3A_140, %swap3A_141] {strides = array<i32>} : memref<128x128xf32, #tpu.memory_space<vmem>>, vector<1x16xf32>,
        %swap3A_143 = vector.shape_cast %swap3A_142 : vector<1x16xf32> to vector<16xf32>
        %swap3A_144 = vector.shape_cast %broadcast_in_dim3A_139 : vector<16xf32> to vector<1x16xf32>
        tpu.vector_store %arg9[%swap3A_140, %swap3A_141], %swap3A_144 {strides = array<i32>} : memref<128x128xf32, #tpu.memory_space<vmem>>, vector<1x16xf32>,
        %broadcast_in_dim3A_145 = arith.constant 0.000000e+00 : f32
        %broadcast_in_dim3A_146 = vector.broadcast %broadcast_in_dim3A_145 : f32 to vector<16xf32>
        %swap3A_147 = arith.index_cast %scan3A_96 : i32 to index
        %swap3A_148 = arith.constant 112 : index
        %swap3A_149 = tpu.vector_load %arg9[%swap3A_147, %swap3A_148] {strides = array<i32>} : memref<128x128xf32, #tpu.memory_space<vmem>>, vector<1x16xf32>,
        %swap3A_150 = vector.shape_cast %swap3A_149 : vector<1x16xf32> to vector<16xf32>
        %swap3A_151 = vector.shape_cast %broadcast_in_dim3A_146 : vector<16xf32> to vector<1x16xf32>
        tpu.vector_store %arg9[%swap3A_147, %swap3A_148], %swap3A_151 {strides = array<i32>} : memref<128x128xf32, #tpu.memory_space<vmem>>, vector<1x16xf32>,
        %scan3A_152 = arith.constant 0 : i32
        scf.yield %scan3A_152 : i32
      }
      %scan3A_31 = arith.constant 125 : i32
      %mul3A_32 = arith.constant 2000 : i32
      %mul3A_33 = arith.muli %arg1, %mul3A_32 : i32
      %add3A_34 = arith.constant 0 : i32
      %add3A_35 = arith.addi %mul3A_33, %add3A_34 : i32
      "tpu.region"() ({
        %run_scoped3A = tpu.sem_alloc : memref<!tpu.dma_semaphore, #tpu.memory_space<semaphore_mem>>
        %dma_start3A = arith.constant 0 : i32
        %dma_start3A_96 = arith.constant 0 : i32
        %dma_start3A_97 = tpu.memref_slice %arg9[%dma_start3A, %dma_start3A_96] : memref<128x128xf32, #tpu.memory_space<vmem>> -> memref<125x128xf32, #tpu.memory_space<vmem>>
        %dma_start3A_98 = arith.constant 0 : i32
        %dma_start3A_99 = tpu.memref_slice %arg11[%add3A_35, %dma_start3A_98] : memref<10000x128xf32, #tpu.memory_space<vmem_shared>> -> memref<125x128xf32, #tpu.memory_space<vmem_shared>>
        %dma_start3A_100 = arith.constant 0 : i32
        %dma_start3A_101 = tpu.memref_slice %arg11[%add3A_35, %dma_start3A_100] : memref<10000x128xf32, #tpu.memory_space<vmem_shared>> -> memref<125x128xf32, #tpu.memory_space<vmem_shared>>
        %dma_start3A_102 = arith.constant 0 : i32
        %dma_start3A_103 = arith.constant 0 : i32
        %dma_start3A_104 = tpu.memref_slice %arg9[%dma_start3A_102, %dma_start3A_103] : memref<128x128xf32, #tpu.memory_space<vmem>> -> memref<125x128xf32, #tpu.memory_space<vmem>>
        tpu.enqueue_dma source(%dma_start3A_104 : memref<125x128xf32, #tpu.memory_space<vmem>>) target(%dma_start3A_101 : memref<125x128xf32, #tpu.memory_space<vmem_shared>>) target_semaphore(%run_scoped3A : memref<!tpu.dma_semaphore, #tpu.memory_space<semaphore_mem>>)
        %dma_wait3A = arith.constant 0 : i32
        %dma_wait3A_105 = arith.constant 0 : i32
        %dma_wait3A_106 = tpu.memref_slice %arg9[%dma_wait3A, %dma_wait3A_105] : memref<128x128xf32, #tpu.memory_space<vmem>> -> memref<125x128xf32, #tpu.memory_space<vmem>>
        %dma_wait3A_107 = arith.constant 0 : i32
        %dma_wait3A_108 = tpu.memref_slice %arg11[%add3A_35, %dma_wait3A_107] : memref<10000x128xf32, #tpu.memory_space<vmem_shared>> -> memref<125x128xf32, #tpu.memory_space<vmem_shared>>
        %dma_wait3A_109 = arith.constant 0 : i32
        %dma_wait3A_110 = tpu.memref_slice %arg11[%add3A_35, %dma_wait3A_109] : memref<10000x128xf32, #tpu.memory_space<vmem_shared>> -> memref<125x128xf32, #tpu.memory_space<vmem_shared>>
        %dma_wait3A_111 = arith.constant 0 : i32
        %dma_wait3A_112 = arith.constant 0 : i32
        %dma_wait3A_113 = tpu.memref_slice %arg9[%dma_wait3A_111, %dma_wait3A_112] : memref<128x128xf32, #tpu.memory_space<vmem>> -> memref<125x128xf32, #tpu.memory_space<vmem>>
        tpu.wait_dma2 semaphore(%run_scoped3A : memref<!tpu.dma_semaphore, #tpu.memory_space<semaphore_mem>>) src(%dma_wait3A_113 : memref<125x128xf32, #tpu.memory_space<vmem>>) dst(%dma_wait3A_110 : memref<125x128xf32, #tpu.memory_space<vmem_shared>>)
        tpu.yield
      }) : () -> ()
      %mul3A_36 = arith.constant 2000 : i32
      %mul3A_37 = arith.muli %arg1, %mul3A_36 : i32
      %add3A_38 = arith.constant 125 : i32
      %add3A_39 = arith.addi %mul3A_37, %add3A_38 : i32
      "tpu.region"() ({
        %run_scoped3A = tpu.sem_alloc : memref<!tpu.dma_semaphore, #tpu.memory_space<semaphore_mem>>
        %dma_start3A = arith.constant 0 : i32
        %dma_start3A_96 = arith.constant 0 : i32
        %dma_start3A_97 = tpu.memref_slice %arg9[%dma_start3A, %dma_start3A_96] : memref<128x128xf32, #tpu.memory_space<vmem>> -> memref<125x128xf32, #tpu.memory_space<vmem>>
        %dma_start3A_98 = arith.constant 0 : i32
        %dma_start3A_99 = tpu.memref_slice %arg11[%add3A_39, %dma_start3A_98] : memref<10000x128xf32, #tpu.memory_space<vmem_shared>> -> memref<125x128xf32, #tpu.memory_space<vmem_shared>>
        %dma_start3A_100 = arith.constant 0 : i32
        %dma_start3A_101 = tpu.memref_slice %arg11[%add3A_39, %dma_start3A_100] : memref<10000x128xf32, #tpu.memory_space<vmem_shared>> -> memref<125x128xf32, #tpu.memory_space<vmem_shared>>
        %dma_start3A_102 = arith.constant 0 : i32
        %dma_start3A_103 = arith.constant 0 : i32
        %dma_start3A_104 = tpu.memref_slice %arg9[%dma_start3A_102, %dma_start3A_103] : memref<128x128xf32, #tpu.memory_space<vmem>> -> memref<125x128xf32, #tpu.memory_space<vmem>>
        tpu.enqueue_dma source(%dma_start3A_104 : memref<125x128xf32, #tpu.memory_space<vmem>>) target(%dma_start3A_101 : memref<125x128xf32, #tpu.memory_space<vmem_shared>>) target_semaphore(%run_scoped3A : memref<!tpu.dma_semaphore, #tpu.memory_space<semaphore_mem>>)
        %dma_wait3A = arith.constant 0 : i32
        %dma_wait3A_105 = arith.constant 0 : i32
        %dma_wait3A_106 = tpu.memref_slice %arg9[%dma_wait3A, %dma_wait3A_105] : memref<128x128xf32, #tpu.memory_space<vmem>> -> memref<125x128xf32, #tpu.memory_space<vmem>>
        %dma_wait3A_107 = arith.constant 0 : i32
        %dma_wait3A_108 = tpu.memref_slice %arg11[%add3A_39, %dma_wait3A_107] : memref<10000x128xf32, #tpu.memory_space<vmem_shared>> -> memref<125x128xf32, #tpu.memory_space<vmem_shared>>
        %dma_wait3A_109 = arith.constant 0 : i32
        %dma_wait3A_110 = tpu.memref_slice %arg11[%add3A_39, %dma_wait3A_109] : memref<10000x128xf32, #tpu.memory_space<vmem_shared>> -> memref<125x128xf32, #tpu.memory_space<vmem_shared>>
        %dma_wait3A_111 = arith.constant 0 : i32
        %dma_wait3A_112 = arith.constant 0 : i32
        %dma_wait3A_113 = tpu.memref_slice %arg9[%dma_wait3A_111, %dma_wait3A_112] : memref<128x128xf32, #tpu.memory_space<vmem>> -> memref<125x128xf32, #tpu.memory_space<vmem>>
        tpu.wait_dma2 semaphore(%run_scoped3A : memref<!tpu.dma_semaphore, #tpu.memory_space<semaphore_mem>>) src(%dma_wait3A_113 : memref<125x128xf32, #tpu.memory_space<vmem>>) dst(%dma_wait3A_110 : memref<125x128xf32, #tpu.memory_space<vmem_shared>>)
        tpu.yield
      }) : () -> ()
      %mul3A_40 = arith.constant 2000 : i32
      %mul3A_41 = arith.muli %arg1, %mul3A_40 : i32
      %add3A_42 = arith.constant 250 : i32
      %add3A_43 = arith.addi %mul3A_41, %add3A_42 : i32
      "tpu.region"() ({
        %run_scoped3A = tpu.sem_alloc : memref<!tpu.dma_semaphore, #tpu.memory_space<semaphore_mem>>
        %dma_start3A = arith.constant 0 : i32
        %dma_start3A_96 = arith.constant 0 : i32
        %dma_start3A_97 = tpu.memref_slice %arg9[%dma_start3A, %dma_start3A_96] : memref<128x128xf32, #tpu.memory_space<vmem>> -> memref<125x128xf32, #tpu.memory_space<vmem>>
        %dma_start3A_98 = arith.constant 0 : i32
        %dma_start3A_99 = tpu.memref_slice %arg11[%add3A_43, %dma_start3A_98] : memref<10000x128xf32, #tpu.memory_space<vmem_shared>> -> memref<125x128xf32, #tpu.memory_space<vmem_shared>>
        %dma_start3A_100 = arith.constant 0 : i32
        %dma_start3A_101 = tpu.memref_slice %arg11[%add3A_43, %dma_start3A_100] : memref<10000x128xf32, #tpu.memory_space<vmem_shared>> -> memref<125x128xf32, #tpu.memory_space<vmem_shared>>
        %dma_start3A_102 = arith.constant 0 : i32
        %dma_start3A_103 = arith.constant 0 : i32
        %dma_start3A_104 = tpu.memref_slice %arg9[%dma_start3A_102, %dma_start3A_103] : memref<128x128xf32, #tpu.memory_space<vmem>> -> memref<125x128xf32, #tpu.memory_space<vmem>>
        tpu.enqueue_dma source(%dma_start3A_104 : memref<125x128xf32, #tpu.memory_space<vmem>>) target(%dma_start3A_101 : memref<125x128xf32, #tpu.memory_space<vmem_shared>>) target_semaphore(%run_scoped3A : memref<!tpu.dma_semaphore, #tpu.memory_space<semaphore_mem>>)
        %dma_wait3A = arith.constant 0 : i32
        %dma_wait3A_105 = arith.constant 0 : i32
        %dma_wait3A_106 = tpu.memref_slice %arg9[%dma_wait3A, %dma_wait3A_105] : memref<128x128xf32, #tpu.memory_space<vmem>> -> memref<125x128xf32, #tpu.memory_space<vmem>>
        %dma_wait3A_107 = arith.constant 0 : i32
        %dma_wait3A_108 = tpu.memref_slice %arg11[%add3A_43, %dma_wait3A_107] : memref<10000x128xf32, #tpu.memory_space<vmem_shared>> -> memref<125x128xf32, #tpu.memory_space<vmem_shared>>
        %dma_wait3A_109 = arith.constant 0 : i32
        %dma_wait3A_110 = tpu.memref_slice %arg11[%add3A_43, %dma_wait3A_109] : memref<10000x128xf32, #tpu.memory_space<vmem_shared>> -> memref<125x128xf32, #tpu.memory_space<vmem_shared>>
        %dma_wait3A_111 = arith.constant 0 : i32
        %dma_wait3A_112 = arith.constant 0 : i32
        %dma_wait3A_113 = tpu.memref_slice %arg9[%dma_wait3A_111, %dma_wait3A_112] : memref<128x128xf32, #tpu.memory_space<vmem>> -> memref<125x128xf32, #tpu.memory_space<vmem>>
        tpu.wait_dma2 semaphore(%run_scoped3A : memref<!tpu.dma_semaphore, #tpu.memory_space<semaphore_mem>>) src(%dma_wait3A_113 : memref<125x128xf32, #tpu.memory_space<vmem>>) dst(%dma_wait3A_110 : memref<125x128xf32, #tpu.memory_space<vmem_shared>>)
        tpu.yield
      }) : () -> ()
      %mul3A_44 = arith.constant 2000 : i32
      %mul3A_45 = arith.muli %arg1, %mul3A_44 : i32
      %add3A_46 = arith.constant 375 : i32
      %add3A_47 = arith.addi %mul3A_45, %add3A_46 : i32
      "tpu.region"() ({
        %run_scoped3A = tpu.sem_alloc : memref<!tpu.dma_semaphore, #tpu.memory_space<semaphore_mem>>
        %dma_start3A = arith.constant 0 : i32
        %dma_start3A_96 = arith.constant 0 : i32
        %dma_start3A_97 = tpu.memref_slice %arg9[%dma_start3A, %dma_start3A_96] : memref<128x128xf32, #tpu.memory_space<vmem>> -> memref<125x128xf32, #tpu.memory_space<vmem>>
        %dma_start3A_98 = arith.constant 0 : i32
        %dma_start3A_99 = tpu.memref_slice %arg11[%add3A_47, %dma_start3A_98] : memref<10000x128xf32, #tpu.memory_space<vmem_shared>> -> memref<125x128xf32, #tpu.memory_space<vmem_shared>>
        %dma_start3A_100 = arith.constant 0 : i32
        %dma_start3A_101 = tpu.memref_slice %arg11[%add3A_47, %dma_start3A_100] : memref<10000x128xf32, #tpu.memory_space<vmem_shared>> -> memref<125x128xf32, #tpu.memory_space<vmem_shared>>
        %dma_start3A_102 = arith.constant 0 : i32
        %dma_start3A_103 = arith.constant 0 : i32
        %dma_start3A_104 = tpu.memref_slice %arg9[%dma_start3A_102, %dma_start3A_103] : memref<128x128xf32, #tpu.memory_space<vmem>> -> memref<125x128xf32, #tpu.memory_space<vmem>>
        tpu.enqueue_dma source(%dma_start3A_104 : memref<125x128xf32, #tpu.memory_space<vmem>>) target(%dma_start3A_101 : memref<125x128xf32, #tpu.memory_space<vmem_shared>>) target_semaphore(%run_scoped3A : memref<!tpu.dma_semaphore, #tpu.memory_space<semaphore_mem>>)
        %dma_wait3A = arith.constant 0 : i32
        %dma_wait3A_105 = arith.constant 0 : i32
        %dma_wait3A_106 = tpu.memref_slice %arg9[%dma_wait3A, %dma_wait3A_105] : memref<128x128xf32, #tpu.memory_space<vmem>> -> memref<125x128xf32, #tpu.memory_space<vmem>>
        %dma_wait3A_107 = arith.constant 0 : i32
        %dma_wait3A_108 = tpu.memref_slice %arg11[%add3A_47, %dma_wait3A_107] : memref<10000x128xf32, #tpu.memory_space<vmem_shared>> -> memref<125x128xf32, #tpu.memory_space<vmem_shared>>
        %dma_wait3A_109 = arith.constant 0 : i32
        %dma_wait3A_110 = tpu.memref_slice %arg11[%add3A_47, %dma_wait3A_109] : memref<10000x128xf32, #tpu.memory_space<vmem_shared>> -> memref<125x128xf32, #tpu.memory_space<vmem_shared>>
        %dma_wait3A_111 = arith.constant 0 : i32
        %dma_wait3A_112 = arith.constant 0 : i32
        %dma_wait3A_113 = tpu.memref_slice %arg9[%dma_wait3A_111, %dma_wait3A_112] : memref<128x128xf32, #tpu.memory_space<vmem>> -> memref<125x128xf32, #tpu.memory_space<vmem>>
        tpu.wait_dma2 semaphore(%run_scoped3A : memref<!tpu.dma_semaphore, #tpu.memory_space<semaphore_mem>>) src(%dma_wait3A_113 : memref<125x128xf32, #tpu.memory_space<vmem>>) dst(%dma_wait3A_110 : memref<125x128xf32, #tpu.memory_space<vmem_shared>>)
        tpu.yield
      }) : () -> ()
      %mul3A_48 = arith.constant 2000 : i32
      %mul3A_49 = arith.muli %arg1, %mul3A_48 : i32
      %add3A_50 = arith.constant 500 : i32
      %add3A_51 = arith.addi %mul3A_49, %add3A_50 : i32
      "tpu.region"() ({
        %run_scoped3A = tpu.sem_alloc : memref<!tpu.dma_semaphore, #tpu.memory_space<semaphore_mem>>
        %dma_start3A = arith.constant 0 : i32
        %dma_start3A_96 = arith.constant 0 : i32
        %dma_start3A_97 = tpu.memref_slice %arg9[%dma_start3A, %dma_start3A_96] : memref<128x128xf32, #tpu.memory_space<vmem>> -> memref<125x128xf32, #tpu.memory_space<vmem>>
        %dma_start3A_98 = arith.constant 0 : i32
        %dma_start3A_99 = tpu.memref_slice %arg11[%add3A_51, %dma_start3A_98] : memref<10000x128xf32, #tpu.memory_space<vmem_shared>> -> memref<125x128xf32, #tpu.memory_space<vmem_shared>>
        %dma_start3A_100 = arith.constant 0 : i32
        %dma_start3A_101 = tpu.memref_slice %arg11[%add3A_51, %dma_start3A_100] : memref<10000x128xf32, #tpu.memory_space<vmem_shared>> -> memref<125x128xf32, #tpu.memory_space<vmem_shared>>
        %dma_start3A_102 = arith.constant 0 : i32
        %dma_start3A_103 = arith.constant 0 : i32
        %dma_start3A_104 = tpu.memref_slice %arg9[%dma_start3A_102, %dma_start3A_103] : memref<128x128xf32, #tpu.memory_space<vmem>> -> memref<125x128xf32, #tpu.memory_space<vmem>>
        tpu.enqueue_dma source(%dma_start3A_104 : memref<125x128xf32, #tpu.memory_space<vmem>>) target(%dma_start3A_101 : memref<125x128xf32, #tpu.memory_space<vmem_shared>>) target_semaphore(%run_scoped3A : memref<!tpu.dma_semaphore, #tpu.memory_space<semaphore_mem>>)
        %dma_wait3A = arith.constant 0 : i32
        %dma_wait3A_105 = arith.constant 0 : i32
        %dma_wait3A_106 = tpu.memref_slice %arg9[%dma_wait3A, %dma_wait3A_105] : memref<128x128xf32, #tpu.memory_space<vmem>> -> memref<125x128xf32, #tpu.memory_space<vmem>>
        %dma_wait3A_107 = arith.constant 0 : i32
        %dma_wait3A_108 = tpu.memref_slice %arg11[%add3A_51, %dma_wait3A_107] : memref<10000x128xf32, #tpu.memory_space<vmem_shared>> -> memref<125x128xf32, #tpu.memory_space<vmem_shared>>
        %dma_wait3A_109 = arith.constant 0 : i32
        %dma_wait3A_110 = tpu.memref_slice %arg11[%add3A_51, %dma_wait3A_109] : memref<10000x128xf32, #tpu.memory_space<vmem_shared>> -> memref<125x128xf32, #tpu.memory_space<vmem_shared>>
        %dma_wait3A_111 = arith.constant 0 : i32
        %dma_wait3A_112 = arith.constant 0 : i32
        %dma_wait3A_113 = tpu.memref_slice %arg9[%dma_wait3A_111, %dma_wait3A_112] : memref<128x128xf32, #tpu.memory_space<vmem>> -> memref<125x128xf32, #tpu.memory_space<vmem>>
        tpu.wait_dma2 semaphore(%run_scoped3A : memref<!tpu.dma_semaphore, #tpu.memory_space<semaphore_mem>>) src(%dma_wait3A_113 : memref<125x128xf32, #tpu.memory_space<vmem>>) dst(%dma_wait3A_110 : memref<125x128xf32, #tpu.memory_space<vmem_shared>>)
        tpu.yield
      }) : () -> ()
      %mul3A_52 = arith.constant 2000 : i32
      %mul3A_53 = arith.muli %arg1, %mul3A_52 : i32
      %add3A_54 = arith.constant 625 : i32
      %add3A_55 = arith.addi %mul3A_53, %add3A_54 : i32
      "tpu.region"() ({
        %run_scoped3A = tpu.sem_alloc : memref<!tpu.dma_semaphore, #tpu.memory_space<semaphore_mem>>
        %dma_start3A = arith.constant 0 : i32
        %dma_start3A_96 = arith.constant 0 : i32
        %dma_start3A_97 = tpu.memref_slice %arg9[%dma_start3A, %dma_start3A_96] : memref<128x128xf32, #tpu.memory_space<vmem>> -> memref<125x128xf32, #tpu.memory_space<vmem>>
        %dma_start3A_98 = arith.constant 0 : i32
        %dma_start3A_99 = tpu.memref_slice %arg11[%add3A_55, %dma_start3A_98] : memref<10000x128xf32, #tpu.memory_space<vmem_shared>> -> memref<125x128xf32, #tpu.memory_space<vmem_shared>>
        %dma_start3A_100 = arith.constant 0 : i32
        %dma_start3A_101 = tpu.memref_slice %arg11[%add3A_55, %dma_start3A_100] : memref<10000x128xf32, #tpu.memory_space<vmem_shared>> -> memref<125x128xf32, #tpu.memory_space<vmem_shared>>
        %dma_start3A_102 = arith.constant 0 : i32
        %dma_start3A_103 = arith.constant 0 : i32
        %dma_start3A_104 = tpu.memref_slice %arg9[%dma_start3A_102, %dma_start3A_103] : memref<128x128xf32, #tpu.memory_space<vmem>> -> memref<125x128xf32, #tpu.memory_space<vmem>>
        tpu.enqueue_dma source(%dma_start3A_104 : memref<125x128xf32, #tpu.memory_space<vmem>>) target(%dma_start3A_101 : memref<125x128xf32, #tpu.memory_space<vmem_shared>>) target_semaphore(%run_scoped3A : memref<!tpu.dma_semaphore, #tpu.memory_space<semaphore_mem>>)
        %dma_wait3A = arith.constant 0 : i32
        %dma_wait3A_105 = arith.constant 0 : i32
        %dma_wait3A_106 = tpu.memref_slice %arg9[%dma_wait3A, %dma_wait3A_105] : memref<128x128xf32, #tpu.memory_space<vmem>> -> memref<125x128xf32, #tpu.memory_space<vmem>>
        %dma_wait3A_107 = arith.constant 0 : i32
        %dma_wait3A_108 = tpu.memref_slice %arg11[%add3A_55, %dma_wait3A_107] : memref<10000x128xf32, #tpu.memory_space<vmem_shared>> -> memref<125x128xf32, #tpu.memory_space<vmem_shared>>
        %dma_wait3A_109 = arith.constant 0 : i32
        %dma_wait3A_110 = tpu.memref_slice %arg11[%add3A_55, %dma_wait3A_109] : memref<10000x128xf32, #tpu.memory_space<vmem_shared>> -> memref<125x128xf32, #tpu.memory_space<vmem_shared>>
        %dma_wait3A_111 = arith.constant 0 : i32
        %dma_wait3A_112 = arith.constant 0 : i32
        %dma_wait3A_113 = tpu.memref_slice %arg9[%dma_wait3A_111, %dma_wait3A_112] : memref<128x128xf32, #tpu.memory_space<vmem>> -> memref<125x128xf32, #tpu.memory_space<vmem>>
        tpu.wait_dma2 semaphore(%run_scoped3A : memref<!tpu.dma_semaphore, #tpu.memory_space<semaphore_mem>>) src(%dma_wait3A_113 : memref<125x128xf32, #tpu.memory_space<vmem>>) dst(%dma_wait3A_110 : memref<125x128xf32, #tpu.memory_space<vmem_shared>>)
        tpu.yield
      }) : () -> ()
      %mul3A_56 = arith.constant 2000 : i32
      %mul3A_57 = arith.muli %arg1, %mul3A_56 : i32
      %add3A_58 = arith.constant 750 : i32
      %add3A_59 = arith.addi %mul3A_57, %add3A_58 : i32
      "tpu.region"() ({
        %run_scoped3A = tpu.sem_alloc : memref<!tpu.dma_semaphore, #tpu.memory_space<semaphore_mem>>
        %dma_start3A = arith.constant 0 : i32
        %dma_start3A_96 = arith.constant 0 : i32
        %dma_start3A_97 = tpu.memref_slice %arg9[%dma_start3A, %dma_start3A_96] : memref<128x128xf32, #tpu.memory_space<vmem>> -> memref<125x128xf32, #tpu.memory_space<vmem>>
        %dma_start3A_98 = arith.constant 0 : i32
        %dma_start3A_99 = tpu.memref_slice %arg11[%add3A_59, %dma_start3A_98] : memref<10000x128xf32, #tpu.memory_space<vmem_shared>> -> memref<125x128xf32, #tpu.memory_space<vmem_shared>>
        %dma_start3A_100 = arith.constant 0 : i32
        %dma_start3A_101 = tpu.memref_slice %arg11[%add3A_59, %dma_start3A_100] : memref<10000x128xf32, #tpu.memory_space<vmem_shared>> -> memref<125x128xf32, #tpu.memory_space<vmem_shared>>
        %dma_start3A_102 = arith.constant 0 : i32
        %dma_start3A_103 = arith.constant 0 : i32
        %dma_start3A_104 = tpu.memref_slice %arg9[%dma_start3A_102, %dma_start3A_103] : memref<128x128xf32, #tpu.memory_space<vmem>> -> memref<125x128xf32, #tpu.memory_space<vmem>>
        tpu.enqueue_dma source(%dma_start3A_104 : memref<125x128xf32, #tpu.memory_space<vmem>>) target(%dma_start3A_101 : memref<125x128xf32, #tpu.memory_space<vmem_shared>>) target_semaphore(%run_scoped3A : memref<!tpu.dma_semaphore, #tpu.memory_space<semaphore_mem>>)
        %dma_wait3A = arith.constant 0 : i32
        %dma_wait3A_105 = arith.constant 0 : i32
        %dma_wait3A_106 = tpu.memref_slice %arg9[%dma_wait3A, %dma_wait3A_105] : memref<128x128xf32, #tpu.memory_space<vmem>> -> memref<125x128xf32, #tpu.memory_space<vmem>>
        %dma_wait3A_107 = arith.constant 0 : i32
        %dma_wait3A_108 = tpu.memref_slice %arg11[%add3A_59, %dma_wait3A_107] : memref<10000x128xf32, #tpu.memory_space<vmem_shared>> -> memref<125x128xf32, #tpu.memory_space<vmem_shared>>
        %dma_wait3A_109 = arith.constant 0 : i32
        %dma_wait3A_110 = tpu.memref_slice %arg11[%add3A_59, %dma_wait3A_109] : memref<10000x128xf32, #tpu.memory_space<vmem_shared>> -> memref<125x128xf32, #tpu.memory_space<vmem_shared>>
        %dma_wait3A_111 = arith.constant 0 : i32
        %dma_wait3A_112 = arith.constant 0 : i32
        %dma_wait3A_113 = tpu.memref_slice %arg9[%dma_wait3A_111, %dma_wait3A_112] : memref<128x128xf32, #tpu.memory_space<vmem>> -> memref<125x128xf32, #tpu.memory_space<vmem>>
        tpu.wait_dma2 semaphore(%run_scoped3A : memref<!tpu.dma_semaphore, #tpu.memory_space<semaphore_mem>>) src(%dma_wait3A_113 : memref<125x128xf32, #tpu.memory_space<vmem>>) dst(%dma_wait3A_110 : memref<125x128xf32, #tpu.memory_space<vmem_shared>>)
        tpu.yield
      }) : () -> ()
      %mul3A_60 = arith.constant 2000 : i32
      %mul3A_61 = arith.muli %arg1, %mul3A_60 : i32
      %add3A_62 = arith.constant 875 : i32
      %add3A_63 = arith.addi %mul3A_61, %add3A_62 : i32
      "tpu.region"() ({
        %run_scoped3A = tpu.sem_alloc : memref<!tpu.dma_semaphore, #tpu.memory_space<semaphore_mem>>
        %dma_start3A = arith.constant 0 : i32
        %dma_start3A_96 = arith.constant 0 : i32
        %dma_start3A_97 = tpu.memref_slice %arg9[%dma_start3A, %dma_start3A_96] : memref<128x128xf32, #tpu.memory_space<vmem>> -> memref<125x128xf32, #tpu.memory_space<vmem>>
        %dma_start3A_98 = arith.constant 0 : i32
        %dma_start3A_99 = tpu.memref_slice %arg11[%add3A_63, %dma_start3A_98] : memref<10000x128xf32, #tpu.memory_space<vmem_shared>> -> memref<125x128xf32, #tpu.memory_space<vmem_shared>>
        %dma_start3A_100 = arith.constant 0 : i32
        %dma_start3A_101 = tpu.memref_slice %arg11[%add3A_63, %dma_start3A_100] : memref<10000x128xf32, #tpu.memory_space<vmem_shared>> -> memref<125x128xf32, #tpu.memory_space<vmem_shared>>
        %dma_start3A_102 = arith.constant 0 : i32
        %dma_start3A_103 = arith.constant 0 : i32
        %dma_start3A_104 = tpu.memref_slice %arg9[%dma_start3A_102, %dma_start3A_103] : memref<128x128xf32, #tpu.memory_space<vmem>> -> memref<125x128xf32, #tpu.memory_space<vmem>>
        tpu.enqueue_dma source(%dma_start3A_104 : memref<125x128xf32, #tpu.memory_space<vmem>>) target(%dma_start3A_101 : memref<125x128xf32, #tpu.memory_space<vmem_shared>>) target_semaphore(%run_scoped3A : memref<!tpu.dma_semaphore, #tpu.memory_space<semaphore_mem>>)
        %dma_wait3A = arith.constant 0 : i32
        %dma_wait3A_105 = arith.constant 0 : i32
        %dma_wait3A_106 = tpu.memref_slice %arg9[%dma_wait3A, %dma_wait3A_105] : memref<128x128xf32, #tpu.memory_space<vmem>> -> memref<125x128xf32, #tpu.memory_space<vmem>>
        %dma_wait3A_107 = arith.constant 0 : i32
        %dma_wait3A_108 = tpu.memref_slice %arg11[%add3A_63, %dma_wait3A_107] : memref<10000x128xf32, #tpu.memory_space<vmem_shared>> -> memref<125x128xf32, #tpu.memory_space<vmem_shared>>
        %dma_wait3A_109 = arith.constant 0 : i32
        %dma_wait3A_110 = tpu.memref_slice %arg11[%add3A_63, %dma_wait3A_109] : memref<10000x128xf32, #tpu.memory_space<vmem_shared>> -> memref<125x128xf32, #tpu.memory_space<vmem_shared>>
        %dma_wait3A_111 = arith.constant 0 : i32
        %dma_wait3A_112 = arith.constant 0 : i32
        %dma_wait3A_113 = tpu.memref_slice %arg9[%dma_wait3A_111, %dma_wait3A_112] : memref<128x128xf32, #tpu.memory_space<vmem>> -> memref<125x128xf32, #tpu.memory_space<vmem>>
        tpu.wait_dma2 semaphore(%run_scoped3A : memref<!tpu.dma_semaphore, #tpu.memory_space<semaphore_mem>>) src(%dma_wait3A_113 : memref<125x128xf32, #tpu.memory_space<vmem>>) dst(%dma_wait3A_110 : memref<125x128xf32, #tpu.memory_space<vmem_shared>>)
        tpu.yield
      }) : () -> ()
      %mul3A_64 = arith.constant 2000 : i32
      %mul3A_65 = arith.muli %arg1, %mul3A_64 : i32
      %add3A_66 = arith.constant 1000 : i32
      %add3A_67 = arith.addi %mul3A_65, %add3A_66 : i32
      "tpu.region"() ({
        %run_scoped3A = tpu.sem_alloc : memref<!tpu.dma_semaphore, #tpu.memory_space<semaphore_mem>>
        %dma_start3A = arith.constant 0 : i32
        %dma_start3A_96 = arith.constant 0 : i32
        %dma_start3A_97 = tpu.memref_slice %arg9[%dma_start3A, %dma_start3A_96] : memref<128x128xf32, #tpu.memory_space<vmem>> -> memref<125x128xf32, #tpu.memory_space<vmem>>
        %dma_start3A_98 = arith.constant 0 : i32
        %dma_start3A_99 = tpu.memref_slice %arg11[%add3A_67, %dma_start3A_98] : memref<10000x128xf32, #tpu.memory_space<vmem_shared>> -> memref<125x128xf32, #tpu.memory_space<vmem_shared>>
        %dma_start3A_100 = arith.constant 0 : i32
        %dma_start3A_101 = tpu.memref_slice %arg11[%add3A_67, %dma_start3A_100] : memref<10000x128xf32, #tpu.memory_space<vmem_shared>> -> memref<125x128xf32, #tpu.memory_space<vmem_shared>>
        %dma_start3A_102 = arith.constant 0 : i32
        %dma_start3A_103 = arith.constant 0 : i32
        %dma_start3A_104 = tpu.memref_slice %arg9[%dma_start3A_102, %dma_start3A_103] : memref<128x128xf32, #tpu.memory_space<vmem>> -> memref<125x128xf32, #tpu.memory_space<vmem>>
        tpu.enqueue_dma source(%dma_start3A_104 : memref<125x128xf32, #tpu.memory_space<vmem>>) target(%dma_start3A_101 : memref<125x128xf32, #tpu.memory_space<vmem_shared>>) target_semaphore(%run_scoped3A : memref<!tpu.dma_semaphore, #tpu.memory_space<semaphore_mem>>)
        %dma_wait3A = arith.constant 0 : i32
        %dma_wait3A_105 = arith.constant 0 : i32
        %dma_wait3A_106 = tpu.memref_slice %arg9[%dma_wait3A, %dma_wait3A_105] : memref<128x128xf32, #tpu.memory_space<vmem>> -> memref<125x128xf32, #tpu.memory_space<vmem>>
        %dma_wait3A_107 = arith.constant 0 : i32
        %dma_wait3A_108 = tpu.memref_slice %arg11[%add3A_67, %dma_wait3A_107] : memref<10000x128xf32, #tpu.memory_space<vmem_shared>> -> memref<125x128xf32, #tpu.memory_space<vmem_shared>>
        %dma_wait3A_109 = arith.constant 0 : i32
        %dma_wait3A_110 = tpu.memref_slice %arg11[%add3A_67, %dma_wait3A_109] : memref<10000x128xf32, #tpu.memory_space<vmem_shared>> -> memref<125x128xf32, #tpu.memory_space<vmem_shared>>
        %dma_wait3A_111 = arith.constant 0 : i32
        %dma_wait3A_112 = arith.constant 0 : i32
        %dma_wait3A_113 = tpu.memref_slice %arg9[%dma_wait3A_111, %dma_wait3A_112] : memref<128x128xf32, #tpu.memory_space<vmem>> -> memref<125x128xf32, #tpu.memory_space<vmem>>
        tpu.wait_dma2 semaphore(%run_scoped3A : memref<!tpu.dma_semaphore, #tpu.memory_space<semaphore_mem>>) src(%dma_wait3A_113 : memref<125x128xf32, #tpu.memory_space<vmem>>) dst(%dma_wait3A_110 : memref<125x128xf32, #tpu.memory_space<vmem_shared>>)
        tpu.yield
      }) : () -> ()
      %mul3A_68 = arith.constant 2000 : i32
      %mul3A_69 = arith.muli %arg1, %mul3A_68 : i32
      %add3A_70 = arith.constant 1125 : i32
      %add3A_71 = arith.addi %mul3A_69, %add3A_70 : i32
      "tpu.region"() ({
        %run_scoped3A = tpu.sem_alloc : memref<!tpu.dma_semaphore, #tpu.memory_space<semaphore_mem>>
        %dma_start3A = arith.constant 0 : i32
        %dma_start3A_96 = arith.constant 0 : i32
        %dma_start3A_97 = tpu.memref_slice %arg9[%dma_start3A, %dma_start3A_96] : memref<128x128xf32, #tpu.memory_space<vmem>> -> memref<125x128xf32, #tpu.memory_space<vmem>>
        %dma_start3A_98 = arith.constant 0 : i32
        %dma_start3A_99 = tpu.memref_slice %arg11[%add3A_71, %dma_start3A_98] : memref<10000x128xf32, #tpu.memory_space<vmem_shared>> -> memref<125x128xf32, #tpu.memory_space<vmem_shared>>
        %dma_start3A_100 = arith.constant 0 : i32
        %dma_start3A_101 = tpu.memref_slice %arg11[%add3A_71, %dma_start3A_100] : memref<10000x128xf32, #tpu.memory_space<vmem_shared>> -> memref<125x128xf32, #tpu.memory_space<vmem_shared>>
        %dma_start3A_102 = arith.constant 0 : i32
        %dma_start3A_103 = arith.constant 0 : i32
        %dma_start3A_104 = tpu.memref_slice %arg9[%dma_start3A_102, %dma_start3A_103] : memref<128x128xf32, #tpu.memory_space<vmem>> -> memref<125x128xf32, #tpu.memory_space<vmem>>
        tpu.enqueue_dma source(%dma_start3A_104 : memref<125x128xf32, #tpu.memory_space<vmem>>) target(%dma_start3A_101 : memref<125x128xf32, #tpu.memory_space<vmem_shared>>) target_semaphore(%run_scoped3A : memref<!tpu.dma_semaphore, #tpu.memory_space<semaphore_mem>>)
        %dma_wait3A = arith.constant 0 : i32
        %dma_wait3A_105 = arith.constant 0 : i32
        %dma_wait3A_106 = tpu.memref_slice %arg9[%dma_wait3A, %dma_wait3A_105] : memref<128x128xf32, #tpu.memory_space<vmem>> -> memref<125x128xf32, #tpu.memory_space<vmem>>
        %dma_wait3A_107 = arith.constant 0 : i32
        %dma_wait3A_108 = tpu.memref_slice %arg11[%add3A_71, %dma_wait3A_107] : memref<10000x128xf32, #tpu.memory_space<vmem_shared>> -> memref<125x128xf32, #tpu.memory_space<vmem_shared>>
        %dma_wait3A_109 = arith.constant 0 : i32
        %dma_wait3A_110 = tpu.memref_slice %arg11[%add3A_71, %dma_wait3A_109] : memref<10000x128xf32, #tpu.memory_space<vmem_shared>> -> memref<125x128xf32, #tpu.memory_space<vmem_shared>>
        %dma_wait3A_111 = arith.constant 0 : i32
        %dma_wait3A_112 = arith.constant 0 : i32
        %dma_wait3A_113 = tpu.memref_slice %arg9[%dma_wait3A_111, %dma_wait3A_112] : memref<128x128xf32, #tpu.memory_space<vmem>> -> memref<125x128xf32, #tpu.memory_space<vmem>>
        tpu.wait_dma2 semaphore(%run_scoped3A : memref<!tpu.dma_semaphore, #tpu.memory_space<semaphore_mem>>) src(%dma_wait3A_113 : memref<125x128xf32, #tpu.memory_space<vmem>>) dst(%dma_wait3A_110 : memref<125x128xf32, #tpu.memory_space<vmem_shared>>)
        tpu.yield
      }) : () -> ()
      %mul3A_72 = arith.constant 2000 : i32
      %mul3A_73 = arith.muli %arg1, %mul3A_72 : i32
      %add3A_74 = arith.constant 1250 : i32
      %add3A_75 = arith.addi %mul3A_73, %add3A_74 : i32
      "tpu.region"() ({
        %run_scoped3A = tpu.sem_alloc : memref<!tpu.dma_semaphore, #tpu.memory_space<semaphore_mem>>
        %dma_start3A = arith.constant 0 : i32
        %dma_start3A_96 = arith.constant 0 : i32
        %dma_start3A_97 = tpu.memref_slice %arg9[%dma_start3A, %dma_start3A_96] : memref<128x128xf32, #tpu.memory_space<vmem>> -> memref<125x128xf32, #tpu.memory_space<vmem>>
        %dma_start3A_98 = arith.constant 0 : i32
        %dma_start3A_99 = tpu.memref_slice %arg11[%add3A_75, %dma_start3A_98] : memref<10000x128xf32, #tpu.memory_space<vmem_shared>> -> memref<125x128xf32, #tpu.memory_space<vmem_shared>>
        %dma_start3A_100 = arith.constant 0 : i32
        %dma_start3A_101 = tpu.memref_slice %arg11[%add3A_75, %dma_start3A_100] : memref<10000x128xf32, #tpu.memory_space<vmem_shared>> -> memref<125x128xf32, #tpu.memory_space<vmem_shared>>
        %dma_start3A_102 = arith.constant 0 : i32
        %dma_start3A_103 = arith.constant 0 : i32
        %dma_start3A_104 = tpu.memref_slice %arg9[%dma_start3A_102, %dma_start3A_103] : memref<128x128xf32, #tpu.memory_space<vmem>> -> memref<125x128xf32, #tpu.memory_space<vmem>>
        tpu.enqueue_dma source(%dma_start3A_104 : memref<125x128xf32, #tpu.memory_space<vmem>>) target(%dma_start3A_101 : memref<125x128xf32, #tpu.memory_space<vmem_shared>>) target_semaphore(%run_scoped3A : memref<!tpu.dma_semaphore, #tpu.memory_space<semaphore_mem>>)
        %dma_wait3A = arith.constant 0 : i32
        %dma_wait3A_105 = arith.constant 0 : i32
        %dma_wait3A_106 = tpu.memref_slice %arg9[%dma_wait3A, %dma_wait3A_105] : memref<128x128xf32, #tpu.memory_space<vmem>> -> memref<125x128xf32, #tpu.memory_space<vmem>>
        %dma_wait3A_107 = arith.constant 0 : i32
        %dma_wait3A_108 = tpu.memref_slice %arg11[%add3A_75, %dma_wait3A_107] : memref<10000x128xf32, #tpu.memory_space<vmem_shared>> -> memref<125x128xf32, #tpu.memory_space<vmem_shared>>
        %dma_wait3A_109 = arith.constant 0 : i32
        %dma_wait3A_110 = tpu.memref_slice %arg11[%add3A_75, %dma_wait3A_109] : memref<10000x128xf32, #tpu.memory_space<vmem_shared>> -> memref<125x128xf32, #tpu.memory_space<vmem_shared>>
        %dma_wait3A_111 = arith.constant 0 : i32
        %dma_wait3A_112 = arith.constant 0 : i32
        %dma_wait3A_113 = tpu.memref_slice %arg9[%dma_wait3A_111, %dma_wait3A_112] : memref<128x128xf32, #tpu.memory_space<vmem>> -> memref<125x128xf32, #tpu.memory_space<vmem>>
        tpu.wait_dma2 semaphore(%run_scoped3A : memref<!tpu.dma_semaphore, #tpu.memory_space<semaphore_mem>>) src(%dma_wait3A_113 : memref<125x128xf32, #tpu.memory_space<vmem>>) dst(%dma_wait3A_110 : memref<125x128xf32, #tpu.memory_space<vmem_shared>>)
        tpu.yield
      }) : () -> ()
      %mul3A_76 = arith.constant 2000 : i32
      %mul3A_77 = arith.muli %arg1, %mul3A_76 : i32
      %add3A_78 = arith.constant 1375 : i32
      %add3A_79 = arith.addi %mul3A_77, %add3A_78 : i32
      "tpu.region"() ({
        %run_scoped3A = tpu.sem_alloc : memref<!tpu.dma_semaphore, #tpu.memory_space<semaphore_mem>>
        %dma_start3A = arith.constant 0 : i32
        %dma_start3A_96 = arith.constant 0 : i32
        %dma_start3A_97 = tpu.memref_slice %arg9[%dma_start3A, %dma_start3A_96] : memref<128x128xf32, #tpu.memory_space<vmem>> -> memref<125x128xf32, #tpu.memory_space<vmem>>
        %dma_start3A_98 = arith.constant 0 : i32
        %dma_start3A_99 = tpu.memref_slice %arg11[%add3A_79, %dma_start3A_98] : memref<10000x128xf32, #tpu.memory_space<vmem_shared>> -> memref<125x128xf32, #tpu.memory_space<vmem_shared>>
        %dma_start3A_100 = arith.constant 0 : i32
        %dma_start3A_101 = tpu.memref_slice %arg11[%add3A_79, %dma_start3A_100] : memref<10000x128xf32, #tpu.memory_space<vmem_shared>> -> memref<125x128xf32, #tpu.memory_space<vmem_shared>>
        %dma_start3A_102 = arith.constant 0 : i32
        %dma_start3A_103 = arith.constant 0 : i32
        %dma_start3A_104 = tpu.memref_slice %arg9[%dma_start3A_102, %dma_start3A_103] : memref<128x128xf32, #tpu.memory_space<vmem>> -> memref<125x128xf32, #tpu.memory_space<vmem>>
        tpu.enqueue_dma source(%dma_start3A_104 : memref<125x128xf32, #tpu.memory_space<vmem>>) target(%dma_start3A_101 : memref<125x128xf32, #tpu.memory_space<vmem_shared>>) target_semaphore(%run_scoped3A : memref<!tpu.dma_semaphore, #tpu.memory_space<semaphore_mem>>)
        %dma_wait3A = arith.constant 0 : i32
        %dma_wait3A_105 = arith.constant 0 : i32
        %dma_wait3A_106 = tpu.memref_slice %arg9[%dma_wait3A, %dma_wait3A_105] : memref<128x128xf32, #tpu.memory_space<vmem>> -> memref<125x128xf32, #tpu.memory_space<vmem>>
        %dma_wait3A_107 = arith.constant 0 : i32
        %dma_wait3A_108 = tpu.memref_slice %arg11[%add3A_79, %dma_wait3A_107] : memref<10000x128xf32, #tpu.memory_space<vmem_shared>> -> memref<125x128xf32, #tpu.memory_space<vmem_shared>>
        %dma_wait3A_109 = arith.constant 0 : i32
        %dma_wait3A_110 = tpu.memref_slice %arg11[%add3A_79, %dma_wait3A_109] : memref<10000x128xf32, #tpu.memory_space<vmem_shared>> -> memref<125x128xf32, #tpu.memory_space<vmem_shared>>
        %dma_wait3A_111 = arith.constant 0 : i32
        %dma_wait3A_112 = arith.constant 0 : i32
        %dma_wait3A_113 = tpu.memref_slice %arg9[%dma_wait3A_111, %dma_wait3A_112] : memref<128x128xf32, #tpu.memory_space<vmem>> -> memref<125x128xf32, #tpu.memory_space<vmem>>
        tpu.wait_dma2 semaphore(%run_scoped3A : memref<!tpu.dma_semaphore, #tpu.memory_space<semaphore_mem>>) src(%dma_wait3A_113 : memref<125x128xf32, #tpu.memory_space<vmem>>) dst(%dma_wait3A_110 : memref<125x128xf32, #tpu.memory_space<vmem_shared>>)
        tpu.yield
      }) : () -> ()
      %mul3A_80 = arith.constant 2000 : i32
      %mul3A_81 = arith.muli %arg1, %mul3A_80 : i32
      %add3A_82 = arith.constant 1500 : i32
      %add3A_83 = arith.addi %mul3A_81, %add3A_82 : i32
      "tpu.region"() ({
        %run_scoped3A = tpu.sem_alloc : memref<!tpu.dma_semaphore, #tpu.memory_space<semaphore_mem>>
        %dma_start3A = arith.constant 0 : i32
        %dma_start3A_96 = arith.constant 0 : i32
        %dma_start3A_97 = tpu.memref_slice %arg9[%dma_start3A, %dma_start3A_96] : memref<128x128xf32, #tpu.memory_space<vmem>> -> memref<125x128xf32, #tpu.memory_space<vmem>>
        %dma_start3A_98 = arith.constant 0 : i32
        %dma_start3A_99 = tpu.memref_slice %arg11[%add3A_83, %dma_start3A_98] : memref<10000x128xf32, #tpu.memory_space<vmem_shared>> -> memref<125x128xf32, #tpu.memory_space<vmem_shared>>
        %dma_start3A_100 = arith.constant 0 : i32
        %dma_start3A_101 = tpu.memref_slice %arg11[%add3A_83, %dma_start3A_100] : memref<10000x128xf32, #tpu.memory_space<vmem_shared>> -> memref<125x128xf32, #tpu.memory_space<vmem_shared>>
        %dma_start3A_102 = arith.constant 0 : i32
        %dma_start3A_103 = arith.constant 0 : i32
        %dma_start3A_104 = tpu.memref_slice %arg9[%dma_start3A_102, %dma_start3A_103] : memref<128x128xf32, #tpu.memory_space<vmem>> -> memref<125x128xf32, #tpu.memory_space<vmem>>
        tpu.enqueue_dma source(%dma_start3A_104 : memref<125x128xf32, #tpu.memory_space<vmem>>) target(%dma_start3A_101 : memref<125x128xf32, #tpu.memory_space<vmem_shared>>) target_semaphore(%run_scoped3A : memref<!tpu.dma_semaphore, #tpu.memory_space<semaphore_mem>>)
        %dma_wait3A = arith.constant 0 : i32
        %dma_wait3A_105 = arith.constant 0 : i32
        %dma_wait3A_106 = tpu.memref_slice %arg9[%dma_wait3A, %dma_wait3A_105] : memref<128x128xf32, #tpu.memory_space<vmem>> -> memref<125x128xf32, #tpu.memory_space<vmem>>
        %dma_wait3A_107 = arith.constant 0 : i32
        %dma_wait3A_108 = tpu.memref_slice %arg11[%add3A_83, %dma_wait3A_107] : memref<10000x128xf32, #tpu.memory_space<vmem_shared>> -> memref<125x128xf32, #tpu.memory_space<vmem_shared>>
        %dma_wait3A_109 = arith.constant 0 : i32
        %dma_wait3A_110 = tpu.memref_slice %arg11[%add3A_83, %dma_wait3A_109] : memref<10000x128xf32, #tpu.memory_space<vmem_shared>> -> memref<125x128xf32, #tpu.memory_space<vmem_shared>>
        %dma_wait3A_111 = arith.constant 0 : i32
        %dma_wait3A_112 = arith.constant 0 : i32
        %dma_wait3A_113 = tpu.memref_slice %arg9[%dma_wait3A_111, %dma_wait3A_112] : memref<128x128xf32, #tpu.memory_space<vmem>> -> memref<125x128xf32, #tpu.memory_space<vmem>>
        tpu.wait_dma2 semaphore(%run_scoped3A : memref<!tpu.dma_semaphore, #tpu.memory_space<semaphore_mem>>) src(%dma_wait3A_113 : memref<125x128xf32, #tpu.memory_space<vmem>>) dst(%dma_wait3A_110 : memref<125x128xf32, #tpu.memory_space<vmem_shared>>)
        tpu.yield
      }) : () -> ()
      %mul3A_84 = arith.constant 2000 : i32
      %mul3A_85 = arith.muli %arg1, %mul3A_84 : i32
      %add3A_86 = arith.constant 1625 : i32
      %add3A_87 = arith.addi %mul3A_85, %add3A_86 : i32
      "tpu.region"() ({
        %run_scoped3A = tpu.sem_alloc : memref<!tpu.dma_semaphore, #tpu.memory_space<semaphore_mem>>
        %dma_start3A = arith.constant 0 : i32
        %dma_start3A_96 = arith.constant 0 : i32
        %dma_start3A_97 = tpu.memref_slice %arg9[%dma_start3A, %dma_start3A_96] : memref<128x128xf32, #tpu.memory_space<vmem>> -> memref<125x128xf32, #tpu.memory_space<vmem>>
        %dma_start3A_98 = arith.constant 0 : i32
        %dma_start3A_99 = tpu.memref_slice %arg11[%add3A_87, %dma_start3A_98] : memref<10000x128xf32, #tpu.memory_space<vmem_shared>> -> memref<125x128xf32, #tpu.memory_space<vmem_shared>>
        %dma_start3A_100 = arith.constant 0 : i32
        %dma_start3A_101 = tpu.memref_slice %arg11[%add3A_87, %dma_start3A_100] : memref<10000x128xf32, #tpu.memory_space<vmem_shared>> -> memref<125x128xf32, #tpu.memory_space<vmem_shared>>
        %dma_start3A_102 = arith.constant 0 : i32
        %dma_start3A_103 = arith.constant 0 : i32
        %dma_start3A_104 = tpu.memref_slice %arg9[%dma_start3A_102, %dma_start3A_103] : memref<128x128xf32, #tpu.memory_space<vmem>> -> memref<125x128xf32, #tpu.memory_space<vmem>>
        tpu.enqueue_dma source(%dma_start3A_104 : memref<125x128xf32, #tpu.memory_space<vmem>>) target(%dma_start3A_101 : memref<125x128xf32, #tpu.memory_space<vmem_shared>>) target_semaphore(%run_scoped3A : memref<!tpu.dma_semaphore, #tpu.memory_space<semaphore_mem>>)
        %dma_wait3A = arith.constant 0 : i32
        %dma_wait3A_105 = arith.constant 0 : i32
        %dma_wait3A_106 = tpu.memref_slice %arg9[%dma_wait3A, %dma_wait3A_105] : memref<128x128xf32, #tpu.memory_space<vmem>> -> memref<125x128xf32, #tpu.memory_space<vmem>>
        %dma_wait3A_107 = arith.constant 0 : i32
        %dma_wait3A_108 = tpu.memref_slice %arg11[%add3A_87, %dma_wait3A_107] : memref<10000x128xf32, #tpu.memory_space<vmem_shared>> -> memref<125x128xf32, #tpu.memory_space<vmem_shared>>
        %dma_wait3A_109 = arith.constant 0 : i32
        %dma_wait3A_110 = tpu.memref_slice %arg11[%add3A_87, %dma_wait3A_109] : memref<10000x128xf32, #tpu.memory_space<vmem_shared>> -> memref<125x128xf32, #tpu.memory_space<vmem_shared>>
        %dma_wait3A_111 = arith.constant 0 : i32
        %dma_wait3A_112 = arith.constant 0 : i32
        %dma_wait3A_113 = tpu.memref_slice %arg9[%dma_wait3A_111, %dma_wait3A_112] : memref<128x128xf32, #tpu.memory_space<vmem>> -> memref<125x128xf32, #tpu.memory_space<vmem>>
        tpu.wait_dma2 semaphore(%run_scoped3A : memref<!tpu.dma_semaphore, #tpu.memory_space<semaphore_mem>>) src(%dma_wait3A_113 : memref<125x128xf32, #tpu.memory_space<vmem>>) dst(%dma_wait3A_110 : memref<125x128xf32, #tpu.memory_space<vmem_shared>>)
        tpu.yield
      }) : () -> ()
      %mul3A_88 = arith.constant 2000 : i32
      %mul3A_89 = arith.muli %arg1, %mul3A_88 : i32
      %add3A_90 = arith.constant 1750 : i32
      %add3A_91 = arith.addi %mul3A_89, %add3A_90 : i32
      "tpu.region"() ({
        %run_scoped3A = tpu.sem_alloc : memref<!tpu.dma_semaphore, #tpu.memory_space<semaphore_mem>>
        %dma_start3A = arith.constant 0 : i32
        %dma_start3A_96 = arith.constant 0 : i32
        %dma_start3A_97 = tpu.memref_slice %arg9[%dma_start3A, %dma_start3A_96] : memref<128x128xf32, #tpu.memory_space<vmem>> -> memref<125x128xf32, #tpu.memory_space<vmem>>
        %dma_start3A_98 = arith.constant 0 : i32
        %dma_start3A_99 = tpu.memref_slice %arg11[%add3A_91, %dma_start3A_98] : memref<10000x128xf32, #tpu.memory_space<vmem_shared>> -> memref<125x128xf32, #tpu.memory_space<vmem_shared>>
        %dma_start3A_100 = arith.constant 0 : i32
        %dma_start3A_101 = tpu.memref_slice %arg11[%add3A_91, %dma_start3A_100] : memref<10000x128xf32, #tpu.memory_space<vmem_shared>> -> memref<125x128xf32, #tpu.memory_space<vmem_shared>>
        %dma_start3A_102 = arith.constant 0 : i32
        %dma_start3A_103 = arith.constant 0 : i32
        %dma_start3A_104 = tpu.memref_slice %arg9[%dma_start3A_102, %dma_start3A_103] : memref<128x128xf32, #tpu.memory_space<vmem>> -> memref<125x128xf32, #tpu.memory_space<vmem>>
        tpu.enqueue_dma source(%dma_start3A_104 : memref<125x128xf32, #tpu.memory_space<vmem>>) target(%dma_start3A_101 : memref<125x128xf32, #tpu.memory_space<vmem_shared>>) target_semaphore(%run_scoped3A : memref<!tpu.dma_semaphore, #tpu.memory_space<semaphore_mem>>)
        %dma_wait3A = arith.constant 0 : i32
        %dma_wait3A_105 = arith.constant 0 : i32
        %dma_wait3A_106 = tpu.memref_slice %arg9[%dma_wait3A, %dma_wait3A_105] : memref<128x128xf32, #tpu.memory_space<vmem>> -> memref<125x128xf32, #tpu.memory_space<vmem>>
        %dma_wait3A_107 = arith.constant 0 : i32
        %dma_wait3A_108 = tpu.memref_slice %arg11[%add3A_91, %dma_wait3A_107] : memref<10000x128xf32, #tpu.memory_space<vmem_shared>> -> memref<125x128xf32, #tpu.memory_space<vmem_shared>>
        %dma_wait3A_109 = arith.constant 0 : i32
        %dma_wait3A_110 = tpu.memref_slice %arg11[%add3A_91, %dma_wait3A_109] : memref<10000x128xf32, #tpu.memory_space<vmem_shared>> -> memref<125x128xf32, #tpu.memory_space<vmem_shared>>
        %dma_wait3A_111 = arith.constant 0 : i32
        %dma_wait3A_112 = arith.constant 0 : i32
        %dma_wait3A_113 = tpu.memref_slice %arg9[%dma_wait3A_111, %dma_wait3A_112] : memref<128x128xf32, #tpu.memory_space<vmem>> -> memref<125x128xf32, #tpu.memory_space<vmem>>
        tpu.wait_dma2 semaphore(%run_scoped3A : memref<!tpu.dma_semaphore, #tpu.memory_space<semaphore_mem>>) src(%dma_wait3A_113 : memref<125x128xf32, #tpu.memory_space<vmem>>) dst(%dma_wait3A_110 : memref<125x128xf32, #tpu.memory_space<vmem_shared>>)
        tpu.yield
      }) : () -> ()
      %mul3A_92 = arith.constant 2000 : i32
      %mul3A_93 = arith.muli %arg1, %mul3A_92 : i32
      %add3A_94 = arith.constant 1875 : i32
      %add3A_95 = arith.addi %mul3A_93, %add3A_94 : i32
      "tpu.region"() ({
        %run_scoped3A = tpu.sem_alloc : memref<!tpu.dma_semaphore, #tpu.memory_space<semaphore_mem>>
        %dma_start3A = arith.constant 0 : i32
        %dma_start3A_96 = arith.constant 0 : i32
        %dma_start3A_97 = tpu.memref_slice %arg9[%dma_start3A, %dma_start3A_96] : memref<128x128xf32, #tpu.memory_space<vmem>> -> memref<125x128xf32, #tpu.memory_space<vmem>>
        %dma_start3A_98 = arith.constant 0 : i32
        %dma_start3A_99 = tpu.memref_slice %arg11[%add3A_95, %dma_start3A_98] : memref<10000x128xf32, #tpu.memory_space<vmem_shared>> -> memref<125x128xf32, #tpu.memory_space<vmem_shared>>
        %dma_start3A_100 = arith.constant 0 : i32
        %dma_start3A_101 = tpu.memref_slice %arg11[%add3A_95, %dma_start3A_100] : memref<10000x128xf32, #tpu.memory_space<vmem_shared>> -> memref<125x128xf32, #tpu.memory_space<vmem_shared>>
        %dma_start3A_102 = arith.constant 0 : i32
        %dma_start3A_103 = arith.constant 0 : i32
        %dma_start3A_104 = tpu.memref_slice %arg9[%dma_start3A_102, %dma_start3A_103] : memref<128x128xf32, #tpu.memory_space<vmem>> -> memref<125x128xf32, #tpu.memory_space<vmem>>
        tpu.enqueue_dma source(%dma_start3A_104 : memref<125x128xf32, #tpu.memory_space<vmem>>) target(%dma_start3A_101 : memref<125x128xf32, #tpu.memory_space<vmem_shared>>) target_semaphore(%run_scoped3A : memref<!tpu.dma_semaphore, #tpu.memory_space<semaphore_mem>>)
        %dma_wait3A = arith.constant 0 : i32
        %dma_wait3A_105 = arith.constant 0 : i32
        %dma_wait3A_106 = tpu.memref_slice %arg9[%dma_wait3A, %dma_wait3A_105] : memref<128x128xf32, #tpu.memory_space<vmem>> -> memref<125x128xf32, #tpu.memory_space<vmem>>
        %dma_wait3A_107 = arith.constant 0 : i32
        %dma_wait3A_108 = tpu.memref_slice %arg11[%add3A_95, %dma_wait3A_107] : memref<10000x128xf32, #tpu.memory_space<vmem_shared>> -> memref<125x128xf32, #tpu.memory_space<vmem_shared>>
        %dma_wait3A_109 = arith.constant 0 : i32
        %dma_wait3A_110 = tpu.memref_slice %arg11[%add3A_95, %dma_wait3A_109] : memref<10000x128xf32, #tpu.memory_space<vmem_shared>> -> memref<125x128xf32, #tpu.memory_space<vmem_shared>>
        %dma_wait3A_111 = arith.constant 0 : i32
        %dma_wait3A_112 = arith.constant 0 : i32
        %dma_wait3A_113 = tpu.memref_slice %arg9[%dma_wait3A_111, %dma_wait3A_112] : memref<128x128xf32, #tpu.memory_space<vmem>> -> memref<125x128xf32, #tpu.memory_space<vmem>>
        tpu.wait_dma2 semaphore(%run_scoped3A : memref<!tpu.dma_semaphore, #tpu.memory_space<semaphore_mem>>) src(%dma_wait3A_113 : memref<125x128xf32, #tpu.memory_space<vmem>>) dst(%dma_wait3A_110 : memref<125x128xf32, #tpu.memory_space<vmem_shared>>)
        tpu.yield
      }) : () -> ()
    } else {
    }
    %barrier3A = arith.constant 0 : index
    tpu.barrier barrier_id(%barrier3A)
    %eq3A = arith.constant 31 : i32
    %eq3A_3 = arith.cmpi eq, %add3A, %eq3A : i32
    %convert_element_type3A_4 = arith.extui %eq3A_3 : i1 to i32
    %mul3A_5 = arith.constant 4 : i32
    %mul3A_6 = arith.muli %mul3A_5, %convert_element_type3A_4 : i32
    %add3A_7 = arith.constant 78 : i32
    %add3A_8 = arith.addi %add3A_7, %mul3A_6 : i32
    %while3A = arith.constant 0 : i32
    %while3A_9 = arith.constant 0 : i32
    %while3A_10 = arith.subi %add3A_8, %while3A : i32
    %while3A_11 = arith.addi %while3A, %while3A_10 : i32
    %while3A_12 = arith.constant 1 : i32
    %while3A_13 = arith.divsi %while3A_10, %while3A_12 : i32
    %while3A_14 = arith.muli %while3A_13, %while3A_12 : i32
    %while3A_15 = arith.addi %while3A, %while3A_14 : i32
    %while3A_16 = arith.constant 1 : i32
    %while3A_17 = scf.for %while3A_26 = %while3A to %while3A_15 step %while3A_16 iter_args(%while3A_27 = %while3A_9) -> (i32)  : i32 {
      %mul3A_28 = arith.constant 9984 : i32
      %mul3A_29 = arith.muli %add3A, %mul3A_28 : i32
      %mul3A_30 = arith.constant 128 : i32
      %mul3A_31 = arith.muli %while3A_26, %mul3A_30 : i32
      %add3A_32 = arith.addi %mul3A_29, %mul3A_31 : i32
      %dma_start3A = arith.constant 0 : i32
      %dma_start3A_33 = arith.constant 0 : i32
      %dma_start3A_34 = tpu.memref_slice %arg7[%dma_start3A, %dma_start3A_33] : memref<1x128xi32, #tpu.memory_space<vmem>> -> memref<1x128xi32, #tpu.memory_space<vmem>>
      %dma_start3A_35 = tpu.memref_squeeze %dma_start3A_34 : memref<1x128xi32, #tpu.memory_space<vmem>> -> memref<128xi32, #tpu.memory_space<vmem>>
      %dma_start3A_36 = tpu.memref_slice %arg4[%add3A_32] : memref<320000xi32, #tpu.memory_space<hbm>> -> memref<128xi32, #tpu.memory_space<hbm>>
      %dma_start3A_37 = arith.constant 0 : i32
      %dma_start3A_38 = tpu.memref_slice %arg7[%dma_start3A, %dma_start3A_37] : memref<1x128xi32, #tpu.memory_space<vmem>> -> memref<1x128xi32, #tpu.memory_space<vmem>>
      %dma_start3A_39 = tpu.memref_squeeze %dma_start3A_38 : memref<1x128xi32, #tpu.memory_space<vmem>> -> memref<128xi32, #tpu.memory_space<vmem>>
      %dma_start3A_40 = tpu.memref_slice %arg4[%add3A_32] : memref<320000xi32, #tpu.memory_space<hbm>> -> memref<128xi32, #tpu.memory_space<hbm>>
      tpu.enqueue_dma source(%dma_start3A_40 : memref<128xi32, #tpu.memory_space<hbm>>) target(%dma_start3A_39 : memref<128xi32, #tpu.memory_space<vmem>>) target_semaphore(%arg14 : memref<!tpu.dma_semaphore, #tpu.memory_space<semaphore_mem>>)
      %dma_start3A_41 = arith.constant 0 : i32
      %dma_start3A_42 = arith.constant 0 : i32
      %dma_start3A_43 = tpu.memref_slice %arg8[%dma_start3A_41, %dma_start3A_42] : memref<1x128xi32, #tpu.memory_space<vmem>> -> memref<1x128xi32, #tpu.memory_space<vmem>>
      %dma_start3A_44 = tpu.memref_squeeze %dma_start3A_43 : memref<1x128xi32, #tpu.memory_space<vmem>> -> memref<128xi32, #tpu.memory_space<vmem>>
      %dma_start3A_45 = tpu.memref_slice %arg5[%add3A_32] : memref<320000xi32, #tpu.memory_space<hbm>> -> memref<128xi32, #tpu.memory_space<hbm>>
      %dma_start3A_46 = arith.constant 0 : i32
      %dma_start3A_47 = tpu.memref_slice %arg8[%dma_start3A_41, %dma_start3A_46] : memref<1x128xi32, #tpu.memory_space<vmem>> -> memref<1x128xi32, #tpu.memory_space<vmem>>
      %dma_start3A_48 = tpu.memref_squeeze %dma_start3A_47 : memref<1x128xi32, #tpu.memory_space<vmem>> -> memref<128xi32, #tpu.memory_space<vmem>>
      %dma_start3A_49 = tpu.memref_slice %arg5[%add3A_32] : memref<320000xi32, #tpu.memory_space<hbm>> -> memref<128xi32, #tpu.memory_space<hbm>>
      tpu.enqueue_dma source(%dma_start3A_49 : memref<128xi32, #tpu.memory_space<hbm>>) target(%dma_start3A_48 : memref<128xi32, #tpu.memory_space<vmem>>) target_semaphore(%arg14 : memref<!tpu.dma_semaphore, #tpu.memory_space<semaphore_mem>>)
      %dma_start3A_50 = arith.constant 0 : i32
      %dma_start3A_51 = tpu.memref_slice %arg3[%add3A_32, %dma_start3A_50] : memref<320000x128xf32, #tpu.memory_space<hbm>> -> memref<128x128xf32, #tpu.memory_space<hbm>>
      %dma_start3A_52 = arith.constant 0 : i32
      %dma_start3A_53 = tpu.memref_slice %arg3[%add3A_32, %dma_start3A_52] : memref<320000x128xf32, #tpu.memory_space<hbm>> -> memref<128x128xf32, #tpu.memory_space<hbm>>
      tpu.enqueue_dma source(%dma_start3A_53 : memref<128x128xf32, #tpu.memory_space<hbm>>) target(%arg10 : memref<128x128xf32, #tpu.memory_space<vmem>>) target_semaphore(%arg13 : memref<!tpu.dma_semaphore, #tpu.memory_space<semaphore_mem>>)
      %dma_wait3A = arith.constant 0 : i32
      %dma_wait3A_54 = arith.constant 0 : i32
      %dma_wait3A_55 = tpu.memref_slice %arg7[%dma_wait3A, %dma_wait3A_54] : memref<1x128xi32, #tpu.memory_space<vmem>> -> memref<1x128xi32, #tpu.memory_space<vmem>>
      %dma_wait3A_56 = tpu.memref_squeeze %dma_wait3A_55 : memref<1x128xi32, #tpu.memory_space<vmem>> -> memref<128xi32, #tpu.memory_space<vmem>>
      %dma_wait3A_57 = tpu.memref_slice %arg4[%add3A_32] : memref<320000xi32, #tpu.memory_space<hbm>> -> memref<128xi32, #tpu.memory_space<hbm>>
      %dma_wait3A_58 = arith.constant 0 : i32
      %dma_wait3A_59 = tpu.memref_slice %arg7[%dma_wait3A, %dma_wait3A_58] : memref<1x128xi32, #tpu.memory_space<vmem>> -> memref<1x128xi32, #tpu.memory_space<vmem>>
      %dma_wait3A_60 = tpu.memref_squeeze %dma_wait3A_59 : memref<1x128xi32, #tpu.memory_space<vmem>> -> memref<128xi32, #tpu.memory_space<vmem>>
      %dma_wait3A_61 = tpu.memref_slice %arg4[%add3A_32] : memref<320000xi32, #tpu.memory_space<hbm>> -> memref<128xi32, #tpu.memory_space<hbm>>
      tpu.wait_dma2 semaphore(%arg14 : memref<!tpu.dma_semaphore, #tpu.memory_space<semaphore_mem>>) src(%dma_wait3A_61 : memref<128xi32, #tpu.memory_space<hbm>>) dst(%dma_wait3A_60 : memref<128xi32, #tpu.memory_space<vmem>>)
      %dma_wait3A_62 = arith.constant 0 : i32
      %dma_wait3A_63 = arith.constant 0 : i32
      %dma_wait3A_64 = tpu.memref_slice %arg8[%dma_wait3A_62, %dma_wait3A_63] : memref<1x128xi32, #tpu.memory_space<vmem>> -> memref<1x128xi32, #tpu.memory_space<vmem>>
      %dma_wait3A_65 = tpu.memref_squeeze %dma_wait3A_64 : memref<1x128xi32, #tpu.memory_space<vmem>> -> memref<128xi32, #tpu.memory_space<vmem>>
      %dma_wait3A_66 = tpu.memref_slice %arg5[%add3A_32] : memref<320000xi32, #tpu.memory_space<hbm>> -> memref<128xi32, #tpu.memory_space<hbm>>
      %dma_wait3A_67 = arith.constant 0 : i32
      %dma_wait3A_68 = tpu.memref_slice %arg8[%dma_wait3A_62, %dma_wait3A_67] : memref<1x128xi32, #tpu.memory_space<vmem>> -> memref<1x128xi32, #tpu.memory_space<vmem>>
      %dma_wait3A_69 = tpu.memref_squeeze %dma_wait3A_68 : memref<1x128xi32, #tpu.memory_space<vmem>> -> memref<128xi32, #tpu.memory_space<vmem>>
      %dma_wait3A_70 = tpu.memref_slice %arg5[%add3A_32] : memref<320000xi32, #tpu.memory_space<hbm>> -> memref<128xi32, #tpu.memory_space<hbm>>
      tpu.wait_dma2 semaphore(%arg14 : memref<!tpu.dma_semaphore, #tpu.memory_space<semaphore_mem>>) src(%dma_wait3A_70 : memref<128xi32, #tpu.memory_space<hbm>>) dst(%dma_wait3A_69 : memref<128xi32, #tpu.memory_space<vmem>>)
      %dma_start3A_71 = arith.constant 0 : i32
      %dma_start3A_72 = arith.constant 0 : i32
      %dma_start3A_73 = tpu.memref_slice %arg7[%dma_start3A_71, %dma_start3A_72] : memref<1x128xi32, #tpu.memory_space<vmem>> -> memref<1x128xi32, #tpu.memory_space<vmem>>
      %dma_start3A_74 = tpu.memref_squeeze %dma_start3A_73 : memref<1x128xi32, #tpu.memory_space<vmem>> -> memref<128xi32, #tpu.memory_space<vmem>>
      %dma_start3A_75 = arith.constant 0 : i32
      %dma_start3A_76 = arith.constant 0 : i32
      %dma_start3A_77 = tpu.memref_slice %arg2[%dma_start3A_75, %dma_start3A_76] : memref<10000x128xf32, #tpu.memory_space<hbm>> -> memref<10000x128xf32, #tpu.memory_space<hbm>>
      tpu.enqueue_indirect_dma source(%dma_start3A_77 : memref<10000x128xf32, #tpu.memory_space<hbm>>) target(%arg9 : memref<128x128xf32, #tpu.memory_space<vmem>>) offsets(%dma_start3A_74 : memref<128xi32, #tpu.memory_space<vmem>>) semaphore(%arg12 : memref<!tpu.dma_semaphore, #tpu.memory_space<semaphore_mem>>)
      %dma_wait3A_78 = arith.constant 0 : i32
      %dma_wait3A_79 = tpu.memref_slice %arg3[%add3A_32, %dma_wait3A_78] : memref<320000x128xf32, #tpu.memory_space<hbm>> -> memref<128x128xf32, #tpu.memory_space<hbm>>
      %dma_wait3A_80 = arith.constant 0 : i32
      %dma_wait3A_81 = tpu.memref_slice %arg3[%add3A_32, %dma_wait3A_80] : memref<320000x128xf32, #tpu.memory_space<hbm>> -> memref<128x128xf32, #tpu.memory_space<hbm>>
      tpu.wait_dma2 semaphore(%arg13 : memref<!tpu.dma_semaphore, #tpu.memory_space<semaphore_mem>>) src(%dma_wait3A_81 : memref<128x128xf32, #tpu.memory_space<hbm>>) dst(%arg10 : memref<128x128xf32, #tpu.memory_space<vmem>>)
      %dma_wait3A_82 = arith.constant 0 : i32
      %dma_wait3A_83 = arith.constant 0 : i32
      %dma_wait3A_84 = tpu.memref_slice %arg7[%dma_wait3A_82, %dma_wait3A_83] : memref<1x128xi32, #tpu.memory_space<vmem>> -> memref<1x128xi32, #tpu.memory_space<vmem>>
      %dma_wait3A_85 = tpu.memref_squeeze %dma_wait3A_84 : memref<1x128xi32, #tpu.memory_space<vmem>> -> memref<128xi32, #tpu.memory_space<vmem>>
      %dma_wait3A_86 = arith.constant 0 : i32
      %dma_wait3A_87 = arith.constant 0 : i32
      %dma_wait3A_88 = tpu.memref_slice %arg2[%dma_wait3A_86, %dma_wait3A_87] : memref<10000x128xf32, #tpu.memory_space<hbm>> -> memref<10000x128xf32, #tpu.memory_space<hbm>>
      tpu.wait_indirect_dma semaphore(%arg12 : memref<!tpu.dma_semaphore, #tpu.memory_space<semaphore_mem>>) src(%dma_wait3A_88 : memref<10000x128xf32, #tpu.memory_space<hbm>>) dst(%arg9 : memref<128x128xf32, #tpu.memory_space<vmem>>)
      %scan3A = arith.constant 0 : i32
      %scan3A_89 = arith.constant 0 : i32
      %scan3A_90 = arith.constant 128 : i32
      %scan3A_91 = arith.addi %scan3A_89, %scan3A_90 : i32
      %scan3A_92 = arith.constant 1 : i32
      %scan3A_93 = scf.for %scan3A_96 = %scan3A_89 to %scan3A_91 step %scan3A_92 iter_args(%scan3A_97 = %scan3A) -> (i32)  : i32 {
        %get3A = arith.index_cast %scan3A_96 : i32 to index
        %get3A_98 = arith.constant 0 : index
        %get3A_99 = tpu.vector_load %arg10[%get3A, %get3A_98] {strides = array<i32>} : memref<128x128xf32, #tpu.memory_space<vmem>>, vector<1x16xf32>,
        %get3A_100 = vector.shape_cast %get3A_99 : vector<1x16xf32> to vector<16xf32>
        %get3A_101 = arith.index_cast %scan3A_96 : i32 to index
        %get3A_102 = arith.constant 0 : index
        %get3A_103 = tpu.vector_load %arg9[%get3A_101, %get3A_102] {strides = array<i32>} : memref<128x128xf32, #tpu.memory_space<vmem>>, vector<1x16xf32>,
        %get3A_104 = vector.shape_cast %get3A_103 : vector<1x16xf32> to vector<16xf32>
        %add3A_105 = arith.addf %get3A_100, %get3A_104 : vector<16xf32>
        %max3A = arith.constant 0.000000e+00 : f32
        %max3A_106 = vector.broadcast %max3A : f32 to vector<16xf32>
        %max3A_107 = arith.maximumf %add3A_105, %max3A_106 : vector<16xf32>
        %swap3A = arith.index_cast %scan3A_96 : i32 to index
        %swap3A_108 = arith.constant 0 : index
        %swap3A_109 = tpu.vector_load %arg10[%swap3A, %swap3A_108] {strides = array<i32>} : memref<128x128xf32, #tpu.memory_space<vmem>>, vector<1x16xf32>,
        %swap3A_110 = vector.shape_cast %swap3A_109 : vector<1x16xf32> to vector<16xf32>
        %swap3A_111 = vector.shape_cast %max3A_107 : vector<16xf32> to vector<1x16xf32>
        tpu.vector_store %arg10[%swap3A, %swap3A_108], %swap3A_111 {strides = array<i32>} : memref<128x128xf32, #tpu.memory_space<vmem>>, vector<1x16xf32>,
        %get3A_112 = arith.index_cast %scan3A_96 : i32 to index
        %get3A_113 = arith.constant 16 : index
        %get3A_114 = tpu.vector_load %arg10[%get3A_112, %get3A_113] {strides = array<i32>} : memref<128x128xf32, #tpu.memory_space<vmem>>, vector<1x16xf32>,
        %get3A_115 = vector.shape_cast %get3A_114 : vector<1x16xf32> to vector<16xf32>
        %get3A_116 = arith.index_cast %scan3A_96 : i32 to index
        %get3A_117 = arith.constant 16 : index
        %get3A_118 = tpu.vector_load %arg9[%get3A_116, %get3A_117] {strides = array<i32>} : memref<128x128xf32, #tpu.memory_space<vmem>>, vector<1x16xf32>,
        %get3A_119 = vector.shape_cast %get3A_118 : vector<1x16xf32> to vector<16xf32>
        %add3A_120 = arith.addf %get3A_115, %get3A_119 : vector<16xf32>
        %max3A_121 = arith.constant 0.000000e+00 : f32
        %max3A_122 = vector.broadcast %max3A_121 : f32 to vector<16xf32>
        %max3A_123 = arith.maximumf %add3A_120, %max3A_122 : vector<16xf32>
        %swap3A_124 = arith.index_cast %scan3A_96 : i32 to index
        %swap3A_125 = arith.constant 16 : index
        %swap3A_126 = tpu.vector_load %arg10[%swap3A_124, %swap3A_125] {strides = array<i32>} : memref<128x128xf32, #tpu.memory_space<vmem>>, vector<1x16xf32>,
        %swap3A_127 = vector.shape_cast %swap3A_126 : vector<1x16xf32> to vector<16xf32>
        %swap3A_128 = vector.shape_cast %max3A_123 : vector<16xf32> to vector<1x16xf32>
        tpu.vector_store %arg10[%swap3A_124, %swap3A_125], %swap3A_128 {strides = array<i32>} : memref<128x128xf32, #tpu.memory_space<vmem>>, vector<1x16xf32>,
        %get3A_129 = arith.index_cast %scan3A_96 : i32 to index
        %get3A_130 = arith.constant 32 : index
        %get3A_131 = tpu.vector_load %arg10[%get3A_129, %get3A_130] {strides = array<i32>} : memref<128x128xf32, #tpu.memory_space<vmem>>, vector<1x16xf32>,
        %get3A_132 = vector.shape_cast %get3A_131 : vector<1x16xf32> to vector<16xf32>
        %get3A_133 = arith.index_cast %scan3A_96 : i32 to index
        %get3A_134 = arith.constant 32 : index
        %get3A_135 = tpu.vector_load %arg9[%get3A_133, %get3A_134] {strides = array<i32>} : memref<128x128xf32, #tpu.memory_space<vmem>>, vector<1x16xf32>,
        %get3A_136 = vector.shape_cast %get3A_135 : vector<1x16xf32> to vector<16xf32>
        %add3A_137 = arith.addf %get3A_132, %get3A_136 : vector<16xf32>
        %max3A_138 = arith.constant 0.000000e+00 : f32
        %max3A_139 = vector.broadcast %max3A_138 : f32 to vector<16xf32>
        %max3A_140 = arith.maximumf %add3A_137, %max3A_139 : vector<16xf32>
        %swap3A_141 = arith.index_cast %scan3A_96 : i32 to index
        %swap3A_142 = arith.constant 32 : index
        %swap3A_143 = tpu.vector_load %arg10[%swap3A_141, %swap3A_142] {strides = array<i32>} : memref<128x128xf32, #tpu.memory_space<vmem>>, vector<1x16xf32>,
        %swap3A_144 = vector.shape_cast %swap3A_143 : vector<1x16xf32> to vector<16xf32>
        %swap3A_145 = vector.shape_cast %max3A_140 : vector<16xf32> to vector<1x16xf32>
        tpu.vector_store %arg10[%swap3A_141, %swap3A_142], %swap3A_145 {strides = array<i32>} : memref<128x128xf32, #tpu.memory_space<vmem>>, vector<1x16xf32>,
        %get3A_146 = arith.index_cast %scan3A_96 : i32 to index
        %get3A_147 = arith.constant 48 : index
        %get3A_148 = tpu.vector_load %arg10[%get3A_146, %get3A_147] {strides = array<i32>} : memref<128x128xf32, #tpu.memory_space<vmem>>, vector<1x16xf32>,
        %get3A_149 = vector.shape_cast %get3A_148 : vector<1x16xf32> to vector<16xf32>
        %get3A_150 = arith.index_cast %scan3A_96 : i32 to index
        %get3A_151 = arith.constant 48 : index
        %get3A_152 = tpu.vector_load %arg9[%get3A_150, %get3A_151] {strides = array<i32>} : memref<128x128xf32, #tpu.memory_space<vmem>>, vector<1x16xf32>,
        %get3A_153 = vector.shape_cast %get3A_152 : vector<1x16xf32> to vector<16xf32>
        %add3A_154 = arith.addf %get3A_149, %get3A_153 : vector<16xf32>
        %max3A_155 = arith.constant 0.000000e+00 : f32
        %max3A_156 = vector.broadcast %max3A_155 : f32 to vector<16xf32>
        %max3A_157 = arith.maximumf %add3A_154, %max3A_156 : vector<16xf32>
        %swap3A_158 = arith.index_cast %scan3A_96 : i32 to index
        %swap3A_159 = arith.constant 48 : index
        %swap3A_160 = tpu.vector_load %arg10[%swap3A_158, %swap3A_159] {strides = array<i32>} : memref<128x128xf32, #tpu.memory_space<vmem>>, vector<1x16xf32>,
        %swap3A_161 = vector.shape_cast %swap3A_160 : vector<1x16xf32> to vector<16xf32>
        %swap3A_162 = vector.shape_cast %max3A_157 : vector<16xf32> to vector<1x16xf32>
        tpu.vector_store %arg10[%swap3A_158, %swap3A_159], %swap3A_162 {strides = array<i32>} : memref<128x128xf32, #tpu.memory_space<vmem>>, vector<1x16xf32>,
        %get3A_163 = arith.index_cast %scan3A_96 : i32 to index
        %get3A_164 = arith.constant 64 : index
        %get3A_165 = tpu.vector_load %arg10[%get3A_163, %get3A_164] {strides = array<i32>} : memref<128x128xf32, #tpu.memory_space<vmem>>, vector<1x16xf32>,
        %get3A_166 = vector.shape_cast %get3A_165 : vector<1x16xf32> to vector<16xf32>
        %get3A_167 = arith.index_cast %scan3A_96 : i32 to index
        %get3A_168 = arith.constant 64 : index
        %get3A_169 = tpu.vector_load %arg9[%get3A_167, %get3A_168] {strides = array<i32>} : memref<128x128xf32, #tpu.memory_space<vmem>>, vector<1x16xf32>,
        %get3A_170 = vector.shape_cast %get3A_169 : vector<1x16xf32> to vector<16xf32>
        %add3A_171 = arith.addf %get3A_166, %get3A_170 : vector<16xf32>
        %max3A_172 = arith.constant 0.000000e+00 : f32
        %max3A_173 = vector.broadcast %max3A_172 : f32 to vector<16xf32>
        %max3A_174 = arith.maximumf %add3A_171, %max3A_173 : vector<16xf32>
        %swap3A_175 = arith.index_cast %scan3A_96 : i32 to index
        %swap3A_176 = arith.constant 64 : index
        %swap3A_177 = tpu.vector_load %arg10[%swap3A_175, %swap3A_176] {strides = array<i32>} : memref<128x128xf32, #tpu.memory_space<vmem>>, vector<1x16xf32>,
        %swap3A_178 = vector.shape_cast %swap3A_177 : vector<1x16xf32> to vector<16xf32>
        %swap3A_179 = vector.shape_cast %max3A_174 : vector<16xf32> to vector<1x16xf32>
        tpu.vector_store %arg10[%swap3A_175, %swap3A_176], %swap3A_179 {strides = array<i32>} : memref<128x128xf32, #tpu.memory_space<vmem>>, vector<1x16xf32>,
        %get3A_180 = arith.index_cast %scan3A_96 : i32 to index
        %get3A_181 = arith.constant 80 : index
        %get3A_182 = tpu.vector_load %arg10[%get3A_180, %get3A_181] {strides = array<i32>} : memref<128x128xf32, #tpu.memory_space<vmem>>, vector<1x16xf32>,
        %get3A_183 = vector.shape_cast %get3A_182 : vector<1x16xf32> to vector<16xf32>
        %get3A_184 = arith.index_cast %scan3A_96 : i32 to index
        %get3A_185 = arith.constant 80 : index
        %get3A_186 = tpu.vector_load %arg9[%get3A_184, %get3A_185] {strides = array<i32>} : memref<128x128xf32, #tpu.memory_space<vmem>>, vector<1x16xf32>,
        %get3A_187 = vector.shape_cast %get3A_186 : vector<1x16xf32> to vector<16xf32>
        %add3A_188 = arith.addf %get3A_183, %get3A_187 : vector<16xf32>
        %max3A_189 = arith.constant 0.000000e+00 : f32
        %max3A_190 = vector.broadcast %max3A_189 : f32 to vector<16xf32>
        %max3A_191 = arith.maximumf %add3A_188, %max3A_190 : vector<16xf32>
        %swap3A_192 = arith.index_cast %scan3A_96 : i32 to index
        %swap3A_193 = arith.constant 80 : index
        %swap3A_194 = tpu.vector_load %arg10[%swap3A_192, %swap3A_193] {strides = array<i32>} : memref<128x128xf32, #tpu.memory_space<vmem>>, vector<1x16xf32>,
        %swap3A_195 = vector.shape_cast %swap3A_194 : vector<1x16xf32> to vector<16xf32>
        %swap3A_196 = vector.shape_cast %max3A_191 : vector<16xf32> to vector<1x16xf32>
        tpu.vector_store %arg10[%swap3A_192, %swap3A_193], %swap3A_196 {strides = array<i32>} : memref<128x128xf32, #tpu.memory_space<vmem>>, vector<1x16xf32>,
        %get3A_197 = arith.index_cast %scan3A_96 : i32 to index
        %get3A_198 = arith.constant 96 : index
        %get3A_199 = tpu.vector_load %arg10[%get3A_197, %get3A_198] {strides = array<i32>} : memref<128x128xf32, #tpu.memory_space<vmem>>, vector<1x16xf32>,
        %get3A_200 = vector.shape_cast %get3A_199 : vector<1x16xf32> to vector<16xf32>
        %get3A_201 = arith.index_cast %scan3A_96 : i32 to index
        %get3A_202 = arith.constant 96 : index
        %get3A_203 = tpu.vector_load %arg9[%get3A_201, %get3A_202] {strides = array<i32>} : memref<128x128xf32, #tpu.memory_space<vmem>>, vector<1x16xf32>,
        %get3A_204 = vector.shape_cast %get3A_203 : vector<1x16xf32> to vector<16xf32>
        %add3A_205 = arith.addf %get3A_200, %get3A_204 : vector<16xf32>
        %max3A_206 = arith.constant 0.000000e+00 : f32
        %max3A_207 = vector.broadcast %max3A_206 : f32 to vector<16xf32>
        %max3A_208 = arith.maximumf %add3A_205, %max3A_207 : vector<16xf32>
        %swap3A_209 = arith.index_cast %scan3A_96 : i32 to index
        %swap3A_210 = arith.constant 96 : index
        %swap3A_211 = tpu.vector_load %arg10[%swap3A_209, %swap3A_210] {strides = array<i32>} : memref<128x128xf32, #tpu.memory_space<vmem>>, vector<1x16xf32>,
        %swap3A_212 = vector.shape_cast %swap3A_211 : vector<1x16xf32> to vector<16xf32>
        %swap3A_213 = vector.shape_cast %max3A_208 : vector<16xf32> to vector<1x16xf32>
        tpu.vector_store %arg10[%swap3A_209, %swap3A_210], %swap3A_213 {strides = array<i32>} : memref<128x128xf32, #tpu.memory_space<vmem>>, vector<1x16xf32>,
        %get3A_214 = arith.index_cast %scan3A_96 : i32 to index
        %get3A_215 = arith.constant 112 : index
        %get3A_216 = tpu.vector_load %arg10[%get3A_214, %get3A_215] {strides = array<i32>} : memref<128x128xf32, #tpu.memory_space<vmem>>, vector<1x16xf32>,
        %get3A_217 = vector.shape_cast %get3A_216 : vector<1x16xf32> to vector<16xf32>
        %get3A_218 = arith.index_cast %scan3A_96 : i32 to index
        %get3A_219 = arith.constant 112 : index
        %get3A_220 = tpu.vector_load %arg9[%get3A_218, %get3A_219] {strides = array<i32>} : memref<128x128xf32, #tpu.memory_space<vmem>>, vector<1x16xf32>,
        %get3A_221 = vector.shape_cast %get3A_220 : vector<1x16xf32> to vector<16xf32>
        %add3A_222 = arith.addf %get3A_217, %get3A_221 : vector<16xf32>
        %max3A_223 = arith.constant 0.000000e+00 : f32
        %max3A_224 = vector.broadcast %max3A_223 : f32 to vector<16xf32>
        %max3A_225 = arith.maximumf %add3A_222, %max3A_224 : vector<16xf32>
        %swap3A_226 = arith.index_cast %scan3A_96 : i32 to index
        %swap3A_227 = arith.constant 112 : index
        %swap3A_228 = tpu.vector_load %arg10[%swap3A_226, %swap3A_227] {strides = array<i32>} : memref<128x128xf32, #tpu.memory_space<vmem>>, vector<1x16xf32>,
        %swap3A_229 = vector.shape_cast %swap3A_228 : vector<1x16xf32> to vector<16xf32>
        %swap3A_230 = vector.shape_cast %max3A_225 : vector<16xf32> to vector<1x16xf32>
        tpu.vector_store %arg10[%swap3A_226, %swap3A_227], %swap3A_230 {strides = array<i32>} : memref<128x128xf32, #tpu.memory_space<vmem>>, vector<1x16xf32>,
        %scan3A_231 = arith.constant 0 : i32
        scf.yield %scan3A_231 : i32
      }
      %scan3A_94 = arith.constant 128 : i32
      %run_scoped3A = arith.constant 0 : i32
      "tpu.region"() ({
        %run_scoped3A_96 = tpu.sem_alloc : memref<!tpu.dma_semaphore, #tpu.memory_space<semaphore_mem>>
        %dma_start3A_97 = arith.constant 0 : i32
        %dma_start3A_98 = tpu.memref_slice %arg8[%run_scoped3A, %dma_start3A_97] : memref<1x128xi32, #tpu.memory_space<vmem>> -> memref<1x128xi32, #tpu.memory_space<vmem>>
        %dma_start3A_99 = tpu.memref_squeeze %dma_start3A_98 : memref<1x128xi32, #tpu.memory_space<vmem>> -> memref<128xi32, #tpu.memory_space<vmem>>
        %dma_start3A_100 = arith.constant 0 : i32
        %dma_start3A_101 = arith.constant 0 : i32
        %dma_start3A_102 = tpu.memref_slice %arg11[%dma_start3A_100, %dma_start3A_101] : memref<10000x128xf32, #tpu.memory_space<vmem_shared>> -> memref<10000x128xf32, #tpu.memory_space<vmem_shared>>
        tpu.enqueue_indirect_dma source(%arg10 : memref<128x128xf32, #tpu.memory_space<vmem>>) target(%dma_start3A_102 : memref<10000x128xf32, #tpu.memory_space<vmem_shared>>) offsets(%dma_start3A_99 : memref<128xi32, #tpu.memory_space<vmem>>) semaphore(%run_scoped3A_96 : memref<!tpu.dma_semaphore, #tpu.memory_space<semaphore_mem>>) {add = true}
        %dma_wait3A_103 = arith.constant 0 : i32
        %dma_wait3A_104 = tpu.memref_slice %arg8[%run_scoped3A, %dma_wait3A_103] : memref<1x128xi32, #tpu.memory_space<vmem>> -> memref<1x128xi32, #tpu.memory_space<vmem>>
        %dma_wait3A_105 = tpu.memref_squeeze %dma_wait3A_104 : memref<1x128xi32, #tpu.memory_space<vmem>> -> memref<128xi32, #tpu.memory_space<vmem>>
        %dma_wait3A_106 = arith.constant 0 : i32
        %dma_wait3A_107 = arith.constant 0 : i32
        %dma_wait3A_108 = tpu.memref_slice %arg11[%dma_wait3A_106, %dma_wait3A_107] : memref<10000x128xf32, #tpu.memory_space<vmem_shared>> -> memref<10000x128xf32, #tpu.memory_space<vmem_shared>>
        tpu.wait_indirect_dma semaphore(%run_scoped3A_96 : memref<!tpu.dma_semaphore, #tpu.memory_space<semaphore_mem>>) src(%arg10 : memref<128x128xf32, #tpu.memory_space<vmem>>) dst(%dma_wait3A_108 : memref<10000x128xf32, #tpu.memory_space<vmem_shared>>)
        tpu.yield
      }) : () -> ()
      %while3A_95 = arith.constant 0 : i32
      scf.yield %while3A_95 : i32
    }
    %while3A_18 = arith.constant 1 : i32
    %while3A_19 = scf.for %while3A_26 = %while3A_15 to %while3A_11 step %while3A_18 iter_args(%while3A_27 = %while3A_17) -> (i32)  : i32 {
      %mul3A_28 = arith.constant 9984 : i32
      %mul3A_29 = arith.muli %add3A, %mul3A_28 : i32
      %mul3A_30 = arith.constant 128 : i32
      %mul3A_31 = arith.muli %while3A_26, %mul3A_30 : i32
      %add3A_32 = arith.addi %mul3A_29, %mul3A_31 : i32
      %dma_start3A = arith.constant 0 : i32
      %dma_start3A_33 = arith.constant 0 : i32
      %dma_start3A_34 = tpu.memref_slice %arg7[%dma_start3A, %dma_start3A_33] : memref<1x128xi32, #tpu.memory_space<vmem>> -> memref<1x128xi32, #tpu.memory_space<vmem>>
      %dma_start3A_35 = tpu.memref_squeeze %dma_start3A_34 : memref<1x128xi32, #tpu.memory_space<vmem>> -> memref<128xi32, #tpu.memory_space<vmem>>
      %dma_start3A_36 = tpu.memref_slice %arg4[%add3A_32] : memref<320000xi32, #tpu.memory_space<hbm>> -> memref<128xi32, #tpu.memory_space<hbm>>
      %dma_start3A_37 = arith.constant 0 : i32
      %dma_start3A_38 = tpu.memref_slice %arg7[%dma_start3A, %dma_start3A_37] : memref<1x128xi32, #tpu.memory_space<vmem>> -> memref<1x128xi32, #tpu.memory_space<vmem>>
      %dma_start3A_39 = tpu.memref_squeeze %dma_start3A_38 : memref<1x128xi32, #tpu.memory_space<vmem>> -> memref<128xi32, #tpu.memory_space<vmem>>
      %dma_start3A_40 = tpu.memref_slice %arg4[%add3A_32] : memref<320000xi32, #tpu.memory_space<hbm>> -> memref<128xi32, #tpu.memory_space<hbm>>
      tpu.enqueue_dma source(%dma_start3A_40 : memref<128xi32, #tpu.memory_space<hbm>>) target(%dma_start3A_39 : memref<128xi32, #tpu.memory_space<vmem>>) target_semaphore(%arg14 : memref<!tpu.dma_semaphore, #tpu.memory_space<semaphore_mem>>)
      %dma_start3A_41 = arith.constant 0 : i32
      %dma_start3A_42 = arith.constant 0 : i32
      %dma_start3A_43 = tpu.memref_slice %arg8[%dma_start3A_41, %dma_start3A_42] : memref<1x128xi32, #tpu.memory_space<vmem>> -> memref<1x128xi32, #tpu.memory_space<vmem>>
      %dma_start3A_44 = tpu.memref_squeeze %dma_start3A_43 : memref<1x128xi32, #tpu.memory_space<vmem>> -> memref<128xi32, #tpu.memory_space<vmem>>
      %dma_start3A_45 = tpu.memref_slice %arg5[%add3A_32] : memref<320000xi32, #tpu.memory_space<hbm>> -> memref<128xi32, #tpu.memory_space<hbm>>
      %dma_start3A_46 = arith.constant 0 : i32
      %dma_start3A_47 = tpu.memref_slice %arg8[%dma_start3A_41, %dma_start3A_46] : memref<1x128xi32, #tpu.memory_space<vmem>> -> memref<1x128xi32, #tpu.memory_space<vmem>>
      %dma_start3A_48 = tpu.memref_squeeze %dma_start3A_47 : memref<1x128xi32, #tpu.memory_space<vmem>> -> memref<128xi32, #tpu.memory_space<vmem>>
      %dma_start3A_49 = tpu.memref_slice %arg5[%add3A_32] : memref<320000xi32, #tpu.memory_space<hbm>> -> memref<128xi32, #tpu.memory_space<hbm>>
      tpu.enqueue_dma source(%dma_start3A_49 : memref<128xi32, #tpu.memory_space<hbm>>) target(%dma_start3A_48 : memref<128xi32, #tpu.memory_space<vmem>>) target_semaphore(%arg14 : memref<!tpu.dma_semaphore, #tpu.memory_space<semaphore_mem>>)
      %dma_start3A_50 = arith.constant 0 : i32
      %dma_start3A_51 = tpu.memref_slice %arg3[%add3A_32, %dma_start3A_50] : memref<320000x128xf32, #tpu.memory_space<hbm>> -> memref<128x128xf32, #tpu.memory_space<hbm>>
      %dma_start3A_52 = arith.constant 0 : i32
      %dma_start3A_53 = tpu.memref_slice %arg3[%add3A_32, %dma_start3A_52] : memref<320000x128xf32, #tpu.memory_space<hbm>> -> memref<128x128xf32, #tpu.memory_space<hbm>>
      tpu.enqueue_dma source(%dma_start3A_53 : memref<128x128xf32, #tpu.memory_space<hbm>>) target(%arg10 : memref<128x128xf32, #tpu.memory_space<vmem>>) target_semaphore(%arg13 : memref<!tpu.dma_semaphore, #tpu.memory_space<semaphore_mem>>)
      %dma_wait3A = arith.constant 0 : i32
      %dma_wait3A_54 = arith.constant 0 : i32
      %dma_wait3A_55 = tpu.memref_slice %arg7[%dma_wait3A, %dma_wait3A_54] : memref<1x128xi32, #tpu.memory_space<vmem>> -> memref<1x128xi32, #tpu.memory_space<vmem>>
      %dma_wait3A_56 = tpu.memref_squeeze %dma_wait3A_55 : memref<1x128xi32, #tpu.memory_space<vmem>> -> memref<128xi32, #tpu.memory_space<vmem>>
      %dma_wait3A_57 = tpu.memref_slice %arg4[%add3A_32] : memref<320000xi32, #tpu.memory_space<hbm>> -> memref<128xi32, #tpu.memory_space<hbm>>
      %dma_wait3A_58 = arith.constant 0 : i32
      %dma_wait3A_59 = tpu.memref_slice %arg7[%dma_wait3A, %dma_wait3A_58] : memref<1x128xi32, #tpu.memory_space<vmem>> -> memref<1x128xi32, #tpu.memory_space<vmem>>
      %dma_wait3A_60 = tpu.memref_squeeze %dma_wait3A_59 : memref<1x128xi32, #tpu.memory_space<vmem>> -> memref<128xi32, #tpu.memory_space<vmem>>
      %dma_wait3A_61 = tpu.memref_slice %arg4[%add3A_32] : memref<320000xi32, #tpu.memory_space<hbm>> -> memref<128xi32, #tpu.memory_space<hbm>>
      tpu.wait_dma2 semaphore(%arg14 : memref<!tpu.dma_semaphore, #tpu.memory_space<semaphore_mem>>) src(%dma_wait3A_61 : memref<128xi32, #tpu.memory_space<hbm>>) dst(%dma_wait3A_60 : memref<128xi32, #tpu.memory_space<vmem>>)
      %dma_wait3A_62 = arith.constant 0 : i32
      %dma_wait3A_63 = arith.constant 0 : i32
      %dma_wait3A_64 = tpu.memref_slice %arg8[%dma_wait3A_62, %dma_wait3A_63] : memref<1x128xi32, #tpu.memory_space<vmem>> -> memref<1x128xi32, #tpu.memory_space<vmem>>
      %dma_wait3A_65 = tpu.memref_squeeze %dma_wait3A_64 : memref<1x128xi32, #tpu.memory_space<vmem>> -> memref<128xi32, #tpu.memory_space<vmem>>
      %dma_wait3A_66 = tpu.memref_slice %arg5[%add3A_32] : memref<320000xi32, #tpu.memory_space<hbm>> -> memref<128xi32, #tpu.memory_space<hbm>>
      %dma_wait3A_67 = arith.constant 0 : i32
      %dma_wait3A_68 = tpu.memref_slice %arg8[%dma_wait3A_62, %dma_wait3A_67] : memref<1x128xi32, #tpu.memory_space<vmem>> -> memref<1x128xi32, #tpu.memory_space<vmem>>
      %dma_wait3A_69 = tpu.memref_squeeze %dma_wait3A_68 : memref<1x128xi32, #tpu.memory_space<vmem>> -> memref<128xi32, #tpu.memory_space<vmem>>
      %dma_wait3A_70 = tpu.memref_slice %arg5[%add3A_32] : memref<320000xi32, #tpu.memory_space<hbm>> -> memref<128xi32, #tpu.memory_space<hbm>>
      tpu.wait_dma2 semaphore(%arg14 : memref<!tpu.dma_semaphore, #tpu.memory_space<semaphore_mem>>) src(%dma_wait3A_70 : memref<128xi32, #tpu.memory_space<hbm>>) dst(%dma_wait3A_69 : memref<128xi32, #tpu.memory_space<vmem>>)
      %dma_start3A_71 = arith.constant 0 : i32
      %dma_start3A_72 = arith.constant 0 : i32
      %dma_start3A_73 = tpu.memref_slice %arg7[%dma_start3A_71, %dma_start3A_72] : memref<1x128xi32, #tpu.memory_space<vmem>> -> memref<1x128xi32, #tpu.memory_space<vmem>>
      %dma_start3A_74 = tpu.memref_squeeze %dma_start3A_73 : memref<1x128xi32, #tpu.memory_space<vmem>> -> memref<128xi32, #tpu.memory_space<vmem>>
      %dma_start3A_75 = arith.constant 0 : i32
      %dma_start3A_76 = arith.constant 0 : i32
      %dma_start3A_77 = tpu.memref_slice %arg2[%dma_start3A_75, %dma_start3A_76] : memref<10000x128xf32, #tpu.memory_space<hbm>> -> memref<10000x128xf32, #tpu.memory_space<hbm>>
      tpu.enqueue_indirect_dma source(%dma_start3A_77 : memref<10000x128xf32, #tpu.memory_space<hbm>>) target(%arg9 : memref<128x128xf32, #tpu.memory_space<vmem>>) offsets(%dma_start3A_74 : memref<128xi32, #tpu.memory_space<vmem>>) semaphore(%arg12 : memref<!tpu.dma_semaphore, #tpu.memory_space<semaphore_mem>>)
      %dma_wait3A_78 = arith.constant 0 : i32
      %dma_wait3A_79 = tpu.memref_slice %arg3[%add3A_32, %dma_wait3A_78] : memref<320000x128xf32, #tpu.memory_space<hbm>> -> memref<128x128xf32, #tpu.memory_space<hbm>>
      %dma_wait3A_80 = arith.constant 0 : i32
      %dma_wait3A_81 = tpu.memref_slice %arg3[%add3A_32, %dma_wait3A_80] : memref<320000x128xf32, #tpu.memory_space<hbm>> -> memref<128x128xf32, #tpu.memory_space<hbm>>
      tpu.wait_dma2 semaphore(%arg13 : memref<!tpu.dma_semaphore, #tpu.memory_space<semaphore_mem>>) src(%dma_wait3A_81 : memref<128x128xf32, #tpu.memory_space<hbm>>) dst(%arg10 : memref<128x128xf32, #tpu.memory_space<vmem>>)
      %dma_wait3A_82 = arith.constant 0 : i32
      %dma_wait3A_83 = arith.constant 0 : i32
      %dma_wait3A_84 = tpu.memref_slice %arg7[%dma_wait3A_82, %dma_wait3A_83] : memref<1x128xi32, #tpu.memory_space<vmem>> -> memref<1x128xi32, #tpu.memory_space<vmem>>
      %dma_wait3A_85 = tpu.memref_squeeze %dma_wait3A_84 : memref<1x128xi32, #tpu.memory_space<vmem>> -> memref<128xi32, #tpu.memory_space<vmem>>
      %dma_wait3A_86 = arith.constant 0 : i32
      %dma_wait3A_87 = arith.constant 0 : i32
      %dma_wait3A_88 = tpu.memref_slice %arg2[%dma_wait3A_86, %dma_wait3A_87] : memref<10000x128xf32, #tpu.memory_space<hbm>> -> memref<10000x128xf32, #tpu.memory_space<hbm>>
      tpu.wait_indirect_dma semaphore(%arg12 : memref<!tpu.dma_semaphore, #tpu.memory_space<semaphore_mem>>) src(%dma_wait3A_88 : memref<10000x128xf32, #tpu.memory_space<hbm>>) dst(%arg9 : memref<128x128xf32, #tpu.memory_space<vmem>>)
      %scan3A = arith.constant 0 : i32
      %scan3A_89 = arith.constant 0 : i32
      %scan3A_90 = arith.constant 128 : i32
      %scan3A_91 = arith.addi %scan3A_89, %scan3A_90 : i32
      %scan3A_92 = arith.constant 1 : i32
      %scan3A_93 = scf.for %scan3A_96 = %scan3A_89 to %scan3A_91 step %scan3A_92 iter_args(%scan3A_97 = %scan3A) -> (i32)  : i32 {
        %get3A = arith.index_cast %scan3A_96 : i32 to index
        %get3A_98 = arith.constant 0 : index
        %get3A_99 = tpu.vector_load %arg10[%get3A, %get3A_98] {strides = array<i32>} : memref<128x128xf32, #tpu.memory_space<vmem>>, vector<1x16xf32>,
        %get3A_100 = vector.shape_cast %get3A_99 : vector<1x16xf32> to vector<16xf32>
        %get3A_101 = arith.index_cast %scan3A_96 : i32 to index
        %get3A_102 = arith.constant 0 : index
        %get3A_103 = tpu.vector_load %arg9[%get3A_101, %get3A_102] {strides = array<i32>} : memref<128x128xf32, #tpu.memory_space<vmem>>, vector<1x16xf32>,
        %get3A_104 = vector.shape_cast %get3A_103 : vector<1x16xf32> to vector<16xf32>
        %add3A_105 = arith.addf %get3A_100, %get3A_104 : vector<16xf32>
        %max3A = arith.constant 0.000000e+00 : f32
        %max3A_106 = vector.broadcast %max3A : f32 to vector<16xf32>
        %max3A_107 = arith.maximumf %add3A_105, %max3A_106 : vector<16xf32>
        %swap3A = arith.index_cast %scan3A_96 : i32 to index
        %swap3A_108 = arith.constant 0 : index
        %swap3A_109 = tpu.vector_load %arg10[%swap3A, %swap3A_108] {strides = array<i32>} : memref<128x128xf32, #tpu.memory_space<vmem>>, vector<1x16xf32>,
        %swap3A_110 = vector.shape_cast %swap3A_109 : vector<1x16xf32> to vector<16xf32>
        %swap3A_111 = vector.shape_cast %max3A_107 : vector<16xf32> to vector<1x16xf32>
        tpu.vector_store %arg10[%swap3A, %swap3A_108], %swap3A_111 {strides = array<i32>} : memref<128x128xf32, #tpu.memory_space<vmem>>, vector<1x16xf32>,
        %get3A_112 = arith.index_cast %scan3A_96 : i32 to index
        %get3A_113 = arith.constant 16 : index
        %get3A_114 = tpu.vector_load %arg10[%get3A_112, %get3A_113] {strides = array<i32>} : memref<128x128xf32, #tpu.memory_space<vmem>>, vector<1x16xf32>,
        %get3A_115 = vector.shape_cast %get3A_114 : vector<1x16xf32> to vector<16xf32>
        %get3A_116 = arith.index_cast %scan3A_96 : i32 to index
        %get3A_117 = arith.constant 16 : index
        %get3A_118 = tpu.vector_load %arg9[%get3A_116, %get3A_117] {strides = array<i32>} : memref<128x128xf32, #tpu.memory_space<vmem>>, vector<1x16xf32>,
        %get3A_119 = vector.shape_cast %get3A_118 : vector<1x16xf32> to vector<16xf32>
        %add3A_120 = arith.addf %get3A_115, %get3A_119 : vector<16xf32>
        %max3A_121 = arith.constant 0.000000e+00 : f32
        %max3A_122 = vector.broadcast %max3A_121 : f32 to vector<16xf32>
        %max3A_123 = arith.maximumf %add3A_120, %max3A_122 : vector<16xf32>
        %swap3A_124 = arith.index_cast %scan3A_96 : i32 to index
        %swap3A_125 = arith.constant 16 : index
        %swap3A_126 = tpu.vector_load %arg10[%swap3A_124, %swap3A_125] {strides = array<i32>} : memref<128x128xf32, #tpu.memory_space<vmem>>, vector<1x16xf32>,
        %swap3A_127 = vector.shape_cast %swap3A_126 : vector<1x16xf32> to vector<16xf32>
        %swap3A_128 = vector.shape_cast %max3A_123 : vector<16xf32> to vector<1x16xf32>
        tpu.vector_store %arg10[%swap3A_124, %swap3A_125], %swap3A_128 {strides = array<i32>} : memref<128x128xf32, #tpu.memory_space<vmem>>, vector<1x16xf32>,
        %get3A_129 = arith.index_cast %scan3A_96 : i32 to index
        %get3A_130 = arith.constant 32 : index
        %get3A_131 = tpu.vector_load %arg10[%get3A_129, %get3A_130] {strides = array<i32>} : memref<128x128xf32, #tpu.memory_space<vmem>>, vector<1x16xf32>,
        %get3A_132 = vector.shape_cast %get3A_131 : vector<1x16xf32> to vector<16xf32>
        %get3A_133 = arith.index_cast %scan3A_96 : i32 to index
        %get3A_134 = arith.constant 32 : index
        %get3A_135 = tpu.vector_load %arg9[%get3A_133, %get3A_134] {strides = array<i32>} : memref<128x128xf32, #tpu.memory_space<vmem>>, vector<1x16xf32>,
        %get3A_136 = vector.shape_cast %get3A_135 : vector<1x16xf32> to vector<16xf32>
        %add3A_137 = arith.addf %get3A_132, %get3A_136 : vector<16xf32>
        %max3A_138 = arith.constant 0.000000e+00 : f32
        %max3A_139 = vector.broadcast %max3A_138 : f32 to vector<16xf32>
        %max3A_140 = arith.maximumf %add3A_137, %max3A_139 : vector<16xf32>
        %swap3A_141 = arith.index_cast %scan3A_96 : i32 to index
        %swap3A_142 = arith.constant 32 : index
        %swap3A_143 = tpu.vector_load %arg10[%swap3A_141, %swap3A_142] {strides = array<i32>} : memref<128x128xf32, #tpu.memory_space<vmem>>, vector<1x16xf32>,
        %swap3A_144 = vector.shape_cast %swap3A_143 : vector<1x16xf32> to vector<16xf32>
        %swap3A_145 = vector.shape_cast %max3A_140 : vector<16xf32> to vector<1x16xf32>
        tpu.vector_store %arg10[%swap3A_141, %swap3A_142], %swap3A_145 {strides = array<i32>} : memref<128x128xf32, #tpu.memory_space<vmem>>, vector<1x16xf32>,
        %get3A_146 = arith.index_cast %scan3A_96 : i32 to index
        %get3A_147 = arith.constant 48 : index
        %get3A_148 = tpu.vector_load %arg10[%get3A_146, %get3A_147] {strides = array<i32>} : memref<128x128xf32, #tpu.memory_space<vmem>>, vector<1x16xf32>,
        %get3A_149 = vector.shape_cast %get3A_148 : vector<1x16xf32> to vector<16xf32>
        %get3A_150 = arith.index_cast %scan3A_96 : i32 to index
        %get3A_151 = arith.constant 48 : index
        %get3A_152 = tpu.vector_load %arg9[%get3A_150, %get3A_151] {strides = array<i32>} : memref<128x128xf32, #tpu.memory_space<vmem>>, vector<1x16xf32>,
        %get3A_153 = vector.shape_cast %get3A_152 : vector<1x16xf32> to vector<16xf32>
        %add3A_154 = arith.addf %get3A_149, %get3A_153 : vector<16xf32>
        %max3A_155 = arith.constant 0.000000e+00 : f32
        %max3A_156 = vector.broadcast %max3A_155 : f32 to vector<16xf32>
        %max3A_157 = arith.maximumf %add3A_154, %max3A_156 : vector<16xf32>
        %swap3A_158 = arith.index_cast %scan3A_96 : i32 to index
        %swap3A_159 = arith.constant 48 : index
        %swap3A_160 = tpu.vector_load %arg10[%swap3A_158, %swap3A_159] {strides = array<i32>} : memref<128x128xf32, #tpu.memory_space<vmem>>, vector<1x16xf32>,
        %swap3A_161 = vector.shape_cast %swap3A_160 : vector<1x16xf32> to vector<16xf32>
        %swap3A_162 = vector.shape_cast %max3A_157 : vector<16xf32> to vector<1x16xf32>
        tpu.vector_store %arg10[%swap3A_158, %swap3A_159], %swap3A_162 {strides = array<i32>} : memref<128x128xf32, #tpu.memory_space<vmem>>, vector<1x16xf32>,
        %get3A_163 = arith.index_cast %scan3A_96 : i32 to index
        %get3A_164 = arith.constant 64 : index
        %get3A_165 = tpu.vector_load %arg10[%get3A_163, %get3A_164] {strides = array<i32>} : memref<128x128xf32, #tpu.memory_space<vmem>>, vector<1x16xf32>,
        %get3A_166 = vector.shape_cast %get3A_165 : vector<1x16xf32> to vector<16xf32>
        %get3A_167 = arith.index_cast %scan3A_96 : i32 to index
        %get3A_168 = arith.constant 64 : index
        %get3A_169 = tpu.vector_load %arg9[%get3A_167, %get3A_168] {strides = array<i32>} : memref<128x128xf32, #tpu.memory_space<vmem>>, vector<1x16xf32>,
        %get3A_170 = vector.shape_cast %get3A_169 : vector<1x16xf32> to vector<16xf32>
        %add3A_171 = arith.addf %get3A_166, %get3A_170 : vector<16xf32>
        %max3A_172 = arith.constant 0.000000e+00 : f32
        %max3A_173 = vector.broadcast %max3A_172 : f32 to vector<16xf32>
        %max3A_174 = arith.maximumf %add3A_171, %max3A_173 : vector<16xf32>
        %swap3A_175 = arith.index_cast %scan3A_96 : i32 to index
        %swap3A_176 = arith.constant 64 : index
        %swap3A_177 = tpu.vector_load %arg10[%swap3A_175, %swap3A_176] {strides = array<i32>} : memref<128x128xf32, #tpu.memory_space<vmem>>, vector<1x16xf32>,
        %swap3A_178 = vector.shape_cast %swap3A_177 : vector<1x16xf32> to vector<16xf32>
        %swap3A_179 = vector.shape_cast %max3A_174 : vector<16xf32> to vector<1x16xf32>
        tpu.vector_store %arg10[%swap3A_175, %swap3A_176], %swap3A_179 {strides = array<i32>} : memref<128x128xf32, #tpu.memory_space<vmem>>, vector<1x16xf32>,
        %get3A_180 = arith.index_cast %scan3A_96 : i32 to index
        %get3A_181 = arith.constant 80 : index
        %get3A_182 = tpu.vector_load %arg10[%get3A_180, %get3A_181] {strides = array<i32>} : memref<128x128xf32, #tpu.memory_space<vmem>>, vector<1x16xf32>,
        %get3A_183 = vector.shape_cast %get3A_182 : vector<1x16xf32> to vector<16xf32>
        %get3A_184 = arith.index_cast %scan3A_96 : i32 to index
        %get3A_185 = arith.constant 80 : index
        %get3A_186 = tpu.vector_load %arg9[%get3A_184, %get3A_185] {strides = array<i32>} : memref<128x128xf32, #tpu.memory_space<vmem>>, vector<1x16xf32>,
        %get3A_187 = vector.shape_cast %get3A_186 : vector<1x16xf32> to vector<16xf32>
        %add3A_188 = arith.addf %get3A_183, %get3A_187 : vector<16xf32>
        %max3A_189 = arith.constant 0.000000e+00 : f32
        %max3A_190 = vector.broadcast %max3A_189 : f32 to vector<16xf32>
        %max3A_191 = arith.maximumf %add3A_188, %max3A_190 : vector<16xf32>
        %swap3A_192 = arith.index_cast %scan3A_96 : i32 to index
        %swap3A_193 = arith.constant 80 : index
        %swap3A_194 = tpu.vector_load %arg10[%swap3A_192, %swap3A_193] {strides = array<i32>} : memref<128x128xf32, #tpu.memory_space<vmem>>, vector<1x16xf32>,
        %swap3A_195 = vector.shape_cast %swap3A_194 : vector<1x16xf32> to vector<16xf32>
        %swap3A_196 = vector.shape_cast %max3A_191 : vector<16xf32> to vector<1x16xf32>
        tpu.vector_store %arg10[%swap3A_192, %swap3A_193], %swap3A_196 {strides = array<i32>} : memref<128x128xf32, #tpu.memory_space<vmem>>, vector<1x16xf32>,
        %get3A_197 = arith.index_cast %scan3A_96 : i32 to index
        %get3A_198 = arith.constant 96 : index
        %get3A_199 = tpu.vector_load %arg10[%get3A_197, %get3A_198] {strides = array<i32>} : memref<128x128xf32, #tpu.memory_space<vmem>>, vector<1x16xf32>,
        %get3A_200 = vector.shape_cast %get3A_199 : vector<1x16xf32> to vector<16xf32>
        %get3A_201 = arith.index_cast %scan3A_96 : i32 to index
        %get3A_202 = arith.constant 96 : index
        %get3A_203 = tpu.vector_load %arg9[%get3A_201, %get3A_202] {strides = array<i32>} : memref<128x128xf32, #tpu.memory_space<vmem>>, vector<1x16xf32>,
        %get3A_204 = vector.shape_cast %get3A_203 : vector<1x16xf32> to vector<16xf32>
        %add3A_205 = arith.addf %get3A_200, %get3A_204 : vector<16xf32>
        %max3A_206 = arith.constant 0.000000e+00 : f32
        %max3A_207 = vector.broadcast %max3A_206 : f32 to vector<16xf32>
        %max3A_208 = arith.maximumf %add3A_205, %max3A_207 : vector<16xf32>
        %swap3A_209 = arith.index_cast %scan3A_96 : i32 to index
        %swap3A_210 = arith.constant 96 : index
        %swap3A_211 = tpu.vector_load %arg10[%swap3A_209, %swap3A_210] {strides = array<i32>} : memref<128x128xf32, #tpu.memory_space<vmem>>, vector<1x16xf32>,
        %swap3A_212 = vector.shape_cast %swap3A_211 : vector<1x16xf32> to vector<16xf32>
        %swap3A_213 = vector.shape_cast %max3A_208 : vector<16xf32> to vector<1x16xf32>
        tpu.vector_store %arg10[%swap3A_209, %swap3A_210], %swap3A_213 {strides = array<i32>} : memref<128x128xf32, #tpu.memory_space<vmem>>, vector<1x16xf32>,
        %get3A_214 = arith.index_cast %scan3A_96 : i32 to index
        %get3A_215 = arith.constant 112 : index
        %get3A_216 = tpu.vector_load %arg10[%get3A_214, %get3A_215] {strides = array<i32>} : memref<128x128xf32, #tpu.memory_space<vmem>>, vector<1x16xf32>,
        %get3A_217 = vector.shape_cast %get3A_216 : vector<1x16xf32> to vector<16xf32>
        %get3A_218 = arith.index_cast %scan3A_96 : i32 to index
        %get3A_219 = arith.constant 112 : index
        %get3A_220 = tpu.vector_load %arg9[%get3A_218, %get3A_219] {strides = array<i32>} : memref<128x128xf32, #tpu.memory_space<vmem>>, vector<1x16xf32>,
        %get3A_221 = vector.shape_cast %get3A_220 : vector<1x16xf32> to vector<16xf32>
        %add3A_222 = arith.addf %get3A_217, %get3A_221 : vector<16xf32>
        %max3A_223 = arith.constant 0.000000e+00 : f32
        %max3A_224 = vector.broadcast %max3A_223 : f32 to vector<16xf32>
        %max3A_225 = arith.maximumf %add3A_222, %max3A_224 : vector<16xf32>
        %swap3A_226 = arith.index_cast %scan3A_96 : i32 to index
        %swap3A_227 = arith.constant 112 : index
        %swap3A_228 = tpu.vector_load %arg10[%swap3A_226, %swap3A_227] {strides = array<i32>} : memref<128x128xf32, #tpu.memory_space<vmem>>, vector<1x16xf32>,
        %swap3A_229 = vector.shape_cast %swap3A_228 : vector<1x16xf32> to vector<16xf32>
        %swap3A_230 = vector.shape_cast %max3A_225 : vector<16xf32> to vector<1x16xf32>
        tpu.vector_store %arg10[%swap3A_226, %swap3A_227], %swap3A_230 {strides = array<i32>} : memref<128x128xf32, #tpu.memory_space<vmem>>, vector<1x16xf32>,
        %scan3A_231 = arith.constant 0 : i32
        scf.yield %scan3A_231 : i32
      }
      %scan3A_94 = arith.constant 128 : i32
      %run_scoped3A = arith.constant 0 : i32
      "tpu.region"() ({
        %run_scoped3A_96 = tpu.sem_alloc : memref<!tpu.dma_semaphore, #tpu.memory_space<semaphore_mem>>
        %dma_start3A_97 = arith.constant 0 : i32
        %dma_start3A_98 = tpu.memref_slice %arg8[%run_scoped3A, %dma_start3A_97] : memref<1x128xi32, #tpu.memory_space<vmem>> -> memref<1x128xi32, #tpu.memory_space<vmem>>
        %dma_start3A_99 = tpu.memref_squeeze %dma_start3A_98 : memref<1x128xi32, #tpu.memory_space<vmem>> -> memref<128xi32, #tpu.memory_space<vmem>>
        %dma_start3A_100 = arith.constant 0 : i32
        %dma_start3A_101 = arith.constant 0 : i32
        %dma_start3A_102 = tpu.memref_slice %arg11[%dma_start3A_100, %dma_start3A_101] : memref<10000x128xf32, #tpu.memory_space<vmem_shared>> -> memref<10000x128xf32, #tpu.memory_space<vmem_shared>>
        tpu.enqueue_indirect_dma source(%arg10 : memref<128x128xf32, #tpu.memory_space<vmem>>) target(%dma_start3A_102 : memref<10000x128xf32, #tpu.memory_space<vmem_shared>>) offsets(%dma_start3A_99 : memref<128xi32, #tpu.memory_space<vmem>>) semaphore(%run_scoped3A_96 : memref<!tpu.dma_semaphore, #tpu.memory_space<semaphore_mem>>) {add = true}
        %dma_wait3A_103 = arith.constant 0 : i32
        %dma_wait3A_104 = tpu.memref_slice %arg8[%run_scoped3A, %dma_wait3A_103] : memref<1x128xi32, #tpu.memory_space<vmem>> -> memref<1x128xi32, #tpu.memory_space<vmem>>
        %dma_wait3A_105 = tpu.memref_squeeze %dma_wait3A_104 : memref<1x128xi32, #tpu.memory_space<vmem>> -> memref<128xi32, #tpu.memory_space<vmem>>
        %dma_wait3A_106 = arith.constant 0 : i32
        %dma_wait3A_107 = arith.constant 0 : i32
        %dma_wait3A_108 = tpu.memref_slice %arg11[%dma_wait3A_106, %dma_wait3A_107] : memref<10000x128xf32, #tpu.memory_space<vmem_shared>> -> memref<10000x128xf32, #tpu.memory_space<vmem_shared>>
        tpu.wait_indirect_dma semaphore(%run_scoped3A_96 : memref<!tpu.dma_semaphore, #tpu.memory_space<semaphore_mem>>) src(%arg10 : memref<128x128xf32, #tpu.memory_space<vmem>>) dst(%dma_wait3A_108 : memref<10000x128xf32, #tpu.memory_space<vmem_shared>>)
        tpu.yield
      }) : () -> ()
      %while3A_95 = arith.constant 0 : i32
      scf.yield %while3A_95 : i32
    }
    %barrier3A_20 = arith.constant 0 : index
    tpu.barrier barrier_id(%barrier3A_20)
    %lt3A_21 = arith.constant 5 : i32
    %lt3A_22 = arith.cmpi slt, %arg1, %lt3A_21 : i32
    %convert_element_type3A_23 = arith.extui %lt3A_22 : i1 to i32
    %cond3A_24 = arith.constant 0 : i32
    %cond3A_25 = arith.cmpi ne, %convert_element_type3A_23, %cond3A_24 : i32
    scf.if %cond3A_25 {
      %mul3A_26 = arith.constant 2000 : i32
      %mul3A_27 = arith.muli %arg1, %mul3A_26 : i32
      %mul3A_28 = arith.constant 10000 : i32
      %mul3A_29 = arith.muli %arg0, %mul3A_28 : i32
      %mul3A_30 = arith.constant 2000 : i32
      %mul3A_31 = arith.muli %arg1, %mul3A_30 : i32
      %add3A_32 = arith.addi %mul3A_29, %mul3A_31 : i32
      "tpu.region"() ({
        %run_scoped3A = tpu.sem_alloc : memref<!tpu.dma_semaphore, #tpu.memory_space<semaphore_mem>>
        %dma_start3A = arith.constant 0 : i32
        %dma_start3A_33 = tpu.memref_slice %arg6[%add3A_32, %dma_start3A] : memref<20000x128xf32, #tpu.memory_space<hbm>> -> memref<2000x128xf32, #tpu.memory_space<hbm>>
        %dma_start3A_34 = arith.constant 0 : i32
        %dma_start3A_35 = tpu.memref_slice %arg11[%mul3A_27, %dma_start3A_34] : memref<10000x128xf32, #tpu.memory_space<vmem_shared>> -> memref<2000x128xf32, #tpu.memory_space<vmem_shared>>
        tpu.enqueue_dma source(%dma_start3A_35 : memref<2000x128xf32, #tpu.memory_space<vmem_shared>>) target(%dma_start3A_33 : memref<2000x128xf32, #tpu.memory_space<hbm>>) target_semaphore(%run_scoped3A : memref<!tpu.dma_semaphore, #tpu.memory_space<semaphore_mem>>)
        %dma_wait3A = arith.constant 0 : i32
        %dma_wait3A_36 = tpu.memref_slice %arg6[%add3A_32, %dma_wait3A] : memref<20000x128xf32, #tpu.memory_space<hbm>> -> memref<2000x128xf32, #tpu.memory_space<hbm>>
        %dma_wait3A_37 = arith.constant 0 : i32
        %dma_wait3A_38 = tpu.memref_slice %arg11[%mul3A_27, %dma_wait3A_37] : memref<10000x128xf32, #tpu.memory_space<vmem_shared>> -> memref<2000x128xf32, #tpu.memory_space<vmem_shared>>
        tpu.wait_dma2 semaphore(%run_scoped3A : memref<!tpu.dma_semaphore, #tpu.memory_space<semaphore_mem>>) src(%dma_wait3A_38 : memref<2000x128xf32, #tpu.memory_space<vmem_shared>>) dst(%dma_wait3A_36 : memref<2000x128xf32, #tpu.memory_space<hbm>>)
        tpu.yield
      }) : () -> ()
    } else {
    }
    return
  }
}

module attributes {stable_mosaic.version = 14 : i64} {
  func.func @body(%arg0: memref<10000x128xf32, #tpu.memory_space<vmem>>, %arg1: memref<20000x128xf32, #tpu.memory_space<vmem>>, %arg2: memref<1x1xf32, #tpu.memory_space<vmem>>, %arg3: memref<128x256xf32, #tpu.memory_space<vmem>>, %arg4: memref<1x256xf32, #tpu.memory_space<vmem>>, %arg5: memref<1x256xf32, #tpu.memory_space<vmem>>, %arg6: memref<1x256xf32, #tpu.memory_space<vmem>>, %arg7: memref<256x128xf32, #tpu.memory_space<vmem>>, %arg8: memref<1x128xf32, #tpu.memory_space<vmem>>, %arg9: memref<1x128xf32, #tpu.memory_space<vmem>>, %arg10: memref<1x128xf32, #tpu.memory_space<vmem>>, %arg11: memref<10000x128xf32, #tpu.memory_space<vmem>>) attributes {dimension_semantics = [], scalar_prefetch = 0 : i64, scratch_operands = 0 : i64, tpu.core_type = #tpu.core_type<tc>} {
    %get3A = arith.constant 0 : index
    %get3A_0 = arith.constant 0 : index
    %get3A_1 = vector.load %arg1[%get3A, %get3A_0] : memref<20000x128xf32, #tpu.memory_space<vmem>>, vector<10000x128xf32>
    %get3A_2 = arith.constant 10000 : index
    %get3A_3 = arith.constant 0 : index
    %get3A_4 = vector.load %arg1[%get3A_2, %get3A_3] : memref<20000x128xf32, #tpu.memory_space<vmem>>, vector<10000x128xf32>
    %add3A = arith.addf %get3A_1, %get3A_4 : vector<10000x128xf32>
    %get3A_5 = arith.constant 0 : index
    %get3A_6 = arith.constant 0 : index
    %get3A_7 = vector.load %arg2[%get3A_5, %get3A_6] : memref<1x1xf32, #tpu.memory_space<vmem>>, vector<1x1xf32>
    %get3A_8 = vector.extract %get3A_7[0, 0] : f32 from vector<1x1xf32>
    %add3A_9 = arith.constant 1.000000e+00 : f32
    %add3A_10 = arith.addf %add3A_9, %get3A_8 : f32
    %get3A_11 = arith.constant 0 : index
    %get3A_12 = arith.constant 0 : index
    %get3A_13 = vector.load %arg0[%get3A_11, %get3A_12] : memref<10000x128xf32, #tpu.memory_space<vmem>>, vector<10000x128xf32>
    %mul3A = vector.broadcast %add3A_10 : f32 to vector<10000x128xf32>
    %mul3A_14 = arith.mulf %mul3A, %get3A_13 : vector<10000x128xf32>
    %add3A_15 = arith.addf %mul3A_14, %add3A : vector<10000x128xf32>
    %get3A_16 = arith.constant 0 : index
    %get3A_17 = arith.constant 0 : index
    %get3A_18 = vector.load %arg3[%get3A_16, %get3A_17] : memref<128x256xf32, #tpu.memory_space<vmem>>, vector<128x256xf32>
    %dot_general3A = arith.constant dense<0.000000e+00> : vector<10000x256xf32>
    %dot_general3A_19 = tpu.matmul %add3A_15, %get3A_18, %dot_general3A {dimension_numbers = #tpu.dot_dimension_numbers<[1], [0], [0], [1], [0, 0, 1, 1], [], []>, transpose_lhs_hint = false} : vector<10000x128xf32>, vector<128x256xf32>, vector<10000x256xf32> -> vector<10000x256xf32>
    %get3A_20 = arith.constant 0 : index
    %get3A_21 = arith.constant 0 : index
    %get3A_22 = vector.load %arg4[%get3A_20, %get3A_21] : memref<1x256xf32, #tpu.memory_space<vmem>>, vector<1x256xf32>
    %add3A_23 = vector.broadcast %get3A_22 : vector<1x256xf32> to vector<10000x256xf32>
    %add3A_24 = arith.addf %dot_general3A_19, %add3A_23 : vector<10000x256xf32>
    %reduce_sum3A = arith.constant dense<0.000000e+00> : vector<256xf32>
    %reduce_sum3A_25 = vector.multi_reduction <add>, %add3A_24, %reduce_sum3A [0] : vector<10000x256xf32> to vector<256xf32>
    %broadcast_in_dim3A = vector.shape_cast %reduce_sum3A_25 : vector<256xf32> to vector<1x256xf32>
    %div3A = arith.constant 1.000000e+04 : f32
    %div3A_26 = vector.broadcast %div3A : f32 to vector<1x256xf32>
    %div3A_27 = arith.divf %broadcast_in_dim3A, %div3A_26 : vector<1x256xf32>
    %sub3A = vector.broadcast %div3A_27 : vector<1x256xf32> to vector<10000x256xf32>
    %sub3A_28 = arith.subf %add3A_24, %sub3A : vector<10000x256xf32>
    %sub3A_29 = vector.broadcast %div3A_27 : vector<1x256xf32> to vector<10000x256xf32>
    %sub3A_30 = arith.subf %add3A_24, %sub3A_29 : vector<10000x256xf32>
    %mul3A_31 = arith.mulf %sub3A_28, %sub3A_30 : vector<10000x256xf32>
    %reduce_sum3A_32 = arith.constant dense<0.000000e+00> : vector<256xf32>
    %reduce_sum3A_33 = vector.multi_reduction <add>, %mul3A_31, %reduce_sum3A_32 [0] : vector<10000x256xf32> to vector<256xf32>
    %broadcast_in_dim3A_34 = vector.shape_cast %reduce_sum3A_33 : vector<256xf32> to vector<1x256xf32>
    %div3A_35 = arith.constant 1.000000e+04 : f32
    %div3A_36 = vector.broadcast %div3A_35 : f32 to vector<1x256xf32>
    %div3A_37 = arith.divf %broadcast_in_dim3A_34, %div3A_36 : vector<1x256xf32>
    %get3A_38 = arith.constant 0 : index
    %get3A_39 = arith.constant 0 : index
    %get3A_40 = vector.load %arg5[%get3A_38, %get3A_39] : memref<1x256xf32, #tpu.memory_space<vmem>>, vector<1x256xf32>
    %sub3A_41 = vector.broadcast %div3A_27 : vector<1x256xf32> to vector<10000x256xf32>
    %sub3A_42 = arith.subf %add3A_24, %sub3A_41 : vector<10000x256xf32>
    %mul3A_43 = vector.broadcast %get3A_40 : vector<1x256xf32> to vector<10000x256xf32>
    %mul3A_44 = arith.mulf %mul3A_43, %sub3A_42 : vector<10000x256xf32>
    %add3A_45 = arith.constant 9.99999974E-6 : f32
    %add3A_46 = vector.broadcast %add3A_45 : f32 to vector<1x256xf32>
    %add3A_47 = arith.addf %div3A_37, %add3A_46 : vector<1x256xf32>
    %sqrt3A = math.sqrt %add3A_47 : vector<1x256xf32>
    %div3A_48 = vector.broadcast %sqrt3A : vector<1x256xf32> to vector<10000x256xf32>
    %div3A_49 = arith.divf %mul3A_44, %div3A_48 : vector<10000x256xf32>
    %get3A_50 = arith.constant 0 : index
    %get3A_51 = arith.constant 0 : index
    %get3A_52 = vector.load %arg6[%get3A_50, %get3A_51] : memref<1x256xf32, #tpu.memory_space<vmem>>, vector<1x256xf32>
    %add3A_53 = vector.broadcast %get3A_52 : vector<1x256xf32> to vector<10000x256xf32>
    %add3A_54 = arith.addf %div3A_49, %add3A_53 : vector<10000x256xf32>
    %max3A = arith.constant 0.000000e+00 : f32
    %max3A_55 = vector.broadcast %max3A : f32 to vector<10000x256xf32>
    %max3A_56 = arith.maximumf %add3A_54, %max3A_55 : vector<10000x256xf32>
    %get3A_57 = arith.constant 0 : index
    %get3A_58 = arith.constant 0 : index
    %get3A_59 = vector.load %arg7[%get3A_57, %get3A_58] : memref<256x128xf32, #tpu.memory_space<vmem>>, vector<256x128xf32>
    %dot_general3A_60 = arith.constant dense<0.000000e+00> : vector<10000x128xf32>
    %dot_general3A_61 = tpu.matmul %max3A_56, %get3A_59, %dot_general3A_60 {dimension_numbers = #tpu.dot_dimension_numbers<[1], [0], [0], [1], [0, 0, 1, 1], [], []>, transpose_lhs_hint = false} : vector<10000x256xf32>, vector<256x128xf32>, vector<10000x128xf32> -> vector<10000x128xf32>
    %get3A_62 = arith.constant 0 : index
    %get3A_63 = arith.constant 0 : index
    %get3A_64 = vector.load %arg8[%get3A_62, %get3A_63] : memref<1x128xf32, #tpu.memory_space<vmem>>, vector<1x128xf32>
    %add3A_65 = vector.broadcast %get3A_64 : vector<1x128xf32> to vector<10000x128xf32>
    %add3A_66 = arith.addf %dot_general3A_61, %add3A_65 : vector<10000x128xf32>
    %reduce_sum3A_67 = arith.constant dense<0.000000e+00> : vector<128xf32>
    %reduce_sum3A_68 = vector.multi_reduction <add>, %add3A_66, %reduce_sum3A_67 [0] : vector<10000x128xf32> to vector<128xf32>
    %broadcast_in_dim3A_69 = vector.shape_cast %reduce_sum3A_68 : vector<128xf32> to vector<1x128xf32>
    %div3A_70 = arith.constant 1.000000e+04 : f32
    %div3A_71 = vector.broadcast %div3A_70 : f32 to vector<1x128xf32>
    %div3A_72 = arith.divf %broadcast_in_dim3A_69, %div3A_71 : vector<1x128xf32>
    %sub3A_73 = vector.broadcast %div3A_72 : vector<1x128xf32> to vector<10000x128xf32>
    %sub3A_74 = arith.subf %add3A_66, %sub3A_73 : vector<10000x128xf32>
    %sub3A_75 = vector.broadcast %div3A_72 : vector<1x128xf32> to vector<10000x128xf32>
    %sub3A_76 = arith.subf %add3A_66, %sub3A_75 : vector<10000x128xf32>
    %mul3A_77 = arith.mulf %sub3A_74, %sub3A_76 : vector<10000x128xf32>
    %reduce_sum3A_78 = arith.constant dense<0.000000e+00> : vector<128xf32>
    %reduce_sum3A_79 = vector.multi_reduction <add>, %mul3A_77, %reduce_sum3A_78 [0] : vector<10000x128xf32> to vector<128xf32>
    %broadcast_in_dim3A_80 = vector.shape_cast %reduce_sum3A_79 : vector<128xf32> to vector<1x128xf32>
    %div3A_81 = arith.constant 1.000000e+04 : f32
    %div3A_82 = vector.broadcast %div3A_81 : f32 to vector<1x128xf32>
    %div3A_83 = arith.divf %broadcast_in_dim3A_80, %div3A_82 : vector<1x128xf32>
    %get3A_84 = arith.constant 0 : index
    %get3A_85 = arith.constant 0 : index
    %get3A_86 = vector.load %arg9[%get3A_84, %get3A_85] : memref<1x128xf32, #tpu.memory_space<vmem>>, vector<1x128xf32>
    %sub3A_87 = vector.broadcast %div3A_72 : vector<1x128xf32> to vector<10000x128xf32>
    %sub3A_88 = arith.subf %add3A_66, %sub3A_87 : vector<10000x128xf32>
    %mul3A_89 = vector.broadcast %get3A_86 : vector<1x128xf32> to vector<10000x128xf32>
    %mul3A_90 = arith.mulf %mul3A_89, %sub3A_88 : vector<10000x128xf32>
    %add3A_91 = arith.constant 9.99999974E-6 : f32
    %add3A_92 = vector.broadcast %add3A_91 : f32 to vector<1x128xf32>
    %add3A_93 = arith.addf %div3A_83, %add3A_92 : vector<1x128xf32>
    %sqrt3A_94 = math.sqrt %add3A_93 : vector<1x128xf32>
    %div3A_95 = vector.broadcast %sqrt3A_94 : vector<1x128xf32> to vector<10000x128xf32>
    %div3A_96 = arith.divf %mul3A_90, %div3A_95 : vector<10000x128xf32>
    %get3A_97 = arith.constant 0 : index
    %get3A_98 = arith.constant 0 : index
    %get3A_99 = vector.load %arg10[%get3A_97, %get3A_98] : memref<1x128xf32, #tpu.memory_space<vmem>>, vector<1x128xf32>
    %add3A_100 = vector.broadcast %get3A_99 : vector<1x128xf32> to vector<10000x128xf32>
    %add3A_101 = arith.addf %div3A_96, %add3A_100 : vector<10000x128xf32>
    %max3A_102 = arith.constant 0.000000e+00 : f32
    %max3A_103 = vector.broadcast %max3A_102 : f32 to vector<10000x128xf32>
    %max3A_104 = arith.maximumf %add3A_101, %max3A_103 : vector<10000x128xf32>
    %swap3A = arith.constant 0 : index
    %swap3A_105 = arith.constant 0 : index
    %swap3A_106 = vector.load %arg11[%swap3A, %swap3A_105] : memref<10000x128xf32, #tpu.memory_space<vmem>>, vector<10000x128xf32>
    tpu.vector_store %arg11[%swap3A, %swap3A_105], %max3A_104 {strides = array<i32>} : memref<10000x128xf32, #tpu.memory_space<vmem>>, vector<10000x128xf32>,
    return
  }
}

module attributes {stable_mosaic.version = 14 : i64} {
  func.func @body(%arg0: i32, %arg1: memref<2000x128xf32, #tpu.memory_space<vmem>>, %arg2: memref<128x128xf32, #tpu.memory_space<vmem>>, %arg3: memref<1x128xf32, #tpu.memory_space<vmem>>, %arg4: memref<2000x128xf32, #tpu.memory_space<vmem>>) attributes {dimension_semantics = [#tpu.dimension_semantics<arbitrary>], iteration_bounds = array<i64: 5>, scalar_prefetch = 0 : i64, scratch_operands = 0 : i64, tpu.core_type = #tpu.core_type<tc>, window_params = [{transform_indices = @transform_0, window_bounds = array<i64: 2000, 128>}, {pipeline_mode = #tpu.pipeline_mode<synchronous>, transform_indices = @transform_1, window_bounds = array<i64: 128, 128>}, {pipeline_mode = #tpu.pipeline_mode<synchronous>, transform_indices = @transform_2, window_bounds = array<i64: 1, 128>}, {transform_indices = @transform_3, window_bounds = array<i64: 2000, 128>}]} {
    %get3A = arith.constant 0 : index
    %get3A_0 = arith.constant 0 : index
    %get3A_1 = vector.load %arg1[%get3A, %get3A_0] : memref<2000x128xf32, #tpu.memory_space<vmem>>, vector<2000x128xf32>
    %get3A_2 = arith.constant 0 : index
    %get3A_3 = arith.constant 0 : index
    %get3A_4 = vector.load %arg2[%get3A_2, %get3A_3] : memref<128x128xf32, #tpu.memory_space<vmem>>, vector<128x128xf32>
    %dot_general3A = arith.constant dense<0.000000e+00> : vector<2000x128xf32>
    %dot_general3A_5 = tpu.matmul %get3A_1, %get3A_4, %dot_general3A {dimension_numbers = #tpu.dot_dimension_numbers<[1], [0], [0], [1], [0, 0, 1, 1], [], []>, transpose_lhs_hint = false} : vector<2000x128xf32>, vector<128x128xf32>, vector<2000x128xf32> -> vector<2000x128xf32>
    %get3A_6 = arith.constant 0 : index
    %get3A_7 = arith.constant 0 : index
    %get3A_8 = vector.load %arg3[%get3A_6, %get3A_7] : memref<1x128xf32, #tpu.memory_space<vmem>>, vector<1x128xf32>
    %add3A = vector.broadcast %get3A_8 : vector<1x128xf32> to vector<2000x128xf32>
    %add3A_9 = arith.addf %dot_general3A_5, %add3A : vector<2000x128xf32>
    %swap3A = arith.constant 0 : index
    %swap3A_10 = arith.constant 0 : index
    %swap3A_11 = vector.load %arg4[%swap3A, %swap3A_10] : memref<2000x128xf32, #tpu.memory_space<vmem>>, vector<2000x128xf32>
    tpu.vector_store %arg4[%swap3A, %swap3A_10], %add3A_9 {strides = array<i32>} : memref<2000x128xf32, #tpu.memory_space<vmem>>, vector<2000x128xf32>,
    return
  }
  func.func @transform_0(%arg0: i32) -> (i32, i32) {
    %c0_i32 = arith.constant 0 : i32
    %c0_i32_0 = arith.constant 0 : i32
    return %arg0, %c0_i32 : i32, i32
  }
  func.func @transform_1(%arg0: i32) -> (i32, i32) {
    %c0_i32 = arith.constant 0 : i32
    %c0_i32_0 = arith.constant 0 : i32
    %c0_i32_1 = arith.constant 0 : i32
    return %c0_i32, %c0_i32_0 : i32, i32
  }
  func.func @transform_2(%arg0: i32) -> (i32, i32) {
    %c0_i32 = arith.constant 0 : i32
    %c0_i32_0 = arith.constant 0 : i32
    %c0_i32_1 = arith.constant 0 : i32
    return %c0_i32, %c0_i32_0 : i32, i32
  }
  func.func @transform_3(%arg0: i32) -> (i32, i32) {
    %c0_i32 = arith.constant 0 : i32
    %c0_i32_0 = arith.constant 0 : i32
    return %arg0, %c0_i32 : i32, i32
  }
}

module attributes {stable_mosaic.version = 14 : i64} {
  func.func @body(%arg0: i32, %arg1: memref<2000x128xf32, #tpu.memory_space<vmem>>, %arg2: memref<128x128xf32, #tpu.memory_space<vmem>>, %arg3: memref<1x128xf32, #tpu.memory_space<vmem>>, %arg4: memref<2000x128xf32, #tpu.memory_space<vmem>>) attributes {dimension_semantics = [#tpu.dimension_semantics<arbitrary>], iteration_bounds = array<i64: 160>, scalar_prefetch = 0 : i64, scratch_operands = 0 : i64, tpu.core_type = #tpu.core_type<tc>, window_params = [{transform_indices = @transform_0, window_bounds = array<i64: 2000, 128>}, {pipeline_mode = #tpu.pipeline_mode<synchronous>, transform_indices = @transform_1, window_bounds = array<i64: 128, 128>}, {pipeline_mode = #tpu.pipeline_mode<synchronous>, transform_indices = @transform_2, window_bounds = array<i64: 1, 128>}, {transform_indices = @transform_3, window_bounds = array<i64: 2000, 128>}]} {
    %get3A = arith.constant 0 : index
    %get3A_0 = arith.constant 0 : index
    %get3A_1 = vector.load %arg1[%get3A, %get3A_0] : memref<2000x128xf32, #tpu.memory_space<vmem>>, vector<2000x128xf32>
    %get3A_2 = arith.constant 0 : index
    %get3A_3 = arith.constant 0 : index
    %get3A_4 = vector.load %arg2[%get3A_2, %get3A_3] : memref<128x128xf32, #tpu.memory_space<vmem>>, vector<128x128xf32>
    %dot_general3A = arith.constant dense<0.000000e+00> : vector<2000x128xf32>
    %dot_general3A_5 = tpu.matmul %get3A_1, %get3A_4, %dot_general3A {dimension_numbers = #tpu.dot_dimension_numbers<[1], [0], [0], [1], [0, 0, 1, 1], [], []>, transpose_lhs_hint = false} : vector<2000x128xf32>, vector<128x128xf32>, vector<2000x128xf32> -> vector<2000x128xf32>
    %get3A_6 = arith.constant 0 : index
    %get3A_7 = arith.constant 0 : index
    %get3A_8 = vector.load %arg3[%get3A_6, %get3A_7] : memref<1x128xf32, #tpu.memory_space<vmem>>, vector<1x128xf32>
    %add3A = vector.broadcast %get3A_8 : vector<1x128xf32> to vector<2000x128xf32>
    %add3A_9 = arith.addf %dot_general3A_5, %add3A : vector<2000x128xf32>
    %swap3A = arith.constant 0 : index
    %swap3A_10 = arith.constant 0 : index
    %swap3A_11 = vector.load %arg4[%swap3A, %swap3A_10] : memref<2000x128xf32, #tpu.memory_space<vmem>>, vector<2000x128xf32>
    tpu.vector_store %arg4[%swap3A, %swap3A_10], %add3A_9 {strides = array<i32>} : memref<2000x128xf32, #tpu.memory_space<vmem>>, vector<2000x128xf32>,
    return
  }
  func.func @transform_0(%arg0: i32) -> (i32, i32) {
    %c0_i32 = arith.constant 0 : i32
    %c0_i32_0 = arith.constant 0 : i32
    return %arg0, %c0_i32 : i32, i32
  }
  func.func @transform_1(%arg0: i32) -> (i32, i32) {
    %c0_i32 = arith.constant 0 : i32
    %c0_i32_0 = arith.constant 0 : i32
    %c0_i32_1 = arith.constant 0 : i32
    return %c0_i32, %c0_i32_0 : i32, i32
  }
  func.func @transform_2(%arg0: i32) -> (i32, i32) {
    %c0_i32 = arith.constant 0 : i32
    %c0_i32_0 = arith.constant 0 : i32
    %c0_i32_1 = arith.constant 0 : i32
    return %c0_i32, %c0_i32_0 : i32, i32
  }
  func.func @transform_3(%arg0: i32) -> (i32, i32) {
    %c0_i32 = arith.constant 0 : i32
    %c0_i32_0 = arith.constant 0 : i32
    return %arg0, %c0_i32 : i32, i32
  }
}

module attributes {stable_mosaic.version = 14 : i64} {
  func.func @body(%arg0: i32, %arg1: memref<2000x128xf32, #tpu.memory_space<vmem>>, %arg2: memref<128x128xf32, #tpu.memory_space<vmem>>, %arg3: memref<1x128xf32, #tpu.memory_space<vmem>>, %arg4: memref<2000x128xf32, #tpu.memory_space<vmem>>) attributes {dimension_semantics = [#tpu.dimension_semantics<arbitrary>], iteration_bounds = array<i64: 5>, scalar_prefetch = 0 : i64, scratch_operands = 0 : i64, tpu.core_type = #tpu.core_type<tc>, window_params = [{transform_indices = @transform_0, window_bounds = array<i64: 2000, 128>}, {pipeline_mode = #tpu.pipeline_mode<synchronous>, transform_indices = @transform_1, window_bounds = array<i64: 128, 128>}, {pipeline_mode = #tpu.pipeline_mode<synchronous>, transform_indices = @transform_2, window_bounds = array<i64: 1, 128>}, {transform_indices = @transform_3, window_bounds = array<i64: 2000, 128>}]} {
    %get3A = arith.constant 0 : index
    %get3A_0 = arith.constant 0 : index
    %get3A_1 = vector.load %arg1[%get3A, %get3A_0] : memref<2000x128xf32, #tpu.memory_space<vmem>>, vector<2000x128xf32>
    %get3A_2 = arith.constant 0 : index
    %get3A_3 = arith.constant 0 : index
    %get3A_4 = vector.load %arg2[%get3A_2, %get3A_3] : memref<128x128xf32, #tpu.memory_space<vmem>>, vector<128x128xf32>
    %dot_general3A = arith.constant dense<0.000000e+00> : vector<2000x128xf32>
    %dot_general3A_5 = tpu.matmul %get3A_1, %get3A_4, %dot_general3A {dimension_numbers = #tpu.dot_dimension_numbers<[1], [0], [0], [1], [0, 0, 1, 1], [], []>, transpose_lhs_hint = false} : vector<2000x128xf32>, vector<128x128xf32>, vector<2000x128xf32> -> vector<2000x128xf32>
    %get3A_6 = arith.constant 0 : index
    %get3A_7 = arith.constant 0 : index
    %get3A_8 = vector.load %arg3[%get3A_6, %get3A_7] : memref<1x128xf32, #tpu.memory_space<vmem>>, vector<1x128xf32>
    %add3A = vector.broadcast %get3A_8 : vector<1x128xf32> to vector<2000x128xf32>
    %add3A_9 = arith.addf %dot_general3A_5, %add3A : vector<2000x128xf32>
    %swap3A = arith.constant 0 : index
    %swap3A_10 = arith.constant 0 : index
    %swap3A_11 = vector.load %arg4[%swap3A, %swap3A_10] : memref<2000x128xf32, #tpu.memory_space<vmem>>, vector<2000x128xf32>
    tpu.vector_store %arg4[%swap3A, %swap3A_10], %add3A_9 {strides = array<i32>} : memref<2000x128xf32, #tpu.memory_space<vmem>>, vector<2000x128xf32>,
    return
  }
  func.func @transform_0(%arg0: i32) -> (i32, i32) {
    %c0_i32 = arith.constant 0 : i32
    %c0_i32_0 = arith.constant 0 : i32
    return %arg0, %c0_i32 : i32, i32
  }
  func.func @transform_1(%arg0: i32) -> (i32, i32) {
    %c0_i32 = arith.constant 0 : i32
    %c0_i32_0 = arith.constant 0 : i32
    %c0_i32_1 = arith.constant 0 : i32
    return %c0_i32, %c0_i32_0 : i32, i32
  }
  func.func @transform_2(%arg0: i32) -> (i32, i32) {
    %c0_i32 = arith.constant 0 : i32
    %c0_i32_0 = arith.constant 0 : i32
    %c0_i32_1 = arith.constant 0 : i32
    return %c0_i32, %c0_i32_0 : i32, i32
  }
  func.func @transform_3(%arg0: i32) -> (i32, i32) {
    %c0_i32 = arith.constant 0 : i32
    %c0_i32_0 = arith.constant 0 : i32
    return %arg0, %c0_i32 : i32, i32
  }
}

</mosaic_0001>

<sc_bundles>
// kernel: kernel.11.cloned.1.call-start
scs
__scs_entry_jumppad:
0x0: {  	(pc) =	sbr.rel $0x88, $3  }
0x1: {  	(tag) =	ssettag $0x0;
	lr =	simm.s32 $0x1  }
0x2: {  	[smem:$0x3F7D] =	sst lr;
	_ =	strace $0xD0000000  }
0x3: {  	_ = 	snop  }
0x4: {  	_ = 	snop  }
0x5: {  	_ = 	snop  }
0x6: {  	_ = 	snop  }
0x7: {  	_ = 	snop  }
__scs_overlays_trampoline_lowered:
0x8: {  	[smem:$0x3F8C] =	sst s0  }
0x9: {  	[smem:$0x3F8D] =	sst s1  }
0xa: {  	[smem:$0x3F8E] =	sst s2  }
0xb: {  	[smem:$0x3F8F] =	sst s3  }
0xc: {  	[smem:$0x3F90] =	sst s4  }
0xd: {  	[smem:$0x3F91] =	sst s5  }
0xe: {  	[smem:$0x3F92] =	sst s6  }
0xf: {  	[smem:$0x3F93] =	sst s7  }
0x10: {  	[smem:$0x3F94] =	sst s8  }
0x11: {  	[smem:$0x3F95] =	sst s9;
	s0 =	simm.s32 @!p0 $0x0  }
0x12: {  	s1 =	sld [smem:$0x3F7B];
	s0 =	simm.s32 @p0 $0x1  }
0x13: {  	[smem:$0x3F96] =	sst s0;
	s0 =	simm.s32 @!p1 $0x0  }
0x14: {  	s2 =	sld [smem:$0x3F7A];
	s0 =	simm.s32 @p1 $0x1  }
0x15: {  	[smem:$0x3F97] =	sst s0;
	s0 =	simm.s32 @!p2 $0x0  }
0x16: {  	s3 =	sld [smem:$0x3FDB];
	s0 =	simm.s32 @p2 $0x1  }
0x17: {  	s4 =	simm.s32 $0x1BF5;
	[smem:$0x3F99] =	sst s0  }
0x18: {  	s0 =	sld [smem:$0x3F7C];
	_ =	swait.ge [sflag:s4], $0x0  }
0x19: {  	s7 =	sld [smem:$0x3F7D]  }
0x1a: {  	s8 =	sadd.s32 $0xFFFFE003, lr  }
0x1b: {  	s9 =	sadd.s32 $0xFFFFFEF7, lr;
	s5 =	simm.s32 $0xFFFFFFFF;
	p2 =	slt.u32 s8, $0xFFFFF086  }
0x1c: {  	p1 =	slt.u32 s9, $0xF7A;
	s5 =	simm.s32 @!p2 $0x0  }
0x1d: {  	s5 =	simm.s32 @p1 $0x1;
	p0 =	seq.s32 s7, s2  }
0x1e: {  	s7 =	smul.u32 @!p0 $0xF7A, s2;
	p2 =	seq.s32 @!p0 s5, $0x0  }
0x1f: {  	s9 =	smul.u32 $0xF7A, s1;
	s8 =	simm.s32 @!p0 $0x1BF5;
	p2 =	por !p2, p0  }
0x20: {  	[sflag:s8] =	ssyncset.s32 @!p0 $0xFFFFF086;
	s6 =	sadd.s32 @!p0 s3, s7;
	s7 =	simm.s32 @!p0 $0x108  }
0x21: {  	s3 =	sadd.s32 s3, s9;
	s6 =	sadd.s32 @!p0 $0x88, s6;
	s7 =	simm.s32 @p2 $0x1082  }
0x22: {  	[simem:s7], [sflag:s8] =	dma.local @!p0 [hbm:s6], $0xF7A  }
0x23: {  	s9 =	sor.u32 $0xD0000000, s2;
	s6 =	simm.s32 $0x108;
	_ =	swait.ge @!p0 [sflag:s8], $0x0  }
0x24: {  	s3 =	sadd.s32 $0x88, s3;
	s6 =	simm.s32 @!p1 $0x1082;
	[sflag:s4] =	ssyncset.s32 $0xFFFFF086  }
0x25: {  	[simem:s6], [sflag:s4] =	dma.local [hbm:s3], $0xF7A  }
0x26: {  	[smem:$0x3F7D] =	sst s1;
	(tag) =	ssettag s2;
	_ =	strace s9  }
0x27: {  	s1 =	sld [smem:$0x3F8D]  }
0x28: {  	s2 =	sld [smem:$0x3F8E]  }
0x29: {  	s4 =	sld [smem:$0x3F90]  }
0x2a: {  	p0 =	seq.s32 s5, $0x0;
	s5 =	sld [smem:$0x3F91]  }
0x2b: {  	s6 =	sld [smem:$0x3F92]  }
0x2c: {  	s7 =	sld [smem:$0x3F93]  }
0x2d: {  	s3 =	simm.s32 $0x108;
	s8 =	sld [smem:$0x3F94]  }
0x2e: {  	s3 =	simm.s32 @!p0 $0x1082;
	s9 =	sld [smem:$0x3F95]  }
0x2f: {  	lr =	sadd.s32 s0, s3;
	s0 =	sld [smem:$0x3F8C]  }
0x30: {  	s3 =	sld [smem:$0x3F8F]  }
0x31: {  	[smem:$0x3F98] =	sst s10  }
0x32: {  	s10 =	sld [smem:$0x3F96];
	_ =	sdelay $0x3  }
0x33: {  	p0 =	seq.s32 s10, $0x1;
	s10 =	sld [smem:$0x3F98];
	_ =	sdelay $0x3  }
0x34: {  	[smem:$0x3F98] =	sst s10  }
0x35: {  	s10 =	sld [smem:$0x3F97];
	_ =	sdelay $0x3  }
0x36: {  	p1 =	seq.s32 s10, $0x1;
	s10 =	sld [smem:$0x3F98];
	_ =	sdelay $0x3  }
0x37: {  	[smem:$0x3F98] =	sst s10  }
0x38: {  	s10 =	sld [smem:$0x3F99]  }
0x39: {  	_ = 	snop;
	(pc) =	sbr.ind lr, $3  }
0x3a: {  	_ = 	snop  }
0x3b: {  	_ = 	snop  }
0x3c: {  	p2 =	seq.s32 s10, $0x1;
	s10 =	sld [smem:$0x3F98]  }
0x3d: {  	_ =	shalt  }
0x3e: {  	_ =	shalt  }
0x3f: {  	_ =	shalt  }
0x40: {  	_ =	shalt  }
0x41: {  	_ =	shalt  }
0x42: {  	_ =	shalt  }
0x43: {  	_ =	shalt  }
0x44: {  	_ =	shalt  }
0x45: {  	_ =	shalt  }
0x46: {  	_ =	shalt  }
0x47: {  	_ =	shalt  }
0x48: {  	_ =	shalt  }
0x49: {  	_ =	shalt  }
0x4a: {  	_ =	shalt  }
0x4b: {  	_ =	shalt  }
0x4c: {  	_ =	shalt  }
0x4d: {  	_ =	shalt  }
0x4e: {  	_ =	shalt  }
0x4f: {  	_ =	shalt  }
0x50: {  	_ =	shalt  }
0x51: {  	_ =	shalt  }
0x52: {  	_ =	shalt  }
0x53: {  	_ =	shalt  }
0x54: {  	_ =	shalt  }
0x55: {  	_ =	shalt  }
0x56: {  	_ =	shalt  }
0x57: {  	_ =	shalt  }
0x58: {  	_ =	shalt  }
0x59: {  	_ =	shalt  }
0x5a: {  	_ =	shalt  }
0x5b: {  	_ =	shalt  }
0x5c: {  	_ =	shalt  }
0x5d: {  	_ =	shalt  }
0x5e: {  	_ =	shalt  }
0x5f: {  	_ =	shalt  }
0x60: {  	_ =	shalt  }
0x61: {  	_ =	shalt  }
0x62: {  	_ =	shalt  }
0x63: {  	_ =	shalt  }
0x64: {  	_ =	shalt  }
0x65: {  	_ =	shalt  }
0x66: {  	_ =	shalt  }
0x67: {  	_ =	shalt  }
0x68: {  	_ =	shalt  }
0x69: {  	_ =	shalt  }
0x6a: {  	_ =	shalt  }
0x6b: {  	_ =	shalt  }
0x6c: {  	_ =	shalt  }
0x6d: {  	_ =	shalt  }
0x6e: {  	_ =	shalt  }
0x6f: {  	_ =	shalt  }
0x70: {  	_ =	shalt  }
0x71: {  	_ =	shalt  }
0x72: {  	_ =	shalt  }
0x73: {  	_ =	shalt  }
0x74: {  	_ =	shalt  }
0x75: {  	_ =	shalt  }
0x76: {  	_ =	shalt  }
0x77: {  	_ =	shalt  }
0x78: {  	_ =	shalt  }
0x79: {  	_ =	shalt  }
0x7a: {  	_ =	shalt  }
0x7b: {  	_ =	shalt  }
0x7c: {  	_ =	shalt  }
0x7d: {  	_ =	shalt  }
0x7e: {  	_ =	shalt  }
0x7f: {  	_ =	shalt  }
0x80: {  	_ =	shalt  }
0x81: {  	_ =	shalt  }
0x82: {  	_ =	shalt  }
0x83: {  	_ =	shalt  }
0x84: {  	_ =	shalt  }
0x85: {  	_ =	shalt  }
0x86: {  	_ =	shalt  }
0x87: {  	_ =	shalt  }
.Lfunc_end0:
.L_simem_size_0:
called_computation_lowered:
.L_overlay_start_0:
0x88: {  	s2 =	sld [smem:$0x3FD9]  }
0x89: {  	s3 =	sld [smem:$0x3FFE];
	_ =	sdelay $0x1  }
0x8a: {  	s1 =	srdreg.scid  }
0x8b: {  	s0 =	sand.u32 $0x1, s1  }
0x8c: {  	s17 =	sshll.u32 s0, $0xA;
	s2 =	sadd.s32 s3, s2  }
0x8d: {  	s2 =	sadd.s32 s2, s17  }
0x8e: {  	[smem:$0x3FA4] =	sst s2  }
0x8f: {  	_ = 	snop  }
0x90: {  	s2 =	sld [smem:$0x3FD0];
	(tm) =	ssettm $0x1  }
0x91: {  	s18 =	sld [smem:$0x3FFB];
	_ =	sdelay $0x3  }
0x92: {  	_ =	strace s18  }
0x93: {  	s3 =	sld [smem:$0x3FFC];
	_ =	sdelay $0x3  }
0x94: {  	_ =	strace s3  }
0x95: {  	s3 =	sld [smem:$0x3FFD];
	_ =	sdelay $0x3  }
0x96: {  	_ =	strace s3  }
0x97: {  	_ =	strace $0x8FFFFFFF  }
0x98: {  	s19 =	sld [smem:$0x3FDB];
	_ =	sdelay $0x1  }
0x99: {  	s4 =	simm.s32 $_scs_section_size  }
0x9a: {  	s5 =	simm.s32 $_size__tile_overlayer_lowered;
	s6 =	simm.s32 $_tile_overlayer_lowered  }
0x9b: {  	s22 =	simm.s32 $0x1BFF;
	s21 =	sshll.u32 s6, $0x1;
	s3 =	sadd.s32 s4, s19  }
0x9c: {  	s7 =	simm.s32 $0x0;
	s20 =	sshll.u32 s5, $0x1;
	s5 =	sadd.s32 s21, s3  }
0x9d: {  	[timem:s7], [sflag:s22] =	dma.local [hbm:s5], s20  }
0x9e: {  	_ =	swait.ge [sflag:s22], s20  }
0x9f: {  	s4 =	ssub.s32 $0x0, s20;
	[sflag:s22] =	ssyncset.done $0x0  }
0xa0: {  	[sflag:s22] =	ssyncadd.s32 s4;
	_ =	sdelay $0x1  }
0xa1: {  	s23 =	simm.s32 $0x1B8B  }
0xa2: {  	_ =	swait.ge [sflag:s23], $0x1  }
0xa3: {  	[sflag:s23] =	ssyncset.done $0x0  }
0xa4: {  	s25 =	simm.s32 $0x1B8E;
	s24 =	sld [smem:$0x3FFE];
	[sflag:s23] =	ssyncadd.s32 $0xFFFFFFFF  }
0xa5: {  	s26 =	simm.s32 $execute0_lowered;
	[smem:$0x3FD2] =	sst s25  }
0xa6: {  	s5 =	sshll.u32 s26, $0x1;
	_ =	strace $0x80000046;
	[dreg:$0x1] =	wrdreg $0xFFFFFFFF  }
0xa7: {  	s28 =	simm.s32 $_size_execute0_lowered;
	s3 =	sadd.s32 s3, s5;
	[dreg:$0x0] =	wrdreg $0x0  }
0xa8: {  	s5 =	sshll.u32 s28, $0x1;
	[dreg:$0x2] =	wrdreg s3  }
0xa9: {  	[dreg:$0x3] =	wrdreg s5  }
0xaa: {  	[dreg:$0x4] =	wrdreg $0xC0  }
0xab: {  	_ =	task [dreg:s7], $0x5FFFF  }
0xac: {  	[dreg:$0x1] =	wrdreg $0xFFFFFFFF  }
0xad: {  	[dreg:$0x0] =	wrdreg $0x60  }
0xae: {  	[dreg:$0x2] =	wrdreg s2  }
0xaf: {  	[dreg:$0x3] =	wrdreg s24  }
0xb0: {  	[dreg:$0x4] =	wrdreg $0x81000  }
0xb1: {  	[dreg:$0x5] =	wrdreg $0x9  }
0xb2: {  	_ =	task.clear_ibuf [dreg:s7], $0x6FFFF;
	_ =	strace $0x90000046  }
0xb3: {  	s29 =	simm.s32 $0x9;
	_ =	strace $0x80000048  }
0xb4: {  	_ =	swait.ge [sflag:s29], $0x1  }
0xb5: {  	[sflag:s29] =	ssyncadd.s32 $0xFFFFFFFF  }
0xb6: {  	_ =	strace $0x90000048  }
0xb7: {  	_ =	sfence  }
0xb8: {  	s30 =	sld [smem:$0x0];
	_ =	sdelay $0x2  }
0xb9: {  	s31 =	sshll.u32 s1, $0xD;
	s1 =	sshrl.u32 s1, $0x2  }
0xba: {  	s3 =	sand.u32 $0x4000, s31;
	s1 =	sadd.s32 s1, s30  }
0xbb: {  	s0 =	sor.u32 s3, s0;
	s1 =	sshll.u32 s1, $0x11  }
0xbc: {  	s0 =	sor.u32 s1, s0  }
0xbd: {  	s0 =	sadd.s32 $0x8F2B, s0  }
0xbe: {  	[sflag:s0] =	ssyncadd.remote.s32 $0x1  }
0xbf: {  	_ =	sfence.sel $0xFFFF  }
0xc0: {  	[dreg:$0x0] =	wrdreg $0xFFFFFFFF;
	(pc) =	sbr.abs _section_cstart, $3  }
0xc1: {  	[dreg:$0x1] =	wrdreg $0xFFFFFFFF  }
0xc2: {  	_ =	task.clear_ibuf [dreg:s7], $0x2FFFF;
	_ =	strace $0x9FFFFFFF  }
0xc3: {  	(tm) =	ssettm $0x7FFFFFFF  }
tec
execute0_lowered:
.L_overlay_start_1:
0x0: {  	(tag) =	ssettag $0x1  }
0x1: {  	s1 =	rddreg [dreg:$0x0]  }
0x2: {  	s0 =	rddreg [dreg:$0x1];
	s3 =	srdreg.scid  }
0x3: {  	s2 =	rddreg [dreg:$0x2];
	s4 =	sand.u32 $0x1, s3  }
0x4: {  	s5 =	simm.s32 $0x0;
	s3 =	stileid.u32;
	s7 =	smul.u32 $0x27100, s4  }
0x5: {  	s29 =	simm.s32 $0x100;
	s30 =	simm.s32 $0x4;
	s8 =	smul.u32 $0x7D00, s3  }
0x6: {  	s31 =	simm.s32 $0x80;
	s11 =	simm.s32 $0x0;
	s9 =	smul.u32 $0xFA000, s3  }
0x7: {  	[smem:$0x7FF] =	sst s5;
	s5 =	sadd.s32 $0x19600, s0;
	s6 =	sadd.s32 $0xF800, s0  }
0x8: {  	_ =	strace $0x80000047;
	s8 =	sadd.s32 s8, s7;
	s9 =	sshrl.u32 s9, $0x2  }
0x9: {  	s7 =	sadd.s32 $0x5A00, s0;
	s0 =	sadd.s32 s8, s0;
	s8 =	sadd.s32 s9, s2  }
0xa: {  	s19 =	ssub.s32 $0x2, s4;
	s4 =	sshll.u32 s4, $0x4;
	s9 =	sadd.s32 $0x3E80, s8  }
0xb: {  	s10 =	sshrl.u32 s19, $0x1;
	s20 =	sadd.s32 $0x7D00, s8;
	[dreg:$0x4] =	wrdreg s9  }
0xc: {  	s4 =	sor.u32 s3, s4;
	s21 =	sadd.s32 $0xBB80, s8;
	[dreg:$0x5] =	wrdreg s20  }
0xd: {  	s10 =	ssub.s32 s19, s10;
	s22 =	sadd.s32 $0xFA00, s8;
	[dreg:$0x6] =	wrdreg s21  }
0xe: {  	p0 =	seq.s32 s4, $0x1F;
	s23 =	sadd.s32 $0x13880, s8;
	[dreg:$0x7] =	wrdreg s22  }
0xf: {  	s24 =	sadd.s32 $0x17700, s8;
	s25 =	sadd.s32 $0x1B580, s8;
	[dreg:$0x8] =	wrdreg s23  }
0x10: {  	s26 =	sadd.s32 $0x1F400, s8;
	s17 =	sadd.s32 $0x23280, s8;
	[dreg:$0x9] =	wrdreg s24  }
0x11: {  	s18 =	sadd.s32 $0x27100, s8;
	s19 =	sadd.s32 $0x2AF80, s8;
	[dreg:$0xa] =	wrdreg s25  }
0x12: {  	s28 =	sadd.s32 $0x3A980, s8;
	[dreg:$0xb] =	wrdreg s26;
	s20 =	sadd.s32 $0x2EE00, s8  }
0x13: {  	s21 =	sadd.s32 $0x32C80, s8;
	s22 =	simm.s32 $0x52;
	s23 =	smul.u32 $0x2700, s4  }
0x14: {  	s24 =	sadd.s32 $0x4FB600, s0;
	s25 =	smax.u32 s10, $0x1;
	s26 =	sadd.s32 $0x36B00, s8  }
0x15: {  	s0 =	simm.s32 $0x4100;
	s4 =	simm.s32 $0x3;
	s9 =	simm.s32 $0x2  }
0x16: {  	v0 =	vimm.f32 $0.0e+00;
	s10 =	simm.s32 $0x1;
	s22 =	simm.s32 @!p0 $0x4E;
	p0 =	sgt.u32 s3, $0x4  }
.LBB2_1:
.Ltmp0:
0x17: {  	(pc) =	sbr.rel @p0 .LBB2_5-.Ltmp0, $1  }
0x18: {  	_ =	sdelay $0x3  }
0x19: {  	s13 =	simm.s32 $0x0  }
0x1a: {  	s12 =	sshra.s32 s13, $0x2;
	s13 =	sadd.s32 $0x200, s13  }
.LBB2_3:
0x1b: {  	p1 =	sne.s32 s13, $0xF800;
	[tilespmem:s12+$0x170] =	vst v0  }
0x1c: {  	[tilespmem:s12+$0x100] =	vst v0  }
0x1d: {  	[tilespmem:s12+$0x110] =	vst v0  }
.Ltmp1:
0x1e: {  	[tilespmem:s12+$0x120] =	vst v0;
	(pc) =	sbr.rel @p1 .LBB2_3-.Ltmp1, $4  }
0x1f: {  	[tilespmem:s12+$0x130] =	vst v0  }
0x20: {  	[tilespmem:s12+$0x140] =	vst v0  }
0x21: {  	[tilespmem:s12+$0x150] =	vst v0  }
0x22: {  	[tilespmem:s12+$0x160] =	vst v0;
	s12 =	sshra.s32 s13, $0x2;
	s13 =	sadd.s32 $0x200, s13  }
0x23: {  	[tilespmem:s12+$0x170] =	vst v0  }
0x24: {  	[tilespmem:s12+$0x100] =	vst v0  }
0x25: {  	[tilespmem:s12+$0x110] =	vst v0  }
0x26: {  	[tilespmem:s12+$0x120] =	vst v0  }
0x27: {  	[tilespmem:s12+$0x130] =	vst v0  }
0x28: {  	[tilespmem:s12+$0x140] =	vst v0  }
0x29: {  	[tilespmem:s12+$0x150] =	vst v0  }
0x2a: {  	[tilespmem:s12+$0x160] =	vst v0  }
0x2b: {  	[spmem:s8] =	stream.linear.scatter [tilespmem:s29], [sflag:$0x4], $0x3E80, $0x38;
	[tilespmem:$0x1B980] =	vst v63  }
0x2c: {  	_ =	swait.ge [sflag:s30], $0x3E80  }
0x2d: {  	[sflag:s30] =	ssyncset.done $0x0  }
0x2e: {  	s13 =	rddreg [dreg:$0x4];
	[sflag:s30] =	ssyncadd.s32 $0xFFFFC180  }
0x2f: {  	[spmem:s13] =	stream.linear.scatter [tilespmem:s29], [sflag:$0x4], $0x3E80, $0x38;
	[tilespmem:$0x1B980] =	vst v63  }
0x30: {  	_ =	swait.ge [sflag:s30], $0x3E80  }
0x31: {  	[sflag:s30] =	ssyncset.done $0x0  }
0x32: {  	s14 =	rddreg [dreg:$0x5];
	[sflag:s30] =	ssyncadd.s32 $0xFFFFC180  }
0x33: {  	[spmem:s14] =	stream.linear.scatter [tilespmem:s29], [sflag:$0x4], $0x3E80, $0x38;
	[tilespmem:$0x1B980] =	vst v63  }
0x34: {  	_ =	swait.ge [sflag:s30], $0x3E80  }
0x35: {  	[sflag:s30] =	ssyncset.done $0x0  }
0x36: {  	s15 =	rddreg [dreg:$0x6];
	[sflag:s30] =	ssyncadd.s32 $0xFFFFC180  }
0x37: {  	[spmem:s15] =	stream.linear.scatter [tilespmem:s29], [sflag:$0x4], $0x3E80, $0x38;
	[tilespmem:$0x1B980] =	vst v63  }
0x38: {  	_ =	swait.ge [sflag:s30], $0x3E80  }
0x39: {  	[sflag:s30] =	ssyncset.done $0x0  }
0x3a: {  	s16 =	rddreg [dreg:$0x7];
	[sflag:s30] =	ssyncadd.s32 $0xFFFFC180  }
0x3b: {  	[spmem:s16] =	stream.linear.scatter [tilespmem:s29], [sflag:$0x4], $0x3E80, $0x38;
	[tilespmem:$0x1B980] =	vst v63  }
0x3c: {  	_ =	swait.ge [sflag:s30], $0x3E80  }
0x3d: {  	[sflag:s30] =	ssyncset.done $0x0  }
0x3e: {  	s13 =	rddreg [dreg:$0x8];
	[sflag:s30] =	ssyncadd.s32 $0xFFFFC180  }
0x3f: {  	[spmem:s13] =	stream.linear.scatter [tilespmem:s29], [sflag:$0x4], $0x3E80, $0x38;
	[tilespmem:$0x1B980] =	vst v63  }
0x40: {  	_ =	swait.ge [sflag:s30], $0x3E80  }
0x41: {  	[sflag:s30] =	ssyncset.done $0x0  }
0x42: {  	s14 =	rddreg [dreg:$0x9];
	[sflag:s30] =	ssyncadd.s32 $0xFFFFC180  }
0x43: {  	[spmem:s14] =	stream.linear.scatter [tilespmem:s29], [sflag:$0x4], $0x3E80, $0x38;
	[tilespmem:$0x1B980] =	vst v63  }
0x44: {  	_ =	swait.ge [sflag:s30], $0x3E80  }
0x45: {  	[sflag:s30] =	ssyncset.done $0x0  }
0x46: {  	s15 =	rddreg [dreg:$0xa];
	[sflag:s30] =	ssyncadd.s32 $0xFFFFC180  }
0x47: {  	[spmem:s15] =	stream.linear.scatter [tilespmem:s29], [sflag:$0x4], $0x3E80, $0x38;
	[tilespmem:$0x1B980] =	vst v63  }
0x48: {  	_ =	swait.ge [sflag:s30], $0x3E80  }
0x49: {  	[sflag:s30] =	ssyncset.done $0x0  }
0x4a: {  	s16 =	rddreg [dreg:$0xb];
	[sflag:s30] =	ssyncadd.s32 $0xFFFFC180  }
0x4b: {  	[spmem:s16] =	stream.linear.scatter [tilespmem:s29], [sflag:$0x4], $0x3E80, $0x38;
	[tilespmem:$0x1B980] =	vst v63  }
0x4c: {  	_ =	swait.ge [sflag:s30], $0x3E80  }
0x4d: {  	[sflag:s30] =	ssyncset.done $0x0  }
0x4e: {  	[sflag:s30] =	ssyncadd.s32 $0xFFFFC180  }
0x4f: {  	[spmem:s17] =	stream.linear.scatter [tilespmem:s29], [sflag:$0x4], $0x3E80, $0x38;
	[tilespmem:$0x1B980] =	vst v63  }
0x50: {  	_ =	swait.ge [sflag:s30], $0x3E80  }
0x51: {  	[sflag:s30] =	ssyncset.done $0x0  }
0x52: {  	[sflag:s30] =	ssyncadd.s32 $0xFFFFC180  }
0x53: {  	[spmem:s18] =	stream.linear.scatter [tilespmem:s29], [sflag:$0x4], $0x3E80, $0x38;
	[tilespmem:$0x1B980] =	vst v63  }
0x54: {  	_ =	swait.ge [sflag:s30], $0x3E80  }
0x55: {  	[sflag:s30] =	ssyncset.done $0x0  }
0x56: {  	[sflag:s30] =	ssyncadd.s32 $0xFFFFC180  }
0x57: {  	[spmem:s19] =	stream.linear.scatter [tilespmem:s29], [sflag:$0x4], $0x3E80, $0x38;
	[tilespmem:$0x1B980] =	vst v63  }
0x58: {  	_ =	swait.ge [sflag:s30], $0x3E80  }
0x59: {  	[sflag:s30] =	ssyncset.done $0x0  }
0x5a: {  	[sflag:s30] =	ssyncadd.s32 $0xFFFFC180  }
0x5b: {  	[spmem:s20] =	stream.linear.scatter [tilespmem:s29], [sflag:$0x4], $0x3E80, $0x38;
	[tilespmem:$0x1B980] =	vst v63  }
0x5c: {  	_ =	swait.ge [sflag:s30], $0x3E80  }
0x5d: {  	[sflag:s30] =	ssyncset.done $0x0  }
0x5e: {  	[sflag:s30] =	ssyncadd.s32 $0xFFFFC180  }
0x5f: {  	[spmem:s21] =	stream.linear.scatter [tilespmem:s29], [sflag:$0x4], $0x3E80, $0x38;
	[tilespmem:$0x1B980] =	vst v63  }
0x60: {  	_ =	swait.ge [sflag:s30], $0x3E80  }
0x61: {  	[sflag:s30] =	ssyncset.done $0x0  }
0x62: {  	[sflag:s30] =	ssyncadd.s32 $0xFFFFC180  }
0x63: {  	[spmem:s26] =	stream.linear.scatter [tilespmem:s29], [sflag:$0x4], $0x3E80, $0x38;
	[tilespmem:$0x1B980] =	vst v63  }
0x64: {  	_ =	swait.ge [sflag:s30], $0x3E80  }
0x65: {  	[sflag:s30] =	ssyncset.done $0x0  }
0x66: {  	[sflag:s30] =	ssyncadd.s32 $0xFFFFC180  }
0x67: {  	[spmem:s28] =	stream.linear.scatter [tilespmem:s29], [sflag:$0x4], $0x3E80, $0x38;
	[tilespmem:$0x1B980] =	vst v63  }
0x68: {  	_ =	swait.ge [sflag:s30], $0x3E80  }
0x69: {  	[sflag:s30] =	ssyncset.done $0x0  }
0x6a: {  	[sflag:s30] =	ssyncadd.s32 $0xFFFFC180  }
.LBB2_5:
0x6b: {  	[bflag:$0x0] =	sbarrier.arrive $0xFFFF;
	s12 =	simm.s32 $0x0;
	s13 =	simm.s32 $0x0  }
.LBB2_6:
0x6c: {  	s14 =	sshll.u32 s13, $0x7  }
0x6d: {  	s14 =	sadd.s32 s23, s14  }
0x6e: {  	s15 =	sshrl.u32 s14, $0x3  }
0x6f: {  	s16 =	sadd.s32 s6, s15  }
0x70: {  	[tilespmem:s12], [sflag:$0x3] =	stream.linear.gather [hbm4b:s16+s12], $0x80, $0x38;
	[tilespmem:$0x1B980] =	vst v63  }
0x71: {  	s14 =	sshll.u32 s14, $0x4;
	s15 =	sadd.s32 s7, s15  }
0x72: {  	[tilespmem:s31], [sflag:$0x3] =	stream.linear.gather [hbm4b:s15+s12], $0x80, $0x38;
	[tilespmem:$0x1B980] =	vst v63  }
0x73: {  	s14 =	sadd.s32 s5, s14  }
0x74: {  	[tilespmem:s0], [sflag:$0x2] =	stream.linear.gather [hbm4b:s14+s12], $0x4000, $0x38;
	[tilespmem:$0x1B980] =	vst v63  }
0x75: {  	_ =	swait.ge [sflag:s4], $0x80  }
0x76: {  	[sflag:s4] =	ssyncset.done $0x0  }
0x77: {  	[sflag:s4] =	ssyncadd.s32 $0xFFFFFF80  }
0x78: {  	_ =	swait.ge [sflag:s4], $0x80  }
0x79: {  	[sflag:s4] =	ssyncset.done $0x0  }
0x7a: {  	[sflag:s4] =	ssyncadd.s32 $0xFFFFFF80  }
0x7b: {  	[tilespmem:s29], [sflag:$0x1] =	stream.indirect.gather [hbm4b:s1+s31], $0x80, s12, s31, $0xb8;
	[tilespmem:$0x1B980] =	vst v63  }
0x7c: {  	_ =	swait.ge [sflag:s9], $0x4000  }
0x7d: {  	[sflag:s9] =	ssyncset.done $0x0  }
0x7e: {  	[sflag:s9] =	ssyncadd.s32 $0xFFFFC000  }
0x7f: {  	_ =	swait.ge [sflag:s10], $0x4000  }
0x80: {  	[sflag:s10] =	ssyncset.done $0x0  }
0x81: {  	s14 =	simm.s32 $0x0;
	[sflag:s10] =	ssyncadd.s32 $0xFFFFC000  }
0x82: {  	v7 =	vld [tilespmem:s14+$0x100]  }
0x83: {  	v12 =	vld [tilespmem:s14+$0x110]  }
0x84: {  	v6 =	vld [tilespmem:s14+$0x120]  }
0x85: {  	v5 =	vld [tilespmem:s14+$0x130]  }
0x86: {  	v4 =	vld [tilespmem:s14+$0x140]  }
0x87: {  	v3 =	vld [tilespmem:s14+$0x150]  }
0x88: {  	v2 =	vld [tilespmem:s14+$0x160]  }
0x89: {  	v1 =	vld [tilespmem:s14+$0x170]  }
0x8a: {  	v13 =	vld [tilespmem:s14+$0x4100]  }
0x8b: {  	v14 =	vld [tilespmem:s14+$0x4110]  }
0x8c: {  	v11 =	vld [tilespmem:s14+$0x4120]  }
0x8d: {  	v10 =	vld [tilespmem:s14+$0x4130]  }
0x8e: {  	v9 =	vld [tilespmem:s14+$0x4140]  }
0x8f: {  	v8 =	vld [tilespmem:s14+$0x4150];
	v13 =	vadd.f32 v7, v13  }
0x90: {  	s15 =	simm.s32 $0x200;
	v12 =	vadd.f32 v12, v14;
	v7 =	vld [tilespmem:s14+$0x4160]  }
.LBB2_7:
0x91: {  	s16 =	sshra.s32 s15, $0x2;
	p1 =	sne.s32 s15, $0xFE00;
	v13 =	vmax.f32 v13, $0.0e+00;
	v6 =	vadd.f32 v6, v11;
	v11 =	vld [tilespmem:s14+$0x4170]  }
0x92: {  	v14 =	vld [tilespmem:s16+$0x100];
	[tilespmem:s14+$0x4100] =	vst v13;
	v12 =	vmax.f32 v12, $0.0e+00;
	v5 =	vadd.f32 v5, v10  }
0x93: {  	v15 =	vld [tilespmem:s16+$0x110];
	[tilespmem:s14+$0x4110] =	vst v12;
	v10 =	vmax.f32 v6, $0.0e+00;
	v4 =	vadd.f32 v4, v9  }
0x94: {  	v6 =	vld [tilespmem:s16+$0x120];
	[tilespmem:s14+$0x4120] =	vst v10;
	v9 =	vmax.f32 v5, $0.0e+00;
	v3 =	vadd.f32 v3, v8  }
0x95: {  	v5 =	vld [tilespmem:s16+$0x130];
	[tilespmem:s14+$0x4130] =	vst v9;
	v8 =	vmax.f32 v4, $0.0e+00;
	v2 =	vadd.f32 v2, v7  }
0x96: {  	v4 =	vld [tilespmem:s16+$0x140];
	[tilespmem:s14+$0x4140] =	vst v8;
	v7 =	vmax.f32 v3, $0.0e+00;
	v1 =	vadd.f32 v1, v11  }
0x97: {  	v3 =	vld [tilespmem:s16+$0x150];
	[tilespmem:s14+$0x4150] =	vst v7;
	v7 =	vmax.f32 v2, $0.0e+00  }
0x98: {  	v2 =	vld [tilespmem:s16+$0x160];
	[tilespmem:s14+$0x4160] =	vst v7;
	v7 =	vmax.f32 v1, $0.0e+00  }
0x99: {  	v1 =	vld [tilespmem:s16+$0x170];
	[tilespmem:s14+$0x4170] =	vst v7;
	s14 =	smov.u32 s16  }
0x9a: {  	v7 =	vld [tilespmem:s14+$0x4100]  }
0x9b: {  	v12 =	vld [tilespmem:s14+$0x4110]  }
.Ltmp2:
0x9c: {  	v11 =	vld [tilespmem:s14+$0x4120];
	(pc) =	sbr.rel @p1 .LBB2_7-.Ltmp2, $4  }
0x9d: {  	v10 =	vld [tilespmem:s14+$0x4130]  }
0x9e: {  	v9 =	vld [tilespmem:s14+$0x4140]  }
0x9f: {  	v13 =	vadd.f32 v14, v7;
	v8 =	vld [tilespmem:s14+$0x4150]  }
0xa0: {  	s15 =	sadd.s32 $0x200, s15;
	v12 =	vadd.f32 v15, v12;
	v7 =	vld [tilespmem:s14+$0x4160]  }
0xa1: {  	v13 =	vmax.f32 v13, $0.0e+00;
	v6 =	vadd.f32 v6, v11;
	v63 =	vld [tilespmem:s14+$0x4170]  }
0xa2: {  	[tilespmem:s14+$0x4100] =	vst v13;
	v12 =	vmax.f32 v12, $0.0e+00;
	v5 =	vadd.f32 v5, v10  }
0xa3: {  	[tilespmem:s14+$0x4110] =	vst v12;
	v6 =	vmax.f32 v6, $0.0e+00;
	v4 =	vadd.f32 v4, v9  }
0xa4: {  	[tilespmem:s14+$0x4120] =	vst v6;
	v5 =	vmax.f32 v5, $0.0e+00;
	v3 =	vadd.f32 v3, v8  }
0xa5: {  	[tilespmem:s14+$0x4130] =	vst v5;
	v4 =	vmax.f32 v4, $0.0e+00;
	v2 =	vadd.f32 v2, v7  }
0xa6: {  	[tilespmem:s14+$0x4140] =	vst v4;
	v3 =	vmax.f32 v3, $0.0e+00;
	v1 =	vadd.f32 v1, v63  }
0xa7: {  	s13 =	sadd.s32 $0x1, s13;
	[tilespmem:s14+$0x4150] =	vst v3;
	v2 =	vmax.f32 v2, $0.0e+00  }
0xa8: {  	p1 =	sne.s32 s13, s22;
	[tilespmem:s14+$0x4160] =	vst v2;
	v1 =	vmax.f32 v1, $0.0e+00  }
.Ltmp3:
0xa9: {  	[tilespmem:s14+$0x4170] =	vst v1;
	(pc) =	sbr.rel @p1 .LBB2_6-.Ltmp3, $4  }
0xaa: {  	[spmem:s2] =	stream.indirect.scatter.add.f32 [tilespmem:s0], [sflag:$0x4], $0x80, s31, s31, $0xb8;
	[tilespmem:$0x1B980] =	vst v63  }
0xab: {  	_ =	swait.ge [sflag:s30], $0x4000  }
0xac: {  	[sflag:s30] =	ssyncset.done $0x0  }
0xad: {  	[sflag:s30] =	ssyncadd.s32 $0xFFFFC000  }
0xae: {  	s12 =	sshll.u32 @!p0 s3, $0x6;
	[bflag:$0x0] =	sbarrier.arrive $0xFFFF;
	s11 =	sadd.s32 $0x1, s11  }
0xaf: {  	s13 =	sshrl.u32 @!p0 s8, $0x3;
	s12 =	sor.u32 @!p0 $0x1C04, s12;
	p1 =	sne.s32 s11, s25  }
0xb0: {  	[hbm:s24], [sflag:s12] =	dma.local @!p0 [spmem:s13], $0x7D00  }
.Ltmp4:
0xb1: {  	_ = 	snop;
	(pc) =	sbr.rel @p1 .LBB2_1-.Ltmp4, $4  }
0xb2: {  	s12 =	simm.s32 @!p0 $0x4  }
0xb3: {  	_ =	swait.ge @!p0 [sflag:s12], $0x7D00  }
0xb4: {  	[sflag:s12] =	ssyncset.done @!p0 $0x0  }
0xb5: {  	[sflag:s12] =	ssyncadd.s32 @!p0 $0xFFFF8300  }
0xb6: {  	_ =	sfence.sel $0x180000  }
0xb7: {  	[bflag:$0x0] =	sbarrier.arrive $0xFFFF  }
0xb8: {  	_ =	strace $0x90000047  }
0xb9: {  	[bflag:$0x2] =	sbarrier.arrive $0xFFFF  }
0xba: {  	p0 =	sne.s32 s3, $0x0;
	s0 =	rddreg [dreg:$0x3]  }
0xbb: {  	s0 =	sadd.s32 @!p0 $0x100000, s0  }
0xbc: {  	[sflag:s0] =	ssyncadd.tile.s32 @!p0 $0x1;
	_ =	shalt  }
.Lfunc_end2:
_tile_overlayer_lowered:
.L_overlay_start_2:
0xbd: {  	(tag) =	ssettag $0x2  }
0xbe: {  	s0 =	rddreg [dreg:$0x0];
	s2 =	stileid.u32  }
0xbf: {  	s1 =	rddreg [dreg:$0x1];
	p0 =	sne.s32 s2, $0x0  }
0xc0: {  	s3 =	rddreg [dreg:$0x2];
	[bflag:$0x3] =	sbarrier.arrive $0xFFFF;
	s2 =	simm.s32 @!p0 $0x1C04  }
0xc1: {  	[timem:s3], [sflag:s2] =	dma.local @!p0 [hbm:s0], s1  }
0xc2: {  	s0 =	simm.s32 @!p0 $0x4  }
0xc3: {  	_ =	swait.ge @!p0 [sflag:s0], s1  }
0xc4: {  	s1 =	ssub.s32 @!p0 $0x0, s1;
	[sflag:s0] =	ssyncset.done @!p0 $0x0  }
0xc5: {  	[sflag:s0] =	ssyncadd.s32 @!p0 s1  }
0xc6: {  	[bflag:$0x3] =	sbarrier.arrive $0xFFFF  }
0xc7: {  	_ =	shalt  }

// kernel: kernel.14.cloned.1.call-start
scs
__scs_entry_jumppad:
0x0: {  	(pc) =	sbr.rel $0x88, $3  }
0x1: {  	(tag) =	ssettag $0x0;
	lr =	simm.s32 $0x1  }
0x2: {  	[smem:$0x3F7D] =	sst lr;
	_ =	strace $0xD0000000  }
0x3: {  	_ = 	snop  }
0x4: {  	_ = 	snop  }
0x5: {  	_ = 	snop  }
0x6: {  	_ = 	snop  }
0x7: {  	_ = 	snop  }
__scs_overlays_trampoline_lowered:
0x8: {  	[smem:$0x3F8C] =	sst s0  }
0x9: {  	[smem:$0x3F8D] =	sst s1  }
0xa: {  	[smem:$0x3F8E] =	sst s2  }
0xb: {  	[smem:$0x3F8F] =	sst s3  }
0xc: {  	[smem:$0x3F90] =	sst s4  }
0xd: {  	[smem:$0x3F91] =	sst s5  }
0xe: {  	[smem:$0x3F92] =	sst s6  }
0xf: {  	[smem:$0x3F93] =	sst s7  }
0x10: {  	[smem:$0x3F94] =	sst s8  }
0x11: {  	[smem:$0x3F95] =	sst s9;
	s0 =	simm.s32 @!p0 $0x0  }
0x12: {  	s1 =	sld [smem:$0x3F7B];
	s0 =	simm.s32 @p0 $0x1  }
0x13: {  	[smem:$0x3F96] =	sst s0;
	s0 =	simm.s32 @!p1 $0x0  }
0x14: {  	s2 =	sld [smem:$0x3F7A];
	s0 =	simm.s32 @p1 $0x1  }
0x15: {  	[smem:$0x3F97] =	sst s0;
	s0 =	simm.s32 @!p2 $0x0  }
0x16: {  	s3 =	sld [smem:$0x3FDB];
	s0 =	simm.s32 @p2 $0x1  }
0x17: {  	s4 =	simm.s32 $0x1BF5;
	[smem:$0x3F99] =	sst s0  }
0x18: {  	s0 =	sld [smem:$0x3F7C];
	_ =	swait.ge [sflag:s4], $0x0  }
0x19: {  	s7 =	sld [smem:$0x3F7D]  }
0x1a: {  	s8 =	sadd.s32 $0xFFFFE003, lr  }
0x1b: {  	s9 =	sadd.s32 $0xFFFFFEF7, lr;
	s5 =	simm.s32 $0xFFFFFFFF;
	p2 =	slt.u32 s8, $0xFFFFF086  }
0x1c: {  	p1 =	slt.u32 s9, $0xF7A;
	s5 =	simm.s32 @!p2 $0x0  }
0x1d: {  	s5 =	simm.s32 @p1 $0x1;
	p0 =	seq.s32 s7, s2  }
0x1e: {  	s7 =	smul.u32 @!p0 $0xF7A, s2;
	p2 =	seq.s32 @!p0 s5, $0x0  }
0x1f: {  	s9 =	smul.u32 $0xF7A, s1;
	s8 =	simm.s32 @!p0 $0x1BF5;
	p2 =	por !p2, p0  }
0x20: {  	[sflag:s8] =	ssyncset.s32 @!p0 $0xFFFFF086;
	s6 =	sadd.s32 @!p0 s3, s7;
	s7 =	simm.s32 @!p0 $0x108  }
0x21: {  	s3 =	sadd.s32 s3, s9;
	s6 =	sadd.s32 @!p0 $0x88, s6;
	s7 =	simm.s32 @p2 $0x1082  }
0x22: {  	[simem:s7], [sflag:s8] =	dma.local @!p0 [hbm:s6], $0xF7A  }
0x23: {  	s9 =	sor.u32 $0xD0000000, s2;
	s6 =	simm.s32 $0x108;
	_ =	swait.ge @!p0 [sflag:s8], $0x0  }
0x24: {  	s3 =	sadd.s32 $0x88, s3;
	s6 =	simm.s32 @!p1 $0x1082;
	[sflag:s4] =	ssyncset.s32 $0xFFFFF086  }
0x25: {  	[simem:s6], [sflag:s4] =	dma.local [hbm:s3], $0xF7A  }
0x26: {  	[smem:$0x3F7D] =	sst s1;
	(tag) =	ssettag s2;
	_ =	strace s9  }
0x27: {  	s1 =	sld [smem:$0x3F8D]  }
0x28: {  	s2 =	sld [smem:$0x3F8E]  }
0x29: {  	s4 =	sld [smem:$0x3F90]  }
0x2a: {  	p0 =	seq.s32 s5, $0x0;
	s5 =	sld [smem:$0x3F91]  }
0x2b: {  	s6 =	sld [smem:$0x3F92]  }
0x2c: {  	s7 =	sld [smem:$0x3F93]  }
0x2d: {  	s3 =	simm.s32 $0x108;
	s8 =	sld [smem:$0x3F94]  }
0x2e: {  	s3 =	simm.s32 @!p0 $0x1082;
	s9 =	sld [smem:$0x3F95]  }
0x2f: {  	lr =	sadd.s32 s0, s3;
	s0 =	sld [smem:$0x3F8C]  }
0x30: {  	s3 =	sld [smem:$0x3F8F]  }
0x31: {  	[smem:$0x3F98] =	sst s10  }
0x32: {  	s10 =	sld [smem:$0x3F96];
	_ =	sdelay $0x3  }
0x33: {  	p0 =	seq.s32 s10, $0x1;
	s10 =	sld [smem:$0x3F98];
	_ =	sdelay $0x3  }
0x34: {  	[smem:$0x3F98] =	sst s10  }
0x35: {  	s10 =	sld [smem:$0x3F97];
	_ =	sdelay $0x3  }
0x36: {  	p1 =	seq.s32 s10, $0x1;
	s10 =	sld [smem:$0x3F98];
	_ =	sdelay $0x3  }
0x37: {  	[smem:$0x3F98] =	sst s10  }
0x38: {  	s10 =	sld [smem:$0x3F99]  }
0x39: {  	_ = 	snop;
	(pc) =	sbr.ind lr, $3  }
0x3a: {  	_ = 	snop  }
0x3b: {  	_ = 	snop  }
0x3c: {  	p2 =	seq.s32 s10, $0x1;
	s10 =	sld [smem:$0x3F98]  }
0x3d: {  	_ =	shalt  }
0x3e: {  	_ =	shalt  }
0x3f: {  	_ =	shalt  }
0x40: {  	_ =	shalt  }
0x41: {  	_ =	shalt  }
0x42: {  	_ =	shalt  }
0x43: {  	_ =	shalt  }
0x44: {  	_ =	shalt  }
0x45: {  	_ =	shalt  }
0x46: {  	_ =	shalt  }
0x47: {  	_ =	shalt  }
0x48: {  	_ =	shalt  }
0x49: {  	_ =	shalt  }
0x4a: {  	_ =	shalt  }
0x4b: {  	_ =	shalt  }
0x4c: {  	_ =	shalt  }
0x4d: {  	_ =	shalt  }
0x4e: {  	_ =	shalt  }
0x4f: {  	_ =	shalt  }
0x50: {  	_ =	shalt  }
0x51: {  	_ =	shalt  }
0x52: {  	_ =	shalt  }
0x53: {  	_ =	shalt  }
0x54: {  	_ =	shalt  }
0x55: {  	_ =	shalt  }
0x56: {  	_ =	shalt  }
0x57: {  	_ =	shalt  }
0x58: {  	_ =	shalt  }
0x59: {  	_ =	shalt  }
0x5a: {  	_ =	shalt  }
0x5b: {  	_ =	shalt  }
0x5c: {  	_ =	shalt  }
0x5d: {  	_ =	shalt  }
0x5e: {  	_ =	shalt  }
0x5f: {  	_ =	shalt  }
0x60: {  	_ =	shalt  }
0x61: {  	_ =	shalt  }
0x62: {  	_ =	shalt  }
0x63: {  	_ =	shalt  }
0x64: {  	_ =	shalt  }
0x65: {  	_ =	shalt  }
0x66: {  	_ =	shalt  }
0x67: {  	_ =	shalt  }
0x68: {  	_ =	shalt  }
0x69: {  	_ =	shalt  }
0x6a: {  	_ =	shalt  }
0x6b: {  	_ =	shalt  }
0x6c: {  	_ =	shalt  }
0x6d: {  	_ =	shalt  }
0x6e: {  	_ =	shalt  }
0x6f: {  	_ =	shalt  }
0x70: {  	_ =	shalt  }
0x71: {  	_ =	shalt  }
0x72: {  	_ =	shalt  }
0x73: {  	_ =	shalt  }
0x74: {  	_ =	shalt  }
0x75: {  	_ =	shalt  }
0x76: {  	_ =	shalt  }
0x77: {  	_ =	shalt  }
0x78: {  	_ =	shalt  }
0x79: {  	_ =	shalt  }
0x7a: {  	_ =	shalt  }
0x7b: {  	_ =	shalt  }
0x7c: {  	_ =	shalt  }
0x7d: {  	_ =	shalt  }
0x7e: {  	_ =	shalt  }
0x7f: {  	_ =	shalt  }
0x80: {  	_ =	shalt  }
0x81: {  	_ =	shalt  }
0x82: {  	_ =	shalt  }
0x83: {  	_ =	shalt  }
0x84: {  	_ =	shalt  }
0x85: {  	_ =	shalt  }
0x86: {  	_ =	shalt  }
0x87: {  	_ =	shalt  }
.Lfunc_end0:
.L_simem_size_0:
called_computation.1_lowered:
.L_overlay_start_0:
0x88: {  	s2 =	sld [smem:$0x3FD9]  }
0x89: {  	s3 =	sld [smem:$0x3FFE];
	_ =	sdelay $0x1  }
0x8a: {  	s1 =	srdreg.scid  }
0x8b: {  	s0 =	sand.u32 $0x1, s1  }
0x8c: {  	s17 =	sshll.u32 s0, $0xA;
	s2 =	sadd.s32 s3, s2  }
0x8d: {  	s2 =	sadd.s32 s2, s17  }
0x8e: {  	[smem:$0x3FA4] =	sst s2  }
0x8f: {  	_ = 	snop  }
0x90: {  	s2 =	sld [smem:$0x3FD0];
	(tm) =	ssettm $0x1  }
0x91: {  	s18 =	sld [smem:$0x3FFB];
	_ =	sdelay $0x3  }
0x92: {  	_ =	strace s18  }
0x93: {  	s3 =	sld [smem:$0x3FFC];
	_ =	sdelay $0x3  }
0x94: {  	_ =	strace s3  }
0x95: {  	s3 =	sld [smem:$0x3FFD];
	_ =	sdelay $0x3  }
0x96: {  	_ =	strace s3  }
0x97: {  	_ =	strace $0x8FFFFFFF  }
0x98: {  	s19 =	sld [smem:$0x3FDB];
	_ =	sdelay $0x1  }
0x99: {  	s4 =	simm.s32 $_scs_section_size  }
0x9a: {  	s5 =	simm.s32 $_size__tile_overlayer_lowered;
	s6 =	simm.s32 $_tile_overlayer_lowered  }
0x9b: {  	s22 =	simm.s32 $0x1BFF;
	s21 =	sshll.u32 s6, $0x1;
	s3 =	sadd.s32 s4, s19  }
0x9c: {  	s7 =	simm.s32 $0x0;
	s20 =	sshll.u32 s5, $0x1;
	s5 =	sadd.s32 s21, s3  }
0x9d: {  	[timem:s7], [sflag:s22] =	dma.local [hbm:s5], s20  }
0x9e: {  	_ =	swait.ge [sflag:s22], s20  }
0x9f: {  	s4 =	ssub.s32 $0x0, s20;
	[sflag:s22] =	ssyncset.done $0x0  }
0xa0: {  	[sflag:s22] =	ssyncadd.s32 s4;
	_ =	sdelay $0x1  }
0xa1: {  	s23 =	simm.s32 $0x1B8B  }
0xa2: {  	_ =	swait.ge [sflag:s23], $0x1  }
0xa3: {  	[sflag:s23] =	ssyncset.done $0x0  }
0xa4: {  	s25 =	simm.s32 $0x1B8E;
	s24 =	sld [smem:$0x3FFE];
	[sflag:s23] =	ssyncadd.s32 $0xFFFFFFFF  }
0xa5: {  	s26 =	simm.s32 $execute0_lowered;
	[smem:$0x3FD2] =	sst s25  }
0xa6: {  	s5 =	sshll.u32 s26, $0x1;
	_ =	strace $0x80000049;
	[dreg:$0x1] =	wrdreg $0xFFFFFFFF  }
0xa7: {  	s28 =	simm.s32 $_size_execute0_lowered;
	s3 =	sadd.s32 s3, s5;
	[dreg:$0x0] =	wrdreg $0x0  }
0xa8: {  	s5 =	sshll.u32 s28, $0x1;
	[dreg:$0x2] =	wrdreg s3  }
0xa9: {  	[dreg:$0x3] =	wrdreg s5  }
0xaa: {  	[dreg:$0x4] =	wrdreg $0xC0  }
0xab: {  	_ =	task [dreg:s7], $0x5FFFF  }
0xac: {  	[dreg:$0x1] =	wrdreg $0xFFFFFFFF  }
0xad: {  	[dreg:$0x0] =	wrdreg $0x60  }
0xae: {  	[dreg:$0x2] =	wrdreg s2  }
0xaf: {  	[dreg:$0x3] =	wrdreg s24  }
0xb0: {  	[dreg:$0x4] =	wrdreg $0x81000  }
0xb1: {  	[dreg:$0x5] =	wrdreg $0x9  }
0xb2: {  	_ =	task.clear_ibuf [dreg:s7], $0x6FFFF;
	_ =	strace $0x90000049  }
0xb3: {  	s29 =	simm.s32 $0x9;
	_ =	strace $0x8000004B  }
0xb4: {  	_ =	swait.ge [sflag:s29], $0x1  }
0xb5: {  	[sflag:s29] =	ssyncadd.s32 $0xFFFFFFFF  }
0xb6: {  	_ =	strace $0x9000004B  }
0xb7: {  	_ =	sfence  }
0xb8: {  	s30 =	sld [smem:$0x0];
	_ =	sdelay $0x2  }
0xb9: {  	s31 =	sshll.u32 s1, $0xD;
	s1 =	sshrl.u32 s1, $0x2  }
0xba: {  	s3 =	sand.u32 $0x4000, s31;
	s1 =	sadd.s32 s1, s30  }
0xbb: {  	s0 =	sor.u32 s3, s0;
	s1 =	sshll.u32 s1, $0x11  }
0xbc: {  	s0 =	sor.u32 s1, s0  }
0xbd: {  	s0 =	sadd.s32 $0x8F2B, s0  }
0xbe: {  	[sflag:s0] =	ssyncadd.remote.s32 $0x1  }
0xbf: {  	_ =	sfence.sel $0xFFFF  }
0xc0: {  	[dreg:$0x0] =	wrdreg $0xFFFFFFFF;
	(pc) =	sbr.abs _section_cstart, $3  }
0xc1: {  	[dreg:$0x1] =	wrdreg $0xFFFFFFFF  }
0xc2: {  	_ =	task.clear_ibuf [dreg:s7], $0x2FFFF;
	_ =	strace $0x9FFFFFFF  }
0xc3: {  	(tm) =	ssettm $0x7FFFFFFF  }
tec
execute0_lowered:
.L_overlay_start_1:
0x0: {  	(tag) =	ssettag $0x1  }
0x1: {  	s1 =	rddreg [dreg:$0x0]  }
0x2: {  	s0 =	rddreg [dreg:$0x1];
	s3 =	srdreg.scid  }
0x3: {  	s2 =	rddreg [dreg:$0x2];
	s4 =	sand.u32 $0x1, s3  }
0x4: {  	s5 =	simm.s32 $0x0;
	s3 =	stileid.u32;
	s7 =	smul.u32 $0x27100, s4  }
0x5: {  	s29 =	simm.s32 $0x100;
	s30 =	simm.s32 $0x4;
	s8 =	smul.u32 $0x7D00, s3  }
0x6: {  	s31 =	simm.s32 $0x80;
	s11 =	simm.s32 $0x0;
	s9 =	smul.u32 $0xFA000, s3  }
0x7: {  	[smem:$0x7FF] =	sst s5;
	s5 =	sadd.s32 $0x19600, s0;
	s6 =	sadd.s32 $0xF800, s0  }
0x8: {  	_ =	strace $0x8000004A;
	s8 =	sadd.s32 s8, s7;
	s9 =	sshrl.u32 s9, $0x2  }
0x9: {  	s7 =	sadd.s32 $0x5A00, s0;
	s0 =	sadd.s32 s8, s0;
	s8 =	sadd.s32 s9, s2  }
0xa: {  	s19 =	ssub.s32 $0x2, s4;
	s4 =	sshll.u32 s4, $0x4;
	s9 =	sadd.s32 $0x3E80, s8  }
0xb: {  	s10 =	sshrl.u32 s19, $0x1;
	s20 =	sadd.s32 $0x7D00, s8;
	[dreg:$0x4] =	wrdreg s9  }
0xc: {  	s4 =	sor.u32 s3, s4;
	s21 =	sadd.s32 $0xBB80, s8;
	[dreg:$0x5] =	wrdreg s20  }
0xd: {  	s10 =	ssub.s32 s19, s10;
	s22 =	sadd.s32 $0xFA00, s8;
	[dreg:$0x6] =	wrdreg s21  }
0xe: {  	p0 =	seq.s32 s4, $0x1F;
	s23 =	sadd.s32 $0x13880, s8;
	[dreg:$0x7] =	wrdreg s22  }
0xf: {  	s24 =	sadd.s32 $0x17700, s8;
	s25 =	sadd.s32 $0x1B580, s8;
	[dreg:$0x8] =	wrdreg s23  }
0x10: {  	s26 =	sadd.s32 $0x1F400, s8;
	s17 =	sadd.s32 $0x23280, s8;
	[dreg:$0x9] =	wrdreg s24  }
0x11: {  	s18 =	sadd.s32 $0x27100, s8;
	s19 =	sadd.s32 $0x2AF80, s8;
	[dreg:$0xa] =	wrdreg s25  }
0x12: {  	s28 =	sadd.s32 $0x3A980, s8;
	[dreg:$0xb] =	wrdreg s26;
	s20 =	sadd.s32 $0x2EE00, s8  }
0x13: {  	s21 =	sadd.s32 $0x32C80, s8;
	s22 =	simm.s32 $0x52;
	s23 =	smul.u32 $0x2700, s4  }
0x14: {  	s24 =	sadd.s32 $0x4FB600, s0;
	s25 =	smax.u32 s10, $0x1;
	s26 =	sadd.s32 $0x36B00, s8  }
0x15: {  	s0 =	simm.s32 $0x4100;
	s4 =	simm.s32 $0x3;
	s9 =	simm.s32 $0x2  }
0x16: {  	v0 =	vimm.f32 $0.0e+00;
	s10 =	simm.s32 $0x1;
	s22 =	simm.s32 @!p0 $0x4E;
	p0 =	sgt.u32 s3, $0x4  }
.LBB2_1:
.Ltmp0:
0x17: {  	(pc) =	sbr.rel @p0 .LBB2_5-.Ltmp0, $1  }
0x18: {  	_ =	sdelay $0x3  }
0x19: {  	s13 =	simm.s32 $0x0  }
0x1a: {  	s12 =	sshra.s32 s13, $0x2;
	s13 =	sadd.s32 $0x200, s13  }
.LBB2_3:
0x1b: {  	p1 =	sne.s32 s13, $0xF800;
	[tilespmem:s12+$0x170] =	vst v0  }
0x1c: {  	[tilespmem:s12+$0x100] =	vst v0  }
0x1d: {  	[tilespmem:s12+$0x110] =	vst v0  }
.Ltmp1:
0x1e: {  	[tilespmem:s12+$0x120] =	vst v0;
	(pc) =	sbr.rel @p1 .LBB2_3-.Ltmp1, $4  }
0x1f: {  	[tilespmem:s12+$0x130] =	vst v0  }
0x20: {  	[tilespmem:s12+$0x140] =	vst v0  }
0x21: {  	[tilespmem:s12+$0x150] =	vst v0  }
0x22: {  	[tilespmem:s12+$0x160] =	vst v0;
	s12 =	sshra.s32 s13, $0x2;
	s13 =	sadd.s32 $0x200, s13  }
0x23: {  	[tilespmem:s12+$0x170] =	vst v0  }
0x24: {  	[tilespmem:s12+$0x100] =	vst v0  }
0x25: {  	[tilespmem:s12+$0x110] =	vst v0  }
0x26: {  	[tilespmem:s12+$0x120] =	vst v0  }
0x27: {  	[tilespmem:s12+$0x130] =	vst v0  }
0x28: {  	[tilespmem:s12+$0x140] =	vst v0  }
0x29: {  	[tilespmem:s12+$0x150] =	vst v0  }
0x2a: {  	[tilespmem:s12+$0x160] =	vst v0  }
0x2b: {  	[spmem:s8] =	stream.linear.scatter [tilespmem:s29], [sflag:$0x4], $0x3E80, $0x38;
	[tilespmem:$0x1B980] =	vst v63  }
0x2c: {  	_ =	swait.ge [sflag:s30], $0x3E80  }
0x2d: {  	[sflag:s30] =	ssyncset.done $0x0  }
0x2e: {  	s13 =	rddreg [dreg:$0x4];
	[sflag:s30] =	ssyncadd.s32 $0xFFFFC180  }
0x2f: {  	[spmem:s13] =	stream.linear.scatter [tilespmem:s29], [sflag:$0x4], $0x3E80, $0x38;
	[tilespmem:$0x1B980] =	vst v63  }
0x30: {  	_ =	swait.ge [sflag:s30], $0x3E80  }
0x31: {  	[sflag:s30] =	ssyncset.done $0x0  }
0x32: {  	s14 =	rddreg [dreg:$0x5];
	[sflag:s30] =	ssyncadd.s32 $0xFFFFC180  }
0x33: {  	[spmem:s14] =	stream.linear.scatter [tilespmem:s29], [sflag:$0x4], $0x3E80, $0x38;
	[tilespmem:$0x1B980] =	vst v63  }
0x34: {  	_ =	swait.ge [sflag:s30], $0x3E80  }
0x35: {  	[sflag:s30] =	ssyncset.done $0x0  }
0x36: {  	s15 =	rddreg [dreg:$0x6];
	[sflag:s30] =	ssyncadd.s32 $0xFFFFC180  }
0x37: {  	[spmem:s15] =	stream.linear.scatter [tilespmem:s29], [sflag:$0x4], $0x3E80, $0x38;
	[tilespmem:$0x1B980] =	vst v63  }
0x38: {  	_ =	swait.ge [sflag:s30], $0x3E80  }
0x39: {  	[sflag:s30] =	ssyncset.done $0x0  }
0x3a: {  	s16 =	rddreg [dreg:$0x7];
	[sflag:s30] =	ssyncadd.s32 $0xFFFFC180  }
0x3b: {  	[spmem:s16] =	stream.linear.scatter [tilespmem:s29], [sflag:$0x4], $0x3E80, $0x38;
	[tilespmem:$0x1B980] =	vst v63  }
0x3c: {  	_ =	swait.ge [sflag:s30], $0x3E80  }
0x3d: {  	[sflag:s30] =	ssyncset.done $0x0  }
0x3e: {  	s13 =	rddreg [dreg:$0x8];
	[sflag:s30] =	ssyncadd.s32 $0xFFFFC180  }
0x3f: {  	[spmem:s13] =	stream.linear.scatter [tilespmem:s29], [sflag:$0x4], $0x3E80, $0x38;
	[tilespmem:$0x1B980] =	vst v63  }
0x40: {  	_ =	swait.ge [sflag:s30], $0x3E80  }
0x41: {  	[sflag:s30] =	ssyncset.done $0x0  }
0x42: {  	s14 =	rddreg [dreg:$0x9];
	[sflag:s30] =	ssyncadd.s32 $0xFFFFC180  }
0x43: {  	[spmem:s14] =	stream.linear.scatter [tilespmem:s29], [sflag:$0x4], $0x3E80, $0x38;
	[tilespmem:$0x1B980] =	vst v63  }
0x44: {  	_ =	swait.ge [sflag:s30], $0x3E80  }
0x45: {  	[sflag:s30] =	ssyncset.done $0x0  }
0x46: {  	s15 =	rddreg [dreg:$0xa];
	[sflag:s30] =	ssyncadd.s32 $0xFFFFC180  }
0x47: {  	[spmem:s15] =	stream.linear.scatter [tilespmem:s29], [sflag:$0x4], $0x3E80, $0x38;
	[tilespmem:$0x1B980] =	vst v63  }
0x48: {  	_ =	swait.ge [sflag:s30], $0x3E80  }
0x49: {  	[sflag:s30] =	ssyncset.done $0x0  }
0x4a: {  	s16 =	rddreg [dreg:$0xb];
	[sflag:s30] =	ssyncadd.s32 $0xFFFFC180  }
0x4b: {  	[spmem:s16] =	stream.linear.scatter [tilespmem:s29], [sflag:$0x4], $0x3E80, $0x38;
	[tilespmem:$0x1B980] =	vst v63  }
0x4c: {  	_ =	swait.ge [sflag:s30], $0x3E80  }
0x4d: {  	[sflag:s30] =	ssyncset.done $0x0  }
0x4e: {  	[sflag:s30] =	ssyncadd.s32 $0xFFFFC180  }
0x4f: {  	[spmem:s17] =	stream.linear.scatter [tilespmem:s29], [sflag:$0x4], $0x3E80, $0x38;
	[tilespmem:$0x1B980] =	vst v63  }
0x50: {  	_ =	swait.ge [sflag:s30], $0x3E80  }
0x51: {  	[sflag:s30] =	ssyncset.done $0x0  }
0x52: {  	[sflag:s30] =	ssyncadd.s32 $0xFFFFC180  }
0x53: {  	[spmem:s18] =	stream.linear.scatter [tilespmem:s29], [sflag:$0x4], $0x3E80, $0x38;
	[tilespmem:$0x1B980] =	vst v63  }
0x54: {  	_ =	swait.ge [sflag:s30], $0x3E80  }
0x55: {  	[sflag:s30] =	ssyncset.done $0x0  }
0x56: {  	[sflag:s30] =	ssyncadd.s32 $0xFFFFC180  }
0x57: {  	[spmem:s19] =	stream.linear.scatter [tilespmem:s29], [sflag:$0x4], $0x3E80, $0x38;
	[tilespmem:$0x1B980] =	vst v63  }
0x58: {  	_ =	swait.ge [sflag:s30], $0x3E80  }
0x59: {  	[sflag:s30] =	ssyncset.done $0x0  }
0x5a: {  	[sflag:s30] =	ssyncadd.s32 $0xFFFFC180  }
0x5b: {  	[spmem:s20] =	stream.linear.scatter [tilespmem:s29], [sflag:$0x4], $0x3E80, $0x38;
	[tilespmem:$0x1B980] =	vst v63  }
0x5c: {  	_ =	swait.ge [sflag:s30], $0x3E80  }
0x5d: {  	[sflag:s30] =	ssyncset.done $0x0  }
0x5e: {  	[sflag:s30] =	ssyncadd.s32 $0xFFFFC180  }
0x5f: {  	[spmem:s21] =	stream.linear.scatter [tilespmem:s29], [sflag:$0x4], $0x3E80, $0x38;
	[tilespmem:$0x1B980] =	vst v63  }
0x60: {  	_ =	swait.ge [sflag:s30], $0x3E80  }
0x61: {  	[sflag:s30] =	ssyncset.done $0x0  }
0x62: {  	[sflag:s30] =	ssyncadd.s32 $0xFFFFC180  }
0x63: {  	[spmem:s26] =	stream.linear.scatter [tilespmem:s29], [sflag:$0x4], $0x3E80, $0x38;
	[tilespmem:$0x1B980] =	vst v63  }
0x64: {  	_ =	swait.ge [sflag:s30], $0x3E80  }
0x65: {  	[sflag:s30] =	ssyncset.done $0x0  }
0x66: {  	[sflag:s30] =	ssyncadd.s32 $0xFFFFC180  }
0x67: {  	[spmem:s28] =	stream.linear.scatter [tilespmem:s29], [sflag:$0x4], $0x3E80, $0x38;
	[tilespmem:$0x1B980] =	vst v63  }
0x68: {  	_ =	swait.ge [sflag:s30], $0x3E80  }
0x69: {  	[sflag:s30] =	ssyncset.done $0x0  }
0x6a: {  	[sflag:s30] =	ssyncadd.s32 $0xFFFFC180  }
.LBB2_5:
0x6b: {  	[bflag:$0x0] =	sbarrier.arrive $0xFFFF;
	s12 =	simm.s32 $0x0;
	s13 =	simm.s32 $0x0  }
.LBB2_6:
0x6c: {  	s14 =	sshll.u32 s13, $0x7  }
0x6d: {  	s14 =	sadd.s32 s23, s14  }
0x6e: {  	s15 =	sshrl.u32 s14, $0x3  }
0x6f: {  	s16 =	sadd.s32 s6, s15  }
0x70: {  	[tilespmem:s12], [sflag:$0x3] =	stream.linear.gather [hbm4b:s16+s12], $0x80, $0x38;
	[tilespmem:$0x1B980] =	vst v63  }
0x71: {  	s14 =	sshll.u32 s14, $0x4;
	s15 =	sadd.s32 s7, s15  }
0x72: {  	[tilespmem:s31], [sflag:$0x3] =	stream.linear.gather [hbm4b:s15+s12], $0x80, $0x38;
	[tilespmem:$0x1B980] =	vst v63  }
0x73: {  	s14 =	sadd.s32 s5, s14  }
0x74: {  	[tilespmem:s0], [sflag:$0x2] =	stream.linear.gather [hbm4b:s14+s12], $0x4000, $0x38;
	[tilespmem:$0x1B980] =	vst v63  }
0x75: {  	_ =	swait.ge [sflag:s4], $0x80  }
0x76: {  	[sflag:s4] =	ssyncset.done $0x0  }
0x77: {  	[sflag:s4] =	ssyncadd.s32 $0xFFFFFF80  }
0x78: {  	_ =	swait.ge [sflag:s4], $0x80  }
0x79: {  	[sflag:s4] =	ssyncset.done $0x0  }
0x7a: {  	[sflag:s4] =	ssyncadd.s32 $0xFFFFFF80  }
0x7b: {  	[tilespmem:s29], [sflag:$0x1] =	stream.indirect.gather [hbm4b:s1+s31], $0x80, s12, s31, $0xb8;
	[tilespmem:$0x1B980] =	vst v63  }
0x7c: {  	_ =	swait.ge [sflag:s9], $0x4000  }
0x7d: {  	[sflag:s9] =	ssyncset.done $0x0  }
0x7e: {  	[sflag:s9] =	ssyncadd.s32 $0xFFFFC000  }
0x7f: {  	_ =	swait.ge [sflag:s10], $0x4000  }
0x80: {  	[sflag:s10] =	ssyncset.done $0x0  }
0x81: {  	s14 =	simm.s32 $0x0;
	[sflag:s10] =	ssyncadd.s32 $0xFFFFC000  }
0x82: {  	v7 =	vld [tilespmem:s14+$0x100]  }
0x83: {  	v12 =	vld [tilespmem:s14+$0x110]  }
0x84: {  	v6 =	vld [tilespmem:s14+$0x120]  }
0x85: {  	v5 =	vld [tilespmem:s14+$0x130]  }
0x86: {  	v4 =	vld [tilespmem:s14+$0x140]  }
0x87: {  	v3 =	vld [tilespmem:s14+$0x150]  }
0x88: {  	v2 =	vld [tilespmem:s14+$0x160]  }
0x89: {  	v1 =	vld [tilespmem:s14+$0x170]  }
0x8a: {  	v13 =	vld [tilespmem:s14+$0x4100]  }
0x8b: {  	v14 =	vld [tilespmem:s14+$0x4110]  }
0x8c: {  	v11 =	vld [tilespmem:s14+$0x4120]  }
0x8d: {  	v10 =	vld [tilespmem:s14+$0x4130]  }
0x8e: {  	v9 =	vld [tilespmem:s14+$0x4140]  }
0x8f: {  	v8 =	vld [tilespmem:s14+$0x4150];
	v13 =	vadd.f32 v7, v13  }
0x90: {  	s15 =	simm.s32 $0x200;
	v12 =	vadd.f32 v12, v14;
	v7 =	vld [tilespmem:s14+$0x4160]  }
.LBB2_7:
0x91: {  	s16 =	sshra.s32 s15, $0x2;
	p1 =	sne.s32 s15, $0xFE00;
	v13 =	vmax.f32 v13, $0.0e+00;
	v6 =	vadd.f32 v6, v11;
	v11 =	vld [tilespmem:s14+$0x4170]  }
0x92: {  	v14 =	vld [tilespmem:s16+$0x100];
	[tilespmem:s14+$0x4100] =	vst v13;
	v12 =	vmax.f32 v12, $0.0e+00;
	v5 =	vadd.f32 v5, v10  }
0x93: {  	v15 =	vld [tilespmem:s16+$0x110];
	[tilespmem:s14+$0x4110] =	vst v12;
	v10 =	vmax.f32 v6, $0.0e+00;
	v4 =	vadd.f32 v4, v9  }
0x94: {  	v6 =	vld [tilespmem:s16+$0x120];
	[tilespmem:s14+$0x4120] =	vst v10;
	v9 =	vmax.f32 v5, $0.0e+00;
	v3 =	vadd.f32 v3, v8  }
0x95: {  	v5 =	vld [tilespmem:s16+$0x130];
	[tilespmem:s14+$0x4130] =	vst v9;
	v8 =	vmax.f32 v4, $0.0e+00;
	v2 =	vadd.f32 v2, v7  }
0x96: {  	v4 =	vld [tilespmem:s16+$0x140];
	[tilespmem:s14+$0x4140] =	vst v8;
	v7 =	vmax.f32 v3, $0.0e+00;
	v1 =	vadd.f32 v1, v11  }
0x97: {  	v3 =	vld [tilespmem:s16+$0x150];
	[tilespmem:s14+$0x4150] =	vst v7;
	v7 =	vmax.f32 v2, $0.0e+00  }
0x98: {  	v2 =	vld [tilespmem:s16+$0x160];
	[tilespmem:s14+$0x4160] =	vst v7;
	v7 =	vmax.f32 v1, $0.0e+00  }
0x99: {  	v1 =	vld [tilespmem:s16+$0x170];
	[tilespmem:s14+$0x4170] =	vst v7;
	s14 =	smov.u32 s16  }
0x9a: {  	v7 =	vld [tilespmem:s14+$0x4100]  }
0x9b: {  	v12 =	vld [tilespmem:s14+$0x4110]  }
.Ltmp2:
0x9c: {  	v11 =	vld [tilespmem:s14+$0x4120];
	(pc) =	sbr.rel @p1 .LBB2_7-.Ltmp2, $4  }
0x9d: {  	v10 =	vld [tilespmem:s14+$0x4130]  }
0x9e: {  	v9 =	vld [tilespmem:s14+$0x4140]  }
0x9f: {  	v13 =	vadd.f32 v14, v7;
	v8 =	vld [tilespmem:s14+$0x4150]  }
0xa0: {  	s15 =	sadd.s32 $0x200, s15;
	v12 =	vadd.f32 v15, v12;
	v7 =	vld [tilespmem:s14+$0x4160]  }
0xa1: {  	v13 =	vmax.f32 v13, $0.0e+00;
	v6 =	vadd.f32 v6, v11;
	v63 =	vld [tilespmem:s14+$0x4170]  }
0xa2: {  	[tilespmem:s14+$0x4100] =	vst v13;
	v12 =	vmax.f32 v12, $0.0e+00;
	v5 =	vadd.f32 v5, v10  }
0xa3: {  	[tilespmem:s14+$0x4110] =	vst v12;
	v6 =	vmax.f32 v6, $0.0e+00;
	v4 =	vadd.f32 v4, v9  }
0xa4: {  	[tilespmem:s14+$0x4120] =	vst v6;
	v5 =	vmax.f32 v5, $0.0e+00;
	v3 =	vadd.f32 v3, v8  }
0xa5: {  	[tilespmem:s14+$0x4130] =	vst v5;
	v4 =	vmax.f32 v4, $0.0e+00;
	v2 =	vadd.f32 v2, v7  }
0xa6: {  	[tilespmem:s14+$0x4140] =	vst v4;
	v3 =	vmax.f32 v3, $0.0e+00;
	v1 =	vadd.f32 v1, v63  }
0xa7: {  	s13 =	sadd.s32 $0x1, s13;
	[tilespmem:s14+$0x4150] =	vst v3;
	v2 =	vmax.f32 v2, $0.0e+00  }
0xa8: {  	p1 =	sne.s32 s13, s22;
	[tilespmem:s14+$0x4160] =	vst v2;
	v1 =	vmax.f32 v1, $0.0e+00  }
.Ltmp3:
0xa9: {  	[tilespmem:s14+$0x4170] =	vst v1;
	(pc) =	sbr.rel @p1 .LBB2_6-.Ltmp3, $4  }
0xaa: {  	[spmem:s2] =	stream.indirect.scatter.add.f32 [tilespmem:s0], [sflag:$0x4], $0x80, s31, s31, $0xb8;
	[tilespmem:$0x1B980] =	vst v63  }
0xab: {  	_ =	swait.ge [sflag:s30], $0x4000  }
0xac: {  	[sflag:s30] =	ssyncset.done $0x0  }
0xad: {  	[sflag:s30] =	ssyncadd.s32 $0xFFFFC000  }
0xae: {  	s12 =	sshll.u32 @!p0 s3, $0x6;
	[bflag:$0x0] =	sbarrier.arrive $0xFFFF;
	s11 =	sadd.s32 $0x1, s11  }
0xaf: {  	s13 =	sshrl.u32 @!p0 s8, $0x3;
	s12 =	sor.u32 @!p0 $0x1C04, s12;
	p1 =	sne.s32 s11, s25  }
0xb0: {  	[hbm:s24], [sflag:s12] =	dma.local @!p0 [spmem:s13], $0x7D00  }
.Ltmp4:
0xb1: {  	_ = 	snop;
	(pc) =	sbr.rel @p1 .LBB2_1-.Ltmp4, $4  }
0xb2: {  	s12 =	simm.s32 @!p0 $0x4  }
0xb3: {  	_ =	swait.ge @!p0 [sflag:s12], $0x7D00  }
0xb4: {  	[sflag:s12] =	ssyncset.done @!p0 $0x0  }
0xb5: {  	[sflag:s12] =	ssyncadd.s32 @!p0 $0xFFFF8300  }
0xb6: {  	_ =	sfence.sel $0x180000  }
0xb7: {  	[bflag:$0x0] =	sbarrier.arrive $0xFFFF  }
0xb8: {  	_ =	strace $0x9000004A  }
0xb9: {  	[bflag:$0x2] =	sbarrier.arrive $0xFFFF  }
0xba: {  	p0 =	sne.s32 s3, $0x0;
	s0 =	rddreg [dreg:$0x3]  }
0xbb: {  	s0 =	sadd.s32 @!p0 $0x100000, s0  }
0xbc: {  	[sflag:s0] =	ssyncadd.tile.s32 @!p0 $0x1;
	_ =	shalt  }
.Lfunc_end2:
_tile_overlayer_lowered:
.L_overlay_start_2:
0xbd: {  	(tag) =	ssettag $0x2  }
0xbe: {  	s0 =	rddreg [dreg:$0x0];
	s2 =	stileid.u32  }
0xbf: {  	s1 =	rddreg [dreg:$0x1];
	p0 =	sne.s32 s2, $0x0  }
0xc0: {  	s3 =	rddreg [dreg:$0x2];
	[bflag:$0x3] =	sbarrier.arrive $0xFFFF;
	s2 =	simm.s32 @!p0 $0x1C04  }
0xc1: {  	[timem:s3], [sflag:s2] =	dma.local @!p0 [hbm:s0], s1  }
0xc2: {  	s0 =	simm.s32 @!p0 $0x4  }
0xc3: {  	_ =	swait.ge @!p0 [sflag:s0], s1  }
0xc4: {  	s1 =	ssub.s32 @!p0 $0x0, s1;
	[sflag:s0] =	ssyncset.done @!p0 $0x0  }
0xc5: {  	[sflag:s0] =	ssyncadd.s32 @!p0 s1  }
0xc6: {  	[bflag:$0x3] =	sbarrier.arrive $0xFFFF  }
0xc7: {  	_ =	shalt  }

// kernel: kernel.17.cloned.1.call-start
scs
__scs_entry_jumppad:
0x0: {  	(pc) =	sbr.rel $0x88, $3  }
0x1: {  	(tag) =	ssettag $0x0;
	lr =	simm.s32 $0x1  }
0x2: {  	[smem:$0x3F7D] =	sst lr;
	_ =	strace $0xD0000000  }
0x3: {  	_ = 	snop  }
0x4: {  	_ = 	snop  }
0x5: {  	_ = 	snop  }
0x6: {  	_ = 	snop  }
0x7: {  	_ = 	snop  }
__scs_overlays_trampoline_lowered:
0x8: {  	[smem:$0x3F8C] =	sst s0  }
0x9: {  	[smem:$0x3F8D] =	sst s1  }
0xa: {  	[smem:$0x3F8E] =	sst s2  }
0xb: {  	[smem:$0x3F8F] =	sst s3  }
0xc: {  	[smem:$0x3F90] =	sst s4  }
0xd: {  	[smem:$0x3F91] =	sst s5  }
0xe: {  	[smem:$0x3F92] =	sst s6  }
0xf: {  	[smem:$0x3F93] =	sst s7  }
0x10: {  	[smem:$0x3F94] =	sst s8  }
0x11: {  	[smem:$0x3F95] =	sst s9;
	s0 =	simm.s32 @!p0 $0x0  }
0x12: {  	s1 =	sld [smem:$0x3F7B];
	s0 =	simm.s32 @p0 $0x1  }
0x13: {  	[smem:$0x3F96] =	sst s0;
	s0 =	simm.s32 @!p1 $0x0  }
0x14: {  	s2 =	sld [smem:$0x3F7A];
	s0 =	simm.s32 @p1 $0x1  }
0x15: {  	[smem:$0x3F97] =	sst s0;
	s0 =	simm.s32 @!p2 $0x0  }
0x16: {  	s3 =	sld [smem:$0x3FDB];
	s0 =	simm.s32 @p2 $0x1  }
0x17: {  	s4 =	simm.s32 $0x1BF5;
	[smem:$0x3F99] =	sst s0  }
0x18: {  	s0 =	sld [smem:$0x3F7C];
	_ =	swait.ge [sflag:s4], $0x0  }
0x19: {  	s7 =	sld [smem:$0x3F7D]  }
0x1a: {  	s8 =	sadd.s32 $0xFFFFE003, lr  }
0x1b: {  	s9 =	sadd.s32 $0xFFFFFEF7, lr;
	s5 =	simm.s32 $0xFFFFFFFF;
	p2 =	slt.u32 s8, $0xFFFFF086  }
0x1c: {  	p1 =	slt.u32 s9, $0xF7A;
	s5 =	simm.s32 @!p2 $0x0  }
0x1d: {  	s5 =	simm.s32 @p1 $0x1;
	p0 =	seq.s32 s7, s2  }
0x1e: {  	s7 =	smul.u32 @!p0 $0xF7A, s2;
	p2 =	seq.s32 @!p0 s5, $0x0  }
0x1f: {  	s9 =	smul.u32 $0xF7A, s1;
	s8 =	simm.s32 @!p0 $0x1BF5;
	p2 =	por !p2, p0  }
0x20: {  	[sflag:s8] =	ssyncset.s32 @!p0 $0xFFFFF086;
	s6 =	sadd.s32 @!p0 s3, s7;
	s7 =	simm.s32 @!p0 $0x108  }
0x21: {  	s3 =	sadd.s32 s3, s9;
	s6 =	sadd.s32 @!p0 $0x88, s6;
	s7 =	simm.s32 @p2 $0x1082  }
0x22: {  	[simem:s7], [sflag:s8] =	dma.local @!p0 [hbm:s6], $0xF7A  }
0x23: {  	s9 =	sor.u32 $0xD0000000, s2;
	s6 =	simm.s32 $0x108;
	_ =	swait.ge @!p0 [sflag:s8], $0x0  }
0x24: {  	s3 =	sadd.s32 $0x88, s3;
	s6 =	simm.s32 @!p1 $0x1082;
	[sflag:s4] =	ssyncset.s32 $0xFFFFF086  }
0x25: {  	[simem:s6], [sflag:s4] =	dma.local [hbm:s3], $0xF7A  }
0x26: {  	[smem:$0x3F7D] =	sst s1;
	(tag) =	ssettag s2;
	_ =	strace s9  }
0x27: {  	s1 =	sld [smem:$0x3F8D]  }
0x28: {  	s2 =	sld [smem:$0x3F8E]  }
0x29: {  	s4 =	sld [smem:$0x3F90]  }
0x2a: {  	p0 =	seq.s32 s5, $0x0;
	s5 =	sld [smem:$0x3F91]  }
0x2b: {  	s6 =	sld [smem:$0x3F92]  }
0x2c: {  	s7 =	sld [smem:$0x3F93]  }
0x2d: {  	s3 =	simm.s32 $0x108;
	s8 =	sld [smem:$0x3F94]  }
0x2e: {  	s3 =	simm.s32 @!p0 $0x1082;
	s9 =	sld [smem:$0x3F95]  }
0x2f: {  	lr =	sadd.s32 s0, s3;
	s0 =	sld [smem:$0x3F8C]  }
0x30: {  	s3 =	sld [smem:$0x3F8F]  }
0x31: {  	[smem:$0x3F98] =	sst s10  }
0x32: {  	s10 =	sld [smem:$0x3F96];
	_ =	sdelay $0x3  }
0x33: {  	p0 =	seq.s32 s10, $0x1;
	s10 =	sld [smem:$0x3F98];
	_ =	sdelay $0x3  }
0x34: {  	[smem:$0x3F98] =	sst s10  }
0x35: {  	s10 =	sld [smem:$0x3F97];
	_ =	sdelay $0x3  }
0x36: {  	p1 =	seq.s32 s10, $0x1;
	s10 =	sld [smem:$0x3F98];
	_ =	sdelay $0x3  }
0x37: {  	[smem:$0x3F98] =	sst s10  }
0x38: {  	s10 =	sld [smem:$0x3F99]  }
0x39: {  	_ = 	snop;
	(pc) =	sbr.ind lr, $3  }
0x3a: {  	_ = 	snop  }
0x3b: {  	_ = 	snop  }
0x3c: {  	p2 =	seq.s32 s10, $0x1;
	s10 =	sld [smem:$0x3F98]  }
0x3d: {  	_ =	shalt  }
0x3e: {  	_ =	shalt  }
0x3f: {  	_ =	shalt  }
0x40: {  	_ =	shalt  }
0x41: {  	_ =	shalt  }
0x42: {  	_ =	shalt  }
0x43: {  	_ =	shalt  }
0x44: {  	_ =	shalt  }
0x45: {  	_ =	shalt  }
0x46: {  	_ =	shalt  }
0x47: {  	_ =	shalt  }
0x48: {  	_ =	shalt  }
0x49: {  	_ =	shalt  }
0x4a: {  	_ =	shalt  }
0x4b: {  	_ =	shalt  }
0x4c: {  	_ =	shalt  }
0x4d: {  	_ =	shalt  }
0x4e: {  	_ =	shalt  }
0x4f: {  	_ =	shalt  }
0x50: {  	_ =	shalt  }
0x51: {  	_ =	shalt  }
0x52: {  	_ =	shalt  }
0x53: {  	_ =	shalt  }
0x54: {  	_ =	shalt  }
0x55: {  	_ =	shalt  }
0x56: {  	_ =	shalt  }
0x57: {  	_ =	shalt  }
0x58: {  	_ =	shalt  }
0x59: {  	_ =	shalt  }
0x5a: {  	_ =	shalt  }
0x5b: {  	_ =	shalt  }
0x5c: {  	_ =	shalt  }
0x5d: {  	_ =	shalt  }
0x5e: {  	_ =	shalt  }
0x5f: {  	_ =	shalt  }
0x60: {  	_ =	shalt  }
0x61: {  	_ =	shalt  }
0x62: {  	_ =	shalt  }
0x63: {  	_ =	shalt  }
0x64: {  	_ =	shalt  }
0x65: {  	_ =	shalt  }
0x66: {  	_ =	shalt  }
0x67: {  	_ =	shalt  }
0x68: {  	_ =	shalt  }
0x69: {  	_ =	shalt  }
0x6a: {  	_ =	shalt  }
0x6b: {  	_ =	shalt  }
0x6c: {  	_ =	shalt  }
0x6d: {  	_ =	shalt  }
0x6e: {  	_ =	shalt  }
0x6f: {  	_ =	shalt  }
0x70: {  	_ =	shalt  }
0x71: {  	_ =	shalt  }
0x72: {  	_ =	shalt  }
0x73: {  	_ =	shalt  }
0x74: {  	_ =	shalt  }
0x75: {  	_ =	shalt  }
0x76: {  	_ =	shalt  }
0x77: {  	_ =	shalt  }
0x78: {  	_ =	shalt  }
0x79: {  	_ =	shalt  }
0x7a: {  	_ =	shalt  }
0x7b: {  	_ =	shalt  }
0x7c: {  	_ =	shalt  }
0x7d: {  	_ =	shalt  }
0x7e: {  	_ =	shalt  }
0x7f: {  	_ =	shalt  }
0x80: {  	_ =	shalt  }
0x81: {  	_ =	shalt  }
0x82: {  	_ =	shalt  }
0x83: {  	_ =	shalt  }
0x84: {  	_ =	shalt  }
0x85: {  	_ =	shalt  }
0x86: {  	_ =	shalt  }
0x87: {  	_ =	shalt  }
.Lfunc_end0:
.L_simem_size_0:
called_computation.2_lowered:
.L_overlay_start_0:
0x88: {  	s2 =	sld [smem:$0x3FD9]  }
0x89: {  	s3 =	sld [smem:$0x3FFE];
	_ =	sdelay $0x1  }
0x8a: {  	s1 =	srdreg.scid  }
0x8b: {  	s0 =	sand.u32 $0x1, s1  }
0x8c: {  	s17 =	sshll.u32 s0, $0xA;
	s2 =	sadd.s32 s3, s2  }
0x8d: {  	s2 =	sadd.s32 s2, s17  }
0x8e: {  	[smem:$0x3FA4] =	sst s2  }
0x8f: {  	_ = 	snop  }
0x90: {  	s2 =	sld [smem:$0x3FD0];
	(tm) =	ssettm $0x1  }
0x91: {  	s18 =	sld [smem:$0x3FFB];
	_ =	sdelay $0x3  }
0x92: {  	_ =	strace s18  }
0x93: {  	s3 =	sld [smem:$0x3FFC];
	_ =	sdelay $0x3  }
0x94: {  	_ =	strace s3  }
0x95: {  	s3 =	sld [smem:$0x3FFD];
	_ =	sdelay $0x3  }
0x96: {  	_ =	strace s3  }
0x97: {  	_ =	strace $0x8FFFFFFF  }
0x98: {  	s19 =	sld [smem:$0x3FDB];
	_ =	sdelay $0x1  }
0x99: {  	s4 =	simm.s32 $_scs_section_size  }
0x9a: {  	s5 =	simm.s32 $_size__tile_overlayer_lowered;
	s6 =	simm.s32 $_tile_overlayer_lowered  }
0x9b: {  	s22 =	simm.s32 $0x1BFF;
	s21 =	sshll.u32 s6, $0x1;
	s3 =	sadd.s32 s4, s19  }
0x9c: {  	s7 =	simm.s32 $0x0;
	s20 =	sshll.u32 s5, $0x1;
	s5 =	sadd.s32 s21, s3  }
0x9d: {  	[timem:s7], [sflag:s22] =	dma.local [hbm:s5], s20  }
0x9e: {  	_ =	swait.ge [sflag:s22], s20  }
0x9f: {  	s4 =	ssub.s32 $0x0, s20;
	[sflag:s22] =	ssyncset.done $0x0  }
0xa0: {  	[sflag:s22] =	ssyncadd.s32 s4;
	_ =	sdelay $0x1  }
0xa1: {  	s23 =	simm.s32 $0x1B8B  }
0xa2: {  	_ =	swait.ge [sflag:s23], $0x1  }
0xa3: {  	[sflag:s23] =	ssyncset.done $0x0  }
0xa4: {  	s25 =	simm.s32 $0x1B8E;
	s24 =	sld [smem:$0x3FFE];
	[sflag:s23] =	ssyncadd.s32 $0xFFFFFFFF  }
0xa5: {  	s26 =	simm.s32 $execute0_lowered;
	[smem:$0x3FD2] =	sst s25  }
0xa6: {  	s5 =	sshll.u32 s26, $0x1;
	_ =	strace $0x8000004C;
	[dreg:$0x1] =	wrdreg $0xFFFFFFFF  }
0xa7: {  	s28 =	simm.s32 $_size_execute0_lowered;
	s3 =	sadd.s32 s3, s5;
	[dreg:$0x0] =	wrdreg $0x0  }
0xa8: {  	s5 =	sshll.u32 s28, $0x1;
	[dreg:$0x2] =	wrdreg s3  }
0xa9: {  	[dreg:$0x3] =	wrdreg s5  }
0xaa: {  	[dreg:$0x4] =	wrdreg $0xC0  }
0xab: {  	_ =	task [dreg:s7], $0x5FFFF  }
0xac: {  	[dreg:$0x1] =	wrdreg $0xFFFFFFFF  }
0xad: {  	[dreg:$0x0] =	wrdreg $0x60  }
0xae: {  	[dreg:$0x2] =	wrdreg s2  }
0xaf: {  	[dreg:$0x3] =	wrdreg s24  }
0xb0: {  	[dreg:$0x4] =	wrdreg $0x81000  }
0xb1: {  	[dreg:$0x5] =	wrdreg $0x9  }
0xb2: {  	_ =	task.clear_ibuf [dreg:s7], $0x6FFFF;
	_ =	strace $0x9000004C  }
0xb3: {  	s29 =	simm.s32 $0x9;
	_ =	strace $0x8000004E  }
0xb4: {  	_ =	swait.ge [sflag:s29], $0x1  }
0xb5: {  	[sflag:s29] =	ssyncadd.s32 $0xFFFFFFFF  }
0xb6: {  	_ =	strace $0x9000004E  }
0xb7: {  	_ =	sfence  }
0xb8: {  	s30 =	sld [smem:$0x0];
	_ =	sdelay $0x2  }
0xb9: {  	s31 =	sshll.u32 s1, $0xD;
	s1 =	sshrl.u32 s1, $0x2  }
0xba: {  	s3 =	sand.u32 $0x4000, s31;
	s1 =	sadd.s32 s1, s30  }
0xbb: {  	s0 =	sor.u32 s3, s0;
	s1 =	sshll.u32 s1, $0x11  }
0xbc: {  	s0 =	sor.u32 s1, s0  }
0xbd: {  	s0 =	sadd.s32 $0x8F2B, s0  }
0xbe: {  	[sflag:s0] =	ssyncadd.remote.s32 $0x1  }
0xbf: {  	_ =	sfence.sel $0xFFFF  }
0xc0: {  	[dreg:$0x0] =	wrdreg $0xFFFFFFFF;
	(pc) =	sbr.abs _section_cstart, $3  }
0xc1: {  	[dreg:$0x1] =	wrdreg $0xFFFFFFFF  }
0xc2: {  	_ =	task.clear_ibuf [dreg:s7], $0x2FFFF;
	_ =	strace $0x9FFFFFFF  }
0xc3: {  	(tm) =	ssettm $0x7FFFFFFF  }
tec
execute0_lowered:
.L_overlay_start_1:
0x0: {  	(tag) =	ssettag $0x1  }
0x1: {  	s1 =	rddreg [dreg:$0x0]  }
0x2: {  	s0 =	rddreg [dreg:$0x1];
	s3 =	srdreg.scid  }
0x3: {  	s2 =	rddreg [dreg:$0x2];
	s4 =	sand.u32 $0x1, s3  }
0x4: {  	s5 =	simm.s32 $0x0;
	s3 =	stileid.u32;
	s7 =	smul.u32 $0x27100, s4  }
0x5: {  	s29 =	simm.s32 $0x100;
	s30 =	simm.s32 $0x4;
	s8 =	smul.u32 $0x7D00, s3  }
0x6: {  	s31 =	simm.s32 $0x80;
	s11 =	simm.s32 $0x0;
	s9 =	smul.u32 $0xFA000, s3  }
0x7: {  	[smem:$0x7FF] =	sst s5;
	s5 =	sadd.s32 $0x19600, s0;
	s6 =	sadd.s32 $0xF800, s0  }
0x8: {  	_ =	strace $0x8000004D;
	s8 =	sadd.s32 s8, s7;
	s9 =	sshrl.u32 s9, $0x2  }
0x9: {  	s7 =	sadd.s32 $0x5A00, s0;
	s0 =	sadd.s32 s8, s0;
	s8 =	sadd.s32 s9, s2  }
0xa: {  	s19 =	ssub.s32 $0x2, s4;
	s4 =	sshll.u32 s4, $0x4;
	s9 =	sadd.s32 $0x3E80, s8  }
0xb: {  	s10 =	sshrl.u32 s19, $0x1;
	s20 =	sadd.s32 $0x7D00, s8;
	[dreg:$0x4] =	wrdreg s9  }
0xc: {  	s4 =	sor.u32 s3, s4;
	s21 =	sadd.s32 $0xBB80, s8;
	[dreg:$0x5] =	wrdreg s20  }
0xd: {  	s10 =	ssub.s32 s19, s10;
	s22 =	sadd.s32 $0xFA00, s8;
	[dreg:$0x6] =	wrdreg s21  }
0xe: {  	p0 =	seq.s32 s4, $0x1F;
	s23 =	sadd.s32 $0x13880, s8;
	[dreg:$0x7] =	wrdreg s22  }
0xf: {  	s24 =	sadd.s32 $0x17700, s8;
	s25 =	sadd.s32 $0x1B580, s8;
	[dreg:$0x8] =	wrdreg s23  }
0x10: {  	s26 =	sadd.s32 $0x1F400, s8;
	s17 =	sadd.s32 $0x23280, s8;
	[dreg:$0x9] =	wrdreg s24  }
0x11: {  	s18 =	sadd.s32 $0x27100, s8;
	s19 =	sadd.s32 $0x2AF80, s8;
	[dreg:$0xa] =	wrdreg s25  }
0x12: {  	s28 =	sadd.s32 $0x3A980, s8;
	[dreg:$0xb] =	wrdreg s26;
	s20 =	sadd.s32 $0x2EE00, s8  }
0x13: {  	s21 =	sadd.s32 $0x32C80, s8;
	s22 =	simm.s32 $0x52;
	s23 =	smul.u32 $0x2700, s4  }
0x14: {  	s24 =	sadd.s32 $0x4FB600, s0;
	s25 =	smax.u32 s10, $0x1;
	s26 =	sadd.s32 $0x36B00, s8  }
0x15: {  	s0 =	simm.s32 $0x4100;
	s4 =	simm.s32 $0x3;
	s9 =	simm.s32 $0x2  }
0x16: {  	v0 =	vimm.f32 $0.0e+00;
	s10 =	simm.s32 $0x1;
	s22 =	simm.s32 @!p0 $0x4E;
	p0 =	sgt.u32 s3, $0x4  }
.LBB2_1:
.Ltmp0:
0x17: {  	(pc) =	sbr.rel @p0 .LBB2_5-.Ltmp0, $1  }
0x18: {  	_ =	sdelay $0x3  }
0x19: {  	s13 =	simm.s32 $0x0  }
0x1a: {  	s12 =	sshra.s32 s13, $0x2;
	s13 =	sadd.s32 $0x200, s13  }
.LBB2_3:
0x1b: {  	p1 =	sne.s32 s13, $0xF800;
	[tilespmem:s12+$0x170] =	vst v0  }
0x1c: {  	[tilespmem:s12+$0x100] =	vst v0  }
0x1d: {  	[tilespmem:s12+$0x110] =	vst v0  }
.Ltmp1:
0x1e: {  	[tilespmem:s12+$0x120] =	vst v0;
	(pc) =	sbr.rel @p1 .LBB2_3-.Ltmp1, $4  }
0x1f: {  	[tilespmem:s12+$0x130] =	vst v0  }
0x20: {  	[tilespmem:s12+$0x140] =	vst v0  }
0x21: {  	[tilespmem:s12+$0x150] =	vst v0  }
0x22: {  	[tilespmem:s12+$0x160] =	vst v0;
	s12 =	sshra.s32 s13, $0x2;
	s13 =	sadd.s32 $0x200, s13  }
0x23: {  	[tilespmem:s12+$0x170] =	vst v0  }
0x24: {  	[tilespmem:s12+$0x100] =	vst v0  }
0x25: {  	[tilespmem:s12+$0x110] =	vst v0  }
0x26: {  	[tilespmem:s12+$0x120] =	vst v0  }
0x27: {  	[tilespmem:s12+$0x130] =	vst v0  }
0x28: {  	[tilespmem:s12+$0x140] =	vst v0  }
0x29: {  	[tilespmem:s12+$0x150] =	vst v0  }
0x2a: {  	[tilespmem:s12+$0x160] =	vst v0  }
0x2b: {  	[spmem:s8] =	stream.linear.scatter [tilespmem:s29], [sflag:$0x4], $0x3E80, $0x38;
	[tilespmem:$0x1B980] =	vst v63  }
0x2c: {  	_ =	swait.ge [sflag:s30], $0x3E80  }
0x2d: {  	[sflag:s30] =	ssyncset.done $0x0  }
0x2e: {  	s13 =	rddreg [dreg:$0x4];
	[sflag:s30] =	ssyncadd.s32 $0xFFFFC180  }
0x2f: {  	[spmem:s13] =	stream.linear.scatter [tilespmem:s29], [sflag:$0x4], $0x3E80, $0x38;
	[tilespmem:$0x1B980] =	vst v63  }
0x30: {  	_ =	swait.ge [sflag:s30], $0x3E80  }
0x31: {  	[sflag:s30] =	ssyncset.done $0x0  }
0x32: {  	s14 =	rddreg [dreg:$0x5];
	[sflag:s30] =	ssyncadd.s32 $0xFFFFC180  }
0x33: {  	[spmem:s14] =	stream.linear.scatter [tilespmem:s29], [sflag:$0x4], $0x3E80, $0x38;
	[tilespmem:$0x1B980] =	vst v63  }
0x34: {  	_ =	swait.ge [sflag:s30], $0x3E80  }
0x35: {  	[sflag:s30] =	ssyncset.done $0x0  }
0x36: {  	s15 =	rddreg [dreg:$0x6];
	[sflag:s30] =	ssyncadd.s32 $0xFFFFC180  }
0x37: {  	[spmem:s15] =	stream.linear.scatter [tilespmem:s29], [sflag:$0x4], $0x3E80, $0x38;
	[tilespmem:$0x1B980] =	vst v63  }
0x38: {  	_ =	swait.ge [sflag:s30], $0x3E80  }
0x39: {  	[sflag:s30] =	ssyncset.done $0x0  }
0x3a: {  	s16 =	rddreg [dreg:$0x7];
	[sflag:s30] =	ssyncadd.s32 $0xFFFFC180  }
0x3b: {  	[spmem:s16] =	stream.linear.scatter [tilespmem:s29], [sflag:$0x4], $0x3E80, $0x38;
	[tilespmem:$0x1B980] =	vst v63  }
0x3c: {  	_ =	swait.ge [sflag:s30], $0x3E80  }
0x3d: {  	[sflag:s30] =	ssyncset.done $0x0  }
0x3e: {  	s13 =	rddreg [dreg:$0x8];
	[sflag:s30] =	ssyncadd.s32 $0xFFFFC180  }
0x3f: {  	[spmem:s13] =	stream.linear.scatter [tilespmem:s29], [sflag:$0x4], $0x3E80, $0x38;
	[tilespmem:$0x1B980] =	vst v63  }
0x40: {  	_ =	swait.ge [sflag:s30], $0x3E80  }
0x41: {  	[sflag:s30] =	ssyncset.done $0x0  }
0x42: {  	s14 =	rddreg [dreg:$0x9];
	[sflag:s30] =	ssyncadd.s32 $0xFFFFC180  }
0x43: {  	[spmem:s14] =	stream.linear.scatter [tilespmem:s29], [sflag:$0x4], $0x3E80, $0x38;
	[tilespmem:$0x1B980] =	vst v63  }
0x44: {  	_ =	swait.ge [sflag:s30], $0x3E80  }
0x45: {  	[sflag:s30] =	ssyncset.done $0x0  }
0x46: {  	s15 =	rddreg [dreg:$0xa];
	[sflag:s30] =	ssyncadd.s32 $0xFFFFC180  }
0x47: {  	[spmem:s15] =	stream.linear.scatter [tilespmem:s29], [sflag:$0x4], $0x3E80, $0x38;
	[tilespmem:$0x1B980] =	vst v63  }
0x48: {  	_ =	swait.ge [sflag:s30], $0x3E80  }
0x49: {  	[sflag:s30] =	ssyncset.done $0x0  }
0x4a: {  	s16 =	rddreg [dreg:$0xb];
	[sflag:s30] =	ssyncadd.s32 $0xFFFFC180  }
0x4b: {  	[spmem:s16] =	stream.linear.scatter [tilespmem:s29], [sflag:$0x4], $0x3E80, $0x38;
	[tilespmem:$0x1B980] =	vst v63  }
0x4c: {  	_ =	swait.ge [sflag:s30], $0x3E80  }
0x4d: {  	[sflag:s30] =	ssyncset.done $0x0  }
0x4e: {  	[sflag:s30] =	ssyncadd.s32 $0xFFFFC180  }
0x4f: {  	[spmem:s17] =	stream.linear.scatter [tilespmem:s29], [sflag:$0x4], $0x3E80, $0x38;
	[tilespmem:$0x1B980] =	vst v63  }
0x50: {  	_ =	swait.ge [sflag:s30], $0x3E80  }
0x51: {  	[sflag:s30] =	ssyncset.done $0x0  }
0x52: {  	[sflag:s30] =	ssyncadd.s32 $0xFFFFC180  }
0x53: {  	[spmem:s18] =	stream.linear.scatter [tilespmem:s29], [sflag:$0x4], $0x3E80, $0x38;
	[tilespmem:$0x1B980] =	vst v63  }
0x54: {  	_ =	swait.ge [sflag:s30], $0x3E80  }
0x55: {  	[sflag:s30] =	ssyncset.done $0x0  }
0x56: {  	[sflag:s30] =	ssyncadd.s32 $0xFFFFC180  }
0x57: {  	[spmem:s19] =	stream.linear.scatter [tilespmem:s29], [sflag:$0x4], $0x3E80, $0x38;
	[tilespmem:$0x1B980] =	vst v63  }
0x58: {  	_ =	swait.ge [sflag:s30], $0x3E80  }
0x59: {  	[sflag:s30] =	ssyncset.done $0x0  }
0x5a: {  	[sflag:s30] =	ssyncadd.s32 $0xFFFFC180  }
0x5b: {  	[spmem:s20] =	stream.linear.scatter [tilespmem:s29], [sflag:$0x4], $0x3E80, $0x38;
	[tilespmem:$0x1B980] =	vst v63  }
0x5c: {  	_ =	swait.ge [sflag:s30], $0x3E80  }
0x5d: {  	[sflag:s30] =	ssyncset.done $0x0  }
0x5e: {  	[sflag:s30] =	ssyncadd.s32 $0xFFFFC180  }
0x5f: {  	[spmem:s21] =	stream.linear.scatter [tilespmem:s29], [sflag:$0x4], $0x3E80, $0x38;
	[tilespmem:$0x1B980] =	vst v63  }
0x60: {  	_ =	swait.ge [sflag:s30], $0x3E80  }
0x61: {  	[sflag:s30] =	ssyncset.done $0x0  }
0x62: {  	[sflag:s30] =	ssyncadd.s32 $0xFFFFC180  }
0x63: {  	[spmem:s26] =	stream.linear.scatter [tilespmem:s29], [sflag:$0x4], $0x3E80, $0x38;
	[tilespmem:$0x1B980] =	vst v63  }
0x64: {  	_ =	swait.ge [sflag:s30], $0x3E80  }
0x65: {  	[sflag:s30] =	ssyncset.done $0x0  }
0x66: {  	[sflag:s30] =	ssyncadd.s32 $0xFFFFC180  }
0x67: {  	[spmem:s28] =	stream.linear.scatter [tilespmem:s29], [sflag:$0x4], $0x3E80, $0x38;
	[tilespmem:$0x1B980] =	vst v63  }
0x68: {  	_ =	swait.ge [sflag:s30], $0x3E80  }
0x69: {  	[sflag:s30] =	ssyncset.done $0x0  }
0x6a: {  	[sflag:s30] =	ssyncadd.s32 $0xFFFFC180  }
.LBB2_5:
0x6b: {  	[bflag:$0x0] =	sbarrier.arrive $0xFFFF;
	s12 =	simm.s32 $0x0;
	s13 =	simm.s32 $0x0  }
.LBB2_6:
0x6c: {  	s14 =	sshll.u32 s13, $0x7  }
0x6d: {  	s14 =	sadd.s32 s23, s14  }
0x6e: {  	s15 =	sshrl.u32 s14, $0x3  }
0x6f: {  	s16 =	sadd.s32 s6, s15  }
0x70: {  	[tilespmem:s12], [sflag:$0x3] =	stream.linear.gather [hbm4b:s16+s12], $0x80, $0x38;
	[tilespmem:$0x1B980] =	vst v63  }
0x71: {  	s14 =	sshll.u32 s14, $0x4;
	s15 =	sadd.s32 s7, s15  }
0x72: {  	[tilespmem:s31], [sflag:$0x3] =	stream.linear.gather [hbm4b:s15+s12], $0x80, $0x38;
	[tilespmem:$0x1B980] =	vst v63  }
0x73: {  	s14 =	sadd.s32 s5, s14  }
0x74: {  	[tilespmem:s0], [sflag:$0x2] =	stream.linear.gather [hbm4b:s14+s12], $0x4000, $0x38;
	[tilespmem:$0x1B980] =	vst v63  }
0x75: {  	_ =	swait.ge [sflag:s4], $0x80  }
0x76: {  	[sflag:s4] =	ssyncset.done $0x0  }
0x77: {  	[sflag:s4] =	ssyncadd.s32 $0xFFFFFF80  }
0x78: {  	_ =	swait.ge [sflag:s4], $0x80  }
0x79: {  	[sflag:s4] =	ssyncset.done $0x0  }
0x7a: {  	[sflag:s4] =	ssyncadd.s32 $0xFFFFFF80  }
0x7b: {  	[tilespmem:s29], [sflag:$0x1] =	stream.indirect.gather [hbm4b:s1+s31], $0x80, s12, s31, $0xb8;
	[tilespmem:$0x1B980] =	vst v63  }
0x7c: {  	_ =	swait.ge [sflag:s9], $0x4000  }
0x7d: {  	[sflag:s9] =	ssyncset.done $0x0  }
0x7e: {  	[sflag:s9] =	ssyncadd.s32 $0xFFFFC000  }
0x7f: {  	_ =	swait.ge [sflag:s10], $0x4000  }
0x80: {  	[sflag:s10] =	ssyncset.done $0x0  }
0x81: {  	s14 =	simm.s32 $0x0;
	[sflag:s10] =	ssyncadd.s32 $0xFFFFC000  }
0x82: {  	v7 =	vld [tilespmem:s14+$0x100]  }
0x83: {  	v12 =	vld [tilespmem:s14+$0x110]  }
0x84: {  	v6 =	vld [tilespmem:s14+$0x120]  }
0x85: {  	v5 =	vld [tilespmem:s14+$0x130]  }
0x86: {  	v4 =	vld [tilespmem:s14+$0x140]  }
0x87: {  	v3 =	vld [tilespmem:s14+$0x150]  }
0x88: {  	v2 =	vld [tilespmem:s14+$0x160]  }
0x89: {  	v1 =	vld [tilespmem:s14+$0x170]  }
0x8a: {  	v13 =	vld [tilespmem:s14+$0x4100]  }
0x8b: {  	v14 =	vld [tilespmem:s14+$0x4110]  }
0x8c: {  	v11 =	vld [tilespmem:s14+$0x4120]  }
0x8d: {  	v10 =	vld [tilespmem:s14+$0x4130]  }
0x8e: {  	v9 =	vld [tilespmem:s14+$0x4140]  }
0x8f: {  	v8 =	vld [tilespmem:s14+$0x4150];
	v13 =	vadd.f32 v7, v13  }
0x90: {  	s15 =	simm.s32 $0x200;
	v12 =	vadd.f32 v12, v14;
	v7 =	vld [tilespmem:s14+$0x4160]  }
.LBB2_7:
0x91: {  	s16 =	sshra.s32 s15, $0x2;
	p1 =	sne.s32 s15, $0xFE00;
	v13 =	vmax.f32 v13, $0.0e+00;
	v6 =	vadd.f32 v6, v11;
	v11 =	vld [tilespmem:s14+$0x4170]  }
0x92: {  	v14 =	vld [tilespmem:s16+$0x100];
	[tilespmem:s14+$0x4100] =	vst v13;
	v12 =	vmax.f32 v12, $0.0e+00;
	v5 =	vadd.f32 v5, v10  }
0x93: {  	v15 =	vld [tilespmem:s16+$0x110];
	[tilespmem:s14+$0x4110] =	vst v12;
	v10 =	vmax.f32 v6, $0.0e+00;
	v4 =	vadd.f32 v4, v9  }
0x94: {  	v6 =	vld [tilespmem:s16+$0x120];
	[tilespmem:s14+$0x4120] =	vst v10;
	v9 =	vmax.f32 v5, $0.0e+00;
	v3 =	vadd.f32 v3, v8  }
0x95: {  	v5 =	vld [tilespmem:s16+$0x130];
	[tilespmem:s14+$0x4130] =	vst v9;
	v8 =	vmax.f32 v4, $0.0e+00;
	v2 =	vadd.f32 v2, v7  }
0x96: {  	v4 =	vld [tilespmem:s16+$0x140];
	[tilespmem:s14+$0x4140] =	vst v8;
	v7 =	vmax.f32 v3, $0.0e+00;
	v1 =	vadd.f32 v1, v11  }
0x97: {  	v3 =	vld [tilespmem:s16+$0x150];
	[tilespmem:s14+$0x4150] =	vst v7;
	v7 =	vmax.f32 v2, $0.0e+00  }
0x98: {  	v2 =	vld [tilespmem:s16+$0x160];
	[tilespmem:s14+$0x4160] =	vst v7;
	v7 =	vmax.f32 v1, $0.0e+00  }
0x99: {  	v1 =	vld [tilespmem:s16+$0x170];
	[tilespmem:s14+$0x4170] =	vst v7;
	s14 =	smov.u32 s16  }
0x9a: {  	v7 =	vld [tilespmem:s14+$0x4100]  }
0x9b: {  	v12 =	vld [tilespmem:s14+$0x4110]  }
.Ltmp2:
0x9c: {  	v11 =	vld [tilespmem:s14+$0x4120];
	(pc) =	sbr.rel @p1 .LBB2_7-.Ltmp2, $4  }
0x9d: {  	v10 =	vld [tilespmem:s14+$0x4130]  }
0x9e: {  	v9 =	vld [tilespmem:s14+$0x4140]  }
0x9f: {  	v13 =	vadd.f32 v14, v7;
	v8 =	vld [tilespmem:s14+$0x4150]  }
0xa0: {  	s15 =	sadd.s32 $0x200, s15;
	v12 =	vadd.f32 v15, v12;
	v7 =	vld [tilespmem:s14+$0x4160]  }
0xa1: {  	v13 =	vmax.f32 v13, $0.0e+00;
	v6 =	vadd.f32 v6, v11;
	v63 =	vld [tilespmem:s14+$0x4170]  }
0xa2: {  	[tilespmem:s14+$0x4100] =	vst v13;
	v12 =	vmax.f32 v12, $0.0e+00;
	v5 =	vadd.f32 v5, v10  }
0xa3: {  	[tilespmem:s14+$0x4110] =	vst v12;
	v6 =	vmax.f32 v6, $0.0e+00;
	v4 =	vadd.f32 v4, v9  }
0xa4: {  	[tilespmem:s14+$0x4120] =	vst v6;
	v5 =	vmax.f32 v5, $0.0e+00;
	v3 =	vadd.f32 v3, v8  }
0xa5: {  	[tilespmem:s14+$0x4130] =	vst v5;
	v4 =	vmax.f32 v4, $0.0e+00;
	v2 =	vadd.f32 v2, v7  }
0xa6: {  	[tilespmem:s14+$0x4140] =	vst v4;
	v3 =	vmax.f32 v3, $0.0e+00;
	v1 =	vadd.f32 v1, v63  }
0xa7: {  	s13 =	sadd.s32 $0x1, s13;
	[tilespmem:s14+$0x4150] =	vst v3;
	v2 =	vmax.f32 v2, $0.0e+00  }
0xa8: {  	p1 =	sne.s32 s13, s22;
	[tilespmem:s14+$0x4160] =	vst v2;
	v1 =	vmax.f32 v1, $0.0e+00  }
.Ltmp3:
0xa9: {  	[tilespmem:s14+$0x4170] =	vst v1;
	(pc) =	sbr.rel @p1 .LBB2_6-.Ltmp3, $4  }
0xaa: {  	[spmem:s2] =	stream.indirect.scatter.add.f32 [tilespmem:s0], [sflag:$0x4], $0x80, s31, s31, $0xb8;
	[tilespmem:$0x1B980] =	vst v63  }
0xab: {  	_ =	swait.ge [sflag:s30], $0x4000  }
0xac: {  	[sflag:s30] =	ssyncset.done $0x0  }
0xad: {  	[sflag:s30] =	ssyncadd.s32 $0xFFFFC000  }
0xae: {  	s12 =	sshll.u32 @!p0 s3, $0x6;
	[bflag:$0x0] =	sbarrier.arrive $0xFFFF;
	s11 =	sadd.s32 $0x1, s11  }
0xaf: {  	s13 =	sshrl.u32 @!p0 s8, $0x3;
	s12 =	sor.u32 @!p0 $0x1C04, s12;
	p1 =	sne.s32 s11, s25  }
0xb0: {  	[hbm:s24], [sflag:s12] =	dma.local @!p0 [spmem:s13], $0x7D00  }
.Ltmp4:
0xb1: {  	_ = 	snop;
	(pc) =	sbr.rel @p1 .LBB2_1-.Ltmp4, $4  }
0xb2: {  	s12 =	simm.s32 @!p0 $0x4  }
0xb3: {  	_ =	swait.ge @!p0 [sflag:s12], $0x7D00  }
0xb4: {  	[sflag:s12] =	ssyncset.done @!p0 $0x0  }
0xb5: {  	[sflag:s12] =	ssyncadd.s32 @!p0 $0xFFFF8300  }
0xb6: {  	_ =	sfence.sel $0x180000  }
0xb7: {  	[bflag:$0x0] =	sbarrier.arrive $0xFFFF  }
0xb8: {  	_ =	strace $0x9000004D  }
0xb9: {  	[bflag:$0x2] =	sbarrier.arrive $0xFFFF  }
0xba: {  	p0 =	sne.s32 s3, $0x0;
	s0 =	rddreg [dreg:$0x3]  }
0xbb: {  	s0 =	sadd.s32 @!p0 $0x100000, s0  }
0xbc: {  	[sflag:s0] =	ssyncadd.tile.s32 @!p0 $0x1;
	_ =	shalt  }
.Lfunc_end2:
_tile_overlayer_lowered:
.L_overlay_start_2:
0xbd: {  	(tag) =	ssettag $0x2  }
0xbe: {  	s0 =	rddreg [dreg:$0x0];
	s2 =	stileid.u32  }
0xbf: {  	s1 =	rddreg [dreg:$0x1];
	p0 =	sne.s32 s2, $0x0  }
0xc0: {  	s3 =	rddreg [dreg:$0x2];
	[bflag:$0x3] =	sbarrier.arrive $0xFFFF;
	s2 =	simm.s32 @!p0 $0x1C04  }
0xc1: {  	[timem:s3], [sflag:s2] =	dma.local @!p0 [hbm:s0], s1  }
0xc2: {  	s0 =	simm.s32 @!p0 $0x4  }
0xc3: {  	_ =	swait.ge @!p0 [sflag:s0], s1  }
0xc4: {  	s1 =	ssub.s32 @!p0 $0x0, s1;
	[sflag:s0] =	ssyncset.done @!p0 $0x0  }
0xc5: {  	[sflag:s0] =	ssyncadd.s32 @!p0 s1  }
0xc6: {  	[bflag:$0x3] =	sbarrier.arrive $0xFFFF  }
0xc7: {  	_ =	shalt  }

</sc_bundles>
